<compile_context>
chip_gen: v7x
topology: tpu7x:2x2x1
jax: 0.10.2.dev20260603
libtpu: 0.0.44.dev20260713+nightly
codegen_flags: <defaults>
</compile_context>

<pallas_src>
import functools

import jax
import jax.numpy as jnp
from jax import lax
from jax.experimental import pallas as pl
from jax.experimental.pallas import tpu as pltpu
from jax.experimental.pallas import tpu_sc as plsc

N = 2048
D = 768
E = 8
K = 2
EPAD = 128
T = 128
NT = N * K // T + E
NR = NT * T
NC = 2
NS = 16
NW = NC * NS


def _meta_body(x_ref, wg_ref, bg_ref, pos1_ref, pos2_ref, w1_ref, w2_ref,
               te_ref):
    idxv = lax.broadcasted_iota(jnp.int32, (N, EPAD), 1)
    logits = jnp.dot(x_ref[...], wg_ref[...],
                     preferred_element_type=jnp.float32) + bg_ref[...]
    m = jnp.max(logits, axis=1, keepdims=True)
    p = jnp.exp(logits - m)
    w = p / jnp.sum(p, axis=1, keepdims=True)
    m1 = jnp.max(w, axis=1, keepdims=True)
    i1 = jnp.min(jnp.where(w == m1, idxv, EPAD), axis=1, keepdims=True)
    wc = jnp.where(idxv == i1, -1.0, w)
    m2 = jnp.max(wc, axis=1, keepdims=True)
    i2 = jnp.min(jnp.where(wc == m2, idxv, EPAD), axis=1, keepdims=True)
    s = m1 + m2 + 1e-10
    w1_ref[...] = m1 / s
    w2_ref[...] = m2 / s

    oh1 = jnp.where(idxv == i1, 1.0, 0.0)
    oh2 = jnp.where(idxv == i2, 1.0, 0.0)

    rsub = lax.broadcasted_iota(jnp.int32, (T, T), 0)
    rlan = lax.broadcasted_iota(jnp.int32, (T, T), 1)
    l_strict = jnp.where(rlan < rsub, 1.0, 0.0)
    l_lane = jnp.where(rsub < rlan, 1.0, 0.0)

    def _rank(oh):
        off = jnp.zeros((1, EPAD), jnp.float32)
        blocks = []
        for b in range(N // T):
            blk = oh[b * T:(b + 1) * T, :]
            within = jnp.dot(l_strict, blk, preferred_element_type=jnp.float32)
            blocks.append(within + off)
            off = off + jnp.sum(blk, axis=0, keepdims=True)
        return off, jnp.concatenate(blocks, axis=0)

    cnt1, rank1 = _rank(oh1)
    cnt2, rank2 = _rank(oh2)
    rank2 = rank2 + cnt1
    cnt = cnt1 + cnt2

    tiles = jnp.floor((cnt + (T - 1.0)) * (1.0 / T))
    tile_start = jnp.dot(tiles, l_lane, preferred_element_type=jnp.float32)
    row_start = tile_start * T

    pos1 = jnp.sum(oh1 * (row_start + rank1), axis=1, keepdims=True)
    pos2 = jnp.sum(oh2 * (row_start + rank2), axis=1, keepdims=True)
    pos1_ref[...] = pos1.astype(jnp.int32)
    pos2_ref[...] = pos2.astype(jnp.int32)

    ts_t = jnp.transpose(jnp.broadcast_to(tile_start, (EPAD, EPAD)))[:, :1]
    jlane = lax.broadcasted_iota(jnp.int32, (EPAD, EPAD), 1).astype(jnp.float32)
    cmp = jnp.where(ts_t <= jlane, 1.0, 0.0)
    te = jnp.dot(jnp.ones((1, EPAD), jnp.float32), cmp,
                 preferred_element_type=jnp.float32) - 1.0
    te_ref[...] = jnp.clip(te, 0.0, E - 1.0).astype(jnp.int32)


def _route_meta(x, wg_pad, bg_pad):
    return pl.pallas_call(
        _meta_body,
        grid=(1,),
        in_specs=[
            pl.BlockSpec((N, D), lambda i: (0, 0)),
            pl.BlockSpec((D, EPAD), lambda i: (0, 0)),
            pl.BlockSpec((1, EPAD), lambda i: (0, 0)),
        ],
        out_specs=(
            pl.BlockSpec((N, 1), lambda i: (0, 0)),
            pl.BlockSpec((N, 1), lambda i: (0, 0)),
            pl.BlockSpec((N, 1), lambda i: (0, 0)),
            pl.BlockSpec((N, 1), lambda i: (0, 0)),
            pl.BlockSpec((1, EPAD), lambda i: (0, 0)),
        ),
        out_shape=(
            jax.ShapeDtypeStruct((N, 1), jnp.int32),
            jax.ShapeDtypeStruct((N, 1), jnp.int32),
            jax.ShapeDtypeStruct((N, 1), jnp.float32),
            jax.ShapeDtypeStruct((N, 1), jnp.float32),
            jax.ShapeDtypeStruct((1, EPAD), jnp.int32),
        ),
    )(x, wg_pad, bg_pad)


_PW = N // NW


def _scatter_meta(pos1, pos2, w1, w2):
    mesh = plsc.VectorSubcoreMesh(core_axis_name="c", subcore_axis_name="s")

    @functools.partial(
        pl.kernel, mesh=mesh,
        out_type=(
            jax.ShapeDtypeStruct((NR,), jnp.int32),
            jax.ShapeDtypeStruct((NR,), jnp.float32),
        ),
        scratch_types=[
            pltpu.VMEM((_PW,), jnp.int32),
            pltpu.VMEM((_PW,), jnp.int32),
            pltpu.VMEM((_PW,), jnp.int32),
            pltpu.VMEM((_PW,), jnp.float32),
            pltpu.VMEM((_PW,), jnp.float32),
            pltpu.SemaphoreType.DMA,
        ],
    )
    def k(pos1_hbm, pos2_hbm, w1_hbm, w2_hbm, stok_hbm, wsrt_hbm,
          tok_v, idx1_v, idx2_v, w1_v, w2_v, sem):
        wid = lax.axis_index("s") * NC + lax.axis_index("c")
        base = wid * _PW
        for j in range(_PW // 16):
            tok_v[pl.ds(j * 16, 16)] = base + j * 16 + lax.iota(jnp.int32, 16)
        pltpu.sync_copy(pos1_hbm.at[pl.ds(base, _PW)], idx1_v)
        pltpu.sync_copy(pos2_hbm.at[pl.ds(base, _PW)], idx2_v)
        pltpu.sync_copy(w1_hbm.at[pl.ds(base, _PW)], w1_v)
        pltpu.sync_copy(w2_hbm.at[pl.ds(base, _PW)], w2_v)
        c1 = pltpu.async_copy(tok_v, stok_hbm.at[idx1_v], sem)
        c2 = pltpu.async_copy(tok_v, stok_hbm.at[idx2_v], sem)
        c3 = pltpu.async_copy(w1_v, wsrt_hbm.at[idx1_v], sem)
        c4 = pltpu.async_copy(w2_v, wsrt_hbm.at[idx2_v], sem)
        c1.wait()
        c2.wait()
        c3.wait()
        c4.wait()

    return k(pos1, pos2, w1, w2)


_RW = NR // NW
_GC = 16


def _gather_x(x, stok):
    mesh = plsc.VectorSubcoreMesh(core_axis_name="c", subcore_axis_name="s")

    @functools.partial(
        pl.kernel, mesh=mesh,
        out_type=jax.ShapeDtypeStruct((NR, D), jnp.float32),
        scratch_types=[
            pltpu.VMEM((_RW,), jnp.int32),
            pltpu.VMEM((_RW, D), jnp.float32),
            pltpu.SemaphoreType.DMA,
        ],
    )
    def k(x_hbm, stok_hbm, xg_hbm, idx_v, rows_v, sem):
        wid = lax.axis_index("s") * NC + lax.axis_index("c")
        base = wid * _RW
        pltpu.sync_copy(stok_hbm.at[pl.ds(base, _RW)], idx_v)
        for j in range(_RW // 16):
            sl = pl.ds(j * 16, 16)
            idx_v[sl] = jnp.clip(idx_v[sl], 0, N - 1)
        copies = [
            pltpu.async_copy(x_hbm.at[idx_v.at[pl.ds(c * _GC, _GC)]],
                             rows_v.at[pl.ds(c * _GC, _GC)], sem)
            for c in range(_RW // _GC)
        ]
        for c in copies:
            c.wait()
        pltpu.sync_copy(rows_v, xg_hbm.at[pl.ds(base, _RW)])

    return k(x, stok)


def _gmm_body(te_ref, xg_ref, we_ref, be_ref, wrow_ref, y_ref):
    xb = xg_ref[...].astype(jnp.bfloat16)
    y = jnp.dot(xb, we_ref[0], preferred_element_type=jnp.float32)
    y = y + be_ref[0]
    wcol = jnp.transpose(wrow_ref[0])
    y_ref[...] = y * wcol


def _gmm(xg, we_bf, be, wsrt, te):
    grid_spec = pltpu.PrefetchScalarGridSpec(
        num_scalar_prefetch=1,
        grid=(NT,),
        in_specs=[
            pl.BlockSpec((T, D), lambda i, te: (i, 0)),
            pl.BlockSpec((1, D, D), lambda i, te: (te[i], 0, 0)),
            pl.BlockSpec((1, 1, D), lambda i, te: (te[i], 0, 0)),
            pl.BlockSpec((1, 1, T), lambda i, te: (i, 0, 0)),
        ],
        out_specs=pl.BlockSpec((T, D), lambda i, te: (i, 0)),
    )
    return pl.pallas_call(
        _gmm_body,
        grid_spec=grid_spec,
        out_shape=jax.ShapeDtypeStruct((NR, D), jnp.float32),
    )(te, xg, we_bf, be.reshape(E, 1, D), wsrt.reshape(NT, 1, T))


_TW = N // NW
_TH = _TW // 2


def _combine(y, pos1, pos2):
    mesh = plsc.VectorSubcoreMesh(core_axis_name="c", subcore_axis_name="s")

    @functools.partial(
        pl.kernel, mesh=mesh,
        out_type=jax.ShapeDtypeStruct((N, D), jnp.float32),
        scratch_types=[
            pltpu.VMEM((_TW,), jnp.int32),
            pltpu.VMEM((_TW,), jnp.int32),
            pltpu.VMEM((_TH, D), jnp.float32),
            pltpu.VMEM((_TH, D), jnp.float32),
            pltpu.SemaphoreType.DMA,
        ],
    )
    def k(y_hbm, pos1_hbm, pos2_hbm, out_hbm, p1_v, p2_v, ra_v, rb_v, sem):
        wid = lax.axis_index("s") * NC + lax.axis_index("c")
        base = wid * _TW
        pltpu.sync_copy(pos1_hbm.at[pl.ds(base, _TW)], p1_v)
        pltpu.sync_copy(pos2_hbm.at[pl.ds(base, _TW)], p2_v)
        for h in range(2):
            copies = [
                pltpu.async_copy(
                    y_hbm.at[p1_v.at[pl.ds(h * _TH + c * _GC, _GC)]],
                    ra_v.at[pl.ds(c * _GC, _GC)], sem)
                for c in range(_TH // _GC)
            ] + [
                pltpu.async_copy(
                    y_hbm.at[p2_v.at[pl.ds(h * _TH + c * _GC, _GC)]],
                    rb_v.at[pl.ds(c * _GC, _GC)], sem)
                for c in range(_TH // _GC)
            ]
            for c in copies:
                c.wait()

            def row(r, _):
                for c in range(D // 16):
                    sl = pl.ds(c * 16, 16)
                    ra_v[r, sl] = ra_v[r, sl] + rb_v[r, sl]
                return 0
            lax.fori_loop(0, _TH, row, 0)
            pltpu.sync_copy(ra_v, out_hbm.at[pl.ds(base + h * _TH, _TH)])

    return k(y, pos1, pos2)


@jax.jit
def kernel(x, Wg, bg, We, be):
    wg_pad = jnp.zeros((D, EPAD), jnp.float32).at[:, :E].set(Wg)
    bg_pad = jnp.full((1, EPAD), -1e30, jnp.float32).at[0, :E].set(bg)
    we_bf = We.astype(jnp.bfloat16)

    pos1, pos2, w1, w2, te = _route_meta(x, wg_pad, bg_pad)
    pos1 = pos1.reshape(N)
    pos2 = pos2.reshape(N)
    stok, wsrt = _scatter_meta(pos1, pos2, w1.reshape(N), w2.reshape(N))
    xg = _gather_x(x, stok)
    y = _gmm(xg, we_bf, be, wsrt, te.reshape(EPAD)[:NT])
    out = _combine(y, pos1, pos2)
    return out

# --- scband reference (transcript-rebuilt; emitter-appended) ---
"""Pipeline reference for scband-mo-eblock-86620900426230 (READ-ONLY COPY).

The authoritative reference and input builder live on the scoring server;
editing this copy changes nothing except your own understanding.
"""

import jax, jax.numpy as jnp
import numpy as np

N = 2048   # tokens (batch=1 * seq_len=2048)
D = 768    # d_model / in_channels
E = 8      # num experts
K = 2      # top_k

def setup_inputs(seed: int = 0) -> dict:
    key = jax.random.key(seed)
    ks = jax.random.split(key, 5)
    x = jax.random.normal(ks[0], (N, D), dtype=jnp.float32)
    # Router gate: Linear(D, E)
    Wg = jax.random.normal(ks[1], (D, E), dtype=jnp.float32) * 0.02
    bg = jnp.zeros((E,), dtype=jnp.float32)
    # Experts: E x Linear(D, D)
    We = jax.random.normal(ks[2], (E, D, D), dtype=jnp.float32) * 0.02
    be = jnp.zeros((E, D), dtype=jnp.float32)
    return {"x": x, "Wg": Wg, "bg": bg, "We": We, "be": be}

def reference(x, Wg, bg, We, be):
    # Router: x is 2D so pooled = x; temperature = 1.0
    logits = x @ Wg + bg                          # [N, E]
    weights = jax.nn.softmax(logits, axis=-1)      # [N, E]
    # top_k < num_experts path
    topk_w, topk_idx = jax.lax.top_k(weights, K)   # [N, K]
    topk_w = topk_w / (jnp.sum(topk_w, axis=-1, keepdims=True) + 1e-10)
    out = jnp.zeros_like(x)
    for e in range(E):
        # per-token combined weight for expert e (0 if not selected)
        w_e = jnp.sum(jnp.where(topk_idx == e, topk_w, 0.0), axis=-1)  # [N]
        y_e = x @ We[e] + be[e]                                        # [N, D]
        out = out + w_e[:, None] * y_e
    return out

if __name__ == "__main__":
    import jax
    _d = setup_inputs()
    print(jax.jit(kernel)(*tuple(_d.values())))

</pallas_src>

<mosaic_0001>
#map = affine_map<(d0, d1) -> (0, 0)>
#map1 = affine_map<(d0, d1) -> (0)>
module attributes {stable_mosaic.version = 14 : i64} {
  func.func @k(%arg0: i32, %arg1: i32, %arg2: memref<5120x768xf32, #tpu.memory_space<hbm>>, %arg3: memref<2048xi32, #tpu.memory_space<hbm>>, %arg4: memref<2048xi32, #tpu.memory_space<hbm>>, %arg5: memref<2048x768xf32, #tpu.memory_space<hbm>>, %arg6: memref<64xi32, #tpu.memory_space<vmem>>, %arg7: memref<64xi32, #tpu.memory_space<vmem>>, %arg8: memref<32x768xf32, #tpu.memory_space<vmem>>, %arg9: memref<32x768xf32, #tpu.memory_space<vmem>>, %arg10: memref<!tpu.dma_semaphore, #tpu.memory_space<semaphore_mem>>) attributes {dimension_semantics = [#tpu.dimension_semantics<core_parallel>, #tpu.dimension_semantics<subcore_parallel>], iteration_bounds = array<i64: 2, 16>, scalar_prefetch = 0 : i64, scratch_operands = 5 : i64, tpu.core_type = #tpu.core_type<sc_vector_subcore>, window_params = [{transform_indices = #map}, {transform_indices = #map1}, {transform_indices = #map1}, {transform_indices = #map}]} {
    %mul3A = arith.constant 2 : i32
    %mul3A_0 = arith.muli %arg1, %mul3A : i32
    %add3A = arith.addi %mul3A_0, %arg0 : i32
    %mul3A_1 = arith.constant 64 : i32
    %mul3A_2 = arith.muli %add3A, %mul3A_1 : i32
    "tpu.region"() ({
      %run_scoped3A = tpu.sem_alloc : memref<!tpu.dma_semaphore, #tpu.memory_space<semaphore_mem>>
      %dma_start3A_146 = tpu.memref_slice %arg3[%mul3A_2] : memref<2048xi32, #tpu.memory_space<hbm>> -> memref<64xi32, #tpu.memory_space<hbm>>
      %dma_start3A_147 = tpu.memref_slice %arg3[%mul3A_2] : memref<2048xi32, #tpu.memory_space<hbm>> -> memref<64xi32, #tpu.memory_space<hbm>>
      tpu.enqueue_dma source(%dma_start3A_147 : memref<64xi32, #tpu.memory_space<hbm>>) target(%arg6 : memref<64xi32, #tpu.memory_space<vmem>>) target_semaphore(%run_scoped3A : memref<!tpu.dma_semaphore, #tpu.memory_space<semaphore_mem>>)
      %dma_wait3A_148 = tpu.memref_slice %arg3[%mul3A_2] : memref<2048xi32, #tpu.memory_space<hbm>> -> memref<64xi32, #tpu.memory_space<hbm>>
      %dma_wait3A_149 = tpu.memref_slice %arg3[%mul3A_2] : memref<2048xi32, #tpu.memory_space<hbm>> -> memref<64xi32, #tpu.memory_space<hbm>>
      tpu.wait_dma2 semaphore(%run_scoped3A : memref<!tpu.dma_semaphore, #tpu.memory_space<semaphore_mem>>) src(%dma_wait3A_149 : memref<64xi32, #tpu.memory_space<hbm>>) dst(%arg6 : memref<64xi32, #tpu.memory_space<vmem>>)
      tpu.yield
    }) : () -> ()
    "tpu.region"() ({
      %run_scoped3A = tpu.sem_alloc : memref<!tpu.dma_semaphore, #tpu.memory_space<semaphore_mem>>
      %dma_start3A_146 = tpu.memref_slice %arg4[%mul3A_2] : memref<2048xi32, #tpu.memory_space<hbm>> -> memref<64xi32, #tpu.memory_space<hbm>>
      %dma_start3A_147 = tpu.memref_slice %arg4[%mul3A_2] : memref<2048xi32, #tpu.memory_space<hbm>> -> memref<64xi32, #tpu.memory_space<hbm>>
      tpu.enqueue_dma source(%dma_start3A_147 : memref<64xi32, #tpu.memory_space<hbm>>) target(%arg7 : memref<64xi32, #tpu.memory_space<vmem>>) target_semaphore(%run_scoped3A : memref<!tpu.dma_semaphore, #tpu.memory_space<semaphore_mem>>)
      %dma_wait3A_148 = tpu.memref_slice %arg4[%mul3A_2] : memref<2048xi32, #tpu.memory_space<hbm>> -> memref<64xi32, #tpu.memory_space<hbm>>
      %dma_wait3A_149 = tpu.memref_slice %arg4[%mul3A_2] : memref<2048xi32, #tpu.memory_space<hbm>> -> memref<64xi32, #tpu.memory_space<hbm>>
      tpu.wait_dma2 semaphore(%run_scoped3A : memref<!tpu.dma_semaphore, #tpu.memory_space<semaphore_mem>>) src(%dma_wait3A_149 : memref<64xi32, #tpu.memory_space<hbm>>) dst(%arg7 : memref<64xi32, #tpu.memory_space<vmem>>)
      tpu.yield
    }) : () -> ()
    %dma_start3A = arith.constant 0 : i32
    %dma_start3A_3 = arith.constant 0 : i32
    %dma_start3A_4 = tpu.memref_slice %arg8[%dma_start3A, %dma_start3A_3] : memref<32x768xf32, #tpu.memory_space<vmem>> -> memref<16x768xf32, #tpu.memory_space<vmem>>
    %dma_start3A_5 = arith.constant 0 : i32
    %dma_start3A_6 = tpu.memref_slice %arg6[%dma_start3A_5] : memref<64xi32, #tpu.memory_space<vmem>> -> memref<16xi32, #tpu.memory_space<vmem>>
    %dma_start3A_7 = arith.constant 0 : i32
    %dma_start3A_8 = arith.constant 0 : i32
    %dma_start3A_9 = tpu.memref_slice %arg2[%dma_start3A_7, %dma_start3A_8] : memref<5120x768xf32, #tpu.memory_space<hbm>> -> memref<5120x768xf32, #tpu.memory_space<hbm>>
    tpu.enqueue_indirect_dma source(%dma_start3A_9 : memref<5120x768xf32, #tpu.memory_space<hbm>>) target(%dma_start3A_4 : memref<16x768xf32, #tpu.memory_space<vmem>>) offsets(%dma_start3A_6 : memref<16xi32, #tpu.memory_space<vmem>>) semaphore(%arg10 : memref<!tpu.dma_semaphore, #tpu.memory_space<semaphore_mem>>)
    %dma_start3A_10 = arith.constant 16 : i32
    %dma_start3A_11 = arith.constant 0 : i32
    %dma_start3A_12 = tpu.memref_slice %arg8[%dma_start3A_10, %dma_start3A_11] : memref<32x768xf32, #tpu.memory_space<vmem>> -> memref<16x768xf32, #tpu.memory_space<vmem>>
    %dma_start3A_13 = arith.constant 16 : i32
    %dma_start3A_14 = tpu.memref_slice %arg6[%dma_start3A_13] : memref<64xi32, #tpu.memory_space<vmem>> -> memref<16xi32, #tpu.memory_space<vmem>>
    %dma_start3A_15 = arith.constant 0 : i32
    %dma_start3A_16 = arith.constant 0 : i32
    %dma_start3A_17 = tpu.memref_slice %arg2[%dma_start3A_15, %dma_start3A_16] : memref<5120x768xf32, #tpu.memory_space<hbm>> -> memref<5120x768xf32, #tpu.memory_space<hbm>>
    tpu.enqueue_indirect_dma source(%dma_start3A_17 : memref<5120x768xf32, #tpu.memory_space<hbm>>) target(%dma_start3A_12 : memref<16x768xf32, #tpu.memory_space<vmem>>) offsets(%dma_start3A_14 : memref<16xi32, #tpu.memory_space<vmem>>) semaphore(%arg10 : memref<!tpu.dma_semaphore, #tpu.memory_space<semaphore_mem>>)
    %dma_start3A_18 = arith.constant 0 : i32
    %dma_start3A_19 = arith.constant 0 : i32
    %dma_start3A_20 = tpu.memref_slice %arg9[%dma_start3A_18, %dma_start3A_19] : memref<32x768xf32, #tpu.memory_space<vmem>> -> memref<16x768xf32, #tpu.memory_space<vmem>>
    %dma_start3A_21 = arith.constant 0 : i32
    %dma_start3A_22 = tpu.memref_slice %arg7[%dma_start3A_21] : memref<64xi32, #tpu.memory_space<vmem>> -> memref<16xi32, #tpu.memory_space<vmem>>
    %dma_start3A_23 = arith.constant 0 : i32
    %dma_start3A_24 = arith.constant 0 : i32
    %dma_start3A_25 = tpu.memref_slice %arg2[%dma_start3A_23, %dma_start3A_24] : memref<5120x768xf32, #tpu.memory_space<hbm>> -> memref<5120x768xf32, #tpu.memory_space<hbm>>
    tpu.enqueue_indirect_dma source(%dma_start3A_25 : memref<5120x768xf32, #tpu.memory_space<hbm>>) target(%dma_start3A_20 : memref<16x768xf32, #tpu.memory_space<vmem>>) offsets(%dma_start3A_22 : memref<16xi32, #tpu.memory_space<vmem>>) semaphore(%arg10 : memref<!tpu.dma_semaphore, #tpu.memory_space<semaphore_mem>>)
    %dma_start3A_26 = arith.constant 16 : i32
    %dma_start3A_27 = arith.constant 0 : i32
    %dma_start3A_28 = tpu.memref_slice %arg9[%dma_start3A_26, %dma_start3A_27] : memref<32x768xf32, #tpu.memory_space<vmem>> -> memref<16x768xf32, #tpu.memory_space<vmem>>
    %dma_start3A_29 = arith.constant 16 : i32
    %dma_start3A_30 = tpu.memref_slice %arg7[%dma_start3A_29] : memref<64xi32, #tpu.memory_space<vmem>> -> memref<16xi32, #tpu.memory_space<vmem>>
    %dma_start3A_31 = arith.constant 0 : i32
    %dma_start3A_32 = arith.constant 0 : i32
    %dma_start3A_33 = tpu.memref_slice %arg2[%dma_start3A_31, %dma_start3A_32] : memref<5120x768xf32, #tpu.memory_space<hbm>> -> memref<5120x768xf32, #tpu.memory_space<hbm>>
    tpu.enqueue_indirect_dma source(%dma_start3A_33 : memref<5120x768xf32, #tpu.memory_space<hbm>>) target(%dma_start3A_28 : memref<16x768xf32, #tpu.memory_space<vmem>>) offsets(%dma_start3A_30 : memref<16xi32, #tpu.memory_space<vmem>>) semaphore(%arg10 : memref<!tpu.dma_semaphore, #tpu.memory_space<semaphore_mem>>)
    %dma_wait3A = arith.constant 0 : i32
    %dma_wait3A_34 = arith.constant 0 : i32
    %dma_wait3A_35 = tpu.memref_slice %arg8[%dma_wait3A, %dma_wait3A_34] : memref<32x768xf32, #tpu.memory_space<vmem>> -> memref<16x768xf32, #tpu.memory_space<vmem>>
    %dma_wait3A_36 = arith.constant 0 : i32
    %dma_wait3A_37 = tpu.memref_slice %arg6[%dma_wait3A_36] : memref<64xi32, #tpu.memory_space<vmem>> -> memref<16xi32, #tpu.memory_space<vmem>>
    %dma_wait3A_38 = arith.constant 0 : i32
    %dma_wait3A_39 = arith.constant 0 : i32
    %dma_wait3A_40 = tpu.memref_slice %arg2[%dma_wait3A_38, %dma_wait3A_39] : memref<5120x768xf32, #tpu.memory_space<hbm>> -> memref<5120x768xf32, #tpu.memory_space<hbm>>
    tpu.wait_indirect_dma semaphore(%arg10 : memref<!tpu.dma_semaphore, #tpu.memory_space<semaphore_mem>>) src(%dma_wait3A_40 : memref<5120x768xf32, #tpu.memory_space<hbm>>) dst(%dma_wait3A_35 : memref<16x768xf32, #tpu.memory_space<vmem>>)
    %dma_wait3A_41 = arith.constant 16 : i32
    %dma_wait3A_42 = arith.constant 0 : i32
    %dma_wait3A_43 = tpu.memref_slice %arg8[%dma_wait3A_41, %dma_wait3A_42] : memref<32x768xf32, #tpu.memory_space<vmem>> -> memref<16x768xf32, #tpu.memory_space<vmem>>
    %dma_wait3A_44 = arith.constant 16 : i32
    %dma_wait3A_45 = tpu.memref_slice %arg6[%dma_wait3A_44] : memref<64xi32, #tpu.memory_space<vmem>> -> memref<16xi32, #tpu.memory_space<vmem>>
    %dma_wait3A_46 = arith.constant 0 : i32
    %dma_wait3A_47 = arith.constant 0 : i32
    %dma_wait3A_48 = tpu.memref_slice %arg2[%dma_wait3A_46, %dma_wait3A_47] : memref<5120x768xf32, #tpu.memory_space<hbm>> -> memref<5120x768xf32, #tpu.memory_space<hbm>>
    tpu.wait_indirect_dma semaphore(%arg10 : memref<!tpu.dma_semaphore, #tpu.memory_space<semaphore_mem>>) src(%dma_wait3A_48 : memref<5120x768xf32, #tpu.memory_space<hbm>>) dst(%dma_wait3A_43 : memref<16x768xf32, #tpu.memory_space<vmem>>)
    %dma_wait3A_49 = arith.constant 0 : i32
    %dma_wait3A_50 = arith.constant 0 : i32
    %dma_wait3A_51 = tpu.memref_slice %arg9[%dma_wait3A_49, %dma_wait3A_50] : memref<32x768xf32, #tpu.memory_space<vmem>> -> memref<16x768xf32, #tpu.memory_space<vmem>>
    %dma_wait3A_52 = arith.constant 0 : i32
    %dma_wait3A_53 = tpu.memref_slice %arg7[%dma_wait3A_52] : memref<64xi32, #tpu.memory_space<vmem>> -> memref<16xi32, #tpu.memory_space<vmem>>
    %dma_wait3A_54 = arith.constant 0 : i32
    %dma_wait3A_55 = arith.constant 0 : i32
    %dma_wait3A_56 = tpu.memref_slice %arg2[%dma_wait3A_54, %dma_wait3A_55] : memref<5120x768xf32, #tpu.memory_space<hbm>> -> memref<5120x768xf32, #tpu.memory_space<hbm>>
    tpu.wait_indirect_dma semaphore(%arg10 : memref<!tpu.dma_semaphore, #tpu.memory_space<semaphore_mem>>) src(%dma_wait3A_56 : memref<5120x768xf32, #tpu.memory_space<hbm>>) dst(%dma_wait3A_51 : memref<16x768xf32, #tpu.memory_space<vmem>>)
    %dma_wait3A_57 = arith.constant 16 : i32
    %dma_wait3A_58 = arith.constant 0 : i32
    %dma_wait3A_59 = tpu.memref_slice %arg9[%dma_wait3A_57, %dma_wait3A_58] : memref<32x768xf32, #tpu.memory_space<vmem>> -> memref<16x768xf32, #tpu.memory_space<vmem>>
    %dma_wait3A_60 = arith.constant 16 : i32
    %dma_wait3A_61 = tpu.memref_slice %arg7[%dma_wait3A_60] : memref<64xi32, #tpu.memory_space<vmem>> -> memref<16xi32, #tpu.memory_space<vmem>>
    %dma_wait3A_62 = arith.constant 0 : i32
    %dma_wait3A_63 = arith.constant 0 : i32
    %dma_wait3A_64 = tpu.memref_slice %arg2[%dma_wait3A_62, %dma_wait3A_63] : memref<5120x768xf32, #tpu.memory_space<hbm>> -> memref<5120x768xf32, #tpu.memory_space<hbm>>
    tpu.wait_indirect_dma semaphore(%arg10 : memref<!tpu.dma_semaphore, #tpu.memory_space<semaphore_mem>>) src(%dma_wait3A_64 : memref<5120x768xf32, #tpu.memory_space<hbm>>) dst(%dma_wait3A_59 : memref<16x768xf32, #tpu.memory_space<vmem>>)
    %scan3A = arith.constant 0 : i32
    %scan3A_65 = arith.constant 0 : i32
    %scan3A_66 = arith.constant 32 : i32
    %scan3A_67 = arith.addi %scan3A_65, %scan3A_66 : i32
    %scan3A_68 = arith.constant 1 : i32
    %scan3A_69 = scf.for %scan3A_146 = %scan3A_65 to %scan3A_67 step %scan3A_68 iter_args(%scan3A_147 = %scan3A) -> (i32)  : i32 {
      %get3A = arith.index_cast %scan3A_146 : i32 to index
      %get3A_148 = arith.constant 0 : index
      %get3A_149 = tpu.vector_load %arg8[%get3A, %get3A_148] {strides = array<i32>} : memref<32x768xf32, #tpu.memory_space<vmem>>, vector<1x16xf32>,
      %get3A_150 = vector.shape_cast %get3A_149 : vector<1x16xf32> to vector<16xf32>
      %get3A_151 = arith.index_cast %scan3A_146 : i32 to index
      %get3A_152 = arith.constant 0 : index
      %get3A_153 = tpu.vector_load %arg9[%get3A_151, %get3A_152] {strides = array<i32>} : memref<32x768xf32, #tpu.memory_space<vmem>>, vector<1x16xf32>,
      %get3A_154 = vector.shape_cast %get3A_153 : vector<1x16xf32> to vector<16xf32>
      %add3A_155 = arith.addf %get3A_150, %get3A_154 : vector<16xf32>
      %swap3A = arith.index_cast %scan3A_146 : i32 to index
      %swap3A_156 = arith.constant 0 : index
      %swap3A_157 = tpu.vector_load %arg8[%swap3A, %swap3A_156] {strides = array<i32>} : memref<32x768xf32, #tpu.memory_space<vmem>>, vector<1x16xf32>,
      %swap3A_158 = vector.shape_cast %swap3A_157 : vector<1x16xf32> to vector<16xf32>
      %swap3A_159 = vector.shape_cast %add3A_155 : vector<16xf32> to vector<1x16xf32>
      tpu.vector_store %arg8[%swap3A, %swap3A_156], %swap3A_159 {strides = array<i32>} : memref<32x768xf32, #tpu.memory_space<vmem>>, vector<1x16xf32>,
      %get3A_160 = arith.index_cast %scan3A_146 : i32 to index
      %get3A_161 = arith.constant 16 : index
      %get3A_162 = tpu.vector_load %arg8[%get3A_160, %get3A_161] {strides = array<i32>} : memref<32x768xf32, #tpu.memory_space<vmem>>, vector<1x16xf32>,
      %get3A_163 = vector.shape_cast %get3A_162 : vector<1x16xf32> to vector<16xf32>
      %get3A_164 = arith.index_cast %scan3A_146 : i32 to index
      %get3A_165 = arith.constant 16 : index
      %get3A_166 = tpu.vector_load %arg9[%get3A_164, %get3A_165] {strides = array<i32>} : memref<32x768xf32, #tpu.memory_space<vmem>>, vector<1x16xf32>,
      %get3A_167 = vector.shape_cast %get3A_166 : vector<1x16xf32> to vector<16xf32>
      %add3A_168 = arith.addf %get3A_163, %get3A_167 : vector<16xf32>
      %swap3A_169 = arith.index_cast %scan3A_146 : i32 to index
      %swap3A_170 = arith.constant 16 : index
      %swap3A_171 = tpu.vector_load %arg8[%swap3A_169, %swap3A_170] {strides = array<i32>} : memref<32x768xf32, #tpu.memory_space<vmem>>, vector<1x16xf32>,
      %swap3A_172 = vector.shape_cast %swap3A_171 : vector<1x16xf32> to vector<16xf32>
      %swap3A_173 = vector.shape_cast %add3A_168 : vector<16xf32> to vector<1x16xf32>
      tpu.vector_store %arg8[%swap3A_169, %swap3A_170], %swap3A_173 {strides = array<i32>} : memref<32x768xf32, #tpu.memory_space<vmem>>, vector<1x16xf32>,
      %get3A_174 = arith.index_cast %scan3A_146 : i32 to index
      %get3A_175 = arith.constant 32 : index
      %get3A_176 = tpu.vector_load %arg8[%get3A_174, %get3A_175] {strides = array<i32>} : memref<32x768xf32, #tpu.memory_space<vmem>>, vector<1x16xf32>,
      %get3A_177 = vector.shape_cast %get3A_176 : vector<1x16xf32> to vector<16xf32>
      %get3A_178 = arith.index_cast %scan3A_146 : i32 to index
      %get3A_179 = arith.constant 32 : index
      %get3A_180 = tpu.vector_load %arg9[%get3A_178, %get3A_179] {strides = array<i32>} : memref<32x768xf32, #tpu.memory_space<vmem>>, vector<1x16xf32>,
      %get3A_181 = vector.shape_cast %get3A_180 : vector<1x16xf32> to vector<16xf32>
      %add3A_182 = arith.addf %get3A_177, %get3A_181 : vector<16xf32>
      %swap3A_183 = arith.index_cast %scan3A_146 : i32 to index
      %swap3A_184 = arith.constant 32 : index
      %swap3A_185 = tpu.vector_load %arg8[%swap3A_183, %swap3A_184] {strides = array<i32>} : memref<32x768xf32, #tpu.memory_space<vmem>>, vector<1x16xf32>,
      %swap3A_186 = vector.shape_cast %swap3A_185 : vector<1x16xf32> to vector<16xf32>
      %swap3A_187 = vector.shape_cast %add3A_182 : vector<16xf32> to vector<1x16xf32>
      tpu.vector_store %arg8[%swap3A_183, %swap3A_184], %swap3A_187 {strides = array<i32>} : memref<32x768xf32, #tpu.memory_space<vmem>>, vector<1x16xf32>,
      %get3A_188 = arith.index_cast %scan3A_146 : i32 to index
      %get3A_189 = arith.constant 48 : index
      %get3A_190 = tpu.vector_load %arg8[%get3A_188, %get3A_189] {strides = array<i32>} : memref<32x768xf32, #tpu.memory_space<vmem>>, vector<1x16xf32>,
      %get3A_191 = vector.shape_cast %get3A_190 : vector<1x16xf32> to vector<16xf32>
      %get3A_192 = arith.index_cast %scan3A_146 : i32 to index
      %get3A_193 = arith.constant 48 : index
      %get3A_194 = tpu.vector_load %arg9[%get3A_192, %get3A_193] {strides = array<i32>} : memref<32x768xf32, #tpu.memory_space<vmem>>, vector<1x16xf32>,
      %get3A_195 = vector.shape_cast %get3A_194 : vector<1x16xf32> to vector<16xf32>
      %add3A_196 = arith.addf %get3A_191, %get3A_195 : vector<16xf32>
      %swap3A_197 = arith.index_cast %scan3A_146 : i32 to index
      %swap3A_198 = arith.constant 48 : index
      %swap3A_199 = tpu.vector_load %arg8[%swap3A_197, %swap3A_198] {strides = array<i32>} : memref<32x768xf32, #tpu.memory_space<vmem>>, vector<1x16xf32>,
      %swap3A_200 = vector.shape_cast %swap3A_199 : vector<1x16xf32> to vector<16xf32>
      %swap3A_201 = vector.shape_cast %add3A_196 : vector<16xf32> to vector<1x16xf32>
      tpu.vector_store %arg8[%swap3A_197, %swap3A_198], %swap3A_201 {strides = array<i32>} : memref<32x768xf32, #tpu.memory_space<vmem>>, vector<1x16xf32>,
      %get3A_202 = arith.index_cast %scan3A_146 : i32 to index
      %get3A_203 = arith.constant 64 : index
      %get3A_204 = tpu.vector_load %arg8[%get3A_202, %get3A_203] {strides = array<i32>} : memref<32x768xf32, #tpu.memory_space<vmem>>, vector<1x16xf32>,
      %get3A_205 = vector.shape_cast %get3A_204 : vector<1x16xf32> to vector<16xf32>
      %get3A_206 = arith.index_cast %scan3A_146 : i32 to index
      %get3A_207 = arith.constant 64 : index
      %get3A_208 = tpu.vector_load %arg9[%get3A_206, %get3A_207] {strides = array<i32>} : memref<32x768xf32, #tpu.memory_space<vmem>>, vector<1x16xf32>,
      %get3A_209 = vector.shape_cast %get3A_208 : vector<1x16xf32> to vector<16xf32>
      %add3A_210 = arith.addf %get3A_205, %get3A_209 : vector<16xf32>
      %swap3A_211 = arith.index_cast %scan3A_146 : i32 to index
      %swap3A_212 = arith.constant 64 : index
      %swap3A_213 = tpu.vector_load %arg8[%swap3A_211, %swap3A_212] {strides = array<i32>} : memref<32x768xf32, #tpu.memory_space<vmem>>, vector<1x16xf32>,
      %swap3A_214 = vector.shape_cast %swap3A_213 : vector<1x16xf32> to vector<16xf32>
      %swap3A_215 = vector.shape_cast %add3A_210 : vector<16xf32> to vector<1x16xf32>
      tpu.vector_store %arg8[%swap3A_211, %swap3A_212], %swap3A_215 {strides = array<i32>} : memref<32x768xf32, #tpu.memory_space<vmem>>, vector<1x16xf32>,
      %get3A_216 = arith.index_cast %scan3A_146 : i32 to index
      %get3A_217 = arith.constant 80 : index
      %get3A_218 = tpu.vector_load %arg8[%get3A_216, %get3A_217] {strides = array<i32>} : memref<32x768xf32, #tpu.memory_space<vmem>>, vector<1x16xf32>,
      %get3A_219 = vector.shape_cast %get3A_218 : vector<1x16xf32> to vector<16xf32>
      %get3A_220 = arith.index_cast %scan3A_146 : i32 to index
      %get3A_221 = arith.constant 80 : index
      %get3A_222 = tpu.vector_load %arg9[%get3A_220, %get3A_221] {strides = array<i32>} : memref<32x768xf32, #tpu.memory_space<vmem>>, vector<1x16xf32>,
      %get3A_223 = vector.shape_cast %get3A_222 : vector<1x16xf32> to vector<16xf32>
      %add3A_224 = arith.addf %get3A_219, %get3A_223 : vector<16xf32>
      %swap3A_225 = arith.index_cast %scan3A_146 : i32 to index
      %swap3A_226 = arith.constant 80 : index
      %swap3A_227 = tpu.vector_load %arg8[%swap3A_225, %swap3A_226] {strides = array<i32>} : memref<32x768xf32, #tpu.memory_space<vmem>>, vector<1x16xf32>,
      %swap3A_228 = vector.shape_cast %swap3A_227 : vector<1x16xf32> to vector<16xf32>
      %swap3A_229 = vector.shape_cast %add3A_224 : vector<16xf32> to vector<1x16xf32>
      tpu.vector_store %arg8[%swap3A_225, %swap3A_226], %swap3A_229 {strides = array<i32>} : memref<32x768xf32, #tpu.memory_space<vmem>>, vector<1x16xf32>,
      %get3A_230 = arith.index_cast %scan3A_146 : i32 to index
      %get3A_231 = arith.constant 96 : index
      %get3A_232 = tpu.vector_load %arg8[%get3A_230, %get3A_231] {strides = array<i32>} : memref<32x768xf32, #tpu.memory_space<vmem>>, vector<1x16xf32>,
      %get3A_233 = vector.shape_cast %get3A_232 : vector<1x16xf32> to vector<16xf32>
      %get3A_234 = arith.index_cast %scan3A_146 : i32 to index
      %get3A_235 = arith.constant 96 : index
      %get3A_236 = tpu.vector_load %arg9[%get3A_234, %get3A_235] {strides = array<i32>} : memref<32x768xf32, #tpu.memory_space<vmem>>, vector<1x16xf32>,
      %get3A_237 = vector.shape_cast %get3A_236 : vector<1x16xf32> to vector<16xf32>
      %add3A_238 = arith.addf %get3A_233, %get3A_237 : vector<16xf32>
      %swap3A_239 = arith.index_cast %scan3A_146 : i32 to index
      %swap3A_240 = arith.constant 96 : index
      %swap3A_241 = tpu.vector_load %arg8[%swap3A_239, %swap3A_240] {strides = array<i32>} : memref<32x768xf32, #tpu.memory_space<vmem>>, vector<1x16xf32>,
      %swap3A_242 = vector.shape_cast %swap3A_241 : vector<1x16xf32> to vector<16xf32>
      %swap3A_243 = vector.shape_cast %add3A_238 : vector<16xf32> to vector<1x16xf32>
      tpu.vector_store %arg8[%swap3A_239, %swap3A_240], %swap3A_243 {strides = array<i32>} : memref<32x768xf32, #tpu.memory_space<vmem>>, vector<1x16xf32>,
      %get3A_244 = arith.index_cast %scan3A_146 : i32 to index
      %get3A_245 = arith.constant 112 : index
      %get3A_246 = tpu.vector_load %arg8[%get3A_244, %get3A_245] {strides = array<i32>} : memref<32x768xf32, #tpu.memory_space<vmem>>, vector<1x16xf32>,
      %get3A_247 = vector.shape_cast %get3A_246 : vector<1x16xf32> to vector<16xf32>
      %get3A_248 = arith.index_cast %scan3A_146 : i32 to index
      %get3A_249 = arith.constant 112 : index
      %get3A_250 = tpu.vector_load %arg9[%get3A_248, %get3A_249] {strides = array<i32>} : memref<32x768xf32, #tpu.memory_space<vmem>>, vector<1x16xf32>,
      %get3A_251 = vector.shape_cast %get3A_250 : vector<1x16xf32> to vector<16xf32>
      %add3A_252 = arith.addf %get3A_247, %get3A_251 : vector<16xf32>
      %swap3A_253 = arith.index_cast %scan3A_146 : i32 to index
      %swap3A_254 = arith.constant 112 : index
      %swap3A_255 = tpu.vector_load %arg8[%swap3A_253, %swap3A_254] {strides = array<i32>} : memref<32x768xf32, #tpu.memory_space<vmem>>, vector<1x16xf32>,
      %swap3A_256 = vector.shape_cast %swap3A_255 : vector<1x16xf32> to vector<16xf32>
      %swap3A_257 = vector.shape_cast %add3A_252 : vector<16xf32> to vector<1x16xf32>
      tpu.vector_store %arg8[%swap3A_253, %swap3A_254], %swap3A_257 {strides = array<i32>} : memref<32x768xf32, #tpu.memory_space<vmem>>, vector<1x16xf32>,
      %get3A_258 = arith.index_cast %scan3A_146 : i32 to index
      %get3A_259 = arith.constant 128 : index
      %get3A_260 = tpu.vector_load %arg8[%get3A_258, %get3A_259] {strides = array<i32>} : memref<32x768xf32, #tpu.memory_space<vmem>>, vector<1x16xf32>,
      %get3A_261 = vector.shape_cast %get3A_260 : vector<1x16xf32> to vector<16xf32>
      %get3A_262 = arith.index_cast %scan3A_146 : i32 to index
      %get3A_263 = arith.constant 128 : index
      %get3A_264 = tpu.vector_load %arg9[%get3A_262, %get3A_263] {strides = array<i32>} : memref<32x768xf32, #tpu.memory_space<vmem>>, vector<1x16xf32>,
      %get3A_265 = vector.shape_cast %get3A_264 : vector<1x16xf32> to vector<16xf32>
      %add3A_266 = arith.addf %get3A_261, %get3A_265 : vector<16xf32>
      %swap3A_267 = arith.index_cast %scan3A_146 : i32 to index
      %swap3A_268 = arith.constant 128 : index
      %swap3A_269 = tpu.vector_load %arg8[%swap3A_267, %swap3A_268] {strides = array<i32>} : memref<32x768xf32, #tpu.memory_space<vmem>>, vector<1x16xf32>,
      %swap3A_270 = vector.shape_cast %swap3A_269 : vector<1x16xf32> to vector<16xf32>
      %swap3A_271 = vector.shape_cast %add3A_266 : vector<16xf32> to vector<1x16xf32>
      tpu.vector_store %arg8[%swap3A_267, %swap3A_268], %swap3A_271 {strides = array<i32>} : memref<32x768xf32, #tpu.memory_space<vmem>>, vector<1x16xf32>,
      %get3A_272 = arith.index_cast %scan3A_146 : i32 to index
      %get3A_273 = arith.constant 144 : index
      %get3A_274 = tpu.vector_load %arg8[%get3A_272, %get3A_273] {strides = array<i32>} : memref<32x768xf32, #tpu.memory_space<vmem>>, vector<1x16xf32>,
      %get3A_275 = vector.shape_cast %get3A_274 : vector<1x16xf32> to vector<16xf32>
      %get3A_276 = arith.index_cast %scan3A_146 : i32 to index
      %get3A_277 = arith.constant 144 : index
      %get3A_278 = tpu.vector_load %arg9[%get3A_276, %get3A_277] {strides = array<i32>} : memref<32x768xf32, #tpu.memory_space<vmem>>, vector<1x16xf32>,
      %get3A_279 = vector.shape_cast %get3A_278 : vector<1x16xf32> to vector<16xf32>
      %add3A_280 = arith.addf %get3A_275, %get3A_279 : vector<16xf32>
      %swap3A_281 = arith.index_cast %scan3A_146 : i32 to index
      %swap3A_282 = arith.constant 144 : index
      %swap3A_283 = tpu.vector_load %arg8[%swap3A_281, %swap3A_282] {strides = array<i32>} : memref<32x768xf32, #tpu.memory_space<vmem>>, vector<1x16xf32>,
      %swap3A_284 = vector.shape_cast %swap3A_283 : vector<1x16xf32> to vector<16xf32>
      %swap3A_285 = vector.shape_cast %add3A_280 : vector<16xf32> to vector<1x16xf32>
      tpu.vector_store %arg8[%swap3A_281, %swap3A_282], %swap3A_285 {strides = array<i32>} : memref<32x768xf32, #tpu.memory_space<vmem>>, vector<1x16xf32>,
      %get3A_286 = arith.index_cast %scan3A_146 : i32 to index
      %get3A_287 = arith.constant 160 : index
      %get3A_288 = tpu.vector_load %arg8[%get3A_286, %get3A_287] {strides = array<i32>} : memref<32x768xf32, #tpu.memory_space<vmem>>, vector<1x16xf32>,
      %get3A_289 = vector.shape_cast %get3A_288 : vector<1x16xf32> to vector<16xf32>
      %get3A_290 = arith.index_cast %scan3A_146 : i32 to index
      %get3A_291 = arith.constant 160 : index
      %get3A_292 = tpu.vector_load %arg9[%get3A_290, %get3A_291] {strides = array<i32>} : memref<32x768xf32, #tpu.memory_space<vmem>>, vector<1x16xf32>,
      %get3A_293 = vector.shape_cast %get3A_292 : vector<1x16xf32> to vector<16xf32>
      %add3A_294 = arith.addf %get3A_289, %get3A_293 : vector<16xf32>
      %swap3A_295 = arith.index_cast %scan3A_146 : i32 to index
      %swap3A_296 = arith.constant 160 : index
      %swap3A_297 = tpu.vector_load %arg8[%swap3A_295, %swap3A_296] {strides = array<i32>} : memref<32x768xf32, #tpu.memory_space<vmem>>, vector<1x16xf32>,
      %swap3A_298 = vector.shape_cast %swap3A_297 : vector<1x16xf32> to vector<16xf32>
      %swap3A_299 = vector.shape_cast %add3A_294 : vector<16xf32> to vector<1x16xf32>
      tpu.vector_store %arg8[%swap3A_295, %swap3A_296], %swap3A_299 {strides = array<i32>} : memref<32x768xf32, #tpu.memory_space<vmem>>, vector<1x16xf32>,
      %get3A_300 = arith.index_cast %scan3A_146 : i32 to index
      %get3A_301 = arith.constant 176 : index
      %get3A_302 = tpu.vector_load %arg8[%get3A_300, %get3A_301] {strides = array<i32>} : memref<32x768xf32, #tpu.memory_space<vmem>>, vector<1x16xf32>,
      %get3A_303 = vector.shape_cast %get3A_302 : vector<1x16xf32> to vector<16xf32>
      %get3A_304 = arith.index_cast %scan3A_146 : i32 to index
      %get3A_305 = arith.constant 176 : index
      %get3A_306 = tpu.vector_load %arg9[%get3A_304, %get3A_305] {strides = array<i32>} : memref<32x768xf32, #tpu.memory_space<vmem>>, vector<1x16xf32>,
      %get3A_307 = vector.shape_cast %get3A_306 : vector<1x16xf32> to vector<16xf32>
      %add3A_308 = arith.addf %get3A_303, %get3A_307 : vector<16xf32>
      %swap3A_309 = arith.index_cast %scan3A_146 : i32 to index
      %swap3A_310 = arith.constant 176 : index
      %swap3A_311 = tpu.vector_load %arg8[%swap3A_309, %swap3A_310] {strides = array<i32>} : memref<32x768xf32, #tpu.memory_space<vmem>>, vector<1x16xf32>,
      %swap3A_312 = vector.shape_cast %swap3A_311 : vector<1x16xf32> to vector<16xf32>
      %swap3A_313 = vector.shape_cast %add3A_308 : vector<16xf32> to vector<1x16xf32>
      tpu.vector_store %arg8[%swap3A_309, %swap3A_310], %swap3A_313 {strides = array<i32>} : memref<32x768xf32, #tpu.memory_space<vmem>>, vector<1x16xf32>,
      %get3A_314 = arith.index_cast %scan3A_146 : i32 to index
      %get3A_315 = arith.constant 192 : index
      %get3A_316 = tpu.vector_load %arg8[%get3A_314, %get3A_315] {strides = array<i32>} : memref<32x768xf32, #tpu.memory_space<vmem>>, vector<1x16xf32>,
      %get3A_317 = vector.shape_cast %get3A_316 : vector<1x16xf32> to vector<16xf32>
      %get3A_318 = arith.index_cast %scan3A_146 : i32 to index
      %get3A_319 = arith.constant 192 : index
      %get3A_320 = tpu.vector_load %arg9[%get3A_318, %get3A_319] {strides = array<i32>} : memref<32x768xf32, #tpu.memory_space<vmem>>, vector<1x16xf32>,
      %get3A_321 = vector.shape_cast %get3A_320 : vector<1x16xf32> to vector<16xf32>
      %add3A_322 = arith.addf %get3A_317, %get3A_321 : vector<16xf32>
      %swap3A_323 = arith.index_cast %scan3A_146 : i32 to index
      %swap3A_324 = arith.constant 192 : index
      %swap3A_325 = tpu.vector_load %arg8[%swap3A_323, %swap3A_324] {strides = array<i32>} : memref<32x768xf32, #tpu.memory_space<vmem>>, vector<1x16xf32>,
      %swap3A_326 = vector.shape_cast %swap3A_325 : vector<1x16xf32> to vector<16xf32>
      %swap3A_327 = vector.shape_cast %add3A_322 : vector<16xf32> to vector<1x16xf32>
      tpu.vector_store %arg8[%swap3A_323, %swap3A_324], %swap3A_327 {strides = array<i32>} : memref<32x768xf32, #tpu.memory_space<vmem>>, vector<1x16xf32>,
      %get3A_328 = arith.index_cast %scan3A_146 : i32 to index
      %get3A_329 = arith.constant 208 : index
      %get3A_330 = tpu.vector_load %arg8[%get3A_328, %get3A_329] {strides = array<i32>} : memref<32x768xf32, #tpu.memory_space<vmem>>, vector<1x16xf32>,
      %get3A_331 = vector.shape_cast %get3A_330 : vector<1x16xf32> to vector<16xf32>
      %get3A_332 = arith.index_cast %scan3A_146 : i32 to index
      %get3A_333 = arith.constant 208 : index
      %get3A_334 = tpu.vector_load %arg9[%get3A_332, %get3A_333] {strides = array<i32>} : memref<32x768xf32, #tpu.memory_space<vmem>>, vector<1x16xf32>,
      %get3A_335 = vector.shape_cast %get3A_334 : vector<1x16xf32> to vector<16xf32>
      %add3A_336 = arith.addf %get3A_331, %get3A_335 : vector<16xf32>
      %swap3A_337 = arith.index_cast %scan3A_146 : i32 to index
      %swap3A_338 = arith.constant 208 : index
      %swap3A_339 = tpu.vector_load %arg8[%swap3A_337, %swap3A_338] {strides = array<i32>} : memref<32x768xf32, #tpu.memory_space<vmem>>, vector<1x16xf32>,
      %swap3A_340 = vector.shape_cast %swap3A_339 : vector<1x16xf32> to vector<16xf32>
      %swap3A_341 = vector.shape_cast %add3A_336 : vector<16xf32> to vector<1x16xf32>
      tpu.vector_store %arg8[%swap3A_337, %swap3A_338], %swap3A_341 {strides = array<i32>} : memref<32x768xf32, #tpu.memory_space<vmem>>, vector<1x16xf32>,
      %get3A_342 = arith.index_cast %scan3A_146 : i32 to index
      %get3A_343 = arith.constant 224 : index
      %get3A_344 = tpu.vector_load %arg8[%get3A_342, %get3A_343] {strides = array<i32>} : memref<32x768xf32, #tpu.memory_space<vmem>>, vector<1x16xf32>,
      %get3A_345 = vector.shape_cast %get3A_344 : vector<1x16xf32> to vector<16xf32>
      %get3A_346 = arith.index_cast %scan3A_146 : i32 to index
      %get3A_347 = arith.constant 224 : index
      %get3A_348 = tpu.vector_load %arg9[%get3A_346, %get3A_347] {strides = array<i32>} : memref<32x768xf32, #tpu.memory_space<vmem>>, vector<1x16xf32>,
      %get3A_349 = vector.shape_cast %get3A_348 : vector<1x16xf32> to vector<16xf32>
      %add3A_350 = arith.addf %get3A_345, %get3A_349 : vector<16xf32>
      %swap3A_351 = arith.index_cast %scan3A_146 : i32 to index
      %swap3A_352 = arith.constant 224 : index
      %swap3A_353 = tpu.vector_load %arg8[%swap3A_351, %swap3A_352] {strides = array<i32>} : memref<32x768xf32, #tpu.memory_space<vmem>>, vector<1x16xf32>,
      %swap3A_354 = vector.shape_cast %swap3A_353 : vector<1x16xf32> to vector<16xf32>
      %swap3A_355 = vector.shape_cast %add3A_350 : vector<16xf32> to vector<1x16xf32>
      tpu.vector_store %arg8[%swap3A_351, %swap3A_352], %swap3A_355 {strides = array<i32>} : memref<32x768xf32, #tpu.memory_space<vmem>>, vector<1x16xf32>,
      %get3A_356 = arith.index_cast %scan3A_146 : i32 to index
      %get3A_357 = arith.constant 240 : index
      %get3A_358 = tpu.vector_load %arg8[%get3A_356, %get3A_357] {strides = array<i32>} : memref<32x768xf32, #tpu.memory_space<vmem>>, vector<1x16xf32>,
      %get3A_359 = vector.shape_cast %get3A_358 : vector<1x16xf32> to vector<16xf32>
      %get3A_360 = arith.index_cast %scan3A_146 : i32 to index
      %get3A_361 = arith.constant 240 : index
      %get3A_362 = tpu.vector_load %arg9[%get3A_360, %get3A_361] {strides = array<i32>} : memref<32x768xf32, #tpu.memory_space<vmem>>, vector<1x16xf32>,
      %get3A_363 = vector.shape_cast %get3A_362 : vector<1x16xf32> to vector<16xf32>
      %add3A_364 = arith.addf %get3A_359, %get3A_363 : vector<16xf32>
      %swap3A_365 = arith.index_cast %scan3A_146 : i32 to index
      %swap3A_366 = arith.constant 240 : index
      %swap3A_367 = tpu.vector_load %arg8[%swap3A_365, %swap3A_366] {strides = array<i32>} : memref<32x768xf32, #tpu.memory_space<vmem>>, vector<1x16xf32>,
      %swap3A_368 = vector.shape_cast %swap3A_367 : vector<1x16xf32> to vector<16xf32>
      %swap3A_369 = vector.shape_cast %add3A_364 : vector<16xf32> to vector<1x16xf32>
      tpu.vector_store %arg8[%swap3A_365, %swap3A_366], %swap3A_369 {strides = array<i32>} : memref<32x768xf32, #tpu.memory_space<vmem>>, vector<1x16xf32>,
      %get3A_370 = arith.index_cast %scan3A_146 : i32 to index
      %get3A_371 = arith.constant 256 : index
      %get3A_372 = tpu.vector_load %arg8[%get3A_370, %get3A_371] {strides = array<i32>} : memref<32x768xf32, #tpu.memory_space<vmem>>, vector<1x16xf32>,
      %get3A_373 = vector.shape_cast %get3A_372 : vector<1x16xf32> to vector<16xf32>
      %get3A_374 = arith.index_cast %scan3A_146 : i32 to index
      %get3A_375 = arith.constant 256 : index
      %get3A_376 = tpu.vector_load %arg9[%get3A_374, %get3A_375] {strides = array<i32>} : memref<32x768xf32, #tpu.memory_space<vmem>>, vector<1x16xf32>,
      %get3A_377 = vector.shape_cast %get3A_376 : vector<1x16xf32> to vector<16xf32>
      %add3A_378 = arith.addf %get3A_373, %get3A_377 : vector<16xf32>
      %swap3A_379 = arith.index_cast %scan3A_146 : i32 to index
      %swap3A_380 = arith.constant 256 : index
      %swap3A_381 = tpu.vector_load %arg8[%swap3A_379, %swap3A_380] {strides = array<i32>} : memref<32x768xf32, #tpu.memory_space<vmem>>, vector<1x16xf32>,
      %swap3A_382 = vector.shape_cast %swap3A_381 : vector<1x16xf32> to vector<16xf32>
      %swap3A_383 = vector.shape_cast %add3A_378 : vector<16xf32> to vector<1x16xf32>
      tpu.vector_store %arg8[%swap3A_379, %swap3A_380], %swap3A_383 {strides = array<i32>} : memref<32x768xf32, #tpu.memory_space<vmem>>, vector<1x16xf32>,
      %get3A_384 = arith.index_cast %scan3A_146 : i32 to index
      %get3A_385 = arith.constant 272 : index
      %get3A_386 = tpu.vector_load %arg8[%get3A_384, %get3A_385] {strides = array<i32>} : memref<32x768xf32, #tpu.memory_space<vmem>>, vector<1x16xf32>,
      %get3A_387 = vector.shape_cast %get3A_386 : vector<1x16xf32> to vector<16xf32>
      %get3A_388 = arith.index_cast %scan3A_146 : i32 to index
      %get3A_389 = arith.constant 272 : index
      %get3A_390 = tpu.vector_load %arg9[%get3A_388, %get3A_389] {strides = array<i32>} : memref<32x768xf32, #tpu.memory_space<vmem>>, vector<1x16xf32>,
      %get3A_391 = vector.shape_cast %get3A_390 : vector<1x16xf32> to vector<16xf32>
      %add3A_392 = arith.addf %get3A_387, %get3A_391 : vector<16xf32>
      %swap3A_393 = arith.index_cast %scan3A_146 : i32 to index
      %swap3A_394 = arith.constant 272 : index
      %swap3A_395 = tpu.vector_load %arg8[%swap3A_393, %swap3A_394] {strides = array<i32>} : memref<32x768xf32, #tpu.memory_space<vmem>>, vector<1x16xf32>,
      %swap3A_396 = vector.shape_cast %swap3A_395 : vector<1x16xf32> to vector<16xf32>
      %swap3A_397 = vector.shape_cast %add3A_392 : vector<16xf32> to vector<1x16xf32>
      tpu.vector_store %arg8[%swap3A_393, %swap3A_394], %swap3A_397 {strides = array<i32>} : memref<32x768xf32, #tpu.memory_space<vmem>>, vector<1x16xf32>,
      %get3A_398 = arith.index_cast %scan3A_146 : i32 to index
      %get3A_399 = arith.constant 288 : index
      %get3A_400 = tpu.vector_load %arg8[%get3A_398, %get3A_399] {strides = array<i32>} : memref<32x768xf32, #tpu.memory_space<vmem>>, vector<1x16xf32>,
      %get3A_401 = vector.shape_cast %get3A_400 : vector<1x16xf32> to vector<16xf32>
      %get3A_402 = arith.index_cast %scan3A_146 : i32 to index
      %get3A_403 = arith.constant 288 : index
      %get3A_404 = tpu.vector_load %arg9[%get3A_402, %get3A_403] {strides = array<i32>} : memref<32x768xf32, #tpu.memory_space<vmem>>, vector<1x16xf32>,
      %get3A_405 = vector.shape_cast %get3A_404 : vector<1x16xf32> to vector<16xf32>
      %add3A_406 = arith.addf %get3A_401, %get3A_405 : vector<16xf32>
      %swap3A_407 = arith.index_cast %scan3A_146 : i32 to index
      %swap3A_408 = arith.constant 288 : index
      %swap3A_409 = tpu.vector_load %arg8[%swap3A_407, %swap3A_408] {strides = array<i32>} : memref<32x768xf32, #tpu.memory_space<vmem>>, vector<1x16xf32>,
      %swap3A_410 = vector.shape_cast %swap3A_409 : vector<1x16xf32> to vector<16xf32>
      %swap3A_411 = vector.shape_cast %add3A_406 : vector<16xf32> to vector<1x16xf32>
      tpu.vector_store %arg8[%swap3A_407, %swap3A_408], %swap3A_411 {strides = array<i32>} : memref<32x768xf32, #tpu.memory_space<vmem>>, vector<1x16xf32>,
      %get3A_412 = arith.index_cast %scan3A_146 : i32 to index
      %get3A_413 = arith.constant 304 : index
      %get3A_414 = tpu.vector_load %arg8[%get3A_412, %get3A_413] {strides = array<i32>} : memref<32x768xf32, #tpu.memory_space<vmem>>, vector<1x16xf32>,
      %get3A_415 = vector.shape_cast %get3A_414 : vector<1x16xf32> to vector<16xf32>
      %get3A_416 = arith.index_cast %scan3A_146 : i32 to index
      %get3A_417 = arith.constant 304 : index
      %get3A_418 = tpu.vector_load %arg9[%get3A_416, %get3A_417] {strides = array<i32>} : memref<32x768xf32, #tpu.memory_space<vmem>>, vector<1x16xf32>,
      %get3A_419 = vector.shape_cast %get3A_418 : vector<1x16xf32> to vector<16xf32>
      %add3A_420 = arith.addf %get3A_415, %get3A_419 : vector<16xf32>
      %swap3A_421 = arith.index_cast %scan3A_146 : i32 to index
      %swap3A_422 = arith.constant 304 : index
      %swap3A_423 = tpu.vector_load %arg8[%swap3A_421, %swap3A_422] {strides = array<i32>} : memref<32x768xf32, #tpu.memory_space<vmem>>, vector<1x16xf32>,
      %swap3A_424 = vector.shape_cast %swap3A_423 : vector<1x16xf32> to vector<16xf32>
      %swap3A_425 = vector.shape_cast %add3A_420 : vector<16xf32> to vector<1x16xf32>
      tpu.vector_store %arg8[%swap3A_421, %swap3A_422], %swap3A_425 {strides = array<i32>} : memref<32x768xf32, #tpu.memory_space<vmem>>, vector<1x16xf32>,
      %get3A_426 = arith.index_cast %scan3A_146 : i32 to index
      %get3A_427 = arith.constant 320 : index
      %get3A_428 = tpu.vector_load %arg8[%get3A_426, %get3A_427] {strides = array<i32>} : memref<32x768xf32, #tpu.memory_space<vmem>>, vector<1x16xf32>,
      %get3A_429 = vector.shape_cast %get3A_428 : vector<1x16xf32> to vector<16xf32>
      %get3A_430 = arith.index_cast %scan3A_146 : i32 to index
      %get3A_431 = arith.constant 320 : index
      %get3A_432 = tpu.vector_load %arg9[%get3A_430, %get3A_431] {strides = array<i32>} : memref<32x768xf32, #tpu.memory_space<vmem>>, vector<1x16xf32>,
      %get3A_433 = vector.shape_cast %get3A_432 : vector<1x16xf32> to vector<16xf32>
      %add3A_434 = arith.addf %get3A_429, %get3A_433 : vector<16xf32>
      %swap3A_435 = arith.index_cast %scan3A_146 : i32 to index
      %swap3A_436 = arith.constant 320 : index
      %swap3A_437 = tpu.vector_load %arg8[%swap3A_435, %swap3A_436] {strides = array<i32>} : memref<32x768xf32, #tpu.memory_space<vmem>>, vector<1x16xf32>,
      %swap3A_438 = vector.shape_cast %swap3A_437 : vector<1x16xf32> to vector<16xf32>
      %swap3A_439 = vector.shape_cast %add3A_434 : vector<16xf32> to vector<1x16xf32>
      tpu.vector_store %arg8[%swap3A_435, %swap3A_436], %swap3A_439 {strides = array<i32>} : memref<32x768xf32, #tpu.memory_space<vmem>>, vector<1x16xf32>,
      %get3A_440 = arith.index_cast %scan3A_146 : i32 to index
      %get3A_441 = arith.constant 336 : index
      %get3A_442 = tpu.vector_load %arg8[%get3A_440, %get3A_441] {strides = array<i32>} : memref<32x768xf32, #tpu.memory_space<vmem>>, vector<1x16xf32>,
      %get3A_443 = vector.shape_cast %get3A_442 : vector<1x16xf32> to vector<16xf32>
      %get3A_444 = arith.index_cast %scan3A_146 : i32 to index
      %get3A_445 = arith.constant 336 : index
      %get3A_446 = tpu.vector_load %arg9[%get3A_444, %get3A_445] {strides = array<i32>} : memref<32x768xf32, #tpu.memory_space<vmem>>, vector<1x16xf32>,
      %get3A_447 = vector.shape_cast %get3A_446 : vector<1x16xf32> to vector<16xf32>
      %add3A_448 = arith.addf %get3A_443, %get3A_447 : vector<16xf32>
      %swap3A_449 = arith.index_cast %scan3A_146 : i32 to index
      %swap3A_450 = arith.constant 336 : index
      %swap3A_451 = tpu.vector_load %arg8[%swap3A_449, %swap3A_450] {strides = array<i32>} : memref<32x768xf32, #tpu.memory_space<vmem>>, vector<1x16xf32>,
      %swap3A_452 = vector.shape_cast %swap3A_451 : vector<1x16xf32> to vector<16xf32>
      %swap3A_453 = vector.shape_cast %add3A_448 : vector<16xf32> to vector<1x16xf32>
      tpu.vector_store %arg8[%swap3A_449, %swap3A_450], %swap3A_453 {strides = array<i32>} : memref<32x768xf32, #tpu.memory_space<vmem>>, vector<1x16xf32>,
      %get3A_454 = arith.index_cast %scan3A_146 : i32 to index
      %get3A_455 = arith.constant 352 : index
      %get3A_456 = tpu.vector_load %arg8[%get3A_454, %get3A_455] {strides = array<i32>} : memref<32x768xf32, #tpu.memory_space<vmem>>, vector<1x16xf32>,
      %get3A_457 = vector.shape_cast %get3A_456 : vector<1x16xf32> to vector<16xf32>
      %get3A_458 = arith.index_cast %scan3A_146 : i32 to index
      %get3A_459 = arith.constant 352 : index
      %get3A_460 = tpu.vector_load %arg9[%get3A_458, %get3A_459] {strides = array<i32>} : memref<32x768xf32, #tpu.memory_space<vmem>>, vector<1x16xf32>,
      %get3A_461 = vector.shape_cast %get3A_460 : vector<1x16xf32> to vector<16xf32>
      %add3A_462 = arith.addf %get3A_457, %get3A_461 : vector<16xf32>
      %swap3A_463 = arith.index_cast %scan3A_146 : i32 to index
      %swap3A_464 = arith.constant 352 : index
      %swap3A_465 = tpu.vector_load %arg8[%swap3A_463, %swap3A_464] {strides = array<i32>} : memref<32x768xf32, #tpu.memory_space<vmem>>, vector<1x16xf32>,
      %swap3A_466 = vector.shape_cast %swap3A_465 : vector<1x16xf32> to vector<16xf32>
      %swap3A_467 = vector.shape_cast %add3A_462 : vector<16xf32> to vector<1x16xf32>
      tpu.vector_store %arg8[%swap3A_463, %swap3A_464], %swap3A_467 {strides = array<i32>} : memref<32x768xf32, #tpu.memory_space<vmem>>, vector<1x16xf32>,
      %get3A_468 = arith.index_cast %scan3A_146 : i32 to index
      %get3A_469 = arith.constant 368 : index
      %get3A_470 = tpu.vector_load %arg8[%get3A_468, %get3A_469] {strides = array<i32>} : memref<32x768xf32, #tpu.memory_space<vmem>>, vector<1x16xf32>,
      %get3A_471 = vector.shape_cast %get3A_470 : vector<1x16xf32> to vector<16xf32>
      %get3A_472 = arith.index_cast %scan3A_146 : i32 to index
      %get3A_473 = arith.constant 368 : index
      %get3A_474 = tpu.vector_load %arg9[%get3A_472, %get3A_473] {strides = array<i32>} : memref<32x768xf32, #tpu.memory_space<vmem>>, vector<1x16xf32>,
      %get3A_475 = vector.shape_cast %get3A_474 : vector<1x16xf32> to vector<16xf32>
      %add3A_476 = arith.addf %get3A_471, %get3A_475 : vector<16xf32>
      %swap3A_477 = arith.index_cast %scan3A_146 : i32 to index
      %swap3A_478 = arith.constant 368 : index
      %swap3A_479 = tpu.vector_load %arg8[%swap3A_477, %swap3A_478] {strides = array<i32>} : memref<32x768xf32, #tpu.memory_space<vmem>>, vector<1x16xf32>,
      %swap3A_480 = vector.shape_cast %swap3A_479 : vector<1x16xf32> to vector<16xf32>
      %swap3A_481 = vector.shape_cast %add3A_476 : vector<16xf32> to vector<1x16xf32>
      tpu.vector_store %arg8[%swap3A_477, %swap3A_478], %swap3A_481 {strides = array<i32>} : memref<32x768xf32, #tpu.memory_space<vmem>>, vector<1x16xf32>,
      %get3A_482 = arith.index_cast %scan3A_146 : i32 to index
      %get3A_483 = arith.constant 384 : index
      %get3A_484 = tpu.vector_load %arg8[%get3A_482, %get3A_483] {strides = array<i32>} : memref<32x768xf32, #tpu.memory_space<vmem>>, vector<1x16xf32>,
      %get3A_485 = vector.shape_cast %get3A_484 : vector<1x16xf32> to vector<16xf32>
      %get3A_486 = arith.index_cast %scan3A_146 : i32 to index
      %get3A_487 = arith.constant 384 : index
      %get3A_488 = tpu.vector_load %arg9[%get3A_486, %get3A_487] {strides = array<i32>} : memref<32x768xf32, #tpu.memory_space<vmem>>, vector<1x16xf32>,
      %get3A_489 = vector.shape_cast %get3A_488 : vector<1x16xf32> to vector<16xf32>
      %add3A_490 = arith.addf %get3A_485, %get3A_489 : vector<16xf32>
      %swap3A_491 = arith.index_cast %scan3A_146 : i32 to index
      %swap3A_492 = arith.constant 384 : index
      %swap3A_493 = tpu.vector_load %arg8[%swap3A_491, %swap3A_492] {strides = array<i32>} : memref<32x768xf32, #tpu.memory_space<vmem>>, vector<1x16xf32>,
      %swap3A_494 = vector.shape_cast %swap3A_493 : vector<1x16xf32> to vector<16xf32>
      %swap3A_495 = vector.shape_cast %add3A_490 : vector<16xf32> to vector<1x16xf32>
      tpu.vector_store %arg8[%swap3A_491, %swap3A_492], %swap3A_495 {strides = array<i32>} : memref<32x768xf32, #tpu.memory_space<vmem>>, vector<1x16xf32>,
      %get3A_496 = arith.index_cast %scan3A_146 : i32 to index
      %get3A_497 = arith.constant 400 : index
      %get3A_498 = tpu.vector_load %arg8[%get3A_496, %get3A_497] {strides = array<i32>} : memref<32x768xf32, #tpu.memory_space<vmem>>, vector<1x16xf32>,
      %get3A_499 = vector.shape_cast %get3A_498 : vector<1x16xf32> to vector<16xf32>
      %get3A_500 = arith.index_cast %scan3A_146 : i32 to index
      %get3A_501 = arith.constant 400 : index
      %get3A_502 = tpu.vector_load %arg9[%get3A_500, %get3A_501] {strides = array<i32>} : memref<32x768xf32, #tpu.memory_space<vmem>>, vector<1x16xf32>,
      %get3A_503 = vector.shape_cast %get3A_502 : vector<1x16xf32> to vector<16xf32>
      %add3A_504 = arith.addf %get3A_499, %get3A_503 : vector<16xf32>
      %swap3A_505 = arith.index_cast %scan3A_146 : i32 to index
      %swap3A_506 = arith.constant 400 : index
      %swap3A_507 = tpu.vector_load %arg8[%swap3A_505, %swap3A_506] {strides = array<i32>} : memref<32x768xf32, #tpu.memory_space<vmem>>, vector<1x16xf32>,
      %swap3A_508 = vector.shape_cast %swap3A_507 : vector<1x16xf32> to vector<16xf32>
      %swap3A_509 = vector.shape_cast %add3A_504 : vector<16xf32> to vector<1x16xf32>
      tpu.vector_store %arg8[%swap3A_505, %swap3A_506], %swap3A_509 {strides = array<i32>} : memref<32x768xf32, #tpu.memory_space<vmem>>, vector<1x16xf32>,
      %get3A_510 = arith.index_cast %scan3A_146 : i32 to index
      %get3A_511 = arith.constant 416 : index
      %get3A_512 = tpu.vector_load %arg8[%get3A_510, %get3A_511] {strides = array<i32>} : memref<32x768xf32, #tpu.memory_space<vmem>>, vector<1x16xf32>,
      %get3A_513 = vector.shape_cast %get3A_512 : vector<1x16xf32> to vector<16xf32>
      %get3A_514 = arith.index_cast %scan3A_146 : i32 to index
      %get3A_515 = arith.constant 416 : index
      %get3A_516 = tpu.vector_load %arg9[%get3A_514, %get3A_515] {strides = array<i32>} : memref<32x768xf32, #tpu.memory_space<vmem>>, vector<1x16xf32>,
      %get3A_517 = vector.shape_cast %get3A_516 : vector<1x16xf32> to vector<16xf32>
      %add3A_518 = arith.addf %get3A_513, %get3A_517 : vector<16xf32>
      %swap3A_519 = arith.index_cast %scan3A_146 : i32 to index
      %swap3A_520 = arith.constant 416 : index
      %swap3A_521 = tpu.vector_load %arg8[%swap3A_519, %swap3A_520] {strides = array<i32>} : memref<32x768xf32, #tpu.memory_space<vmem>>, vector<1x16xf32>,
      %swap3A_522 = vector.shape_cast %swap3A_521 : vector<1x16xf32> to vector<16xf32>
      %swap3A_523 = vector.shape_cast %add3A_518 : vector<16xf32> to vector<1x16xf32>
      tpu.vector_store %arg8[%swap3A_519, %swap3A_520], %swap3A_523 {strides = array<i32>} : memref<32x768xf32, #tpu.memory_space<vmem>>, vector<1x16xf32>,
      %get3A_524 = arith.index_cast %scan3A_146 : i32 to index
      %get3A_525 = arith.constant 432 : index
      %get3A_526 = tpu.vector_load %arg8[%get3A_524, %get3A_525] {strides = array<i32>} : memref<32x768xf32, #tpu.memory_space<vmem>>, vector<1x16xf32>,
      %get3A_527 = vector.shape_cast %get3A_526 : vector<1x16xf32> to vector<16xf32>
      %get3A_528 = arith.index_cast %scan3A_146 : i32 to index
      %get3A_529 = arith.constant 432 : index
      %get3A_530 = tpu.vector_load %arg9[%get3A_528, %get3A_529] {strides = array<i32>} : memref<32x768xf32, #tpu.memory_space<vmem>>, vector<1x16xf32>,
      %get3A_531 = vector.shape_cast %get3A_530 : vector<1x16xf32> to vector<16xf32>
      %add3A_532 = arith.addf %get3A_527, %get3A_531 : vector<16xf32>
      %swap3A_533 = arith.index_cast %scan3A_146 : i32 to index
      %swap3A_534 = arith.constant 432 : index
      %swap3A_535 = tpu.vector_load %arg8[%swap3A_533, %swap3A_534] {strides = array<i32>} : memref<32x768xf32, #tpu.memory_space<vmem>>, vector<1x16xf32>,
      %swap3A_536 = vector.shape_cast %swap3A_535 : vector<1x16xf32> to vector<16xf32>
      %swap3A_537 = vector.shape_cast %add3A_532 : vector<16xf32> to vector<1x16xf32>
      tpu.vector_store %arg8[%swap3A_533, %swap3A_534], %swap3A_537 {strides = array<i32>} : memref<32x768xf32, #tpu.memory_space<vmem>>, vector<1x16xf32>,
      %get3A_538 = arith.index_cast %scan3A_146 : i32 to index
      %get3A_539 = arith.constant 448 : index
      %get3A_540 = tpu.vector_load %arg8[%get3A_538, %get3A_539] {strides = array<i32>} : memref<32x768xf32, #tpu.memory_space<vmem>>, vector<1x16xf32>,
      %get3A_541 = vector.shape_cast %get3A_540 : vector<1x16xf32> to vector<16xf32>
      %get3A_542 = arith.index_cast %scan3A_146 : i32 to index
      %get3A_543 = arith.constant 448 : index
      %get3A_544 = tpu.vector_load %arg9[%get3A_542, %get3A_543] {strides = array<i32>} : memref<32x768xf32, #tpu.memory_space<vmem>>, vector<1x16xf32>,
      %get3A_545 = vector.shape_cast %get3A_544 : vector<1x16xf32> to vector<16xf32>
      %add3A_546 = arith.addf %get3A_541, %get3A_545 : vector<16xf32>
      %swap3A_547 = arith.index_cast %scan3A_146 : i32 to index
      %swap3A_548 = arith.constant 448 : index
      %swap3A_549 = tpu.vector_load %arg8[%swap3A_547, %swap3A_548] {strides = array<i32>} : memref<32x768xf32, #tpu.memory_space<vmem>>, vector<1x16xf32>,
      %swap3A_550 = vector.shape_cast %swap3A_549 : vector<1x16xf32> to vector<16xf32>
      %swap3A_551 = vector.shape_cast %add3A_546 : vector<16xf32> to vector<1x16xf32>
      tpu.vector_store %arg8[%swap3A_547, %swap3A_548], %swap3A_551 {strides = array<i32>} : memref<32x768xf32, #tpu.memory_space<vmem>>, vector<1x16xf32>,
      %get3A_552 = arith.index_cast %scan3A_146 : i32 to index
      %get3A_553 = arith.constant 464 : index
      %get3A_554 = tpu.vector_load %arg8[%get3A_552, %get3A_553] {strides = array<i32>} : memref<32x768xf32, #tpu.memory_space<vmem>>, vector<1x16xf32>,
      %get3A_555 = vector.shape_cast %get3A_554 : vector<1x16xf32> to vector<16xf32>
      %get3A_556 = arith.index_cast %scan3A_146 : i32 to index
      %get3A_557 = arith.constant 464 : index
      %get3A_558 = tpu.vector_load %arg9[%get3A_556, %get3A_557] {strides = array<i32>} : memref<32x768xf32, #tpu.memory_space<vmem>>, vector<1x16xf32>,
      %get3A_559 = vector.shape_cast %get3A_558 : vector<1x16xf32> to vector<16xf32>
      %add3A_560 = arith.addf %get3A_555, %get3A_559 : vector<16xf32>
      %swap3A_561 = arith.index_cast %scan3A_146 : i32 to index
      %swap3A_562 = arith.constant 464 : index
      %swap3A_563 = tpu.vector_load %arg8[%swap3A_561, %swap3A_562] {strides = array<i32>} : memref<32x768xf32, #tpu.memory_space<vmem>>, vector<1x16xf32>,
      %swap3A_564 = vector.shape_cast %swap3A_563 : vector<1x16xf32> to vector<16xf32>
      %swap3A_565 = vector.shape_cast %add3A_560 : vector<16xf32> to vector<1x16xf32>
      tpu.vector_store %arg8[%swap3A_561, %swap3A_562], %swap3A_565 {strides = array<i32>} : memref<32x768xf32, #tpu.memory_space<vmem>>, vector<1x16xf32>,
      %get3A_566 = arith.index_cast %scan3A_146 : i32 to index
      %get3A_567 = arith.constant 480 : index
      %get3A_568 = tpu.vector_load %arg8[%get3A_566, %get3A_567] {strides = array<i32>} : memref<32x768xf32, #tpu.memory_space<vmem>>, vector<1x16xf32>,
      %get3A_569 = vector.shape_cast %get3A_568 : vector<1x16xf32> to vector<16xf32>
      %get3A_570 = arith.index_cast %scan3A_146 : i32 to index
      %get3A_571 = arith.constant 480 : index
      %get3A_572 = tpu.vector_load %arg9[%get3A_570, %get3A_571] {strides = array<i32>} : memref<32x768xf32, #tpu.memory_space<vmem>>, vector<1x16xf32>,
      %get3A_573 = vector.shape_cast %get3A_572 : vector<1x16xf32> to vector<16xf32>
      %add3A_574 = arith.addf %get3A_569, %get3A_573 : vector<16xf32>
      %swap3A_575 = arith.index_cast %scan3A_146 : i32 to index
      %swap3A_576 = arith.constant 480 : index
      %swap3A_577 = tpu.vector_load %arg8[%swap3A_575, %swap3A_576] {strides = array<i32>} : memref<32x768xf32, #tpu.memory_space<vmem>>, vector<1x16xf32>,
      %swap3A_578 = vector.shape_cast %swap3A_577 : vector<1x16xf32> to vector<16xf32>
      %swap3A_579 = vector.shape_cast %add3A_574 : vector<16xf32> to vector<1x16xf32>
      tpu.vector_store %arg8[%swap3A_575, %swap3A_576], %swap3A_579 {strides = array<i32>} : memref<32x768xf32, #tpu.memory_space<vmem>>, vector<1x16xf32>,
      %get3A_580 = arith.index_cast %scan3A_146 : i32 to index
      %get3A_581 = arith.constant 496 : index
      %get3A_582 = tpu.vector_load %arg8[%get3A_580, %get3A_581] {strides = array<i32>} : memref<32x768xf32, #tpu.memory_space<vmem>>, vector<1x16xf32>,
      %get3A_583 = vector.shape_cast %get3A_582 : vector<1x16xf32> to vector<16xf32>
      %get3A_584 = arith.index_cast %scan3A_146 : i32 to index
      %get3A_585 = arith.constant 496 : index
      %get3A_586 = tpu.vector_load %arg9[%get3A_584, %get3A_585] {strides = array<i32>} : memref<32x768xf32, #tpu.memory_space<vmem>>, vector<1x16xf32>,
      %get3A_587 = vector.shape_cast %get3A_586 : vector<1x16xf32> to vector<16xf32>
      %add3A_588 = arith.addf %get3A_583, %get3A_587 : vector<16xf32>
      %swap3A_589 = arith.index_cast %scan3A_146 : i32 to index
      %swap3A_590 = arith.constant 496 : index
      %swap3A_591 = tpu.vector_load %arg8[%swap3A_589, %swap3A_590] {strides = array<i32>} : memref<32x768xf32, #tpu.memory_space<vmem>>, vector<1x16xf32>,
      %swap3A_592 = vector.shape_cast %swap3A_591 : vector<1x16xf32> to vector<16xf32>
      %swap3A_593 = vector.shape_cast %add3A_588 : vector<16xf32> to vector<1x16xf32>
      tpu.vector_store %arg8[%swap3A_589, %swap3A_590], %swap3A_593 {strides = array<i32>} : memref<32x768xf32, #tpu.memory_space<vmem>>, vector<1x16xf32>,
      %get3A_594 = arith.index_cast %scan3A_146 : i32 to index
      %get3A_595 = arith.constant 512 : index
      %get3A_596 = tpu.vector_load %arg8[%get3A_594, %get3A_595] {strides = array<i32>} : memref<32x768xf32, #tpu.memory_space<vmem>>, vector<1x16xf32>,
      %get3A_597 = vector.shape_cast %get3A_596 : vector<1x16xf32> to vector<16xf32>
      %get3A_598 = arith.index_cast %scan3A_146 : i32 to index
      %get3A_599 = arith.constant 512 : index
      %get3A_600 = tpu.vector_load %arg9[%get3A_598, %get3A_599] {strides = array<i32>} : memref<32x768xf32, #tpu.memory_space<vmem>>, vector<1x16xf32>,
      %get3A_601 = vector.shape_cast %get3A_600 : vector<1x16xf32> to vector<16xf32>
      %add3A_602 = arith.addf %get3A_597, %get3A_601 : vector<16xf32>
      %swap3A_603 = arith.index_cast %scan3A_146 : i32 to index
      %swap3A_604 = arith.constant 512 : index
      %swap3A_605 = tpu.vector_load %arg8[%swap3A_603, %swap3A_604] {strides = array<i32>} : memref<32x768xf32, #tpu.memory_space<vmem>>, vector<1x16xf32>,
      %swap3A_606 = vector.shape_cast %swap3A_605 : vector<1x16xf32> to vector<16xf32>
      %swap3A_607 = vector.shape_cast %add3A_602 : vector<16xf32> to vector<1x16xf32>
      tpu.vector_store %arg8[%swap3A_603, %swap3A_604], %swap3A_607 {strides = array<i32>} : memref<32x768xf32, #tpu.memory_space<vmem>>, vector<1x16xf32>,
      %get3A_608 = arith.index_cast %scan3A_146 : i32 to index
      %get3A_609 = arith.constant 528 : index
      %get3A_610 = tpu.vector_load %arg8[%get3A_608, %get3A_609] {strides = array<i32>} : memref<32x768xf32, #tpu.memory_space<vmem>>, vector<1x16xf32>,
      %get3A_611 = vector.shape_cast %get3A_610 : vector<1x16xf32> to vector<16xf32>
      %get3A_612 = arith.index_cast %scan3A_146 : i32 to index
      %get3A_613 = arith.constant 528 : index
      %get3A_614 = tpu.vector_load %arg9[%get3A_612, %get3A_613] {strides = array<i32>} : memref<32x768xf32, #tpu.memory_space<vmem>>, vector<1x16xf32>,
      %get3A_615 = vector.shape_cast %get3A_614 : vector<1x16xf32> to vector<16xf32>
      %add3A_616 = arith.addf %get3A_611, %get3A_615 : vector<16xf32>
      %swap3A_617 = arith.index_cast %scan3A_146 : i32 to index
      %swap3A_618 = arith.constant 528 : index
      %swap3A_619 = tpu.vector_load %arg8[%swap3A_617, %swap3A_618] {strides = array<i32>} : memref<32x768xf32, #tpu.memory_space<vmem>>, vector<1x16xf32>,
      %swap3A_620 = vector.shape_cast %swap3A_619 : vector<1x16xf32> to vector<16xf32>
      %swap3A_621 = vector.shape_cast %add3A_616 : vector<16xf32> to vector<1x16xf32>
      tpu.vector_store %arg8[%swap3A_617, %swap3A_618], %swap3A_621 {strides = array<i32>} : memref<32x768xf32, #tpu.memory_space<vmem>>, vector<1x16xf32>,
      %get3A_622 = arith.index_cast %scan3A_146 : i32 to index
      %get3A_623 = arith.constant 544 : index
      %get3A_624 = tpu.vector_load %arg8[%get3A_622, %get3A_623] {strides = array<i32>} : memref<32x768xf32, #tpu.memory_space<vmem>>, vector<1x16xf32>,
      %get3A_625 = vector.shape_cast %get3A_624 : vector<1x16xf32> to vector<16xf32>
      %get3A_626 = arith.index_cast %scan3A_146 : i32 to index
      %get3A_627 = arith.constant 544 : index
      %get3A_628 = tpu.vector_load %arg9[%get3A_626, %get3A_627] {strides = array<i32>} : memref<32x768xf32, #tpu.memory_space<vmem>>, vector<1x16xf32>,
      %get3A_629 = vector.shape_cast %get3A_628 : vector<1x16xf32> to vector<16xf32>
      %add3A_630 = arith.addf %get3A_625, %get3A_629 : vector<16xf32>
      %swap3A_631 = arith.index_cast %scan3A_146 : i32 to index
      %swap3A_632 = arith.constant 544 : index
      %swap3A_633 = tpu.vector_load %arg8[%swap3A_631, %swap3A_632] {strides = array<i32>} : memref<32x768xf32, #tpu.memory_space<vmem>>, vector<1x16xf32>,
      %swap3A_634 = vector.shape_cast %swap3A_633 : vector<1x16xf32> to vector<16xf32>
      %swap3A_635 = vector.shape_cast %add3A_630 : vector<16xf32> to vector<1x16xf32>
      tpu.vector_store %arg8[%swap3A_631, %swap3A_632], %swap3A_635 {strides = array<i32>} : memref<32x768xf32, #tpu.memory_space<vmem>>, vector<1x16xf32>,
      %get3A_636 = arith.index_cast %scan3A_146 : i32 to index
      %get3A_637 = arith.constant 560 : index
      %get3A_638 = tpu.vector_load %arg8[%get3A_636, %get3A_637] {strides = array<i32>} : memref<32x768xf32, #tpu.memory_space<vmem>>, vector<1x16xf32>,
      %get3A_639 = vector.shape_cast %get3A_638 : vector<1x16xf32> to vector<16xf32>
      %get3A_640 = arith.index_cast %scan3A_146 : i32 to index
      %get3A_641 = arith.constant 560 : index
      %get3A_642 = tpu.vector_load %arg9[%get3A_640, %get3A_641] {strides = array<i32>} : memref<32x768xf32, #tpu.memory_space<vmem>>, vector<1x16xf32>,
      %get3A_643 = vector.shape_cast %get3A_642 : vector<1x16xf32> to vector<16xf32>
      %add3A_644 = arith.addf %get3A_639, %get3A_643 : vector<16xf32>
      %swap3A_645 = arith.index_cast %scan3A_146 : i32 to index
      %swap3A_646 = arith.constant 560 : index
      %swap3A_647 = tpu.vector_load %arg8[%swap3A_645, %swap3A_646] {strides = array<i32>} : memref<32x768xf32, #tpu.memory_space<vmem>>, vector<1x16xf32>,
      %swap3A_648 = vector.shape_cast %swap3A_647 : vector<1x16xf32> to vector<16xf32>
      %swap3A_649 = vector.shape_cast %add3A_644 : vector<16xf32> to vector<1x16xf32>
      tpu.vector_store %arg8[%swap3A_645, %swap3A_646], %swap3A_649 {strides = array<i32>} : memref<32x768xf32, #tpu.memory_space<vmem>>, vector<1x16xf32>,
      %get3A_650 = arith.index_cast %scan3A_146 : i32 to index
      %get3A_651 = arith.constant 576 : index
      %get3A_652 = tpu.vector_load %arg8[%get3A_650, %get3A_651] {strides = array<i32>} : memref<32x768xf32, #tpu.memory_space<vmem>>, vector<1x16xf32>,
      %get3A_653 = vector.shape_cast %get3A_652 : vector<1x16xf32> to vector<16xf32>
      %get3A_654 = arith.index_cast %scan3A_146 : i32 to index
      %get3A_655 = arith.constant 576 : index
      %get3A_656 = tpu.vector_load %arg9[%get3A_654, %get3A_655] {strides = array<i32>} : memref<32x768xf32, #tpu.memory_space<vmem>>, vector<1x16xf32>,
      %get3A_657 = vector.shape_cast %get3A_656 : vector<1x16xf32> to vector<16xf32>
      %add3A_658 = arith.addf %get3A_653, %get3A_657 : vector<16xf32>
      %swap3A_659 = arith.index_cast %scan3A_146 : i32 to index
      %swap3A_660 = arith.constant 576 : index
      %swap3A_661 = tpu.vector_load %arg8[%swap3A_659, %swap3A_660] {strides = array<i32>} : memref<32x768xf32, #tpu.memory_space<vmem>>, vector<1x16xf32>,
      %swap3A_662 = vector.shape_cast %swap3A_661 : vector<1x16xf32> to vector<16xf32>
      %swap3A_663 = vector.shape_cast %add3A_658 : vector<16xf32> to vector<1x16xf32>
      tpu.vector_store %arg8[%swap3A_659, %swap3A_660], %swap3A_663 {strides = array<i32>} : memref<32x768xf32, #tpu.memory_space<vmem>>, vector<1x16xf32>,
      %get3A_664 = arith.index_cast %scan3A_146 : i32 to index
      %get3A_665 = arith.constant 592 : index
      %get3A_666 = tpu.vector_load %arg8[%get3A_664, %get3A_665] {strides = array<i32>} : memref<32x768xf32, #tpu.memory_space<vmem>>, vector<1x16xf32>,
      %get3A_667 = vector.shape_cast %get3A_666 : vector<1x16xf32> to vector<16xf32>
      %get3A_668 = arith.index_cast %scan3A_146 : i32 to index
      %get3A_669 = arith.constant 592 : index
      %get3A_670 = tpu.vector_load %arg9[%get3A_668, %get3A_669] {strides = array<i32>} : memref<32x768xf32, #tpu.memory_space<vmem>>, vector<1x16xf32>,
      %get3A_671 = vector.shape_cast %get3A_670 : vector<1x16xf32> to vector<16xf32>
      %add3A_672 = arith.addf %get3A_667, %get3A_671 : vector<16xf32>
      %swap3A_673 = arith.index_cast %scan3A_146 : i32 to index
      %swap3A_674 = arith.constant 592 : index
      %swap3A_675 = tpu.vector_load %arg8[%swap3A_673, %swap3A_674] {strides = array<i32>} : memref<32x768xf32, #tpu.memory_space<vmem>>, vector<1x16xf32>,
      %swap3A_676 = vector.shape_cast %swap3A_675 : vector<1x16xf32> to vector<16xf32>
      %swap3A_677 = vector.shape_cast %add3A_672 : vector<16xf32> to vector<1x16xf32>
      tpu.vector_store %arg8[%swap3A_673, %swap3A_674], %swap3A_677 {strides = array<i32>} : memref<32x768xf32, #tpu.memory_space<vmem>>, vector<1x16xf32>,
      %get3A_678 = arith.index_cast %scan3A_146 : i32 to index
      %get3A_679 = arith.constant 608 : index
      %get3A_680 = tpu.vector_load %arg8[%get3A_678, %get3A_679] {strides = array<i32>} : memref<32x768xf32, #tpu.memory_space<vmem>>, vector<1x16xf32>,
      %get3A_681 = vector.shape_cast %get3A_680 : vector<1x16xf32> to vector<16xf32>
      %get3A_682 = arith.index_cast %scan3A_146 : i32 to index
      %get3A_683 = arith.constant 608 : index
      %get3A_684 = tpu.vector_load %arg9[%get3A_682, %get3A_683] {strides = array<i32>} : memref<32x768xf32, #tpu.memory_space<vmem>>, vector<1x16xf32>,
      %get3A_685 = vector.shape_cast %get3A_684 : vector<1x16xf32> to vector<16xf32>
      %add3A_686 = arith.addf %get3A_681, %get3A_685 : vector<16xf32>
      %swap3A_687 = arith.index_cast %scan3A_146 : i32 to index
      %swap3A_688 = arith.constant 608 : index
      %swap3A_689 = tpu.vector_load %arg8[%swap3A_687, %swap3A_688] {strides = array<i32>} : memref<32x768xf32, #tpu.memory_space<vmem>>, vector<1x16xf32>,
      %swap3A_690 = vector.shape_cast %swap3A_689 : vector<1x16xf32> to vector<16xf32>
      %swap3A_691 = vector.shape_cast %add3A_686 : vector<16xf32> to vector<1x16xf32>
      tpu.vector_store %arg8[%swap3A_687, %swap3A_688], %swap3A_691 {strides = array<i32>} : memref<32x768xf32, #tpu.memory_space<vmem>>, vector<1x16xf32>,
      %get3A_692 = arith.index_cast %scan3A_146 : i32 to index
      %get3A_693 = arith.constant 624 : index
      %get3A_694 = tpu.vector_load %arg8[%get3A_692, %get3A_693] {strides = array<i32>} : memref<32x768xf32, #tpu.memory_space<vmem>>, vector<1x16xf32>,
      %get3A_695 = vector.shape_cast %get3A_694 : vector<1x16xf32> to vector<16xf32>
      %get3A_696 = arith.index_cast %scan3A_146 : i32 to index
      %get3A_697 = arith.constant 624 : index
      %get3A_698 = tpu.vector_load %arg9[%get3A_696, %get3A_697] {strides = array<i32>} : memref<32x768xf32, #tpu.memory_space<vmem>>, vector<1x16xf32>,
      %get3A_699 = vector.shape_cast %get3A_698 : vector<1x16xf32> to vector<16xf32>
      %add3A_700 = arith.addf %get3A_695, %get3A_699 : vector<16xf32>
      %swap3A_701 = arith.index_cast %scan3A_146 : i32 to index
      %swap3A_702 = arith.constant 624 : index
      %swap3A_703 = tpu.vector_load %arg8[%swap3A_701, %swap3A_702] {strides = array<i32>} : memref<32x768xf32, #tpu.memory_space<vmem>>, vector<1x16xf32>,
      %swap3A_704 = vector.shape_cast %swap3A_703 : vector<1x16xf32> to vector<16xf32>
      %swap3A_705 = vector.shape_cast %add3A_700 : vector<16xf32> to vector<1x16xf32>
      tpu.vector_store %arg8[%swap3A_701, %swap3A_702], %swap3A_705 {strides = array<i32>} : memref<32x768xf32, #tpu.memory_space<vmem>>, vector<1x16xf32>,
      %get3A_706 = arith.index_cast %scan3A_146 : i32 to index
      %get3A_707 = arith.constant 640 : index
      %get3A_708 = tpu.vector_load %arg8[%get3A_706, %get3A_707] {strides = array<i32>} : memref<32x768xf32, #tpu.memory_space<vmem>>, vector<1x16xf32>,
      %get3A_709 = vector.shape_cast %get3A_708 : vector<1x16xf32> to vector<16xf32>
      %get3A_710 = arith.index_cast %scan3A_146 : i32 to index
      %get3A_711 = arith.constant 640 : index
      %get3A_712 = tpu.vector_load %arg9[%get3A_710, %get3A_711] {strides = array<i32>} : memref<32x768xf32, #tpu.memory_space<vmem>>, vector<1x16xf32>,
      %get3A_713 = vector.shape_cast %get3A_712 : vector<1x16xf32> to vector<16xf32>
      %add3A_714 = arith.addf %get3A_709, %get3A_713 : vector<16xf32>
      %swap3A_715 = arith.index_cast %scan3A_146 : i32 to index
      %swap3A_716 = arith.constant 640 : index
      %swap3A_717 = tpu.vector_load %arg8[%swap3A_715, %swap3A_716] {strides = array<i32>} : memref<32x768xf32, #tpu.memory_space<vmem>>, vector<1x16xf32>,
      %swap3A_718 = vector.shape_cast %swap3A_717 : vector<1x16xf32> to vector<16xf32>
      %swap3A_719 = vector.shape_cast %add3A_714 : vector<16xf32> to vector<1x16xf32>
      tpu.vector_store %arg8[%swap3A_715, %swap3A_716], %swap3A_719 {strides = array<i32>} : memref<32x768xf32, #tpu.memory_space<vmem>>, vector<1x16xf32>,
      %get3A_720 = arith.index_cast %scan3A_146 : i32 to index
      %get3A_721 = arith.constant 656 : index
      %get3A_722 = tpu.vector_load %arg8[%get3A_720, %get3A_721] {strides = array<i32>} : memref<32x768xf32, #tpu.memory_space<vmem>>, vector<1x16xf32>,
      %get3A_723 = vector.shape_cast %get3A_722 : vector<1x16xf32> to vector<16xf32>
      %get3A_724 = arith.index_cast %scan3A_146 : i32 to index
      %get3A_725 = arith.constant 656 : index
      %get3A_726 = tpu.vector_load %arg9[%get3A_724, %get3A_725] {strides = array<i32>} : memref<32x768xf32, #tpu.memory_space<vmem>>, vector<1x16xf32>,
      %get3A_727 = vector.shape_cast %get3A_726 : vector<1x16xf32> to vector<16xf32>
      %add3A_728 = arith.addf %get3A_723, %get3A_727 : vector<16xf32>
      %swap3A_729 = arith.index_cast %scan3A_146 : i32 to index
      %swap3A_730 = arith.constant 656 : index
      %swap3A_731 = tpu.vector_load %arg8[%swap3A_729, %swap3A_730] {strides = array<i32>} : memref<32x768xf32, #tpu.memory_space<vmem>>, vector<1x16xf32>,
      %swap3A_732 = vector.shape_cast %swap3A_731 : vector<1x16xf32> to vector<16xf32>
      %swap3A_733 = vector.shape_cast %add3A_728 : vector<16xf32> to vector<1x16xf32>
      tpu.vector_store %arg8[%swap3A_729, %swap3A_730], %swap3A_733 {strides = array<i32>} : memref<32x768xf32, #tpu.memory_space<vmem>>, vector<1x16xf32>,
      %get3A_734 = arith.index_cast %scan3A_146 : i32 to index
      %get3A_735 = arith.constant 672 : index
      %get3A_736 = tpu.vector_load %arg8[%get3A_734, %get3A_735] {strides = array<i32>} : memref<32x768xf32, #tpu.memory_space<vmem>>, vector<1x16xf32>,
      %get3A_737 = vector.shape_cast %get3A_736 : vector<1x16xf32> to vector<16xf32>
      %get3A_738 = arith.index_cast %scan3A_146 : i32 to index
      %get3A_739 = arith.constant 672 : index
      %get3A_740 = tpu.vector_load %arg9[%get3A_738, %get3A_739] {strides = array<i32>} : memref<32x768xf32, #tpu.memory_space<vmem>>, vector<1x16xf32>,
      %get3A_741 = vector.shape_cast %get3A_740 : vector<1x16xf32> to vector<16xf32>
      %add3A_742 = arith.addf %get3A_737, %get3A_741 : vector<16xf32>
      %swap3A_743 = arith.index_cast %scan3A_146 : i32 to index
      %swap3A_744 = arith.constant 672 : index
      %swap3A_745 = tpu.vector_load %arg8[%swap3A_743, %swap3A_744] {strides = array<i32>} : memref<32x768xf32, #tpu.memory_space<vmem>>, vector<1x16xf32>,
      %swap3A_746 = vector.shape_cast %swap3A_745 : vector<1x16xf32> to vector<16xf32>
      %swap3A_747 = vector.shape_cast %add3A_742 : vector<16xf32> to vector<1x16xf32>
      tpu.vector_store %arg8[%swap3A_743, %swap3A_744], %swap3A_747 {strides = array<i32>} : memref<32x768xf32, #tpu.memory_space<vmem>>, vector<1x16xf32>,
      %get3A_748 = arith.index_cast %scan3A_146 : i32 to index
      %get3A_749 = arith.constant 688 : index
      %get3A_750 = tpu.vector_load %arg8[%get3A_748, %get3A_749] {strides = array<i32>} : memref<32x768xf32, #tpu.memory_space<vmem>>, vector<1x16xf32>,
      %get3A_751 = vector.shape_cast %get3A_750 : vector<1x16xf32> to vector<16xf32>
      %get3A_752 = arith.index_cast %scan3A_146 : i32 to index
      %get3A_753 = arith.constant 688 : index
      %get3A_754 = tpu.vector_load %arg9[%get3A_752, %get3A_753] {strides = array<i32>} : memref<32x768xf32, #tpu.memory_space<vmem>>, vector<1x16xf32>,
      %get3A_755 = vector.shape_cast %get3A_754 : vector<1x16xf32> to vector<16xf32>
      %add3A_756 = arith.addf %get3A_751, %get3A_755 : vector<16xf32>
      %swap3A_757 = arith.index_cast %scan3A_146 : i32 to index
      %swap3A_758 = arith.constant 688 : index
      %swap3A_759 = tpu.vector_load %arg8[%swap3A_757, %swap3A_758] {strides = array<i32>} : memref<32x768xf32, #tpu.memory_space<vmem>>, vector<1x16xf32>,
      %swap3A_760 = vector.shape_cast %swap3A_759 : vector<1x16xf32> to vector<16xf32>
      %swap3A_761 = vector.shape_cast %add3A_756 : vector<16xf32> to vector<1x16xf32>
      tpu.vector_store %arg8[%swap3A_757, %swap3A_758], %swap3A_761 {strides = array<i32>} : memref<32x768xf32, #tpu.memory_space<vmem>>, vector<1x16xf32>,
      %get3A_762 = arith.index_cast %scan3A_146 : i32 to index
      %get3A_763 = arith.constant 704 : index
      %get3A_764 = tpu.vector_load %arg8[%get3A_762, %get3A_763] {strides = array<i32>} : memref<32x768xf32, #tpu.memory_space<vmem>>, vector<1x16xf32>,
      %get3A_765 = vector.shape_cast %get3A_764 : vector<1x16xf32> to vector<16xf32>
      %get3A_766 = arith.index_cast %scan3A_146 : i32 to index
      %get3A_767 = arith.constant 704 : index
      %get3A_768 = tpu.vector_load %arg9[%get3A_766, %get3A_767] {strides = array<i32>} : memref<32x768xf32, #tpu.memory_space<vmem>>, vector<1x16xf32>,
      %get3A_769 = vector.shape_cast %get3A_768 : vector<1x16xf32> to vector<16xf32>
      %add3A_770 = arith.addf %get3A_765, %get3A_769 : vector<16xf32>
      %swap3A_771 = arith.index_cast %scan3A_146 : i32 to index
      %swap3A_772 = arith.constant 704 : index
      %swap3A_773 = tpu.vector_load %arg8[%swap3A_771, %swap3A_772] {strides = array<i32>} : memref<32x768xf32, #tpu.memory_space<vmem>>, vector<1x16xf32>,
      %swap3A_774 = vector.shape_cast %swap3A_773 : vector<1x16xf32> to vector<16xf32>
      %swap3A_775 = vector.shape_cast %add3A_770 : vector<16xf32> to vector<1x16xf32>
      tpu.vector_store %arg8[%swap3A_771, %swap3A_772], %swap3A_775 {strides = array<i32>} : memref<32x768xf32, #tpu.memory_space<vmem>>, vector<1x16xf32>,
      %get3A_776 = arith.index_cast %scan3A_146 : i32 to index
      %get3A_777 = arith.constant 720 : index
      %get3A_778 = tpu.vector_load %arg8[%get3A_776, %get3A_777] {strides = array<i32>} : memref<32x768xf32, #tpu.memory_space<vmem>>, vector<1x16xf32>,
      %get3A_779 = vector.shape_cast %get3A_778 : vector<1x16xf32> to vector<16xf32>
      %get3A_780 = arith.index_cast %scan3A_146 : i32 to index
      %get3A_781 = arith.constant 720 : index
      %get3A_782 = tpu.vector_load %arg9[%get3A_780, %get3A_781] {strides = array<i32>} : memref<32x768xf32, #tpu.memory_space<vmem>>, vector<1x16xf32>,
      %get3A_783 = vector.shape_cast %get3A_782 : vector<1x16xf32> to vector<16xf32>
      %add3A_784 = arith.addf %get3A_779, %get3A_783 : vector<16xf32>
      %swap3A_785 = arith.index_cast %scan3A_146 : i32 to index
      %swap3A_786 = arith.constant 720 : index
      %swap3A_787 = tpu.vector_load %arg8[%swap3A_785, %swap3A_786] {strides = array<i32>} : memref<32x768xf32, #tpu.memory_space<vmem>>, vector<1x16xf32>,
      %swap3A_788 = vector.shape_cast %swap3A_787 : vector<1x16xf32> to vector<16xf32>
      %swap3A_789 = vector.shape_cast %add3A_784 : vector<16xf32> to vector<1x16xf32>
      tpu.vector_store %arg8[%swap3A_785, %swap3A_786], %swap3A_789 {strides = array<i32>} : memref<32x768xf32, #tpu.memory_space<vmem>>, vector<1x16xf32>,
      %get3A_790 = arith.index_cast %scan3A_146 : i32 to index
      %get3A_791 = arith.constant 736 : index
      %get3A_792 = tpu.vector_load %arg8[%get3A_790, %get3A_791] {strides = array<i32>} : memref<32x768xf32, #tpu.memory_space<vmem>>, vector<1x16xf32>,
      %get3A_793 = vector.shape_cast %get3A_792 : vector<1x16xf32> to vector<16xf32>
      %get3A_794 = arith.index_cast %scan3A_146 : i32 to index
      %get3A_795 = arith.constant 736 : index
      %get3A_796 = tpu.vector_load %arg9[%get3A_794, %get3A_795] {strides = array<i32>} : memref<32x768xf32, #tpu.memory_space<vmem>>, vector<1x16xf32>,
      %get3A_797 = vector.shape_cast %get3A_796 : vector<1x16xf32> to vector<16xf32>
      %add3A_798 = arith.addf %get3A_793, %get3A_797 : vector<16xf32>
      %swap3A_799 = arith.index_cast %scan3A_146 : i32 to index
      %swap3A_800 = arith.constant 736 : index
      %swap3A_801 = tpu.vector_load %arg8[%swap3A_799, %swap3A_800] {strides = array<i32>} : memref<32x768xf32, #tpu.memory_space<vmem>>, vector<1x16xf32>,
      %swap3A_802 = vector.shape_cast %swap3A_801 : vector<1x16xf32> to vector<16xf32>
      %swap3A_803 = vector.shape_cast %add3A_798 : vector<16xf32> to vector<1x16xf32>
      tpu.vector_store %arg8[%swap3A_799, %swap3A_800], %swap3A_803 {strides = array<i32>} : memref<32x768xf32, #tpu.memory_space<vmem>>, vector<1x16xf32>,
      %get3A_804 = arith.index_cast %scan3A_146 : i32 to index
      %get3A_805 = arith.constant 752 : index
      %get3A_806 = tpu.vector_load %arg8[%get3A_804, %get3A_805] {strides = array<i32>} : memref<32x768xf32, #tpu.memory_space<vmem>>, vector<1x16xf32>,
      %get3A_807 = vector.shape_cast %get3A_806 : vector<1x16xf32> to vector<16xf32>
      %get3A_808 = arith.index_cast %scan3A_146 : i32 to index
      %get3A_809 = arith.constant 752 : index
      %get3A_810 = tpu.vector_load %arg9[%get3A_808, %get3A_809] {strides = array<i32>} : memref<32x768xf32, #tpu.memory_space<vmem>>, vector<1x16xf32>,
      %get3A_811 = vector.shape_cast %get3A_810 : vector<1x16xf32> to vector<16xf32>
      %add3A_812 = arith.addf %get3A_807, %get3A_811 : vector<16xf32>
      %swap3A_813 = arith.index_cast %scan3A_146 : i32 to index
      %swap3A_814 = arith.constant 752 : index
      %swap3A_815 = tpu.vector_load %arg8[%swap3A_813, %swap3A_814] {strides = array<i32>} : memref<32x768xf32, #tpu.memory_space<vmem>>, vector<1x16xf32>,
      %swap3A_816 = vector.shape_cast %swap3A_815 : vector<1x16xf32> to vector<16xf32>
      %swap3A_817 = vector.shape_cast %add3A_812 : vector<16xf32> to vector<1x16xf32>
      tpu.vector_store %arg8[%swap3A_813, %swap3A_814], %swap3A_817 {strides = array<i32>} : memref<32x768xf32, #tpu.memory_space<vmem>>, vector<1x16xf32>,
      %scan3A_818 = arith.constant 0 : i32
      scf.yield %scan3A_818 : i32
    }
    %scan3A_70 = arith.constant 32 : i32
    %add3A_71 = arith.constant 0 : i32
    %add3A_72 = arith.addi %mul3A_2, %add3A_71 : i32
    "tpu.region"() ({
      %run_scoped3A = tpu.sem_alloc : memref<!tpu.dma_semaphore, #tpu.memory_space<semaphore_mem>>
      %dma_start3A_146 = arith.constant 0 : i32
      %dma_start3A_147 = tpu.memref_slice %arg5[%add3A_72, %dma_start3A_146] : memref<2048x768xf32, #tpu.memory_space<hbm>> -> memref<32x768xf32, #tpu.memory_space<hbm>>
      %dma_start3A_148 = arith.constant 0 : i32
      %dma_start3A_149 = tpu.memref_slice %arg5[%add3A_72, %dma_start3A_148] : memref<2048x768xf32, #tpu.memory_space<hbm>> -> memref<32x768xf32, #tpu.memory_space<hbm>>
      tpu.enqueue_dma source(%arg8 : memref<32x768xf32, #tpu.memory_space<vmem>>) target(%dma_start3A_149 : memref<32x768xf32, #tpu.memory_space<hbm>>) target_semaphore(%run_scoped3A : memref<!tpu.dma_semaphore, #tpu.memory_space<semaphore_mem>>)
      %dma_wait3A_150 = arith.constant 0 : i32
      %dma_wait3A_151 = tpu.memref_slice %arg5[%add3A_72, %dma_wait3A_150] : memref<2048x768xf32, #tpu.memory_space<hbm>> -> memref<32x768xf32, #tpu.memory_space<hbm>>
      %dma_wait3A_152 = arith.constant 0 : i32
      %dma_wait3A_153 = tpu.memref_slice %arg5[%add3A_72, %dma_wait3A_152] : memref<2048x768xf32, #tpu.memory_space<hbm>> -> memref<32x768xf32, #tpu.memory_space<hbm>>
      tpu.wait_dma2 semaphore(%run_scoped3A : memref<!tpu.dma_semaphore, #tpu.memory_space<semaphore_mem>>) src(%arg8 : memref<32x768xf32, #tpu.memory_space<vmem>>) dst(%dma_wait3A_153 : memref<32x768xf32, #tpu.memory_space<hbm>>)
      tpu.yield
    }) : () -> ()
    %dma_start3A_73 = arith.constant 0 : i32
    %dma_start3A_74 = arith.constant 0 : i32
    %dma_start3A_75 = tpu.memref_slice %arg8[%dma_start3A_73, %dma_start3A_74] : memref<32x768xf32, #tpu.memory_space<vmem>> -> memref<16x768xf32, #tpu.memory_space<vmem>>
    %dma_start3A_76 = arith.constant 32 : i32
    %dma_start3A_77 = tpu.memref_slice %arg6[%dma_start3A_76] : memref<64xi32, #tpu.memory_space<vmem>> -> memref<16xi32, #tpu.memory_space<vmem>>
    %dma_start3A_78 = arith.constant 0 : i32
    %dma_start3A_79 = arith.constant 0 : i32
    %dma_start3A_80 = tpu.memref_slice %arg2[%dma_start3A_78, %dma_start3A_79] : memref<5120x768xf32, #tpu.memory_space<hbm>> -> memref<5120x768xf32, #tpu.memory_space<hbm>>
    tpu.enqueue_indirect_dma source(%dma_start3A_80 : memref<5120x768xf32, #tpu.memory_space<hbm>>) target(%dma_start3A_75 : memref<16x768xf32, #tpu.memory_space<vmem>>) offsets(%dma_start3A_77 : memref<16xi32, #tpu.memory_space<vmem>>) semaphore(%arg10 : memref<!tpu.dma_semaphore, #tpu.memory_space<semaphore_mem>>)
    %dma_start3A_81 = arith.constant 16 : i32
    %dma_start3A_82 = arith.constant 0 : i32
    %dma_start3A_83 = tpu.memref_slice %arg8[%dma_start3A_81, %dma_start3A_82] : memref<32x768xf32, #tpu.memory_space<vmem>> -> memref<16x768xf32, #tpu.memory_space<vmem>>
    %dma_start3A_84 = arith.constant 48 : i32
    %dma_start3A_85 = tpu.memref_slice %arg6[%dma_start3A_84] : memref<64xi32, #tpu.memory_space<vmem>> -> memref<16xi32, #tpu.memory_space<vmem>>
    %dma_start3A_86 = arith.constant 0 : i32
    %dma_start3A_87 = arith.constant 0 : i32
    %dma_start3A_88 = tpu.memref_slice %arg2[%dma_start3A_86, %dma_start3A_87] : memref<5120x768xf32, #tpu.memory_space<hbm>> -> memref<5120x768xf32, #tpu.memory_space<hbm>>
    tpu.enqueue_indirect_dma source(%dma_start3A_88 : memref<5120x768xf32, #tpu.memory_space<hbm>>) target(%dma_start3A_83 : memref<16x768xf32, #tpu.memory_space<vmem>>) offsets(%dma_start3A_85 : memref<16xi32, #tpu.memory_space<vmem>>) semaphore(%arg10 : memref<!tpu.dma_semaphore, #tpu.memory_space<semaphore_mem>>)
    %dma_start3A_89 = arith.constant 0 : i32
    %dma_start3A_90 = arith.constant 0 : i32
    %dma_start3A_91 = tpu.memref_slice %arg9[%dma_start3A_89, %dma_start3A_90] : memref<32x768xf32, #tpu.memory_space<vmem>> -> memref<16x768xf32, #tpu.memory_space<vmem>>
    %dma_start3A_92 = arith.constant 32 : i32
    %dma_start3A_93 = tpu.memref_slice %arg7[%dma_start3A_92] : memref<64xi32, #tpu.memory_space<vmem>> -> memref<16xi32, #tpu.memory_space<vmem>>
    %dma_start3A_94 = arith.constant 0 : i32
    %dma_start3A_95 = arith.constant 0 : i32
    %dma_start3A_96 = tpu.memref_slice %arg2[%dma_start3A_94, %dma_start3A_95] : memref<5120x768xf32, #tpu.memory_space<hbm>> -> memref<5120x768xf32, #tpu.memory_space<hbm>>
    tpu.enqueue_indirect_dma source(%dma_start3A_96 : memref<5120x768xf32, #tpu.memory_space<hbm>>) target(%dma_start3A_91 : memref<16x768xf32, #tpu.memory_space<vmem>>) offsets(%dma_start3A_93 : memref<16xi32, #tpu.memory_space<vmem>>) semaphore(%arg10 : memref<!tpu.dma_semaphore, #tpu.memory_space<semaphore_mem>>)
    %dma_start3A_97 = arith.constant 16 : i32
    %dma_start3A_98 = arith.constant 0 : i32
    %dma_start3A_99 = tpu.memref_slice %arg9[%dma_start3A_97, %dma_start3A_98] : memref<32x768xf32, #tpu.memory_space<vmem>> -> memref<16x768xf32, #tpu.memory_space<vmem>>
    %dma_start3A_100 = arith.constant 48 : i32
    %dma_start3A_101 = tpu.memref_slice %arg7[%dma_start3A_100] : memref<64xi32, #tpu.memory_space<vmem>> -> memref<16xi32, #tpu.memory_space<vmem>>
    %dma_start3A_102 = arith.constant 0 : i32
    %dma_start3A_103 = arith.constant 0 : i32
    %dma_start3A_104 = tpu.memref_slice %arg2[%dma_start3A_102, %dma_start3A_103] : memref<5120x768xf32, #tpu.memory_space<hbm>> -> memref<5120x768xf32, #tpu.memory_space<hbm>>
    tpu.enqueue_indirect_dma source(%dma_start3A_104 : memref<5120x768xf32, #tpu.memory_space<hbm>>) target(%dma_start3A_99 : memref<16x768xf32, #tpu.memory_space<vmem>>) offsets(%dma_start3A_101 : memref<16xi32, #tpu.memory_space<vmem>>) semaphore(%arg10 : memref<!tpu.dma_semaphore, #tpu.memory_space<semaphore_mem>>)
    %dma_wait3A_105 = arith.constant 0 : i32
    %dma_wait3A_106 = arith.constant 0 : i32
    %dma_wait3A_107 = tpu.memref_slice %arg8[%dma_wait3A_105, %dma_wait3A_106] : memref<32x768xf32, #tpu.memory_space<vmem>> -> memref<16x768xf32, #tpu.memory_space<vmem>>
    %dma_wait3A_108 = arith.constant 32 : i32
    %dma_wait3A_109 = tpu.memref_slice %arg6[%dma_wait3A_108] : memref<64xi32, #tpu.memory_space<vmem>> -> memref<16xi32, #tpu.memory_space<vmem>>
    %dma_wait3A_110 = arith.constant 0 : i32
    %dma_wait3A_111 = arith.constant 0 : i32
    %dma_wait3A_112 = tpu.memref_slice %arg2[%dma_wait3A_110, %dma_wait3A_111] : memref<5120x768xf32, #tpu.memory_space<hbm>> -> memref<5120x768xf32, #tpu.memory_space<hbm>>
    tpu.wait_indirect_dma semaphore(%arg10 : memref<!tpu.dma_semaphore, #tpu.memory_space<semaphore_mem>>) src(%dma_wait3A_112 : memref<5120x768xf32, #tpu.memory_space<hbm>>) dst(%dma_wait3A_107 : memref<16x768xf32, #tpu.memory_space<vmem>>)
    %dma_wait3A_113 = arith.constant 16 : i32
    %dma_wait3A_114 = arith.constant 0 : i32
    %dma_wait3A_115 = tpu.memref_slice %arg8[%dma_wait3A_113, %dma_wait3A_114] : memref<32x768xf32, #tpu.memory_space<vmem>> -> memref<16x768xf32, #tpu.memory_space<vmem>>
    %dma_wait3A_116 = arith.constant 48 : i32
    %dma_wait3A_117 = tpu.memref_slice %arg6[%dma_wait3A_116] : memref<64xi32, #tpu.memory_space<vmem>> -> memref<16xi32, #tpu.memory_space<vmem>>
    %dma_wait3A_118 = arith.constant 0 : i32
    %dma_wait3A_119 = arith.constant 0 : i32
    %dma_wait3A_120 = tpu.memref_slice %arg2[%dma_wait3A_118, %dma_wait3A_119] : memref<5120x768xf32, #tpu.memory_space<hbm>> -> memref<5120x768xf32, #tpu.memory_space<hbm>>
    tpu.wait_indirect_dma semaphore(%arg10 : memref<!tpu.dma_semaphore, #tpu.memory_space<semaphore_mem>>) src(%dma_wait3A_120 : memref<5120x768xf32, #tpu.memory_space<hbm>>) dst(%dma_wait3A_115 : memref<16x768xf32, #tpu.memory_space<vmem>>)
    %dma_wait3A_121 = arith.constant 0 : i32
    %dma_wait3A_122 = arith.constant 0 : i32
    %dma_wait3A_123 = tpu.memref_slice %arg9[%dma_wait3A_121, %dma_wait3A_122] : memref<32x768xf32, #tpu.memory_space<vmem>> -> memref<16x768xf32, #tpu.memory_space<vmem>>
    %dma_wait3A_124 = arith.constant 32 : i32
    %dma_wait3A_125 = tpu.memref_slice %arg7[%dma_wait3A_124] : memref<64xi32, #tpu.memory_space<vmem>> -> memref<16xi32, #tpu.memory_space<vmem>>
    %dma_wait3A_126 = arith.constant 0 : i32
    %dma_wait3A_127 = arith.constant 0 : i32
    %dma_wait3A_128 = tpu.memref_slice %arg2[%dma_wait3A_126, %dma_wait3A_127] : memref<5120x768xf32, #tpu.memory_space<hbm>> -> memref<5120x768xf32, #tpu.memory_space<hbm>>
    tpu.wait_indirect_dma semaphore(%arg10 : memref<!tpu.dma_semaphore, #tpu.memory_space<semaphore_mem>>) src(%dma_wait3A_128 : memref<5120x768xf32, #tpu.memory_space<hbm>>) dst(%dma_wait3A_123 : memref<16x768xf32, #tpu.memory_space<vmem>>)
    %dma_wait3A_129 = arith.constant 16 : i32
    %dma_wait3A_130 = arith.constant 0 : i32
    %dma_wait3A_131 = tpu.memref_slice %arg9[%dma_wait3A_129, %dma_wait3A_130] : memref<32x768xf32, #tpu.memory_space<vmem>> -> memref<16x768xf32, #tpu.memory_space<vmem>>
    %dma_wait3A_132 = arith.constant 48 : i32
    %dma_wait3A_133 = tpu.memref_slice %arg7[%dma_wait3A_132] : memref<64xi32, #tpu.memory_space<vmem>> -> memref<16xi32, #tpu.memory_space<vmem>>
    %dma_wait3A_134 = arith.constant 0 : i32
    %dma_wait3A_135 = arith.constant 0 : i32
    %dma_wait3A_136 = tpu.memref_slice %arg2[%dma_wait3A_134, %dma_wait3A_135] : memref<5120x768xf32, #tpu.memory_space<hbm>> -> memref<5120x768xf32, #tpu.memory_space<hbm>>
    tpu.wait_indirect_dma semaphore(%arg10 : memref<!tpu.dma_semaphore, #tpu.memory_space<semaphore_mem>>) src(%dma_wait3A_136 : memref<5120x768xf32, #tpu.memory_space<hbm>>) dst(%dma_wait3A_131 : memref<16x768xf32, #tpu.memory_space<vmem>>)
    %scan3A_137 = arith.constant 0 : i32
    %scan3A_138 = arith.constant 0 : i32
    %scan3A_139 = arith.constant 32 : i32
    %scan3A_140 = arith.addi %scan3A_138, %scan3A_139 : i32
    %scan3A_141 = arith.constant 1 : i32
    %scan3A_142 = scf.for %scan3A_146 = %scan3A_138 to %scan3A_140 step %scan3A_141 iter_args(%scan3A_147 = %scan3A_137) -> (i32)  : i32 {
      %get3A = arith.index_cast %scan3A_146 : i32 to index
      %get3A_148 = arith.constant 0 : index
      %get3A_149 = tpu.vector_load %arg8[%get3A, %get3A_148] {strides = array<i32>} : memref<32x768xf32, #tpu.memory_space<vmem>>, vector<1x16xf32>,
      %get3A_150 = vector.shape_cast %get3A_149 : vector<1x16xf32> to vector<16xf32>
      %get3A_151 = arith.index_cast %scan3A_146 : i32 to index
      %get3A_152 = arith.constant 0 : index
      %get3A_153 = tpu.vector_load %arg9[%get3A_151, %get3A_152] {strides = array<i32>} : memref<32x768xf32, #tpu.memory_space<vmem>>, vector<1x16xf32>,
      %get3A_154 = vector.shape_cast %get3A_153 : vector<1x16xf32> to vector<16xf32>
      %add3A_155 = arith.addf %get3A_150, %get3A_154 : vector<16xf32>
      %swap3A = arith.index_cast %scan3A_146 : i32 to index
      %swap3A_156 = arith.constant 0 : index
      %swap3A_157 = tpu.vector_load %arg8[%swap3A, %swap3A_156] {strides = array<i32>} : memref<32x768xf32, #tpu.memory_space<vmem>>, vector<1x16xf32>,
      %swap3A_158 = vector.shape_cast %swap3A_157 : vector<1x16xf32> to vector<16xf32>
      %swap3A_159 = vector.shape_cast %add3A_155 : vector<16xf32> to vector<1x16xf32>
      tpu.vector_store %arg8[%swap3A, %swap3A_156], %swap3A_159 {strides = array<i32>} : memref<32x768xf32, #tpu.memory_space<vmem>>, vector<1x16xf32>,
      %get3A_160 = arith.index_cast %scan3A_146 : i32 to index
      %get3A_161 = arith.constant 16 : index
      %get3A_162 = tpu.vector_load %arg8[%get3A_160, %get3A_161] {strides = array<i32>} : memref<32x768xf32, #tpu.memory_space<vmem>>, vector<1x16xf32>,
      %get3A_163 = vector.shape_cast %get3A_162 : vector<1x16xf32> to vector<16xf32>
      %get3A_164 = arith.index_cast %scan3A_146 : i32 to index
      %get3A_165 = arith.constant 16 : index
      %get3A_166 = tpu.vector_load %arg9[%get3A_164, %get3A_165] {strides = array<i32>} : memref<32x768xf32, #tpu.memory_space<vmem>>, vector<1x16xf32>,
      %get3A_167 = vector.shape_cast %get3A_166 : vector<1x16xf32> to vector<16xf32>
      %add3A_168 = arith.addf %get3A_163, %get3A_167 : vector<16xf32>
      %swap3A_169 = arith.index_cast %scan3A_146 : i32 to index
      %swap3A_170 = arith.constant 16 : index
      %swap3A_171 = tpu.vector_load %arg8[%swap3A_169, %swap3A_170] {strides = array<i32>} : memref<32x768xf32, #tpu.memory_space<vmem>>, vector<1x16xf32>,
      %swap3A_172 = vector.shape_cast %swap3A_171 : vector<1x16xf32> to vector<16xf32>
      %swap3A_173 = vector.shape_cast %add3A_168 : vector<16xf32> to vector<1x16xf32>
      tpu.vector_store %arg8[%swap3A_169, %swap3A_170], %swap3A_173 {strides = array<i32>} : memref<32x768xf32, #tpu.memory_space<vmem>>, vector<1x16xf32>,
      %get3A_174 = arith.index_cast %scan3A_146 : i32 to index
      %get3A_175 = arith.constant 32 : index
      %get3A_176 = tpu.vector_load %arg8[%get3A_174, %get3A_175] {strides = array<i32>} : memref<32x768xf32, #tpu.memory_space<vmem>>, vector<1x16xf32>,
      %get3A_177 = vector.shape_cast %get3A_176 : vector<1x16xf32> to vector<16xf32>
      %get3A_178 = arith.index_cast %scan3A_146 : i32 to index
      %get3A_179 = arith.constant 32 : index
      %get3A_180 = tpu.vector_load %arg9[%get3A_178, %get3A_179] {strides = array<i32>} : memref<32x768xf32, #tpu.memory_space<vmem>>, vector<1x16xf32>,
      %get3A_181 = vector.shape_cast %get3A_180 : vector<1x16xf32> to vector<16xf32>
      %add3A_182 = arith.addf %get3A_177, %get3A_181 : vector<16xf32>
      %swap3A_183 = arith.index_cast %scan3A_146 : i32 to index
      %swap3A_184 = arith.constant 32 : index
      %swap3A_185 = tpu.vector_load %arg8[%swap3A_183, %swap3A_184] {strides = array<i32>} : memref<32x768xf32, #tpu.memory_space<vmem>>, vector<1x16xf32>,
      %swap3A_186 = vector.shape_cast %swap3A_185 : vector<1x16xf32> to vector<16xf32>
      %swap3A_187 = vector.shape_cast %add3A_182 : vector<16xf32> to vector<1x16xf32>
      tpu.vector_store %arg8[%swap3A_183, %swap3A_184], %swap3A_187 {strides = array<i32>} : memref<32x768xf32, #tpu.memory_space<vmem>>, vector<1x16xf32>,
      %get3A_188 = arith.index_cast %scan3A_146 : i32 to index
      %get3A_189 = arith.constant 48 : index
      %get3A_190 = tpu.vector_load %arg8[%get3A_188, %get3A_189] {strides = array<i32>} : memref<32x768xf32, #tpu.memory_space<vmem>>, vector<1x16xf32>,
      %get3A_191 = vector.shape_cast %get3A_190 : vector<1x16xf32> to vector<16xf32>
      %get3A_192 = arith.index_cast %scan3A_146 : i32 to index
      %get3A_193 = arith.constant 48 : index
      %get3A_194 = tpu.vector_load %arg9[%get3A_192, %get3A_193] {strides = array<i32>} : memref<32x768xf32, #tpu.memory_space<vmem>>, vector<1x16xf32>,
      %get3A_195 = vector.shape_cast %get3A_194 : vector<1x16xf32> to vector<16xf32>
      %add3A_196 = arith.addf %get3A_191, %get3A_195 : vector<16xf32>
      %swap3A_197 = arith.index_cast %scan3A_146 : i32 to index
      %swap3A_198 = arith.constant 48 : index
      %swap3A_199 = tpu.vector_load %arg8[%swap3A_197, %swap3A_198] {strides = array<i32>} : memref<32x768xf32, #tpu.memory_space<vmem>>, vector<1x16xf32>,
      %swap3A_200 = vector.shape_cast %swap3A_199 : vector<1x16xf32> to vector<16xf32>
      %swap3A_201 = vector.shape_cast %add3A_196 : vector<16xf32> to vector<1x16xf32>
      tpu.vector_store %arg8[%swap3A_197, %swap3A_198], %swap3A_201 {strides = array<i32>} : memref<32x768xf32, #tpu.memory_space<vmem>>, vector<1x16xf32>,
      %get3A_202 = arith.index_cast %scan3A_146 : i32 to index
      %get3A_203 = arith.constant 64 : index
      %get3A_204 = tpu.vector_load %arg8[%get3A_202, %get3A_203] {strides = array<i32>} : memref<32x768xf32, #tpu.memory_space<vmem>>, vector<1x16xf32>,
      %get3A_205 = vector.shape_cast %get3A_204 : vector<1x16xf32> to vector<16xf32>
      %get3A_206 = arith.index_cast %scan3A_146 : i32 to index
      %get3A_207 = arith.constant 64 : index
      %get3A_208 = tpu.vector_load %arg9[%get3A_206, %get3A_207] {strides = array<i32>} : memref<32x768xf32, #tpu.memory_space<vmem>>, vector<1x16xf32>,
      %get3A_209 = vector.shape_cast %get3A_208 : vector<1x16xf32> to vector<16xf32>
      %add3A_210 = arith.addf %get3A_205, %get3A_209 : vector<16xf32>
      %swap3A_211 = arith.index_cast %scan3A_146 : i32 to index
      %swap3A_212 = arith.constant 64 : index
      %swap3A_213 = tpu.vector_load %arg8[%swap3A_211, %swap3A_212] {strides = array<i32>} : memref<32x768xf32, #tpu.memory_space<vmem>>, vector<1x16xf32>,
      %swap3A_214 = vector.shape_cast %swap3A_213 : vector<1x16xf32> to vector<16xf32>
      %swap3A_215 = vector.shape_cast %add3A_210 : vector<16xf32> to vector<1x16xf32>
      tpu.vector_store %arg8[%swap3A_211, %swap3A_212], %swap3A_215 {strides = array<i32>} : memref<32x768xf32, #tpu.memory_space<vmem>>, vector<1x16xf32>,
      %get3A_216 = arith.index_cast %scan3A_146 : i32 to index
      %get3A_217 = arith.constant 80 : index
      %get3A_218 = tpu.vector_load %arg8[%get3A_216, %get3A_217] {strides = array<i32>} : memref<32x768xf32, #tpu.memory_space<vmem>>, vector<1x16xf32>,
      %get3A_219 = vector.shape_cast %get3A_218 : vector<1x16xf32> to vector<16xf32>
      %get3A_220 = arith.index_cast %scan3A_146 : i32 to index
      %get3A_221 = arith.constant 80 : index
      %get3A_222 = tpu.vector_load %arg9[%get3A_220, %get3A_221] {strides = array<i32>} : memref<32x768xf32, #tpu.memory_space<vmem>>, vector<1x16xf32>,
      %get3A_223 = vector.shape_cast %get3A_222 : vector<1x16xf32> to vector<16xf32>
      %add3A_224 = arith.addf %get3A_219, %get3A_223 : vector<16xf32>
      %swap3A_225 = arith.index_cast %scan3A_146 : i32 to index
      %swap3A_226 = arith.constant 80 : index
      %swap3A_227 = tpu.vector_load %arg8[%swap3A_225, %swap3A_226] {strides = array<i32>} : memref<32x768xf32, #tpu.memory_space<vmem>>, vector<1x16xf32>,
      %swap3A_228 = vector.shape_cast %swap3A_227 : vector<1x16xf32> to vector<16xf32>
      %swap3A_229 = vector.shape_cast %add3A_224 : vector<16xf32> to vector<1x16xf32>
      tpu.vector_store %arg8[%swap3A_225, %swap3A_226], %swap3A_229 {strides = array<i32>} : memref<32x768xf32, #tpu.memory_space<vmem>>, vector<1x16xf32>,
      %get3A_230 = arith.index_cast %scan3A_146 : i32 to index
      %get3A_231 = arith.constant 96 : index
      %get3A_232 = tpu.vector_load %arg8[%get3A_230, %get3A_231] {strides = array<i32>} : memref<32x768xf32, #tpu.memory_space<vmem>>, vector<1x16xf32>,
      %get3A_233 = vector.shape_cast %get3A_232 : vector<1x16xf32> to vector<16xf32>
      %get3A_234 = arith.index_cast %scan3A_146 : i32 to index
      %get3A_235 = arith.constant 96 : index
      %get3A_236 = tpu.vector_load %arg9[%get3A_234, %get3A_235] {strides = array<i32>} : memref<32x768xf32, #tpu.memory_space<vmem>>, vector<1x16xf32>,
      %get3A_237 = vector.shape_cast %get3A_236 : vector<1x16xf32> to vector<16xf32>
      %add3A_238 = arith.addf %get3A_233, %get3A_237 : vector<16xf32>
      %swap3A_239 = arith.index_cast %scan3A_146 : i32 to index
      %swap3A_240 = arith.constant 96 : index
      %swap3A_241 = tpu.vector_load %arg8[%swap3A_239, %swap3A_240] {strides = array<i32>} : memref<32x768xf32, #tpu.memory_space<vmem>>, vector<1x16xf32>,
      %swap3A_242 = vector.shape_cast %swap3A_241 : vector<1x16xf32> to vector<16xf32>
      %swap3A_243 = vector.shape_cast %add3A_238 : vector<16xf32> to vector<1x16xf32>
      tpu.vector_store %arg8[%swap3A_239, %swap3A_240], %swap3A_243 {strides = array<i32>} : memref<32x768xf32, #tpu.memory_space<vmem>>, vector<1x16xf32>,
      %get3A_244 = arith.index_cast %scan3A_146 : i32 to index
      %get3A_245 = arith.constant 112 : index
      %get3A_246 = tpu.vector_load %arg8[%get3A_244, %get3A_245] {strides = array<i32>} : memref<32x768xf32, #tpu.memory_space<vmem>>, vector<1x16xf32>,
      %get3A_247 = vector.shape_cast %get3A_246 : vector<1x16xf32> to vector<16xf32>
      %get3A_248 = arith.index_cast %scan3A_146 : i32 to index
      %get3A_249 = arith.constant 112 : index
      %get3A_250 = tpu.vector_load %arg9[%get3A_248, %get3A_249] {strides = array<i32>} : memref<32x768xf32, #tpu.memory_space<vmem>>, vector<1x16xf32>,
      %get3A_251 = vector.shape_cast %get3A_250 : vector<1x16xf32> to vector<16xf32>
      %add3A_252 = arith.addf %get3A_247, %get3A_251 : vector<16xf32>
      %swap3A_253 = arith.index_cast %scan3A_146 : i32 to index
      %swap3A_254 = arith.constant 112 : index
      %swap3A_255 = tpu.vector_load %arg8[%swap3A_253, %swap3A_254] {strides = array<i32>} : memref<32x768xf32, #tpu.memory_space<vmem>>, vector<1x16xf32>,
      %swap3A_256 = vector.shape_cast %swap3A_255 : vector<1x16xf32> to vector<16xf32>
      %swap3A_257 = vector.shape_cast %add3A_252 : vector<16xf32> to vector<1x16xf32>
      tpu.vector_store %arg8[%swap3A_253, %swap3A_254], %swap3A_257 {strides = array<i32>} : memref<32x768xf32, #tpu.memory_space<vmem>>, vector<1x16xf32>,
      %get3A_258 = arith.index_cast %scan3A_146 : i32 to index
      %get3A_259 = arith.constant 128 : index
      %get3A_260 = tpu.vector_load %arg8[%get3A_258, %get3A_259] {strides = array<i32>} : memref<32x768xf32, #tpu.memory_space<vmem>>, vector<1x16xf32>,
      %get3A_261 = vector.shape_cast %get3A_260 : vector<1x16xf32> to vector<16xf32>
      %get3A_262 = arith.index_cast %scan3A_146 : i32 to index
      %get3A_263 = arith.constant 128 : index
      %get3A_264 = tpu.vector_load %arg9[%get3A_262, %get3A_263] {strides = array<i32>} : memref<32x768xf32, #tpu.memory_space<vmem>>, vector<1x16xf32>,
      %get3A_265 = vector.shape_cast %get3A_264 : vector<1x16xf32> to vector<16xf32>
      %add3A_266 = arith.addf %get3A_261, %get3A_265 : vector<16xf32>
      %swap3A_267 = arith.index_cast %scan3A_146 : i32 to index
      %swap3A_268 = arith.constant 128 : index
      %swap3A_269 = tpu.vector_load %arg8[%swap3A_267, %swap3A_268] {strides = array<i32>} : memref<32x768xf32, #tpu.memory_space<vmem>>, vector<1x16xf32>,
      %swap3A_270 = vector.shape_cast %swap3A_269 : vector<1x16xf32> to vector<16xf32>
      %swap3A_271 = vector.shape_cast %add3A_266 : vector<16xf32> to vector<1x16xf32>
      tpu.vector_store %arg8[%swap3A_267, %swap3A_268], %swap3A_271 {strides = array<i32>} : memref<32x768xf32, #tpu.memory_space<vmem>>, vector<1x16xf32>,
      %get3A_272 = arith.index_cast %scan3A_146 : i32 to index
      %get3A_273 = arith.constant 144 : index
      %get3A_274 = tpu.vector_load %arg8[%get3A_272, %get3A_273] {strides = array<i32>} : memref<32x768xf32, #tpu.memory_space<vmem>>, vector<1x16xf32>,
      %get3A_275 = vector.shape_cast %get3A_274 : vector<1x16xf32> to vector<16xf32>
      %get3A_276 = arith.index_cast %scan3A_146 : i32 to index
      %get3A_277 = arith.constant 144 : index
      %get3A_278 = tpu.vector_load %arg9[%get3A_276, %get3A_277] {strides = array<i32>} : memref<32x768xf32, #tpu.memory_space<vmem>>, vector<1x16xf32>,
      %get3A_279 = vector.shape_cast %get3A_278 : vector<1x16xf32> to vector<16xf32>
      %add3A_280 = arith.addf %get3A_275, %get3A_279 : vector<16xf32>
      %swap3A_281 = arith.index_cast %scan3A_146 : i32 to index
      %swap3A_282 = arith.constant 144 : index
      %swap3A_283 = tpu.vector_load %arg8[%swap3A_281, %swap3A_282] {strides = array<i32>} : memref<32x768xf32, #tpu.memory_space<vmem>>, vector<1x16xf32>,
      %swap3A_284 = vector.shape_cast %swap3A_283 : vector<1x16xf32> to vector<16xf32>
      %swap3A_285 = vector.shape_cast %add3A_280 : vector<16xf32> to vector<1x16xf32>
      tpu.vector_store %arg8[%swap3A_281, %swap3A_282], %swap3A_285 {strides = array<i32>} : memref<32x768xf32, #tpu.memory_space<vmem>>, vector<1x16xf32>,
      %get3A_286 = arith.index_cast %scan3A_146 : i32 to index
      %get3A_287 = arith.constant 160 : index
      %get3A_288 = tpu.vector_load %arg8[%get3A_286, %get3A_287] {strides = array<i32>} : memref<32x768xf32, #tpu.memory_space<vmem>>, vector<1x16xf32>,
      %get3A_289 = vector.shape_cast %get3A_288 : vector<1x16xf32> to vector<16xf32>
      %get3A_290 = arith.index_cast %scan3A_146 : i32 to index
      %get3A_291 = arith.constant 160 : index
      %get3A_292 = tpu.vector_load %arg9[%get3A_290, %get3A_291] {strides = array<i32>} : memref<32x768xf32, #tpu.memory_space<vmem>>, vector<1x16xf32>,
      %get3A_293 = vector.shape_cast %get3A_292 : vector<1x16xf32> to vector<16xf32>
      %add3A_294 = arith.addf %get3A_289, %get3A_293 : vector<16xf32>
      %swap3A_295 = arith.index_cast %scan3A_146 : i32 to index
      %swap3A_296 = arith.constant 160 : index
      %swap3A_297 = tpu.vector_load %arg8[%swap3A_295, %swap3A_296] {strides = array<i32>} : memref<32x768xf32, #tpu.memory_space<vmem>>, vector<1x16xf32>,
      %swap3A_298 = vector.shape_cast %swap3A_297 : vector<1x16xf32> to vector<16xf32>
      %swap3A_299 = vector.shape_cast %add3A_294 : vector<16xf32> to vector<1x16xf32>
      tpu.vector_store %arg8[%swap3A_295, %swap3A_296], %swap3A_299 {strides = array<i32>} : memref<32x768xf32, #tpu.memory_space<vmem>>, vector<1x16xf32>,
      %get3A_300 = arith.index_cast %scan3A_146 : i32 to index
      %get3A_301 = arith.constant 176 : index
      %get3A_302 = tpu.vector_load %arg8[%get3A_300, %get3A_301] {strides = array<i32>} : memref<32x768xf32, #tpu.memory_space<vmem>>, vector<1x16xf32>,
      %get3A_303 = vector.shape_cast %get3A_302 : vector<1x16xf32> to vector<16xf32>
      %get3A_304 = arith.index_cast %scan3A_146 : i32 to index
      %get3A_305 = arith.constant 176 : index
      %get3A_306 = tpu.vector_load %arg9[%get3A_304, %get3A_305] {strides = array<i32>} : memref<32x768xf32, #tpu.memory_space<vmem>>, vector<1x16xf32>,
      %get3A_307 = vector.shape_cast %get3A_306 : vector<1x16xf32> to vector<16xf32>
      %add3A_308 = arith.addf %get3A_303, %get3A_307 : vector<16xf32>
      %swap3A_309 = arith.index_cast %scan3A_146 : i32 to index
      %swap3A_310 = arith.constant 176 : index
      %swap3A_311 = tpu.vector_load %arg8[%swap3A_309, %swap3A_310] {strides = array<i32>} : memref<32x768xf32, #tpu.memory_space<vmem>>, vector<1x16xf32>,
      %swap3A_312 = vector.shape_cast %swap3A_311 : vector<1x16xf32> to vector<16xf32>
      %swap3A_313 = vector.shape_cast %add3A_308 : vector<16xf32> to vector<1x16xf32>
      tpu.vector_store %arg8[%swap3A_309, %swap3A_310], %swap3A_313 {strides = array<i32>} : memref<32x768xf32, #tpu.memory_space<vmem>>, vector<1x16xf32>,
      %get3A_314 = arith.index_cast %scan3A_146 : i32 to index
      %get3A_315 = arith.constant 192 : index
      %get3A_316 = tpu.vector_load %arg8[%get3A_314, %get3A_315] {strides = array<i32>} : memref<32x768xf32, #tpu.memory_space<vmem>>, vector<1x16xf32>,
      %get3A_317 = vector.shape_cast %get3A_316 : vector<1x16xf32> to vector<16xf32>
      %get3A_318 = arith.index_cast %scan3A_146 : i32 to index
      %get3A_319 = arith.constant 192 : index
      %get3A_320 = tpu.vector_load %arg9[%get3A_318, %get3A_319] {strides = array<i32>} : memref<32x768xf32, #tpu.memory_space<vmem>>, vector<1x16xf32>,
      %get3A_321 = vector.shape_cast %get3A_320 : vector<1x16xf32> to vector<16xf32>
      %add3A_322 = arith.addf %get3A_317, %get3A_321 : vector<16xf32>
      %swap3A_323 = arith.index_cast %scan3A_146 : i32 to index
      %swap3A_324 = arith.constant 192 : index
      %swap3A_325 = tpu.vector_load %arg8[%swap3A_323, %swap3A_324] {strides = array<i32>} : memref<32x768xf32, #tpu.memory_space<vmem>>, vector<1x16xf32>,
      %swap3A_326 = vector.shape_cast %swap3A_325 : vector<1x16xf32> to vector<16xf32>
      %swap3A_327 = vector.shape_cast %add3A_322 : vector<16xf32> to vector<1x16xf32>
      tpu.vector_store %arg8[%swap3A_323, %swap3A_324], %swap3A_327 {strides = array<i32>} : memref<32x768xf32, #tpu.memory_space<vmem>>, vector<1x16xf32>,
      %get3A_328 = arith.index_cast %scan3A_146 : i32 to index
      %get3A_329 = arith.constant 208 : index
      %get3A_330 = tpu.vector_load %arg8[%get3A_328, %get3A_329] {strides = array<i32>} : memref<32x768xf32, #tpu.memory_space<vmem>>, vector<1x16xf32>,
      %get3A_331 = vector.shape_cast %get3A_330 : vector<1x16xf32> to vector<16xf32>
      %get3A_332 = arith.index_cast %scan3A_146 : i32 to index
      %get3A_333 = arith.constant 208 : index
      %get3A_334 = tpu.vector_load %arg9[%get3A_332, %get3A_333] {strides = array<i32>} : memref<32x768xf32, #tpu.memory_space<vmem>>, vector<1x16xf32>,
      %get3A_335 = vector.shape_cast %get3A_334 : vector<1x16xf32> to vector<16xf32>
      %add3A_336 = arith.addf %get3A_331, %get3A_335 : vector<16xf32>
      %swap3A_337 = arith.index_cast %scan3A_146 : i32 to index
      %swap3A_338 = arith.constant 208 : index
      %swap3A_339 = tpu.vector_load %arg8[%swap3A_337, %swap3A_338] {strides = array<i32>} : memref<32x768xf32, #tpu.memory_space<vmem>>, vector<1x16xf32>,
      %swap3A_340 = vector.shape_cast %swap3A_339 : vector<1x16xf32> to vector<16xf32>
      %swap3A_341 = vector.shape_cast %add3A_336 : vector<16xf32> to vector<1x16xf32>
      tpu.vector_store %arg8[%swap3A_337, %swap3A_338], %swap3A_341 {strides = array<i32>} : memref<32x768xf32, #tpu.memory_space<vmem>>, vector<1x16xf32>,
      %get3A_342 = arith.index_cast %scan3A_146 : i32 to index
      %get3A_343 = arith.constant 224 : index
      %get3A_344 = tpu.vector_load %arg8[%get3A_342, %get3A_343] {strides = array<i32>} : memref<32x768xf32, #tpu.memory_space<vmem>>, vector<1x16xf32>,
      %get3A_345 = vector.shape_cast %get3A_344 : vector<1x16xf32> to vector<16xf32>
      %get3A_346 = arith.index_cast %scan3A_146 : i32 to index
      %get3A_347 = arith.constant 224 : index
      %get3A_348 = tpu.vector_load %arg9[%get3A_346, %get3A_347] {strides = array<i32>} : memref<32x768xf32, #tpu.memory_space<vmem>>, vector<1x16xf32>,
      %get3A_349 = vector.shape_cast %get3A_348 : vector<1x16xf32> to vector<16xf32>
      %add3A_350 = arith.addf %get3A_345, %get3A_349 : vector<16xf32>
      %swap3A_351 = arith.index_cast %scan3A_146 : i32 to index
      %swap3A_352 = arith.constant 224 : index
      %swap3A_353 = tpu.vector_load %arg8[%swap3A_351, %swap3A_352] {strides = array<i32>} : memref<32x768xf32, #tpu.memory_space<vmem>>, vector<1x16xf32>,
      %swap3A_354 = vector.shape_cast %swap3A_353 : vector<1x16xf32> to vector<16xf32>
      %swap3A_355 = vector.shape_cast %add3A_350 : vector<16xf32> to vector<1x16xf32>
      tpu.vector_store %arg8[%swap3A_351, %swap3A_352], %swap3A_355 {strides = array<i32>} : memref<32x768xf32, #tpu.memory_space<vmem>>, vector<1x16xf32>,
      %get3A_356 = arith.index_cast %scan3A_146 : i32 to index
      %get3A_357 = arith.constant 240 : index
      %get3A_358 = tpu.vector_load %arg8[%get3A_356, %get3A_357] {strides = array<i32>} : memref<32x768xf32, #tpu.memory_space<vmem>>, vector<1x16xf32>,
      %get3A_359 = vector.shape_cast %get3A_358 : vector<1x16xf32> to vector<16xf32>
      %get3A_360 = arith.index_cast %scan3A_146 : i32 to index
      %get3A_361 = arith.constant 240 : index
      %get3A_362 = tpu.vector_load %arg9[%get3A_360, %get3A_361] {strides = array<i32>} : memref<32x768xf32, #tpu.memory_space<vmem>>, vector<1x16xf32>,
      %get3A_363 = vector.shape_cast %get3A_362 : vector<1x16xf32> to vector<16xf32>
      %add3A_364 = arith.addf %get3A_359, %get3A_363 : vector<16xf32>
      %swap3A_365 = arith.index_cast %scan3A_146 : i32 to index
      %swap3A_366 = arith.constant 240 : index
      %swap3A_367 = tpu.vector_load %arg8[%swap3A_365, %swap3A_366] {strides = array<i32>} : memref<32x768xf32, #tpu.memory_space<vmem>>, vector<1x16xf32>,
      %swap3A_368 = vector.shape_cast %swap3A_367 : vector<1x16xf32> to vector<16xf32>
      %swap3A_369 = vector.shape_cast %add3A_364 : vector<16xf32> to vector<1x16xf32>
      tpu.vector_store %arg8[%swap3A_365, %swap3A_366], %swap3A_369 {strides = array<i32>} : memref<32x768xf32, #tpu.memory_space<vmem>>, vector<1x16xf32>,
      %get3A_370 = arith.index_cast %scan3A_146 : i32 to index
      %get3A_371 = arith.constant 256 : index
      %get3A_372 = tpu.vector_load %arg8[%get3A_370, %get3A_371] {strides = array<i32>} : memref<32x768xf32, #tpu.memory_space<vmem>>, vector<1x16xf32>,
      %get3A_373 = vector.shape_cast %get3A_372 : vector<1x16xf32> to vector<16xf32>
      %get3A_374 = arith.index_cast %scan3A_146 : i32 to index
      %get3A_375 = arith.constant 256 : index
      %get3A_376 = tpu.vector_load %arg9[%get3A_374, %get3A_375] {strides = array<i32>} : memref<32x768xf32, #tpu.memory_space<vmem>>, vector<1x16xf32>,
      %get3A_377 = vector.shape_cast %get3A_376 : vector<1x16xf32> to vector<16xf32>
      %add3A_378 = arith.addf %get3A_373, %get3A_377 : vector<16xf32>
      %swap3A_379 = arith.index_cast %scan3A_146 : i32 to index
      %swap3A_380 = arith.constant 256 : index
      %swap3A_381 = tpu.vector_load %arg8[%swap3A_379, %swap3A_380] {strides = array<i32>} : memref<32x768xf32, #tpu.memory_space<vmem>>, vector<1x16xf32>,
      %swap3A_382 = vector.shape_cast %swap3A_381 : vector<1x16xf32> to vector<16xf32>
      %swap3A_383 = vector.shape_cast %add3A_378 : vector<16xf32> to vector<1x16xf32>
      tpu.vector_store %arg8[%swap3A_379, %swap3A_380], %swap3A_383 {strides = array<i32>} : memref<32x768xf32, #tpu.memory_space<vmem>>, vector<1x16xf32>,
      %get3A_384 = arith.index_cast %scan3A_146 : i32 to index
      %get3A_385 = arith.constant 272 : index
      %get3A_386 = tpu.vector_load %arg8[%get3A_384, %get3A_385] {strides = array<i32>} : memref<32x768xf32, #tpu.memory_space<vmem>>, vector<1x16xf32>,
      %get3A_387 = vector.shape_cast %get3A_386 : vector<1x16xf32> to vector<16xf32>
      %get3A_388 = arith.index_cast %scan3A_146 : i32 to index
      %get3A_389 = arith.constant 272 : index
      %get3A_390 = tpu.vector_load %arg9[%get3A_388, %get3A_389] {strides = array<i32>} : memref<32x768xf32, #tpu.memory_space<vmem>>, vector<1x16xf32>,
      %get3A_391 = vector.shape_cast %get3A_390 : vector<1x16xf32> to vector<16xf32>
      %add3A_392 = arith.addf %get3A_387, %get3A_391 : vector<16xf32>
      %swap3A_393 = arith.index_cast %scan3A_146 : i32 to index
      %swap3A_394 = arith.constant 272 : index
      %swap3A_395 = tpu.vector_load %arg8[%swap3A_393, %swap3A_394] {strides = array<i32>} : memref<32x768xf32, #tpu.memory_space<vmem>>, vector<1x16xf32>,
      %swap3A_396 = vector.shape_cast %swap3A_395 : vector<1x16xf32> to vector<16xf32>
      %swap3A_397 = vector.shape_cast %add3A_392 : vector<16xf32> to vector<1x16xf32>
      tpu.vector_store %arg8[%swap3A_393, %swap3A_394], %swap3A_397 {strides = array<i32>} : memref<32x768xf32, #tpu.memory_space<vmem>>, vector<1x16xf32>,
      %get3A_398 = arith.index_cast %scan3A_146 : i32 to index
      %get3A_399 = arith.constant 288 : index
      %get3A_400 = tpu.vector_load %arg8[%get3A_398, %get3A_399] {strides = array<i32>} : memref<32x768xf32, #tpu.memory_space<vmem>>, vector<1x16xf32>,
      %get3A_401 = vector.shape_cast %get3A_400 : vector<1x16xf32> to vector<16xf32>
      %get3A_402 = arith.index_cast %scan3A_146 : i32 to index
      %get3A_403 = arith.constant 288 : index
      %get3A_404 = tpu.vector_load %arg9[%get3A_402, %get3A_403] {strides = array<i32>} : memref<32x768xf32, #tpu.memory_space<vmem>>, vector<1x16xf32>,
      %get3A_405 = vector.shape_cast %get3A_404 : vector<1x16xf32> to vector<16xf32>
      %add3A_406 = arith.addf %get3A_401, %get3A_405 : vector<16xf32>
      %swap3A_407 = arith.index_cast %scan3A_146 : i32 to index
      %swap3A_408 = arith.constant 288 : index
      %swap3A_409 = tpu.vector_load %arg8[%swap3A_407, %swap3A_408] {strides = array<i32>} : memref<32x768xf32, #tpu.memory_space<vmem>>, vector<1x16xf32>,
      %swap3A_410 = vector.shape_cast %swap3A_409 : vector<1x16xf32> to vector<16xf32>
      %swap3A_411 = vector.shape_cast %add3A_406 : vector<16xf32> to vector<1x16xf32>
      tpu.vector_store %arg8[%swap3A_407, %swap3A_408], %swap3A_411 {strides = array<i32>} : memref<32x768xf32, #tpu.memory_space<vmem>>, vector<1x16xf32>,
      %get3A_412 = arith.index_cast %scan3A_146 : i32 to index
      %get3A_413 = arith.constant 304 : index
      %get3A_414 = tpu.vector_load %arg8[%get3A_412, %get3A_413] {strides = array<i32>} : memref<32x768xf32, #tpu.memory_space<vmem>>, vector<1x16xf32>,
      %get3A_415 = vector.shape_cast %get3A_414 : vector<1x16xf32> to vector<16xf32>
      %get3A_416 = arith.index_cast %scan3A_146 : i32 to index
      %get3A_417 = arith.constant 304 : index
      %get3A_418 = tpu.vector_load %arg9[%get3A_416, %get3A_417] {strides = array<i32>} : memref<32x768xf32, #tpu.memory_space<vmem>>, vector<1x16xf32>,
      %get3A_419 = vector.shape_cast %get3A_418 : vector<1x16xf32> to vector<16xf32>
      %add3A_420 = arith.addf %get3A_415, %get3A_419 : vector<16xf32>
      %swap3A_421 = arith.index_cast %scan3A_146 : i32 to index
      %swap3A_422 = arith.constant 304 : index
      %swap3A_423 = tpu.vector_load %arg8[%swap3A_421, %swap3A_422] {strides = array<i32>} : memref<32x768xf32, #tpu.memory_space<vmem>>, vector<1x16xf32>,
      %swap3A_424 = vector.shape_cast %swap3A_423 : vector<1x16xf32> to vector<16xf32>
      %swap3A_425 = vector.shape_cast %add3A_420 : vector<16xf32> to vector<1x16xf32>
      tpu.vector_store %arg8[%swap3A_421, %swap3A_422], %swap3A_425 {strides = array<i32>} : memref<32x768xf32, #tpu.memory_space<vmem>>, vector<1x16xf32>,
      %get3A_426 = arith.index_cast %scan3A_146 : i32 to index
      %get3A_427 = arith.constant 320 : index
      %get3A_428 = tpu.vector_load %arg8[%get3A_426, %get3A_427] {strides = array<i32>} : memref<32x768xf32, #tpu.memory_space<vmem>>, vector<1x16xf32>,
      %get3A_429 = vector.shape_cast %get3A_428 : vector<1x16xf32> to vector<16xf32>
      %get3A_430 = arith.index_cast %scan3A_146 : i32 to index
      %get3A_431 = arith.constant 320 : index
      %get3A_432 = tpu.vector_load %arg9[%get3A_430, %get3A_431] {strides = array<i32>} : memref<32x768xf32, #tpu.memory_space<vmem>>, vector<1x16xf32>,
      %get3A_433 = vector.shape_cast %get3A_432 : vector<1x16xf32> to vector<16xf32>
      %add3A_434 = arith.addf %get3A_429, %get3A_433 : vector<16xf32>
      %swap3A_435 = arith.index_cast %scan3A_146 : i32 to index
      %swap3A_436 = arith.constant 320 : index
      %swap3A_437 = tpu.vector_load %arg8[%swap3A_435, %swap3A_436] {strides = array<i32>} : memref<32x768xf32, #tpu.memory_space<vmem>>, vector<1x16xf32>,
      %swap3A_438 = vector.shape_cast %swap3A_437 : vector<1x16xf32> to vector<16xf32>
      %swap3A_439 = vector.shape_cast %add3A_434 : vector<16xf32> to vector<1x16xf32>
      tpu.vector_store %arg8[%swap3A_435, %swap3A_436], %swap3A_439 {strides = array<i32>} : memref<32x768xf32, #tpu.memory_space<vmem>>, vector<1x16xf32>,
      %get3A_440 = arith.index_cast %scan3A_146 : i32 to index
      %get3A_441 = arith.constant 336 : index
      %get3A_442 = tpu.vector_load %arg8[%get3A_440, %get3A_441] {strides = array<i32>} : memref<32x768xf32, #tpu.memory_space<vmem>>, vector<1x16xf32>,
      %get3A_443 = vector.shape_cast %get3A_442 : vector<1x16xf32> to vector<16xf32>
      %get3A_444 = arith.index_cast %scan3A_146 : i32 to index
      %get3A_445 = arith.constant 336 : index
      %get3A_446 = tpu.vector_load %arg9[%get3A_444, %get3A_445] {strides = array<i32>} : memref<32x768xf32, #tpu.memory_space<vmem>>, vector<1x16xf32>,
      %get3A_447 = vector.shape_cast %get3A_446 : vector<1x16xf32> to vector<16xf32>
      %add3A_448 = arith.addf %get3A_443, %get3A_447 : vector<16xf32>
      %swap3A_449 = arith.index_cast %scan3A_146 : i32 to index
      %swap3A_450 = arith.constant 336 : index
      %swap3A_451 = tpu.vector_load %arg8[%swap3A_449, %swap3A_450] {strides = array<i32>} : memref<32x768xf32, #tpu.memory_space<vmem>>, vector<1x16xf32>,
      %swap3A_452 = vector.shape_cast %swap3A_451 : vector<1x16xf32> to vector<16xf32>
      %swap3A_453 = vector.shape_cast %add3A_448 : vector<16xf32> to vector<1x16xf32>
      tpu.vector_store %arg8[%swap3A_449, %swap3A_450], %swap3A_453 {strides = array<i32>} : memref<32x768xf32, #tpu.memory_space<vmem>>, vector<1x16xf32>,
      %get3A_454 = arith.index_cast %scan3A_146 : i32 to index
      %get3A_455 = arith.constant 352 : index
      %get3A_456 = tpu.vector_load %arg8[%get3A_454, %get3A_455] {strides = array<i32>} : memref<32x768xf32, #tpu.memory_space<vmem>>, vector<1x16xf32>,
      %get3A_457 = vector.shape_cast %get3A_456 : vector<1x16xf32> to vector<16xf32>
      %get3A_458 = arith.index_cast %scan3A_146 : i32 to index
      %get3A_459 = arith.constant 352 : index
      %get3A_460 = tpu.vector_load %arg9[%get3A_458, %get3A_459] {strides = array<i32>} : memref<32x768xf32, #tpu.memory_space<vmem>>, vector<1x16xf32>,
      %get3A_461 = vector.shape_cast %get3A_460 : vector<1x16xf32> to vector<16xf32>
      %add3A_462 = arith.addf %get3A_457, %get3A_461 : vector<16xf32>
      %swap3A_463 = arith.index_cast %scan3A_146 : i32 to index
      %swap3A_464 = arith.constant 352 : index
      %swap3A_465 = tpu.vector_load %arg8[%swap3A_463, %swap3A_464] {strides = array<i32>} : memref<32x768xf32, #tpu.memory_space<vmem>>, vector<1x16xf32>,
      %swap3A_466 = vector.shape_cast %swap3A_465 : vector<1x16xf32> to vector<16xf32>
      %swap3A_467 = vector.shape_cast %add3A_462 : vector<16xf32> to vector<1x16xf32>
      tpu.vector_store %arg8[%swap3A_463, %swap3A_464], %swap3A_467 {strides = array<i32>} : memref<32x768xf32, #tpu.memory_space<vmem>>, vector<1x16xf32>,
      %get3A_468 = arith.index_cast %scan3A_146 : i32 to index
      %get3A_469 = arith.constant 368 : index
      %get3A_470 = tpu.vector_load %arg8[%get3A_468, %get3A_469] {strides = array<i32>} : memref<32x768xf32, #tpu.memory_space<vmem>>, vector<1x16xf32>,
      %get3A_471 = vector.shape_cast %get3A_470 : vector<1x16xf32> to vector<16xf32>
      %get3A_472 = arith.index_cast %scan3A_146 : i32 to index
      %get3A_473 = arith.constant 368 : index
      %get3A_474 = tpu.vector_load %arg9[%get3A_472, %get3A_473] {strides = array<i32>} : memref<32x768xf32, #tpu.memory_space<vmem>>, vector<1x16xf32>,
      %get3A_475 = vector.shape_cast %get3A_474 : vector<1x16xf32> to vector<16xf32>
      %add3A_476 = arith.addf %get3A_471, %get3A_475 : vector<16xf32>
      %swap3A_477 = arith.index_cast %scan3A_146 : i32 to index
      %swap3A_478 = arith.constant 368 : index
      %swap3A_479 = tpu.vector_load %arg8[%swap3A_477, %swap3A_478] {strides = array<i32>} : memref<32x768xf32, #tpu.memory_space<vmem>>, vector<1x16xf32>,
      %swap3A_480 = vector.shape_cast %swap3A_479 : vector<1x16xf32> to vector<16xf32>
      %swap3A_481 = vector.shape_cast %add3A_476 : vector<16xf32> to vector<1x16xf32>
      tpu.vector_store %arg8[%swap3A_477, %swap3A_478], %swap3A_481 {strides = array<i32>} : memref<32x768xf32, #tpu.memory_space<vmem>>, vector<1x16xf32>,
      %get3A_482 = arith.index_cast %scan3A_146 : i32 to index
      %get3A_483 = arith.constant 384 : index
      %get3A_484 = tpu.vector_load %arg8[%get3A_482, %get3A_483] {strides = array<i32>} : memref<32x768xf32, #tpu.memory_space<vmem>>, vector<1x16xf32>,
      %get3A_485 = vector.shape_cast %get3A_484 : vector<1x16xf32> to vector<16xf32>
      %get3A_486 = arith.index_cast %scan3A_146 : i32 to index
      %get3A_487 = arith.constant 384 : index
      %get3A_488 = tpu.vector_load %arg9[%get3A_486, %get3A_487] {strides = array<i32>} : memref<32x768xf32, #tpu.memory_space<vmem>>, vector<1x16xf32>,
      %get3A_489 = vector.shape_cast %get3A_488 : vector<1x16xf32> to vector<16xf32>
      %add3A_490 = arith.addf %get3A_485, %get3A_489 : vector<16xf32>
      %swap3A_491 = arith.index_cast %scan3A_146 : i32 to index
      %swap3A_492 = arith.constant 384 : index
      %swap3A_493 = tpu.vector_load %arg8[%swap3A_491, %swap3A_492] {strides = array<i32>} : memref<32x768xf32, #tpu.memory_space<vmem>>, vector<1x16xf32>,
      %swap3A_494 = vector.shape_cast %swap3A_493 : vector<1x16xf32> to vector<16xf32>
      %swap3A_495 = vector.shape_cast %add3A_490 : vector<16xf32> to vector<1x16xf32>
      tpu.vector_store %arg8[%swap3A_491, %swap3A_492], %swap3A_495 {strides = array<i32>} : memref<32x768xf32, #tpu.memory_space<vmem>>, vector<1x16xf32>,
      %get3A_496 = arith.index_cast %scan3A_146 : i32 to index
      %get3A_497 = arith.constant 400 : index
      %get3A_498 = tpu.vector_load %arg8[%get3A_496, %get3A_497] {strides = array<i32>} : memref<32x768xf32, #tpu.memory_space<vmem>>, vector<1x16xf32>,
      %get3A_499 = vector.shape_cast %get3A_498 : vector<1x16xf32> to vector<16xf32>
      %get3A_500 = arith.index_cast %scan3A_146 : i32 to index
      %get3A_501 = arith.constant 400 : index
      %get3A_502 = tpu.vector_load %arg9[%get3A_500, %get3A_501] {strides = array<i32>} : memref<32x768xf32, #tpu.memory_space<vmem>>, vector<1x16xf32>,
      %get3A_503 = vector.shape_cast %get3A_502 : vector<1x16xf32> to vector<16xf32>
      %add3A_504 = arith.addf %get3A_499, %get3A_503 : vector<16xf32>
      %swap3A_505 = arith.index_cast %scan3A_146 : i32 to index
      %swap3A_506 = arith.constant 400 : index
      %swap3A_507 = tpu.vector_load %arg8[%swap3A_505, %swap3A_506] {strides = array<i32>} : memref<32x768xf32, #tpu.memory_space<vmem>>, vector<1x16xf32>,
      %swap3A_508 = vector.shape_cast %swap3A_507 : vector<1x16xf32> to vector<16xf32>
      %swap3A_509 = vector.shape_cast %add3A_504 : vector<16xf32> to vector<1x16xf32>
      tpu.vector_store %arg8[%swap3A_505, %swap3A_506], %swap3A_509 {strides = array<i32>} : memref<32x768xf32, #tpu.memory_space<vmem>>, vector<1x16xf32>,
      %get3A_510 = arith.index_cast %scan3A_146 : i32 to index
      %get3A_511 = arith.constant 416 : index
      %get3A_512 = tpu.vector_load %arg8[%get3A_510, %get3A_511] {strides = array<i32>} : memref<32x768xf32, #tpu.memory_space<vmem>>, vector<1x16xf32>,
      %get3A_513 = vector.shape_cast %get3A_512 : vector<1x16xf32> to vector<16xf32>
      %get3A_514 = arith.index_cast %scan3A_146 : i32 to index
      %get3A_515 = arith.constant 416 : index
      %get3A_516 = tpu.vector_load %arg9[%get3A_514, %get3A_515] {strides = array<i32>} : memref<32x768xf32, #tpu.memory_space<vmem>>, vector<1x16xf32>,
      %get3A_517 = vector.shape_cast %get3A_516 : vector<1x16xf32> to vector<16xf32>
      %add3A_518 = arith.addf %get3A_513, %get3A_517 : vector<16xf32>
      %swap3A_519 = arith.index_cast %scan3A_146 : i32 to index
      %swap3A_520 = arith.constant 416 : index
      %swap3A_521 = tpu.vector_load %arg8[%swap3A_519, %swap3A_520] {strides = array<i32>} : memref<32x768xf32, #tpu.memory_space<vmem>>, vector<1x16xf32>,
      %swap3A_522 = vector.shape_cast %swap3A_521 : vector<1x16xf32> to vector<16xf32>
      %swap3A_523 = vector.shape_cast %add3A_518 : vector<16xf32> to vector<1x16xf32>
      tpu.vector_store %arg8[%swap3A_519, %swap3A_520], %swap3A_523 {strides = array<i32>} : memref<32x768xf32, #tpu.memory_space<vmem>>, vector<1x16xf32>,
      %get3A_524 = arith.index_cast %scan3A_146 : i32 to index
      %get3A_525 = arith.constant 432 : index
      %get3A_526 = tpu.vector_load %arg8[%get3A_524, %get3A_525] {strides = array<i32>} : memref<32x768xf32, #tpu.memory_space<vmem>>, vector<1x16xf32>,
      %get3A_527 = vector.shape_cast %get3A_526 : vector<1x16xf32> to vector<16xf32>
      %get3A_528 = arith.index_cast %scan3A_146 : i32 to index
      %get3A_529 = arith.constant 432 : index
      %get3A_530 = tpu.vector_load %arg9[%get3A_528, %get3A_529] {strides = array<i32>} : memref<32x768xf32, #tpu.memory_space<vmem>>, vector<1x16xf32>,
      %get3A_531 = vector.shape_cast %get3A_530 : vector<1x16xf32> to vector<16xf32>
      %add3A_532 = arith.addf %get3A_527, %get3A_531 : vector<16xf32>
      %swap3A_533 = arith.index_cast %scan3A_146 : i32 to index
      %swap3A_534 = arith.constant 432 : index
      %swap3A_535 = tpu.vector_load %arg8[%swap3A_533, %swap3A_534] {strides = array<i32>} : memref<32x768xf32, #tpu.memory_space<vmem>>, vector<1x16xf32>,
      %swap3A_536 = vector.shape_cast %swap3A_535 : vector<1x16xf32> to vector<16xf32>
      %swap3A_537 = vector.shape_cast %add3A_532 : vector<16xf32> to vector<1x16xf32>
      tpu.vector_store %arg8[%swap3A_533, %swap3A_534], %swap3A_537 {strides = array<i32>} : memref<32x768xf32, #tpu.memory_space<vmem>>, vector<1x16xf32>,
      %get3A_538 = arith.index_cast %scan3A_146 : i32 to index
      %get3A_539 = arith.constant 448 : index
      %get3A_540 = tpu.vector_load %arg8[%get3A_538, %get3A_539] {strides = array<i32>} : memref<32x768xf32, #tpu.memory_space<vmem>>, vector<1x16xf32>,
      %get3A_541 = vector.shape_cast %get3A_540 : vector<1x16xf32> to vector<16xf32>
      %get3A_542 = arith.index_cast %scan3A_146 : i32 to index
      %get3A_543 = arith.constant 448 : index
      %get3A_544 = tpu.vector_load %arg9[%get3A_542, %get3A_543] {strides = array<i32>} : memref<32x768xf32, #tpu.memory_space<vmem>>, vector<1x16xf32>,
      %get3A_545 = vector.shape_cast %get3A_544 : vector<1x16xf32> to vector<16xf32>
      %add3A_546 = arith.addf %get3A_541, %get3A_545 : vector<16xf32>
      %swap3A_547 = arith.index_cast %scan3A_146 : i32 to index
      %swap3A_548 = arith.constant 448 : index
      %swap3A_549 = tpu.vector_load %arg8[%swap3A_547, %swap3A_548] {strides = array<i32>} : memref<32x768xf32, #tpu.memory_space<vmem>>, vector<1x16xf32>,
      %swap3A_550 = vector.shape_cast %swap3A_549 : vector<1x16xf32> to vector<16xf32>
      %swap3A_551 = vector.shape_cast %add3A_546 : vector<16xf32> to vector<1x16xf32>
      tpu.vector_store %arg8[%swap3A_547, %swap3A_548], %swap3A_551 {strides = array<i32>} : memref<32x768xf32, #tpu.memory_space<vmem>>, vector<1x16xf32>,
      %get3A_552 = arith.index_cast %scan3A_146 : i32 to index
      %get3A_553 = arith.constant 464 : index
      %get3A_554 = tpu.vector_load %arg8[%get3A_552, %get3A_553] {strides = array<i32>} : memref<32x768xf32, #tpu.memory_space<vmem>>, vector<1x16xf32>,
      %get3A_555 = vector.shape_cast %get3A_554 : vector<1x16xf32> to vector<16xf32>
      %get3A_556 = arith.index_cast %scan3A_146 : i32 to index
      %get3A_557 = arith.constant 464 : index
      %get3A_558 = tpu.vector_load %arg9[%get3A_556, %get3A_557] {strides = array<i32>} : memref<32x768xf32, #tpu.memory_space<vmem>>, vector<1x16xf32>,
      %get3A_559 = vector.shape_cast %get3A_558 : vector<1x16xf32> to vector<16xf32>
      %add3A_560 = arith.addf %get3A_555, %get3A_559 : vector<16xf32>
      %swap3A_561 = arith.index_cast %scan3A_146 : i32 to index
      %swap3A_562 = arith.constant 464 : index
      %swap3A_563 = tpu.vector_load %arg8[%swap3A_561, %swap3A_562] {strides = array<i32>} : memref<32x768xf32, #tpu.memory_space<vmem>>, vector<1x16xf32>,
      %swap3A_564 = vector.shape_cast %swap3A_563 : vector<1x16xf32> to vector<16xf32>
      %swap3A_565 = vector.shape_cast %add3A_560 : vector<16xf32> to vector<1x16xf32>
      tpu.vector_store %arg8[%swap3A_561, %swap3A_562], %swap3A_565 {strides = array<i32>} : memref<32x768xf32, #tpu.memory_space<vmem>>, vector<1x16xf32>,
      %get3A_566 = arith.index_cast %scan3A_146 : i32 to index
      %get3A_567 = arith.constant 480 : index
      %get3A_568 = tpu.vector_load %arg8[%get3A_566, %get3A_567] {strides = array<i32>} : memref<32x768xf32, #tpu.memory_space<vmem>>, vector<1x16xf32>,
      %get3A_569 = vector.shape_cast %get3A_568 : vector<1x16xf32> to vector<16xf32>
      %get3A_570 = arith.index_cast %scan3A_146 : i32 to index
      %get3A_571 = arith.constant 480 : index
      %get3A_572 = tpu.vector_load %arg9[%get3A_570, %get3A_571] {strides = array<i32>} : memref<32x768xf32, #tpu.memory_space<vmem>>, vector<1x16xf32>,
      %get3A_573 = vector.shape_cast %get3A_572 : vector<1x16xf32> to vector<16xf32>
      %add3A_574 = arith.addf %get3A_569, %get3A_573 : vector<16xf32>
      %swap3A_575 = arith.index_cast %scan3A_146 : i32 to index
      %swap3A_576 = arith.constant 480 : index
      %swap3A_577 = tpu.vector_load %arg8[%swap3A_575, %swap3A_576] {strides = array<i32>} : memref<32x768xf32, #tpu.memory_space<vmem>>, vector<1x16xf32>,
      %swap3A_578 = vector.shape_cast %swap3A_577 : vector<1x16xf32> to vector<16xf32>
      %swap3A_579 = vector.shape_cast %add3A_574 : vector<16xf32> to vector<1x16xf32>
      tpu.vector_store %arg8[%swap3A_575, %swap3A_576], %swap3A_579 {strides = array<i32>} : memref<32x768xf32, #tpu.memory_space<vmem>>, vector<1x16xf32>,
      %get3A_580 = arith.index_cast %scan3A_146 : i32 to index
      %get3A_581 = arith.constant 496 : index
      %get3A_582 = tpu.vector_load %arg8[%get3A_580, %get3A_581] {strides = array<i32>} : memref<32x768xf32, #tpu.memory_space<vmem>>, vector<1x16xf32>,
      %get3A_583 = vector.shape_cast %get3A_582 : vector<1x16xf32> to vector<16xf32>
      %get3A_584 = arith.index_cast %scan3A_146 : i32 to index
      %get3A_585 = arith.constant 496 : index
      %get3A_586 = tpu.vector_load %arg9[%get3A_584, %get3A_585] {strides = array<i32>} : memref<32x768xf32, #tpu.memory_space<vmem>>, vector<1x16xf32>,
      %get3A_587 = vector.shape_cast %get3A_586 : vector<1x16xf32> to vector<16xf32>
      %add3A_588 = arith.addf %get3A_583, %get3A_587 : vector<16xf32>
      %swap3A_589 = arith.index_cast %scan3A_146 : i32 to index
      %swap3A_590 = arith.constant 496 : index
      %swap3A_591 = tpu.vector_load %arg8[%swap3A_589, %swap3A_590] {strides = array<i32>} : memref<32x768xf32, #tpu.memory_space<vmem>>, vector<1x16xf32>,
      %swap3A_592 = vector.shape_cast %swap3A_591 : vector<1x16xf32> to vector<16xf32>
      %swap3A_593 = vector.shape_cast %add3A_588 : vector<16xf32> to vector<1x16xf32>
      tpu.vector_store %arg8[%swap3A_589, %swap3A_590], %swap3A_593 {strides = array<i32>} : memref<32x768xf32, #tpu.memory_space<vmem>>, vector<1x16xf32>,
      %get3A_594 = arith.index_cast %scan3A_146 : i32 to index
      %get3A_595 = arith.constant 512 : index
      %get3A_596 = tpu.vector_load %arg8[%get3A_594, %get3A_595] {strides = array<i32>} : memref<32x768xf32, #tpu.memory_space<vmem>>, vector<1x16xf32>,
      %get3A_597 = vector.shape_cast %get3A_596 : vector<1x16xf32> to vector<16xf32>
      %get3A_598 = arith.index_cast %scan3A_146 : i32 to index
      %get3A_599 = arith.constant 512 : index
      %get3A_600 = tpu.vector_load %arg9[%get3A_598, %get3A_599] {strides = array<i32>} : memref<32x768xf32, #tpu.memory_space<vmem>>, vector<1x16xf32>,
      %get3A_601 = vector.shape_cast %get3A_600 : vector<1x16xf32> to vector<16xf32>
      %add3A_602 = arith.addf %get3A_597, %get3A_601 : vector<16xf32>
      %swap3A_603 = arith.index_cast %scan3A_146 : i32 to index
      %swap3A_604 = arith.constant 512 : index
      %swap3A_605 = tpu.vector_load %arg8[%swap3A_603, %swap3A_604] {strides = array<i32>} : memref<32x768xf32, #tpu.memory_space<vmem>>, vector<1x16xf32>,
      %swap3A_606 = vector.shape_cast %swap3A_605 : vector<1x16xf32> to vector<16xf32>
      %swap3A_607 = vector.shape_cast %add3A_602 : vector<16xf32> to vector<1x16xf32>
      tpu.vector_store %arg8[%swap3A_603, %swap3A_604], %swap3A_607 {strides = array<i32>} : memref<32x768xf32, #tpu.memory_space<vmem>>, vector<1x16xf32>,
      %get3A_608 = arith.index_cast %scan3A_146 : i32 to index
      %get3A_609 = arith.constant 528 : index
      %get3A_610 = tpu.vector_load %arg8[%get3A_608, %get3A_609] {strides = array<i32>} : memref<32x768xf32, #tpu.memory_space<vmem>>, vector<1x16xf32>,
      %get3A_611 = vector.shape_cast %get3A_610 : vector<1x16xf32> to vector<16xf32>
      %get3A_612 = arith.index_cast %scan3A_146 : i32 to index
      %get3A_613 = arith.constant 528 : index
      %get3A_614 = tpu.vector_load %arg9[%get3A_612, %get3A_613] {strides = array<i32>} : memref<32x768xf32, #tpu.memory_space<vmem>>, vector<1x16xf32>,
      %get3A_615 = vector.shape_cast %get3A_614 : vector<1x16xf32> to vector<16xf32>
      %add3A_616 = arith.addf %get3A_611, %get3A_615 : vector<16xf32>
      %swap3A_617 = arith.index_cast %scan3A_146 : i32 to index
      %swap3A_618 = arith.constant 528 : index
      %swap3A_619 = tpu.vector_load %arg8[%swap3A_617, %swap3A_618] {strides = array<i32>} : memref<32x768xf32, #tpu.memory_space<vmem>>, vector<1x16xf32>,
      %swap3A_620 = vector.shape_cast %swap3A_619 : vector<1x16xf32> to vector<16xf32>
      %swap3A_621 = vector.shape_cast %add3A_616 : vector<16xf32> to vector<1x16xf32>
      tpu.vector_store %arg8[%swap3A_617, %swap3A_618], %swap3A_621 {strides = array<i32>} : memref<32x768xf32, #tpu.memory_space<vmem>>, vector<1x16xf32>,
      %get3A_622 = arith.index_cast %scan3A_146 : i32 to index
      %get3A_623 = arith.constant 544 : index
      %get3A_624 = tpu.vector_load %arg8[%get3A_622, %get3A_623] {strides = array<i32>} : memref<32x768xf32, #tpu.memory_space<vmem>>, vector<1x16xf32>,
      %get3A_625 = vector.shape_cast %get3A_624 : vector<1x16xf32> to vector<16xf32>
      %get3A_626 = arith.index_cast %scan3A_146 : i32 to index
      %get3A_627 = arith.constant 544 : index
      %get3A_628 = tpu.vector_load %arg9[%get3A_626, %get3A_627] {strides = array<i32>} : memref<32x768xf32, #tpu.memory_space<vmem>>, vector<1x16xf32>,
      %get3A_629 = vector.shape_cast %get3A_628 : vector<1x16xf32> to vector<16xf32>
      %add3A_630 = arith.addf %get3A_625, %get3A_629 : vector<16xf32>
      %swap3A_631 = arith.index_cast %scan3A_146 : i32 to index
      %swap3A_632 = arith.constant 544 : index
      %swap3A_633 = tpu.vector_load %arg8[%swap3A_631, %swap3A_632] {strides = array<i32>} : memref<32x768xf32, #tpu.memory_space<vmem>>, vector<1x16xf32>,
      %swap3A_634 = vector.shape_cast %swap3A_633 : vector<1x16xf32> to vector<16xf32>
      %swap3A_635 = vector.shape_cast %add3A_630 : vector<16xf32> to vector<1x16xf32>
      tpu.vector_store %arg8[%swap3A_631, %swap3A_632], %swap3A_635 {strides = array<i32>} : memref<32x768xf32, #tpu.memory_space<vmem>>, vector<1x16xf32>,
      %get3A_636 = arith.index_cast %scan3A_146 : i32 to index
      %get3A_637 = arith.constant 560 : index
      %get3A_638 = tpu.vector_load %arg8[%get3A_636, %get3A_637] {strides = array<i32>} : memref<32x768xf32, #tpu.memory_space<vmem>>, vector<1x16xf32>,
      %get3A_639 = vector.shape_cast %get3A_638 : vector<1x16xf32> to vector<16xf32>
      %get3A_640 = arith.index_cast %scan3A_146 : i32 to index
      %get3A_641 = arith.constant 560 : index
      %get3A_642 = tpu.vector_load %arg9[%get3A_640, %get3A_641] {strides = array<i32>} : memref<32x768xf32, #tpu.memory_space<vmem>>, vector<1x16xf32>,
      %get3A_643 = vector.shape_cast %get3A_642 : vector<1x16xf32> to vector<16xf32>
      %add3A_644 = arith.addf %get3A_639, %get3A_643 : vector<16xf32>
      %swap3A_645 = arith.index_cast %scan3A_146 : i32 to index
      %swap3A_646 = arith.constant 560 : index
      %swap3A_647 = tpu.vector_load %arg8[%swap3A_645, %swap3A_646] {strides = array<i32>} : memref<32x768xf32, #tpu.memory_space<vmem>>, vector<1x16xf32>,
      %swap3A_648 = vector.shape_cast %swap3A_647 : vector<1x16xf32> to vector<16xf32>
      %swap3A_649 = vector.shape_cast %add3A_644 : vector<16xf32> to vector<1x16xf32>
      tpu.vector_store %arg8[%swap3A_645, %swap3A_646], %swap3A_649 {strides = array<i32>} : memref<32x768xf32, #tpu.memory_space<vmem>>, vector<1x16xf32>,
      %get3A_650 = arith.index_cast %scan3A_146 : i32 to index
      %get3A_651 = arith.constant 576 : index
      %get3A_652 = tpu.vector_load %arg8[%get3A_650, %get3A_651] {strides = array<i32>} : memref<32x768xf32, #tpu.memory_space<vmem>>, vector<1x16xf32>,
      %get3A_653 = vector.shape_cast %get3A_652 : vector<1x16xf32> to vector<16xf32>
      %get3A_654 = arith.index_cast %scan3A_146 : i32 to index
      %get3A_655 = arith.constant 576 : index
      %get3A_656 = tpu.vector_load %arg9[%get3A_654, %get3A_655] {strides = array<i32>} : memref<32x768xf32, #tpu.memory_space<vmem>>, vector<1x16xf32>,
      %get3A_657 = vector.shape_cast %get3A_656 : vector<1x16xf32> to vector<16xf32>
      %add3A_658 = arith.addf %get3A_653, %get3A_657 : vector<16xf32>
      %swap3A_659 = arith.index_cast %scan3A_146 : i32 to index
      %swap3A_660 = arith.constant 576 : index
      %swap3A_661 = tpu.vector_load %arg8[%swap3A_659, %swap3A_660] {strides = array<i32>} : memref<32x768xf32, #tpu.memory_space<vmem>>, vector<1x16xf32>,
      %swap3A_662 = vector.shape_cast %swap3A_661 : vector<1x16xf32> to vector<16xf32>
      %swap3A_663 = vector.shape_cast %add3A_658 : vector<16xf32> to vector<1x16xf32>
      tpu.vector_store %arg8[%swap3A_659, %swap3A_660], %swap3A_663 {strides = array<i32>} : memref<32x768xf32, #tpu.memory_space<vmem>>, vector<1x16xf32>,
      %get3A_664 = arith.index_cast %scan3A_146 : i32 to index
      %get3A_665 = arith.constant 592 : index
      %get3A_666 = tpu.vector_load %arg8[%get3A_664, %get3A_665] {strides = array<i32>} : memref<32x768xf32, #tpu.memory_space<vmem>>, vector<1x16xf32>,
      %get3A_667 = vector.shape_cast %get3A_666 : vector<1x16xf32> to vector<16xf32>
      %get3A_668 = arith.index_cast %scan3A_146 : i32 to index
      %get3A_669 = arith.constant 592 : index
      %get3A_670 = tpu.vector_load %arg9[%get3A_668, %get3A_669] {strides = array<i32>} : memref<32x768xf32, #tpu.memory_space<vmem>>, vector<1x16xf32>,
      %get3A_671 = vector.shape_cast %get3A_670 : vector<1x16xf32> to vector<16xf32>
      %add3A_672 = arith.addf %get3A_667, %get3A_671 : vector<16xf32>
      %swap3A_673 = arith.index_cast %scan3A_146 : i32 to index
      %swap3A_674 = arith.constant 592 : index
      %swap3A_675 = tpu.vector_load %arg8[%swap3A_673, %swap3A_674] {strides = array<i32>} : memref<32x768xf32, #tpu.memory_space<vmem>>, vector<1x16xf32>,
      %swap3A_676 = vector.shape_cast %swap3A_675 : vector<1x16xf32> to vector<16xf32>
      %swap3A_677 = vector.shape_cast %add3A_672 : vector<16xf32> to vector<1x16xf32>
      tpu.vector_store %arg8[%swap3A_673, %swap3A_674], %swap3A_677 {strides = array<i32>} : memref<32x768xf32, #tpu.memory_space<vmem>>, vector<1x16xf32>,
      %get3A_678 = arith.index_cast %scan3A_146 : i32 to index
      %get3A_679 = arith.constant 608 : index
      %get3A_680 = tpu.vector_load %arg8[%get3A_678, %get3A_679] {strides = array<i32>} : memref<32x768xf32, #tpu.memory_space<vmem>>, vector<1x16xf32>,
      %get3A_681 = vector.shape_cast %get3A_680 : vector<1x16xf32> to vector<16xf32>
      %get3A_682 = arith.index_cast %scan3A_146 : i32 to index
      %get3A_683 = arith.constant 608 : index
      %get3A_684 = tpu.vector_load %arg9[%get3A_682, %get3A_683] {strides = array<i32>} : memref<32x768xf32, #tpu.memory_space<vmem>>, vector<1x16xf32>,
      %get3A_685 = vector.shape_cast %get3A_684 : vector<1x16xf32> to vector<16xf32>
      %add3A_686 = arith.addf %get3A_681, %get3A_685 : vector<16xf32>
      %swap3A_687 = arith.index_cast %scan3A_146 : i32 to index
      %swap3A_688 = arith.constant 608 : index
      %swap3A_689 = tpu.vector_load %arg8[%swap3A_687, %swap3A_688] {strides = array<i32>} : memref<32x768xf32, #tpu.memory_space<vmem>>, vector<1x16xf32>,
      %swap3A_690 = vector.shape_cast %swap3A_689 : vector<1x16xf32> to vector<16xf32>
      %swap3A_691 = vector.shape_cast %add3A_686 : vector<16xf32> to vector<1x16xf32>
      tpu.vector_store %arg8[%swap3A_687, %swap3A_688], %swap3A_691 {strides = array<i32>} : memref<32x768xf32, #tpu.memory_space<vmem>>, vector<1x16xf32>,
      %get3A_692 = arith.index_cast %scan3A_146 : i32 to index
      %get3A_693 = arith.constant 624 : index
      %get3A_694 = tpu.vector_load %arg8[%get3A_692, %get3A_693] {strides = array<i32>} : memref<32x768xf32, #tpu.memory_space<vmem>>, vector<1x16xf32>,
      %get3A_695 = vector.shape_cast %get3A_694 : vector<1x16xf32> to vector<16xf32>
      %get3A_696 = arith.index_cast %scan3A_146 : i32 to index
      %get3A_697 = arith.constant 624 : index
      %get3A_698 = tpu.vector_load %arg9[%get3A_696, %get3A_697] {strides = array<i32>} : memref<32x768xf32, #tpu.memory_space<vmem>>, vector<1x16xf32>,
      %get3A_699 = vector.shape_cast %get3A_698 : vector<1x16xf32> to vector<16xf32>
      %add3A_700 = arith.addf %get3A_695, %get3A_699 : vector<16xf32>
      %swap3A_701 = arith.index_cast %scan3A_146 : i32 to index
      %swap3A_702 = arith.constant 624 : index
      %swap3A_703 = tpu.vector_load %arg8[%swap3A_701, %swap3A_702] {strides = array<i32>} : memref<32x768xf32, #tpu.memory_space<vmem>>, vector<1x16xf32>,
      %swap3A_704 = vector.shape_cast %swap3A_703 : vector<1x16xf32> to vector<16xf32>
      %swap3A_705 = vector.shape_cast %add3A_700 : vector<16xf32> to vector<1x16xf32>
      tpu.vector_store %arg8[%swap3A_701, %swap3A_702], %swap3A_705 {strides = array<i32>} : memref<32x768xf32, #tpu.memory_space<vmem>>, vector<1x16xf32>,
      %get3A_706 = arith.index_cast %scan3A_146 : i32 to index
      %get3A_707 = arith.constant 640 : index
      %get3A_708 = tpu.vector_load %arg8[%get3A_706, %get3A_707] {strides = array<i32>} : memref<32x768xf32, #tpu.memory_space<vmem>>, vector<1x16xf32>,
      %get3A_709 = vector.shape_cast %get3A_708 : vector<1x16xf32> to vector<16xf32>
      %get3A_710 = arith.index_cast %scan3A_146 : i32 to index
      %get3A_711 = arith.constant 640 : index
      %get3A_712 = tpu.vector_load %arg9[%get3A_710, %get3A_711] {strides = array<i32>} : memref<32x768xf32, #tpu.memory_space<vmem>>, vector<1x16xf32>,
      %get3A_713 = vector.shape_cast %get3A_712 : vector<1x16xf32> to vector<16xf32>
      %add3A_714 = arith.addf %get3A_709, %get3A_713 : vector<16xf32>
      %swap3A_715 = arith.index_cast %scan3A_146 : i32 to index
      %swap3A_716 = arith.constant 640 : index
      %swap3A_717 = tpu.vector_load %arg8[%swap3A_715, %swap3A_716] {strides = array<i32>} : memref<32x768xf32, #tpu.memory_space<vmem>>, vector<1x16xf32>,
      %swap3A_718 = vector.shape_cast %swap3A_717 : vector<1x16xf32> to vector<16xf32>
      %swap3A_719 = vector.shape_cast %add3A_714 : vector<16xf32> to vector<1x16xf32>
      tpu.vector_store %arg8[%swap3A_715, %swap3A_716], %swap3A_719 {strides = array<i32>} : memref<32x768xf32, #tpu.memory_space<vmem>>, vector<1x16xf32>,
      %get3A_720 = arith.index_cast %scan3A_146 : i32 to index
      %get3A_721 = arith.constant 656 : index
      %get3A_722 = tpu.vector_load %arg8[%get3A_720, %get3A_721] {strides = array<i32>} : memref<32x768xf32, #tpu.memory_space<vmem>>, vector<1x16xf32>,
      %get3A_723 = vector.shape_cast %get3A_722 : vector<1x16xf32> to vector<16xf32>
      %get3A_724 = arith.index_cast %scan3A_146 : i32 to index
      %get3A_725 = arith.constant 656 : index
      %get3A_726 = tpu.vector_load %arg9[%get3A_724, %get3A_725] {strides = array<i32>} : memref<32x768xf32, #tpu.memory_space<vmem>>, vector<1x16xf32>,
      %get3A_727 = vector.shape_cast %get3A_726 : vector<1x16xf32> to vector<16xf32>
      %add3A_728 = arith.addf %get3A_723, %get3A_727 : vector<16xf32>
      %swap3A_729 = arith.index_cast %scan3A_146 : i32 to index
      %swap3A_730 = arith.constant 656 : index
      %swap3A_731 = tpu.vector_load %arg8[%swap3A_729, %swap3A_730] {strides = array<i32>} : memref<32x768xf32, #tpu.memory_space<vmem>>, vector<1x16xf32>,
      %swap3A_732 = vector.shape_cast %swap3A_731 : vector<1x16xf32> to vector<16xf32>
      %swap3A_733 = vector.shape_cast %add3A_728 : vector<16xf32> to vector<1x16xf32>
      tpu.vector_store %arg8[%swap3A_729, %swap3A_730], %swap3A_733 {strides = array<i32>} : memref<32x768xf32, #tpu.memory_space<vmem>>, vector<1x16xf32>,
      %get3A_734 = arith.index_cast %scan3A_146 : i32 to index
      %get3A_735 = arith.constant 672 : index
      %get3A_736 = tpu.vector_load %arg8[%get3A_734, %get3A_735] {strides = array<i32>} : memref<32x768xf32, #tpu.memory_space<vmem>>, vector<1x16xf32>,
      %get3A_737 = vector.shape_cast %get3A_736 : vector<1x16xf32> to vector<16xf32>
      %get3A_738 = arith.index_cast %scan3A_146 : i32 to index
      %get3A_739 = arith.constant 672 : index
      %get3A_740 = tpu.vector_load %arg9[%get3A_738, %get3A_739] {strides = array<i32>} : memref<32x768xf32, #tpu.memory_space<vmem>>, vector<1x16xf32>,
      %get3A_741 = vector.shape_cast %get3A_740 : vector<1x16xf32> to vector<16xf32>
      %add3A_742 = arith.addf %get3A_737, %get3A_741 : vector<16xf32>
      %swap3A_743 = arith.index_cast %scan3A_146 : i32 to index
      %swap3A_744 = arith.constant 672 : index
      %swap3A_745 = tpu.vector_load %arg8[%swap3A_743, %swap3A_744] {strides = array<i32>} : memref<32x768xf32, #tpu.memory_space<vmem>>, vector<1x16xf32>,
      %swap3A_746 = vector.shape_cast %swap3A_745 : vector<1x16xf32> to vector<16xf32>
      %swap3A_747 = vector.shape_cast %add3A_742 : vector<16xf32> to vector<1x16xf32>
      tpu.vector_store %arg8[%swap3A_743, %swap3A_744], %swap3A_747 {strides = array<i32>} : memref<32x768xf32, #tpu.memory_space<vmem>>, vector<1x16xf32>,
      %get3A_748 = arith.index_cast %scan3A_146 : i32 to index
      %get3A_749 = arith.constant 688 : index
      %get3A_750 = tpu.vector_load %arg8[%get3A_748, %get3A_749] {strides = array<i32>} : memref<32x768xf32, #tpu.memory_space<vmem>>, vector<1x16xf32>,
      %get3A_751 = vector.shape_cast %get3A_750 : vector<1x16xf32> to vector<16xf32>
      %get3A_752 = arith.index_cast %scan3A_146 : i32 to index
      %get3A_753 = arith.constant 688 : index
      %get3A_754 = tpu.vector_load %arg9[%get3A_752, %get3A_753] {strides = array<i32>} : memref<32x768xf32, #tpu.memory_space<vmem>>, vector<1x16xf32>,
      %get3A_755 = vector.shape_cast %get3A_754 : vector<1x16xf32> to vector<16xf32>
      %add3A_756 = arith.addf %get3A_751, %get3A_755 : vector<16xf32>
      %swap3A_757 = arith.index_cast %scan3A_146 : i32 to index
      %swap3A_758 = arith.constant 688 : index
      %swap3A_759 = tpu.vector_load %arg8[%swap3A_757, %swap3A_758] {strides = array<i32>} : memref<32x768xf32, #tpu.memory_space<vmem>>, vector<1x16xf32>,
      %swap3A_760 = vector.shape_cast %swap3A_759 : vector<1x16xf32> to vector<16xf32>
      %swap3A_761 = vector.shape_cast %add3A_756 : vector<16xf32> to vector<1x16xf32>
      tpu.vector_store %arg8[%swap3A_757, %swap3A_758], %swap3A_761 {strides = array<i32>} : memref<32x768xf32, #tpu.memory_space<vmem>>, vector<1x16xf32>,
      %get3A_762 = arith.index_cast %scan3A_146 : i32 to index
      %get3A_763 = arith.constant 704 : index
      %get3A_764 = tpu.vector_load %arg8[%get3A_762, %get3A_763] {strides = array<i32>} : memref<32x768xf32, #tpu.memory_space<vmem>>, vector<1x16xf32>,
      %get3A_765 = vector.shape_cast %get3A_764 : vector<1x16xf32> to vector<16xf32>
      %get3A_766 = arith.index_cast %scan3A_146 : i32 to index
      %get3A_767 = arith.constant 704 : index
      %get3A_768 = tpu.vector_load %arg9[%get3A_766, %get3A_767] {strides = array<i32>} : memref<32x768xf32, #tpu.memory_space<vmem>>, vector<1x16xf32>,
      %get3A_769 = vector.shape_cast %get3A_768 : vector<1x16xf32> to vector<16xf32>
      %add3A_770 = arith.addf %get3A_765, %get3A_769 : vector<16xf32>
      %swap3A_771 = arith.index_cast %scan3A_146 : i32 to index
      %swap3A_772 = arith.constant 704 : index
      %swap3A_773 = tpu.vector_load %arg8[%swap3A_771, %swap3A_772] {strides = array<i32>} : memref<32x768xf32, #tpu.memory_space<vmem>>, vector<1x16xf32>,
      %swap3A_774 = vector.shape_cast %swap3A_773 : vector<1x16xf32> to vector<16xf32>
      %swap3A_775 = vector.shape_cast %add3A_770 : vector<16xf32> to vector<1x16xf32>
      tpu.vector_store %arg8[%swap3A_771, %swap3A_772], %swap3A_775 {strides = array<i32>} : memref<32x768xf32, #tpu.memory_space<vmem>>, vector<1x16xf32>,
      %get3A_776 = arith.index_cast %scan3A_146 : i32 to index
      %get3A_777 = arith.constant 720 : index
      %get3A_778 = tpu.vector_load %arg8[%get3A_776, %get3A_777] {strides = array<i32>} : memref<32x768xf32, #tpu.memory_space<vmem>>, vector<1x16xf32>,
      %get3A_779 = vector.shape_cast %get3A_778 : vector<1x16xf32> to vector<16xf32>
      %get3A_780 = arith.index_cast %scan3A_146 : i32 to index
      %get3A_781 = arith.constant 720 : index
      %get3A_782 = tpu.vector_load %arg9[%get3A_780, %get3A_781] {strides = array<i32>} : memref<32x768xf32, #tpu.memory_space<vmem>>, vector<1x16xf32>,
      %get3A_783 = vector.shape_cast %get3A_782 : vector<1x16xf32> to vector<16xf32>
      %add3A_784 = arith.addf %get3A_779, %get3A_783 : vector<16xf32>
      %swap3A_785 = arith.index_cast %scan3A_146 : i32 to index
      %swap3A_786 = arith.constant 720 : index
      %swap3A_787 = tpu.vector_load %arg8[%swap3A_785, %swap3A_786] {strides = array<i32>} : memref<32x768xf32, #tpu.memory_space<vmem>>, vector<1x16xf32>,
      %swap3A_788 = vector.shape_cast %swap3A_787 : vector<1x16xf32> to vector<16xf32>
      %swap3A_789 = vector.shape_cast %add3A_784 : vector<16xf32> to vector<1x16xf32>
      tpu.vector_store %arg8[%swap3A_785, %swap3A_786], %swap3A_789 {strides = array<i32>} : memref<32x768xf32, #tpu.memory_space<vmem>>, vector<1x16xf32>,
      %get3A_790 = arith.index_cast %scan3A_146 : i32 to index
      %get3A_791 = arith.constant 736 : index
      %get3A_792 = tpu.vector_load %arg8[%get3A_790, %get3A_791] {strides = array<i32>} : memref<32x768xf32, #tpu.memory_space<vmem>>, vector<1x16xf32>,
      %get3A_793 = vector.shape_cast %get3A_792 : vector<1x16xf32> to vector<16xf32>
      %get3A_794 = arith.index_cast %scan3A_146 : i32 to index
      %get3A_795 = arith.constant 736 : index
      %get3A_796 = tpu.vector_load %arg9[%get3A_794, %get3A_795] {strides = array<i32>} : memref<32x768xf32, #tpu.memory_space<vmem>>, vector<1x16xf32>,
      %get3A_797 = vector.shape_cast %get3A_796 : vector<1x16xf32> to vector<16xf32>
      %add3A_798 = arith.addf %get3A_793, %get3A_797 : vector<16xf32>
      %swap3A_799 = arith.index_cast %scan3A_146 : i32 to index
      %swap3A_800 = arith.constant 736 : index
      %swap3A_801 = tpu.vector_load %arg8[%swap3A_799, %swap3A_800] {strides = array<i32>} : memref<32x768xf32, #tpu.memory_space<vmem>>, vector<1x16xf32>,
      %swap3A_802 = vector.shape_cast %swap3A_801 : vector<1x16xf32> to vector<16xf32>
      %swap3A_803 = vector.shape_cast %add3A_798 : vector<16xf32> to vector<1x16xf32>
      tpu.vector_store %arg8[%swap3A_799, %swap3A_800], %swap3A_803 {strides = array<i32>} : memref<32x768xf32, #tpu.memory_space<vmem>>, vector<1x16xf32>,
      %get3A_804 = arith.index_cast %scan3A_146 : i32 to index
      %get3A_805 = arith.constant 752 : index
      %get3A_806 = tpu.vector_load %arg8[%get3A_804, %get3A_805] {strides = array<i32>} : memref<32x768xf32, #tpu.memory_space<vmem>>, vector<1x16xf32>,
      %get3A_807 = vector.shape_cast %get3A_806 : vector<1x16xf32> to vector<16xf32>
      %get3A_808 = arith.index_cast %scan3A_146 : i32 to index
      %get3A_809 = arith.constant 752 : index
      %get3A_810 = tpu.vector_load %arg9[%get3A_808, %get3A_809] {strides = array<i32>} : memref<32x768xf32, #tpu.memory_space<vmem>>, vector<1x16xf32>,
      %get3A_811 = vector.shape_cast %get3A_810 : vector<1x16xf32> to vector<16xf32>
      %add3A_812 = arith.addf %get3A_807, %get3A_811 : vector<16xf32>
      %swap3A_813 = arith.index_cast %scan3A_146 : i32 to index
      %swap3A_814 = arith.constant 752 : index
      %swap3A_815 = tpu.vector_load %arg8[%swap3A_813, %swap3A_814] {strides = array<i32>} : memref<32x768xf32, #tpu.memory_space<vmem>>, vector<1x16xf32>,
      %swap3A_816 = vector.shape_cast %swap3A_815 : vector<1x16xf32> to vector<16xf32>
      %swap3A_817 = vector.shape_cast %add3A_812 : vector<16xf32> to vector<1x16xf32>
      tpu.vector_store %arg8[%swap3A_813, %swap3A_814], %swap3A_817 {strides = array<i32>} : memref<32x768xf32, #tpu.memory_space<vmem>>, vector<1x16xf32>,
      %scan3A_818 = arith.constant 0 : i32
      scf.yield %scan3A_818 : i32
    }
    %scan3A_143 = arith.constant 32 : i32
    %add3A_144 = arith.constant 32 : i32
    %add3A_145 = arith.addi %mul3A_2, %add3A_144 : i32
    "tpu.region"() ({
      %run_scoped3A = tpu.sem_alloc : memref<!tpu.dma_semaphore, #tpu.memory_space<semaphore_mem>>
      %dma_start3A_146 = arith.constant 0 : i32
      %dma_start3A_147 = tpu.memref_slice %arg5[%add3A_145, %dma_start3A_146] : memref<2048x768xf32, #tpu.memory_space<hbm>> -> memref<32x768xf32, #tpu.memory_space<hbm>>
      %dma_start3A_148 = arith.constant 0 : i32
      %dma_start3A_149 = tpu.memref_slice %arg5[%add3A_145, %dma_start3A_148] : memref<2048x768xf32, #tpu.memory_space<hbm>> -> memref<32x768xf32, #tpu.memory_space<hbm>>
      tpu.enqueue_dma source(%arg8 : memref<32x768xf32, #tpu.memory_space<vmem>>) target(%dma_start3A_149 : memref<32x768xf32, #tpu.memory_space<hbm>>) target_semaphore(%run_scoped3A : memref<!tpu.dma_semaphore, #tpu.memory_space<semaphore_mem>>)
      %dma_wait3A_150 = arith.constant 0 : i32
      %dma_wait3A_151 = tpu.memref_slice %arg5[%add3A_145, %dma_wait3A_150] : memref<2048x768xf32, #tpu.memory_space<hbm>> -> memref<32x768xf32, #tpu.memory_space<hbm>>
      %dma_wait3A_152 = arith.constant 0 : i32
      %dma_wait3A_153 = tpu.memref_slice %arg5[%add3A_145, %dma_wait3A_152] : memref<2048x768xf32, #tpu.memory_space<hbm>> -> memref<32x768xf32, #tpu.memory_space<hbm>>
      tpu.wait_dma2 semaphore(%run_scoped3A : memref<!tpu.dma_semaphore, #tpu.memory_space<semaphore_mem>>) src(%arg8 : memref<32x768xf32, #tpu.memory_space<vmem>>) dst(%dma_wait3A_153 : memref<32x768xf32, #tpu.memory_space<hbm>>)
      tpu.yield
    }) : () -> ()
    return
  }
}

#map = affine_map<(d0, d1) -> (0)>
module attributes {stable_mosaic.version = 14 : i64} {
  func.func @k(%arg0: i32, %arg1: i32, %arg2: memref<2048xi32, #tpu.memory_space<hbm>>, %arg3: memref<2048xi32, #tpu.memory_space<hbm>>, %arg4: memref<2048xf32, #tpu.memory_space<hbm>>, %arg5: memref<2048xf32, #tpu.memory_space<hbm>>, %arg6: memref<5120xi32, #tpu.memory_space<hbm>>, %arg7: memref<5120xf32, #tpu.memory_space<hbm>>, %arg8: memref<64xi32, #tpu.memory_space<vmem>>, %arg9: memref<64xi32, #tpu.memory_space<vmem>>, %arg10: memref<64xi32, #tpu.memory_space<vmem>>, %arg11: memref<64xf32, #tpu.memory_space<vmem>>, %arg12: memref<64xf32, #tpu.memory_space<vmem>>, %arg13: memref<!tpu.dma_semaphore, #tpu.memory_space<semaphore_mem>>) attributes {dimension_semantics = [#tpu.dimension_semantics<core_parallel>, #tpu.dimension_semantics<subcore_parallel>], iteration_bounds = array<i64: 2, 16>, scalar_prefetch = 0 : i64, scratch_operands = 6 : i64, tpu.core_type = #tpu.core_type<sc_vector_subcore>, window_params = [{transform_indices = #map}, {transform_indices = #map}, {transform_indices = #map}, {transform_indices = #map}, {transform_indices = #map}, {transform_indices = #map}]} {
    %mul3A = arith.constant 2 : i32
    %mul3A_0 = arith.muli %arg1, %mul3A : i32
    %add3A = arith.addi %mul3A_0, %arg0 : i32
    %mul3A_1 = arith.constant 64 : i32
    %mul3A_2 = arith.muli %add3A, %mul3A_1 : i32
    %add3A_3 = arith.constant 0 : i32
    %add3A_4 = arith.addi %mul3A_2, %add3A_3 : i32
    %iota3A = tpu.iota {dimensions = array<i32: 0>} : vector<16xi32>
    %add3A_5 = vector.broadcast %add3A_4 : i32 to vector<16xi32>
    %add3A_6 = arith.addi %add3A_5, %iota3A : vector<16xi32>
    %swap3A = arith.constant 0 : index
    %swap3A_7 = tpu.vector_load %arg8[%swap3A] {strides = array<i32>} : memref<64xi32, #tpu.memory_space<vmem>>, vector<16xi32>,
    %swap3A_8 = vector.shape_cast %swap3A_7 : vector<16xi32> to vector<16xi32>
    %swap3A_9 = vector.shape_cast %add3A_6 : vector<16xi32> to vector<16xi32>
    tpu.vector_store %arg8[%swap3A], %swap3A_9 {strides = array<i32>} : memref<64xi32, #tpu.memory_space<vmem>>, vector<16xi32>,
    %add3A_10 = arith.constant 16 : i32
    %add3A_11 = arith.addi %mul3A_2, %add3A_10 : i32
    %iota3A_12 = tpu.iota {dimensions = array<i32: 0>} : vector<16xi32>
    %add3A_13 = vector.broadcast %add3A_11 : i32 to vector<16xi32>
    %add3A_14 = arith.addi %add3A_13, %iota3A_12 : vector<16xi32>
    %swap3A_15 = arith.constant 16 : index
    %swap3A_16 = tpu.vector_load %arg8[%swap3A_15] {strides = array<i32>} : memref<64xi32, #tpu.memory_space<vmem>>, vector<16xi32>,
    %swap3A_17 = vector.shape_cast %swap3A_16 : vector<16xi32> to vector<16xi32>
    %swap3A_18 = vector.shape_cast %add3A_14 : vector<16xi32> to vector<16xi32>
    tpu.vector_store %arg8[%swap3A_15], %swap3A_18 {strides = array<i32>} : memref<64xi32, #tpu.memory_space<vmem>>, vector<16xi32>,
    %add3A_19 = arith.constant 32 : i32
    %add3A_20 = arith.addi %mul3A_2, %add3A_19 : i32
    %iota3A_21 = tpu.iota {dimensions = array<i32: 0>} : vector<16xi32>
    %add3A_22 = vector.broadcast %add3A_20 : i32 to vector<16xi32>
    %add3A_23 = arith.addi %add3A_22, %iota3A_21 : vector<16xi32>
    %swap3A_24 = arith.constant 32 : index
    %swap3A_25 = tpu.vector_load %arg8[%swap3A_24] {strides = array<i32>} : memref<64xi32, #tpu.memory_space<vmem>>, vector<16xi32>,
    %swap3A_26 = vector.shape_cast %swap3A_25 : vector<16xi32> to vector<16xi32>
    %swap3A_27 = vector.shape_cast %add3A_23 : vector<16xi32> to vector<16xi32>
    tpu.vector_store %arg8[%swap3A_24], %swap3A_27 {strides = array<i32>} : memref<64xi32, #tpu.memory_space<vmem>>, vector<16xi32>,
    %add3A_28 = arith.constant 48 : i32
    %add3A_29 = arith.addi %mul3A_2, %add3A_28 : i32
    %iota3A_30 = tpu.iota {dimensions = array<i32: 0>} : vector<16xi32>
    %add3A_31 = vector.broadcast %add3A_29 : i32 to vector<16xi32>
    %add3A_32 = arith.addi %add3A_31, %iota3A_30 : vector<16xi32>
    %swap3A_33 = arith.constant 48 : index
    %swap3A_34 = tpu.vector_load %arg8[%swap3A_33] {strides = array<i32>} : memref<64xi32, #tpu.memory_space<vmem>>, vector<16xi32>,
    %swap3A_35 = vector.shape_cast %swap3A_34 : vector<16xi32> to vector<16xi32>
    %swap3A_36 = vector.shape_cast %add3A_32 : vector<16xi32> to vector<16xi32>
    tpu.vector_store %arg8[%swap3A_33], %swap3A_36 {strides = array<i32>} : memref<64xi32, #tpu.memory_space<vmem>>, vector<16xi32>,
    "tpu.region"() ({
      %run_scoped3A = tpu.sem_alloc : memref<!tpu.dma_semaphore, #tpu.memory_space<semaphore_mem>>
      %dma_start3A_51 = tpu.memref_slice %arg2[%mul3A_2] : memref<2048xi32, #tpu.memory_space<hbm>> -> memref<64xi32, #tpu.memory_space<hbm>>
      %dma_start3A_52 = tpu.memref_slice %arg2[%mul3A_2] : memref<2048xi32, #tpu.memory_space<hbm>> -> memref<64xi32, #tpu.memory_space<hbm>>
      tpu.enqueue_dma source(%dma_start3A_52 : memref<64xi32, #tpu.memory_space<hbm>>) target(%arg9 : memref<64xi32, #tpu.memory_space<vmem>>) target_semaphore(%run_scoped3A : memref<!tpu.dma_semaphore, #tpu.memory_space<semaphore_mem>>)
      %dma_wait3A_53 = tpu.memref_slice %arg2[%mul3A_2] : memref<2048xi32, #tpu.memory_space<hbm>> -> memref<64xi32, #tpu.memory_space<hbm>>
      %dma_wait3A_54 = tpu.memref_slice %arg2[%mul3A_2] : memref<2048xi32, #tpu.memory_space<hbm>> -> memref<64xi32, #tpu.memory_space<hbm>>
      tpu.wait_dma2 semaphore(%run_scoped3A : memref<!tpu.dma_semaphore, #tpu.memory_space<semaphore_mem>>) src(%dma_wait3A_54 : memref<64xi32, #tpu.memory_space<hbm>>) dst(%arg9 : memref<64xi32, #tpu.memory_space<vmem>>)
      tpu.yield
    }) : () -> ()
    "tpu.region"() ({
      %run_scoped3A = tpu.sem_alloc : memref<!tpu.dma_semaphore, #tpu.memory_space<semaphore_mem>>
      %dma_start3A_51 = tpu.memref_slice %arg3[%mul3A_2] : memref<2048xi32, #tpu.memory_space<hbm>> -> memref<64xi32, #tpu.memory_space<hbm>>
      %dma_start3A_52 = tpu.memref_slice %arg3[%mul3A_2] : memref<2048xi32, #tpu.memory_space<hbm>> -> memref<64xi32, #tpu.memory_space<hbm>>
      tpu.enqueue_dma source(%dma_start3A_52 : memref<64xi32, #tpu.memory_space<hbm>>) target(%arg10 : memref<64xi32, #tpu.memory_space<vmem>>) target_semaphore(%run_scoped3A : memref<!tpu.dma_semaphore, #tpu.memory_space<semaphore_mem>>)
      %dma_wait3A_53 = tpu.memref_slice %arg3[%mul3A_2] : memref<2048xi32, #tpu.memory_space<hbm>> -> memref<64xi32, #tpu.memory_space<hbm>>
      %dma_wait3A_54 = tpu.memref_slice %arg3[%mul3A_2] : memref<2048xi32, #tpu.memory_space<hbm>> -> memref<64xi32, #tpu.memory_space<hbm>>
      tpu.wait_dma2 semaphore(%run_scoped3A : memref<!tpu.dma_semaphore, #tpu.memory_space<semaphore_mem>>) src(%dma_wait3A_54 : memref<64xi32, #tpu.memory_space<hbm>>) dst(%arg10 : memref<64xi32, #tpu.memory_space<vmem>>)
      tpu.yield
    }) : () -> ()
    "tpu.region"() ({
      %run_scoped3A = tpu.sem_alloc : memref<!tpu.dma_semaphore, #tpu.memory_space<semaphore_mem>>
      %dma_start3A_51 = tpu.memref_slice %arg4[%mul3A_2] : memref<2048xf32, #tpu.memory_space<hbm>> -> memref<64xf32, #tpu.memory_space<hbm>>
      %dma_start3A_52 = tpu.memref_slice %arg4[%mul3A_2] : memref<2048xf32, #tpu.memory_space<hbm>> -> memref<64xf32, #tpu.memory_space<hbm>>
      tpu.enqueue_dma source(%dma_start3A_52 : memref<64xf32, #tpu.memory_space<hbm>>) target(%arg11 : memref<64xf32, #tpu.memory_space<vmem>>) target_semaphore(%run_scoped3A : memref<!tpu.dma_semaphore, #tpu.memory_space<semaphore_mem>>)
      %dma_wait3A_53 = tpu.memref_slice %arg4[%mul3A_2] : memref<2048xf32, #tpu.memory_space<hbm>> -> memref<64xf32, #tpu.memory_space<hbm>>
      %dma_wait3A_54 = tpu.memref_slice %arg4[%mul3A_2] : memref<2048xf32, #tpu.memory_space<hbm>> -> memref<64xf32, #tpu.memory_space<hbm>>
      tpu.wait_dma2 semaphore(%run_scoped3A : memref<!tpu.dma_semaphore, #tpu.memory_space<semaphore_mem>>) src(%dma_wait3A_54 : memref<64xf32, #tpu.memory_space<hbm>>) dst(%arg11 : memref<64xf32, #tpu.memory_space<vmem>>)
      tpu.yield
    }) : () -> ()
    "tpu.region"() ({
      %run_scoped3A = tpu.sem_alloc : memref<!tpu.dma_semaphore, #tpu.memory_space<semaphore_mem>>
      %dma_start3A_51 = tpu.memref_slice %arg5[%mul3A_2] : memref<2048xf32, #tpu.memory_space<hbm>> -> memref<64xf32, #tpu.memory_space<hbm>>
      %dma_start3A_52 = tpu.memref_slice %arg5[%mul3A_2] : memref<2048xf32, #tpu.memory_space<hbm>> -> memref<64xf32, #tpu.memory_space<hbm>>
      tpu.enqueue_dma source(%dma_start3A_52 : memref<64xf32, #tpu.memory_space<hbm>>) target(%arg12 : memref<64xf32, #tpu.memory_space<vmem>>) target_semaphore(%run_scoped3A : memref<!tpu.dma_semaphore, #tpu.memory_space<semaphore_mem>>)
      %dma_wait3A_53 = tpu.memref_slice %arg5[%mul3A_2] : memref<2048xf32, #tpu.memory_space<hbm>> -> memref<64xf32, #tpu.memory_space<hbm>>
      %dma_wait3A_54 = tpu.memref_slice %arg5[%mul3A_2] : memref<2048xf32, #tpu.memory_space<hbm>> -> memref<64xf32, #tpu.memory_space<hbm>>
      tpu.wait_dma2 semaphore(%run_scoped3A : memref<!tpu.dma_semaphore, #tpu.memory_space<semaphore_mem>>) src(%dma_wait3A_54 : memref<64xf32, #tpu.memory_space<hbm>>) dst(%arg12 : memref<64xf32, #tpu.memory_space<vmem>>)
      tpu.yield
    }) : () -> ()
    %dma_start3A = arith.constant 0 : i32
    %dma_start3A_37 = tpu.memref_slice %arg6[%dma_start3A] : memref<5120xi32, #tpu.memory_space<hbm>> -> memref<5120xi32, #tpu.memory_space<hbm>>
    tpu.enqueue_indirect_dma source(%arg8 : memref<64xi32, #tpu.memory_space<vmem>>) target(%dma_start3A_37 : memref<5120xi32, #tpu.memory_space<hbm>>) offsets(%arg9 : memref<64xi32, #tpu.memory_space<vmem>>) semaphore(%arg13 : memref<!tpu.dma_semaphore, #tpu.memory_space<semaphore_mem>>)
    %dma_start3A_38 = arith.constant 0 : i32
    %dma_start3A_39 = tpu.memref_slice %arg6[%dma_start3A_38] : memref<5120xi32, #tpu.memory_space<hbm>> -> memref<5120xi32, #tpu.memory_space<hbm>>
    tpu.enqueue_indirect_dma source(%arg8 : memref<64xi32, #tpu.memory_space<vmem>>) target(%dma_start3A_39 : memref<5120xi32, #tpu.memory_space<hbm>>) offsets(%arg10 : memref<64xi32, #tpu.memory_space<vmem>>) semaphore(%arg13 : memref<!tpu.dma_semaphore, #tpu.memory_space<semaphore_mem>>)
    %dma_start3A_40 = arith.constant 0 : i32
    %dma_start3A_41 = tpu.memref_slice %arg7[%dma_start3A_40] : memref<5120xf32, #tpu.memory_space<hbm>> -> memref<5120xf32, #tpu.memory_space<hbm>>
    tpu.enqueue_indirect_dma source(%arg11 : memref<64xf32, #tpu.memory_space<vmem>>) target(%dma_start3A_41 : memref<5120xf32, #tpu.memory_space<hbm>>) offsets(%arg9 : memref<64xi32, #tpu.memory_space<vmem>>) semaphore(%arg13 : memref<!tpu.dma_semaphore, #tpu.memory_space<semaphore_mem>>)
    %dma_start3A_42 = arith.constant 0 : i32
    %dma_start3A_43 = tpu.memref_slice %arg7[%dma_start3A_42] : memref<5120xf32, #tpu.memory_space<hbm>> -> memref<5120xf32, #tpu.memory_space<hbm>>
    tpu.enqueue_indirect_dma source(%arg12 : memref<64xf32, #tpu.memory_space<vmem>>) target(%dma_start3A_43 : memref<5120xf32, #tpu.memory_space<hbm>>) offsets(%arg10 : memref<64xi32, #tpu.memory_space<vmem>>) semaphore(%arg13 : memref<!tpu.dma_semaphore, #tpu.memory_space<semaphore_mem>>)
    %dma_wait3A = arith.constant 0 : i32
    %dma_wait3A_44 = tpu.memref_slice %arg6[%dma_wait3A] : memref<5120xi32, #tpu.memory_space<hbm>> -> memref<5120xi32, #tpu.memory_space<hbm>>
    tpu.wait_indirect_dma semaphore(%arg13 : memref<!tpu.dma_semaphore, #tpu.memory_space<semaphore_mem>>) src(%arg8 : memref<64xi32, #tpu.memory_space<vmem>>) dst(%dma_wait3A_44 : memref<5120xi32, #tpu.memory_space<hbm>>)
    %dma_wait3A_45 = arith.constant 0 : i32
    %dma_wait3A_46 = tpu.memref_slice %arg6[%dma_wait3A_45] : memref<5120xi32, #tpu.memory_space<hbm>> -> memref<5120xi32, #tpu.memory_space<hbm>>
    tpu.wait_indirect_dma semaphore(%arg13 : memref<!tpu.dma_semaphore, #tpu.memory_space<semaphore_mem>>) src(%arg8 : memref<64xi32, #tpu.memory_space<vmem>>) dst(%dma_wait3A_46 : memref<5120xi32, #tpu.memory_space<hbm>>)
    %dma_wait3A_47 = arith.constant 0 : i32
    %dma_wait3A_48 = tpu.memref_slice %arg7[%dma_wait3A_47] : memref<5120xf32, #tpu.memory_space<hbm>> -> memref<5120xf32, #tpu.memory_space<hbm>>
    tpu.wait_indirect_dma semaphore(%arg13 : memref<!tpu.dma_semaphore, #tpu.memory_space<semaphore_mem>>) src(%arg11 : memref<64xf32, #tpu.memory_space<vmem>>) dst(%dma_wait3A_48 : memref<5120xf32, #tpu.memory_space<hbm>>)
    %dma_wait3A_49 = arith.constant 0 : i32
    %dma_wait3A_50 = tpu.memref_slice %arg7[%dma_wait3A_49] : memref<5120xf32, #tpu.memory_space<hbm>> -> memref<5120xf32, #tpu.memory_space<hbm>>
    tpu.wait_indirect_dma semaphore(%arg13 : memref<!tpu.dma_semaphore, #tpu.memory_space<semaphore_mem>>) src(%arg12 : memref<64xf32, #tpu.memory_space<vmem>>) dst(%dma_wait3A_50 : memref<5120xf32, #tpu.memory_space<hbm>>)
    return
  }
}

#map = affine_map<(d0, d1) -> (0, 0)>
#map1 = affine_map<(d0, d1) -> (0)>
module attributes {stable_mosaic.version = 14 : i64} {
  func.func @k(%arg0: i32, %arg1: i32, %arg2: memref<2048x768xf32, #tpu.memory_space<hbm>>, %arg3: memref<5120xi32, #tpu.memory_space<hbm>>, %arg4: memref<5120x768xf32, #tpu.memory_space<hbm>>, %arg5: memref<160xi32, #tpu.memory_space<vmem>>, %arg6: memref<160x768xf32, #tpu.memory_space<vmem>>, %arg7: memref<!tpu.dma_semaphore, #tpu.memory_space<semaphore_mem>>) attributes {dimension_semantics = [#tpu.dimension_semantics<core_parallel>, #tpu.dimension_semantics<subcore_parallel>], iteration_bounds = array<i64: 2, 16>, scalar_prefetch = 0 : i64, scratch_operands = 3 : i64, tpu.core_type = #tpu.core_type<sc_vector_subcore>, window_params = [{transform_indices = #map}, {transform_indices = #map1}, {transform_indices = #map}]} {
    %mul3A = arith.constant 2 : i32
    %mul3A_0 = arith.muli %arg1, %mul3A : i32
    %add3A = arith.addi %mul3A_0, %arg0 : i32
    %mul3A_1 = arith.constant 160 : i32
    %mul3A_2 = arith.muli %add3A, %mul3A_1 : i32
    "tpu.region"() ({
      %run_scoped3A = tpu.sem_alloc : memref<!tpu.dma_semaphore, #tpu.memory_space<semaphore_mem>>
      %dma_start3A_286 = tpu.memref_slice %arg3[%mul3A_2] : memref<5120xi32, #tpu.memory_space<hbm>> -> memref<160xi32, #tpu.memory_space<hbm>>
      %dma_start3A_287 = tpu.memref_slice %arg3[%mul3A_2] : memref<5120xi32, #tpu.memory_space<hbm>> -> memref<160xi32, #tpu.memory_space<hbm>>
      tpu.enqueue_dma source(%dma_start3A_287 : memref<160xi32, #tpu.memory_space<hbm>>) target(%arg5 : memref<160xi32, #tpu.memory_space<vmem>>) target_semaphore(%run_scoped3A : memref<!tpu.dma_semaphore, #tpu.memory_space<semaphore_mem>>)
      %dma_wait3A_288 = tpu.memref_slice %arg3[%mul3A_2] : memref<5120xi32, #tpu.memory_space<hbm>> -> memref<160xi32, #tpu.memory_space<hbm>>
      %dma_wait3A_289 = tpu.memref_slice %arg3[%mul3A_2] : memref<5120xi32, #tpu.memory_space<hbm>> -> memref<160xi32, #tpu.memory_space<hbm>>
      tpu.wait_dma2 semaphore(%run_scoped3A : memref<!tpu.dma_semaphore, #tpu.memory_space<semaphore_mem>>) src(%dma_wait3A_289 : memref<160xi32, #tpu.memory_space<hbm>>) dst(%arg5 : memref<160xi32, #tpu.memory_space<vmem>>)
      tpu.yield
    }) : () -> ()
    %get3A = arith.constant 0 : index
    %get3A_3 = tpu.vector_load %arg5[%get3A] {strides = array<i32>} : memref<160xi32, #tpu.memory_space<vmem>>, vector<16xi32>,
    %get3A_4 = vector.shape_cast %get3A_3 : vector<16xi32> to vector<16xi32>
    %jit3A = arith.constant 0 : i32
    %jit3A_5 = arith.constant 2047 : i32
    %max3A = vector.broadcast %jit3A : i32 to vector<16xi32>
    %max3A_6 = arith.maxsi %max3A, %get3A_4 : vector<16xi32>
    %min3A = vector.broadcast %jit3A_5 : i32 to vector<16xi32>
    %min3A_7 = arith.minsi %min3A, %max3A_6 : vector<16xi32>
    %swap3A = arith.constant 0 : index
    %swap3A_8 = tpu.vector_load %arg5[%swap3A] {strides = array<i32>} : memref<160xi32, #tpu.memory_space<vmem>>, vector<16xi32>,
    %swap3A_9 = vector.shape_cast %swap3A_8 : vector<16xi32> to vector<16xi32>
    %swap3A_10 = vector.shape_cast %min3A_7 : vector<16xi32> to vector<16xi32>
    tpu.vector_store %arg5[%swap3A], %swap3A_10 {strides = array<i32>} : memref<160xi32, #tpu.memory_space<vmem>>, vector<16xi32>,
    %get3A_11 = arith.constant 16 : index
    %get3A_12 = tpu.vector_load %arg5[%get3A_11] {strides = array<i32>} : memref<160xi32, #tpu.memory_space<vmem>>, vector<16xi32>,
    %get3A_13 = vector.shape_cast %get3A_12 : vector<16xi32> to vector<16xi32>
    %jit3A_14 = arith.constant 0 : i32
    %jit3A_15 = arith.constant 2047 : i32
    %max3A_16 = vector.broadcast %jit3A_14 : i32 to vector<16xi32>
    %max3A_17 = arith.maxsi %max3A_16, %get3A_13 : vector<16xi32>
    %min3A_18 = vector.broadcast %jit3A_15 : i32 to vector<16xi32>
    %min3A_19 = arith.minsi %min3A_18, %max3A_17 : vector<16xi32>
    %swap3A_20 = arith.constant 16 : index
    %swap3A_21 = tpu.vector_load %arg5[%swap3A_20] {strides = array<i32>} : memref<160xi32, #tpu.memory_space<vmem>>, vector<16xi32>,
    %swap3A_22 = vector.shape_cast %swap3A_21 : vector<16xi32> to vector<16xi32>
    %swap3A_23 = vector.shape_cast %min3A_19 : vector<16xi32> to vector<16xi32>
    tpu.vector_store %arg5[%swap3A_20], %swap3A_23 {strides = array<i32>} : memref<160xi32, #tpu.memory_space<vmem>>, vector<16xi32>,
    %get3A_24 = arith.constant 32 : index
    %get3A_25 = tpu.vector_load %arg5[%get3A_24] {strides = array<i32>} : memref<160xi32, #tpu.memory_space<vmem>>, vector<16xi32>,
    %get3A_26 = vector.shape_cast %get3A_25 : vector<16xi32> to vector<16xi32>
    %jit3A_27 = arith.constant 0 : i32
    %jit3A_28 = arith.constant 2047 : i32
    %max3A_29 = vector.broadcast %jit3A_27 : i32 to vector<16xi32>
    %max3A_30 = arith.maxsi %max3A_29, %get3A_26 : vector<16xi32>
    %min3A_31 = vector.broadcast %jit3A_28 : i32 to vector<16xi32>
    %min3A_32 = arith.minsi %min3A_31, %max3A_30 : vector<16xi32>
    %swap3A_33 = arith.constant 32 : index
    %swap3A_34 = tpu.vector_load %arg5[%swap3A_33] {strides = array<i32>} : memref<160xi32, #tpu.memory_space<vmem>>, vector<16xi32>,
    %swap3A_35 = vector.shape_cast %swap3A_34 : vector<16xi32> to vector<16xi32>
    %swap3A_36 = vector.shape_cast %min3A_32 : vector<16xi32> to vector<16xi32>
    tpu.vector_store %arg5[%swap3A_33], %swap3A_36 {strides = array<i32>} : memref<160xi32, #tpu.memory_space<vmem>>, vector<16xi32>,
    %get3A_37 = arith.constant 48 : index
    %get3A_38 = tpu.vector_load %arg5[%get3A_37] {strides = array<i32>} : memref<160xi32, #tpu.memory_space<vmem>>, vector<16xi32>,
    %get3A_39 = vector.shape_cast %get3A_38 : vector<16xi32> to vector<16xi32>
    %jit3A_40 = arith.constant 0 : i32
    %jit3A_41 = arith.constant 2047 : i32
    %max3A_42 = vector.broadcast %jit3A_40 : i32 to vector<16xi32>
    %max3A_43 = arith.maxsi %max3A_42, %get3A_39 : vector<16xi32>
    %min3A_44 = vector.broadcast %jit3A_41 : i32 to vector<16xi32>
    %min3A_45 = arith.minsi %min3A_44, %max3A_43 : vector<16xi32>
    %swap3A_46 = arith.constant 48 : index
    %swap3A_47 = tpu.vector_load %arg5[%swap3A_46] {strides = array<i32>} : memref<160xi32, #tpu.memory_space<vmem>>, vector<16xi32>,
    %swap3A_48 = vector.shape_cast %swap3A_47 : vector<16xi32> to vector<16xi32>
    %swap3A_49 = vector.shape_cast %min3A_45 : vector<16xi32> to vector<16xi32>
    tpu.vector_store %arg5[%swap3A_46], %swap3A_49 {strides = array<i32>} : memref<160xi32, #tpu.memory_space<vmem>>, vector<16xi32>,
    %get3A_50 = arith.constant 64 : index
    %get3A_51 = tpu.vector_load %arg5[%get3A_50] {strides = array<i32>} : memref<160xi32, #tpu.memory_space<vmem>>, vector<16xi32>,
    %get3A_52 = vector.shape_cast %get3A_51 : vector<16xi32> to vector<16xi32>
    %jit3A_53 = arith.constant 0 : i32
    %jit3A_54 = arith.constant 2047 : i32
    %max3A_55 = vector.broadcast %jit3A_53 : i32 to vector<16xi32>
    %max3A_56 = arith.maxsi %max3A_55, %get3A_52 : vector<16xi32>
    %min3A_57 = vector.broadcast %jit3A_54 : i32 to vector<16xi32>
    %min3A_58 = arith.minsi %min3A_57, %max3A_56 : vector<16xi32>
    %swap3A_59 = arith.constant 64 : index
    %swap3A_60 = tpu.vector_load %arg5[%swap3A_59] {strides = array<i32>} : memref<160xi32, #tpu.memory_space<vmem>>, vector<16xi32>,
    %swap3A_61 = vector.shape_cast %swap3A_60 : vector<16xi32> to vector<16xi32>
    %swap3A_62 = vector.shape_cast %min3A_58 : vector<16xi32> to vector<16xi32>
    tpu.vector_store %arg5[%swap3A_59], %swap3A_62 {strides = array<i32>} : memref<160xi32, #tpu.memory_space<vmem>>, vector<16xi32>,
    %get3A_63 = arith.constant 80 : index
    %get3A_64 = tpu.vector_load %arg5[%get3A_63] {strides = array<i32>} : memref<160xi32, #tpu.memory_space<vmem>>, vector<16xi32>,
    %get3A_65 = vector.shape_cast %get3A_64 : vector<16xi32> to vector<16xi32>
    %jit3A_66 = arith.constant 0 : i32
    %jit3A_67 = arith.constant 2047 : i32
    %max3A_68 = vector.broadcast %jit3A_66 : i32 to vector<16xi32>
    %max3A_69 = arith.maxsi %max3A_68, %get3A_65 : vector<16xi32>
    %min3A_70 = vector.broadcast %jit3A_67 : i32 to vector<16xi32>
    %min3A_71 = arith.minsi %min3A_70, %max3A_69 : vector<16xi32>
    %swap3A_72 = arith.constant 80 : index
    %swap3A_73 = tpu.vector_load %arg5[%swap3A_72] {strides = array<i32>} : memref<160xi32, #tpu.memory_space<vmem>>, vector<16xi32>,
    %swap3A_74 = vector.shape_cast %swap3A_73 : vector<16xi32> to vector<16xi32>
    %swap3A_75 = vector.shape_cast %min3A_71 : vector<16xi32> to vector<16xi32>
    tpu.vector_store %arg5[%swap3A_72], %swap3A_75 {strides = array<i32>} : memref<160xi32, #tpu.memory_space<vmem>>, vector<16xi32>,
    %get3A_76 = arith.constant 96 : index
    %get3A_77 = tpu.vector_load %arg5[%get3A_76] {strides = array<i32>} : memref<160xi32, #tpu.memory_space<vmem>>, vector<16xi32>,
    %get3A_78 = vector.shape_cast %get3A_77 : vector<16xi32> to vector<16xi32>
    %jit3A_79 = arith.constant 0 : i32
    %jit3A_80 = arith.constant 2047 : i32
    %max3A_81 = vector.broadcast %jit3A_79 : i32 to vector<16xi32>
    %max3A_82 = arith.maxsi %max3A_81, %get3A_78 : vector<16xi32>
    %min3A_83 = vector.broadcast %jit3A_80 : i32 to vector<16xi32>
    %min3A_84 = arith.minsi %min3A_83, %max3A_82 : vector<16xi32>
    %swap3A_85 = arith.constant 96 : index
    %swap3A_86 = tpu.vector_load %arg5[%swap3A_85] {strides = array<i32>} : memref<160xi32, #tpu.memory_space<vmem>>, vector<16xi32>,
    %swap3A_87 = vector.shape_cast %swap3A_86 : vector<16xi32> to vector<16xi32>
    %swap3A_88 = vector.shape_cast %min3A_84 : vector<16xi32> to vector<16xi32>
    tpu.vector_store %arg5[%swap3A_85], %swap3A_88 {strides = array<i32>} : memref<160xi32, #tpu.memory_space<vmem>>, vector<16xi32>,
    %get3A_89 = arith.constant 112 : index
    %get3A_90 = tpu.vector_load %arg5[%get3A_89] {strides = array<i32>} : memref<160xi32, #tpu.memory_space<vmem>>, vector<16xi32>,
    %get3A_91 = vector.shape_cast %get3A_90 : vector<16xi32> to vector<16xi32>
    %jit3A_92 = arith.constant 0 : i32
    %jit3A_93 = arith.constant 2047 : i32
    %max3A_94 = vector.broadcast %jit3A_92 : i32 to vector<16xi32>
    %max3A_95 = arith.maxsi %max3A_94, %get3A_91 : vector<16xi32>
    %min3A_96 = vector.broadcast %jit3A_93 : i32 to vector<16xi32>
    %min3A_97 = arith.minsi %min3A_96, %max3A_95 : vector<16xi32>
    %swap3A_98 = arith.constant 112 : index
    %swap3A_99 = tpu.vector_load %arg5[%swap3A_98] {strides = array<i32>} : memref<160xi32, #tpu.memory_space<vmem>>, vector<16xi32>,
    %swap3A_100 = vector.shape_cast %swap3A_99 : vector<16xi32> to vector<16xi32>
    %swap3A_101 = vector.shape_cast %min3A_97 : vector<16xi32> to vector<16xi32>
    tpu.vector_store %arg5[%swap3A_98], %swap3A_101 {strides = array<i32>} : memref<160xi32, #tpu.memory_space<vmem>>, vector<16xi32>,
    %get3A_102 = arith.constant 128 : index
    %get3A_103 = tpu.vector_load %arg5[%get3A_102] {strides = array<i32>} : memref<160xi32, #tpu.memory_space<vmem>>, vector<16xi32>,
    %get3A_104 = vector.shape_cast %get3A_103 : vector<16xi32> to vector<16xi32>
    %jit3A_105 = arith.constant 0 : i32
    %jit3A_106 = arith.constant 2047 : i32
    %max3A_107 = vector.broadcast %jit3A_105 : i32 to vector<16xi32>
    %max3A_108 = arith.maxsi %max3A_107, %get3A_104 : vector<16xi32>
    %min3A_109 = vector.broadcast %jit3A_106 : i32 to vector<16xi32>
    %min3A_110 = arith.minsi %min3A_109, %max3A_108 : vector<16xi32>
    %swap3A_111 = arith.constant 128 : index
    %swap3A_112 = tpu.vector_load %arg5[%swap3A_111] {strides = array<i32>} : memref<160xi32, #tpu.memory_space<vmem>>, vector<16xi32>,
    %swap3A_113 = vector.shape_cast %swap3A_112 : vector<16xi32> to vector<16xi32>
    %swap3A_114 = vector.shape_cast %min3A_110 : vector<16xi32> to vector<16xi32>
    tpu.vector_store %arg5[%swap3A_111], %swap3A_114 {strides = array<i32>} : memref<160xi32, #tpu.memory_space<vmem>>, vector<16xi32>,
    %get3A_115 = arith.constant 144 : index
    %get3A_116 = tpu.vector_load %arg5[%get3A_115] {strides = array<i32>} : memref<160xi32, #tpu.memory_space<vmem>>, vector<16xi32>,
    %get3A_117 = vector.shape_cast %get3A_116 : vector<16xi32> to vector<16xi32>
    %jit3A_118 = arith.constant 0 : i32
    %jit3A_119 = arith.constant 2047 : i32
    %max3A_120 = vector.broadcast %jit3A_118 : i32 to vector<16xi32>
    %max3A_121 = arith.maxsi %max3A_120, %get3A_117 : vector<16xi32>
    %min3A_122 = vector.broadcast %jit3A_119 : i32 to vector<16xi32>
    %min3A_123 = arith.minsi %min3A_122, %max3A_121 : vector<16xi32>
    %swap3A_124 = arith.constant 144 : index
    %swap3A_125 = tpu.vector_load %arg5[%swap3A_124] {strides = array<i32>} : memref<160xi32, #tpu.memory_space<vmem>>, vector<16xi32>,
    %swap3A_126 = vector.shape_cast %swap3A_125 : vector<16xi32> to vector<16xi32>
    %swap3A_127 = vector.shape_cast %min3A_123 : vector<16xi32> to vector<16xi32>
    tpu.vector_store %arg5[%swap3A_124], %swap3A_127 {strides = array<i32>} : memref<160xi32, #tpu.memory_space<vmem>>, vector<16xi32>,
    %dma_start3A = arith.constant 0 : i32
    %dma_start3A_128 = arith.constant 0 : i32
    %dma_start3A_129 = tpu.memref_slice %arg6[%dma_start3A, %dma_start3A_128] : memref<160x768xf32, #tpu.memory_space<vmem>> -> memref<16x768xf32, #tpu.memory_space<vmem>>
    %dma_start3A_130 = arith.constant 0 : i32
    %dma_start3A_131 = tpu.memref_slice %arg5[%dma_start3A_130] : memref<160xi32, #tpu.memory_space<vmem>> -> memref<16xi32, #tpu.memory_space<vmem>>
    %dma_start3A_132 = arith.constant 0 : i32
    %dma_start3A_133 = arith.constant 0 : i32
    %dma_start3A_134 = tpu.memref_slice %arg2[%dma_start3A_132, %dma_start3A_133] : memref<2048x768xf32, #tpu.memory_space<hbm>> -> memref<2048x768xf32, #tpu.memory_space<hbm>>
    tpu.enqueue_indirect_dma source(%dma_start3A_134 : memref<2048x768xf32, #tpu.memory_space<hbm>>) target(%dma_start3A_129 : memref<16x768xf32, #tpu.memory_space<vmem>>) offsets(%dma_start3A_131 : memref<16xi32, #tpu.memory_space<vmem>>) semaphore(%arg7 : memref<!tpu.dma_semaphore, #tpu.memory_space<semaphore_mem>>)
    %dma_start3A_135 = arith.constant 16 : i32
    %dma_start3A_136 = arith.constant 0 : i32
    %dma_start3A_137 = tpu.memref_slice %arg6[%dma_start3A_135, %dma_start3A_136] : memref<160x768xf32, #tpu.memory_space<vmem>> -> memref<16x768xf32, #tpu.memory_space<vmem>>
    %dma_start3A_138 = arith.constant 16 : i32
    %dma_start3A_139 = tpu.memref_slice %arg5[%dma_start3A_138] : memref<160xi32, #tpu.memory_space<vmem>> -> memref<16xi32, #tpu.memory_space<vmem>>
    %dma_start3A_140 = arith.constant 0 : i32
    %dma_start3A_141 = arith.constant 0 : i32
    %dma_start3A_142 = tpu.memref_slice %arg2[%dma_start3A_140, %dma_start3A_141] : memref<2048x768xf32, #tpu.memory_space<hbm>> -> memref<2048x768xf32, #tpu.memory_space<hbm>>
    tpu.enqueue_indirect_dma source(%dma_start3A_142 : memref<2048x768xf32, #tpu.memory_space<hbm>>) target(%dma_start3A_137 : memref<16x768xf32, #tpu.memory_space<vmem>>) offsets(%dma_start3A_139 : memref<16xi32, #tpu.memory_space<vmem>>) semaphore(%arg7 : memref<!tpu.dma_semaphore, #tpu.memory_space<semaphore_mem>>)
    %dma_start3A_143 = arith.constant 32 : i32
    %dma_start3A_144 = arith.constant 0 : i32
    %dma_start3A_145 = tpu.memref_slice %arg6[%dma_start3A_143, %dma_start3A_144] : memref<160x768xf32, #tpu.memory_space<vmem>> -> memref<16x768xf32, #tpu.memory_space<vmem>>
    %dma_start3A_146 = arith.constant 32 : i32
    %dma_start3A_147 = tpu.memref_slice %arg5[%dma_start3A_146] : memref<160xi32, #tpu.memory_space<vmem>> -> memref<16xi32, #tpu.memory_space<vmem>>
    %dma_start3A_148 = arith.constant 0 : i32
    %dma_start3A_149 = arith.constant 0 : i32
    %dma_start3A_150 = tpu.memref_slice %arg2[%dma_start3A_148, %dma_start3A_149] : memref<2048x768xf32, #tpu.memory_space<hbm>> -> memref<2048x768xf32, #tpu.memory_space<hbm>>
    tpu.enqueue_indirect_dma source(%dma_start3A_150 : memref<2048x768xf32, #tpu.memory_space<hbm>>) target(%dma_start3A_145 : memref<16x768xf32, #tpu.memory_space<vmem>>) offsets(%dma_start3A_147 : memref<16xi32, #tpu.memory_space<vmem>>) semaphore(%arg7 : memref<!tpu.dma_semaphore, #tpu.memory_space<semaphore_mem>>)
    %dma_start3A_151 = arith.constant 48 : i32
    %dma_start3A_152 = arith.constant 0 : i32
    %dma_start3A_153 = tpu.memref_slice %arg6[%dma_start3A_151, %dma_start3A_152] : memref<160x768xf32, #tpu.memory_space<vmem>> -> memref<16x768xf32, #tpu.memory_space<vmem>>
    %dma_start3A_154 = arith.constant 48 : i32
    %dma_start3A_155 = tpu.memref_slice %arg5[%dma_start3A_154] : memref<160xi32, #tpu.memory_space<vmem>> -> memref<16xi32, #tpu.memory_space<vmem>>
    %dma_start3A_156 = arith.constant 0 : i32
    %dma_start3A_157 = arith.constant 0 : i32
    %dma_start3A_158 = tpu.memref_slice %arg2[%dma_start3A_156, %dma_start3A_157] : memref<2048x768xf32, #tpu.memory_space<hbm>> -> memref<2048x768xf32, #tpu.memory_space<hbm>>
    tpu.enqueue_indirect_dma source(%dma_start3A_158 : memref<2048x768xf32, #tpu.memory_space<hbm>>) target(%dma_start3A_153 : memref<16x768xf32, #tpu.memory_space<vmem>>) offsets(%dma_start3A_155 : memref<16xi32, #tpu.memory_space<vmem>>) semaphore(%arg7 : memref<!tpu.dma_semaphore, #tpu.memory_space<semaphore_mem>>)
    %dma_start3A_159 = arith.constant 64 : i32
    %dma_start3A_160 = arith.constant 0 : i32
    %dma_start3A_161 = tpu.memref_slice %arg6[%dma_start3A_159, %dma_start3A_160] : memref<160x768xf32, #tpu.memory_space<vmem>> -> memref<16x768xf32, #tpu.memory_space<vmem>>
    %dma_start3A_162 = arith.constant 64 : i32
    %dma_start3A_163 = tpu.memref_slice %arg5[%dma_start3A_162] : memref<160xi32, #tpu.memory_space<vmem>> -> memref<16xi32, #tpu.memory_space<vmem>>
    %dma_start3A_164 = arith.constant 0 : i32
    %dma_start3A_165 = arith.constant 0 : i32
    %dma_start3A_166 = tpu.memref_slice %arg2[%dma_start3A_164, %dma_start3A_165] : memref<2048x768xf32, #tpu.memory_space<hbm>> -> memref<2048x768xf32, #tpu.memory_space<hbm>>
    tpu.enqueue_indirect_dma source(%dma_start3A_166 : memref<2048x768xf32, #tpu.memory_space<hbm>>) target(%dma_start3A_161 : memref<16x768xf32, #tpu.memory_space<vmem>>) offsets(%dma_start3A_163 : memref<16xi32, #tpu.memory_space<vmem>>) semaphore(%arg7 : memref<!tpu.dma_semaphore, #tpu.memory_space<semaphore_mem>>)
    %dma_start3A_167 = arith.constant 80 : i32
    %dma_start3A_168 = arith.constant 0 : i32
    %dma_start3A_169 = tpu.memref_slice %arg6[%dma_start3A_167, %dma_start3A_168] : memref<160x768xf32, #tpu.memory_space<vmem>> -> memref<16x768xf32, #tpu.memory_space<vmem>>
    %dma_start3A_170 = arith.constant 80 : i32
    %dma_start3A_171 = tpu.memref_slice %arg5[%dma_start3A_170] : memref<160xi32, #tpu.memory_space<vmem>> -> memref<16xi32, #tpu.memory_space<vmem>>
    %dma_start3A_172 = arith.constant 0 : i32
    %dma_start3A_173 = arith.constant 0 : i32
    %dma_start3A_174 = tpu.memref_slice %arg2[%dma_start3A_172, %dma_start3A_173] : memref<2048x768xf32, #tpu.memory_space<hbm>> -> memref<2048x768xf32, #tpu.memory_space<hbm>>
    tpu.enqueue_indirect_dma source(%dma_start3A_174 : memref<2048x768xf32, #tpu.memory_space<hbm>>) target(%dma_start3A_169 : memref<16x768xf32, #tpu.memory_space<vmem>>) offsets(%dma_start3A_171 : memref<16xi32, #tpu.memory_space<vmem>>) semaphore(%arg7 : memref<!tpu.dma_semaphore, #tpu.memory_space<semaphore_mem>>)
    %dma_start3A_175 = arith.constant 96 : i32
    %dma_start3A_176 = arith.constant 0 : i32
    %dma_start3A_177 = tpu.memref_slice %arg6[%dma_start3A_175, %dma_start3A_176] : memref<160x768xf32, #tpu.memory_space<vmem>> -> memref<16x768xf32, #tpu.memory_space<vmem>>
    %dma_start3A_178 = arith.constant 96 : i32
    %dma_start3A_179 = tpu.memref_slice %arg5[%dma_start3A_178] : memref<160xi32, #tpu.memory_space<vmem>> -> memref<16xi32, #tpu.memory_space<vmem>>
    %dma_start3A_180 = arith.constant 0 : i32
    %dma_start3A_181 = arith.constant 0 : i32
    %dma_start3A_182 = tpu.memref_slice %arg2[%dma_start3A_180, %dma_start3A_181] : memref<2048x768xf32, #tpu.memory_space<hbm>> -> memref<2048x768xf32, #tpu.memory_space<hbm>>
    tpu.enqueue_indirect_dma source(%dma_start3A_182 : memref<2048x768xf32, #tpu.memory_space<hbm>>) target(%dma_start3A_177 : memref<16x768xf32, #tpu.memory_space<vmem>>) offsets(%dma_start3A_179 : memref<16xi32, #tpu.memory_space<vmem>>) semaphore(%arg7 : memref<!tpu.dma_semaphore, #tpu.memory_space<semaphore_mem>>)
    %dma_start3A_183 = arith.constant 112 : i32
    %dma_start3A_184 = arith.constant 0 : i32
    %dma_start3A_185 = tpu.memref_slice %arg6[%dma_start3A_183, %dma_start3A_184] : memref<160x768xf32, #tpu.memory_space<vmem>> -> memref<16x768xf32, #tpu.memory_space<vmem>>
    %dma_start3A_186 = arith.constant 112 : i32
    %dma_start3A_187 = tpu.memref_slice %arg5[%dma_start3A_186] : memref<160xi32, #tpu.memory_space<vmem>> -> memref<16xi32, #tpu.memory_space<vmem>>
    %dma_start3A_188 = arith.constant 0 : i32
    %dma_start3A_189 = arith.constant 0 : i32
    %dma_start3A_190 = tpu.memref_slice %arg2[%dma_start3A_188, %dma_start3A_189] : memref<2048x768xf32, #tpu.memory_space<hbm>> -> memref<2048x768xf32, #tpu.memory_space<hbm>>
    tpu.enqueue_indirect_dma source(%dma_start3A_190 : memref<2048x768xf32, #tpu.memory_space<hbm>>) target(%dma_start3A_185 : memref<16x768xf32, #tpu.memory_space<vmem>>) offsets(%dma_start3A_187 : memref<16xi32, #tpu.memory_space<vmem>>) semaphore(%arg7 : memref<!tpu.dma_semaphore, #tpu.memory_space<semaphore_mem>>)
    %dma_start3A_191 = arith.constant 128 : i32
    %dma_start3A_192 = arith.constant 0 : i32
    %dma_start3A_193 = tpu.memref_slice %arg6[%dma_start3A_191, %dma_start3A_192] : memref<160x768xf32, #tpu.memory_space<vmem>> -> memref<16x768xf32, #tpu.memory_space<vmem>>
    %dma_start3A_194 = arith.constant 128 : i32
    %dma_start3A_195 = tpu.memref_slice %arg5[%dma_start3A_194] : memref<160xi32, #tpu.memory_space<vmem>> -> memref<16xi32, #tpu.memory_space<vmem>>
    %dma_start3A_196 = arith.constant 0 : i32
    %dma_start3A_197 = arith.constant 0 : i32
    %dma_start3A_198 = tpu.memref_slice %arg2[%dma_start3A_196, %dma_start3A_197] : memref<2048x768xf32, #tpu.memory_space<hbm>> -> memref<2048x768xf32, #tpu.memory_space<hbm>>
    tpu.enqueue_indirect_dma source(%dma_start3A_198 : memref<2048x768xf32, #tpu.memory_space<hbm>>) target(%dma_start3A_193 : memref<16x768xf32, #tpu.memory_space<vmem>>) offsets(%dma_start3A_195 : memref<16xi32, #tpu.memory_space<vmem>>) semaphore(%arg7 : memref<!tpu.dma_semaphore, #tpu.memory_space<semaphore_mem>>)
    %dma_start3A_199 = arith.constant 144 : i32
    %dma_start3A_200 = arith.constant 0 : i32
    %dma_start3A_201 = tpu.memref_slice %arg6[%dma_start3A_199, %dma_start3A_200] : memref<160x768xf32, #tpu.memory_space<vmem>> -> memref<16x768xf32, #tpu.memory_space<vmem>>
    %dma_start3A_202 = arith.constant 144 : i32
    %dma_start3A_203 = tpu.memref_slice %arg5[%dma_start3A_202] : memref<160xi32, #tpu.memory_space<vmem>> -> memref<16xi32, #tpu.memory_space<vmem>>
    %dma_start3A_204 = arith.constant 0 : i32
    %dma_start3A_205 = arith.constant 0 : i32
    %dma_start3A_206 = tpu.memref_slice %arg2[%dma_start3A_204, %dma_start3A_205] : memref<2048x768xf32, #tpu.memory_space<hbm>> -> memref<2048x768xf32, #tpu.memory_space<hbm>>
    tpu.enqueue_indirect_dma source(%dma_start3A_206 : memref<2048x768xf32, #tpu.memory_space<hbm>>) target(%dma_start3A_201 : memref<16x768xf32, #tpu.memory_space<vmem>>) offsets(%dma_start3A_203 : memref<16xi32, #tpu.memory_space<vmem>>) semaphore(%arg7 : memref<!tpu.dma_semaphore, #tpu.memory_space<semaphore_mem>>)
    %dma_wait3A = arith.constant 0 : i32
    %dma_wait3A_207 = arith.constant 0 : i32
    %dma_wait3A_208 = tpu.memref_slice %arg6[%dma_wait3A, %dma_wait3A_207] : memref<160x768xf32, #tpu.memory_space<vmem>> -> memref<16x768xf32, #tpu.memory_space<vmem>>
    %dma_wait3A_209 = arith.constant 0 : i32
    %dma_wait3A_210 = tpu.memref_slice %arg5[%dma_wait3A_209] : memref<160xi32, #tpu.memory_space<vmem>> -> memref<16xi32, #tpu.memory_space<vmem>>
    %dma_wait3A_211 = arith.constant 0 : i32
    %dma_wait3A_212 = arith.constant 0 : i32
    %dma_wait3A_213 = tpu.memref_slice %arg2[%dma_wait3A_211, %dma_wait3A_212] : memref<2048x768xf32, #tpu.memory_space<hbm>> -> memref<2048x768xf32, #tpu.memory_space<hbm>>
    tpu.wait_indirect_dma semaphore(%arg7 : memref<!tpu.dma_semaphore, #tpu.memory_space<semaphore_mem>>) src(%dma_wait3A_213 : memref<2048x768xf32, #tpu.memory_space<hbm>>) dst(%dma_wait3A_208 : memref<16x768xf32, #tpu.memory_space<vmem>>)
    %dma_wait3A_214 = arith.constant 16 : i32
    %dma_wait3A_215 = arith.constant 0 : i32
    %dma_wait3A_216 = tpu.memref_slice %arg6[%dma_wait3A_214, %dma_wait3A_215] : memref<160x768xf32, #tpu.memory_space<vmem>> -> memref<16x768xf32, #tpu.memory_space<vmem>>
    %dma_wait3A_217 = arith.constant 16 : i32
    %dma_wait3A_218 = tpu.memref_slice %arg5[%dma_wait3A_217] : memref<160xi32, #tpu.memory_space<vmem>> -> memref<16xi32, #tpu.memory_space<vmem>>
    %dma_wait3A_219 = arith.constant 0 : i32
    %dma_wait3A_220 = arith.constant 0 : i32
    %dma_wait3A_221 = tpu.memref_slice %arg2[%dma_wait3A_219, %dma_wait3A_220] : memref<2048x768xf32, #tpu.memory_space<hbm>> -> memref<2048x768xf32, #tpu.memory_space<hbm>>
    tpu.wait_indirect_dma semaphore(%arg7 : memref<!tpu.dma_semaphore, #tpu.memory_space<semaphore_mem>>) src(%dma_wait3A_221 : memref<2048x768xf32, #tpu.memory_space<hbm>>) dst(%dma_wait3A_216 : memref<16x768xf32, #tpu.memory_space<vmem>>)
    %dma_wait3A_222 = arith.constant 32 : i32
    %dma_wait3A_223 = arith.constant 0 : i32
    %dma_wait3A_224 = tpu.memref_slice %arg6[%dma_wait3A_222, %dma_wait3A_223] : memref<160x768xf32, #tpu.memory_space<vmem>> -> memref<16x768xf32, #tpu.memory_space<vmem>>
    %dma_wait3A_225 = arith.constant 32 : i32
    %dma_wait3A_226 = tpu.memref_slice %arg5[%dma_wait3A_225] : memref<160xi32, #tpu.memory_space<vmem>> -> memref<16xi32, #tpu.memory_space<vmem>>
    %dma_wait3A_227 = arith.constant 0 : i32
    %dma_wait3A_228 = arith.constant 0 : i32
    %dma_wait3A_229 = tpu.memref_slice %arg2[%dma_wait3A_227, %dma_wait3A_228] : memref<2048x768xf32, #tpu.memory_space<hbm>> -> memref<2048x768xf32, #tpu.memory_space<hbm>>
    tpu.wait_indirect_dma semaphore(%arg7 : memref<!tpu.dma_semaphore, #tpu.memory_space<semaphore_mem>>) src(%dma_wait3A_229 : memref<2048x768xf32, #tpu.memory_space<hbm>>) dst(%dma_wait3A_224 : memref<16x768xf32, #tpu.memory_space<vmem>>)
    %dma_wait3A_230 = arith.constant 48 : i32
    %dma_wait3A_231 = arith.constant 0 : i32
    %dma_wait3A_232 = tpu.memref_slice %arg6[%dma_wait3A_230, %dma_wait3A_231] : memref<160x768xf32, #tpu.memory_space<vmem>> -> memref<16x768xf32, #tpu.memory_space<vmem>>
    %dma_wait3A_233 = arith.constant 48 : i32
    %dma_wait3A_234 = tpu.memref_slice %arg5[%dma_wait3A_233] : memref<160xi32, #tpu.memory_space<vmem>> -> memref<16xi32, #tpu.memory_space<vmem>>
    %dma_wait3A_235 = arith.constant 0 : i32
    %dma_wait3A_236 = arith.constant 0 : i32
    %dma_wait3A_237 = tpu.memref_slice %arg2[%dma_wait3A_235, %dma_wait3A_236] : memref<2048x768xf32, #tpu.memory_space<hbm>> -> memref<2048x768xf32, #tpu.memory_space<hbm>>
    tpu.wait_indirect_dma semaphore(%arg7 : memref<!tpu.dma_semaphore, #tpu.memory_space<semaphore_mem>>) src(%dma_wait3A_237 : memref<2048x768xf32, #tpu.memory_space<hbm>>) dst(%dma_wait3A_232 : memref<16x768xf32, #tpu.memory_space<vmem>>)
    %dma_wait3A_238 = arith.constant 64 : i32
    %dma_wait3A_239 = arith.constant 0 : i32
    %dma_wait3A_240 = tpu.memref_slice %arg6[%dma_wait3A_238, %dma_wait3A_239] : memref<160x768xf32, #tpu.memory_space<vmem>> -> memref<16x768xf32, #tpu.memory_space<vmem>>
    %dma_wait3A_241 = arith.constant 64 : i32
    %dma_wait3A_242 = tpu.memref_slice %arg5[%dma_wait3A_241] : memref<160xi32, #tpu.memory_space<vmem>> -> memref<16xi32, #tpu.memory_space<vmem>>
    %dma_wait3A_243 = arith.constant 0 : i32
    %dma_wait3A_244 = arith.constant 0 : i32
    %dma_wait3A_245 = tpu.memref_slice %arg2[%dma_wait3A_243, %dma_wait3A_244] : memref<2048x768xf32, #tpu.memory_space<hbm>> -> memref<2048x768xf32, #tpu.memory_space<hbm>>
    tpu.wait_indirect_dma semaphore(%arg7 : memref<!tpu.dma_semaphore, #tpu.memory_space<semaphore_mem>>) src(%dma_wait3A_245 : memref<2048x768xf32, #tpu.memory_space<hbm>>) dst(%dma_wait3A_240 : memref<16x768xf32, #tpu.memory_space<vmem>>)
    %dma_wait3A_246 = arith.constant 80 : i32
    %dma_wait3A_247 = arith.constant 0 : i32
    %dma_wait3A_248 = tpu.memref_slice %arg6[%dma_wait3A_246, %dma_wait3A_247] : memref<160x768xf32, #tpu.memory_space<vmem>> -> memref<16x768xf32, #tpu.memory_space<vmem>>
    %dma_wait3A_249 = arith.constant 80 : i32
    %dma_wait3A_250 = tpu.memref_slice %arg5[%dma_wait3A_249] : memref<160xi32, #tpu.memory_space<vmem>> -> memref<16xi32, #tpu.memory_space<vmem>>
    %dma_wait3A_251 = arith.constant 0 : i32
    %dma_wait3A_252 = arith.constant 0 : i32
    %dma_wait3A_253 = tpu.memref_slice %arg2[%dma_wait3A_251, %dma_wait3A_252] : memref<2048x768xf32, #tpu.memory_space<hbm>> -> memref<2048x768xf32, #tpu.memory_space<hbm>>
    tpu.wait_indirect_dma semaphore(%arg7 : memref<!tpu.dma_semaphore, #tpu.memory_space<semaphore_mem>>) src(%dma_wait3A_253 : memref<2048x768xf32, #tpu.memory_space<hbm>>) dst(%dma_wait3A_248 : memref<16x768xf32, #tpu.memory_space<vmem>>)
    %dma_wait3A_254 = arith.constant 96 : i32
    %dma_wait3A_255 = arith.constant 0 : i32
    %dma_wait3A_256 = tpu.memref_slice %arg6[%dma_wait3A_254, %dma_wait3A_255] : memref<160x768xf32, #tpu.memory_space<vmem>> -> memref<16x768xf32, #tpu.memory_space<vmem>>
    %dma_wait3A_257 = arith.constant 96 : i32
    %dma_wait3A_258 = tpu.memref_slice %arg5[%dma_wait3A_257] : memref<160xi32, #tpu.memory_space<vmem>> -> memref<16xi32, #tpu.memory_space<vmem>>
    %dma_wait3A_259 = arith.constant 0 : i32
    %dma_wait3A_260 = arith.constant 0 : i32
    %dma_wait3A_261 = tpu.memref_slice %arg2[%dma_wait3A_259, %dma_wait3A_260] : memref<2048x768xf32, #tpu.memory_space<hbm>> -> memref<2048x768xf32, #tpu.memory_space<hbm>>
    tpu.wait_indirect_dma semaphore(%arg7 : memref<!tpu.dma_semaphore, #tpu.memory_space<semaphore_mem>>) src(%dma_wait3A_261 : memref<2048x768xf32, #tpu.memory_space<hbm>>) dst(%dma_wait3A_256 : memref<16x768xf32, #tpu.memory_space<vmem>>)
    %dma_wait3A_262 = arith.constant 112 : i32
    %dma_wait3A_263 = arith.constant 0 : i32
    %dma_wait3A_264 = tpu.memref_slice %arg6[%dma_wait3A_262, %dma_wait3A_263] : memref<160x768xf32, #tpu.memory_space<vmem>> -> memref<16x768xf32, #tpu.memory_space<vmem>>
    %dma_wait3A_265 = arith.constant 112 : i32
    %dma_wait3A_266 = tpu.memref_slice %arg5[%dma_wait3A_265] : memref<160xi32, #tpu.memory_space<vmem>> -> memref<16xi32, #tpu.memory_space<vmem>>
    %dma_wait3A_267 = arith.constant 0 : i32
    %dma_wait3A_268 = arith.constant 0 : i32
    %dma_wait3A_269 = tpu.memref_slice %arg2[%dma_wait3A_267, %dma_wait3A_268] : memref<2048x768xf32, #tpu.memory_space<hbm>> -> memref<2048x768xf32, #tpu.memory_space<hbm>>
    tpu.wait_indirect_dma semaphore(%arg7 : memref<!tpu.dma_semaphore, #tpu.memory_space<semaphore_mem>>) src(%dma_wait3A_269 : memref<2048x768xf32, #tpu.memory_space<hbm>>) dst(%dma_wait3A_264 : memref<16x768xf32, #tpu.memory_space<vmem>>)
    %dma_wait3A_270 = arith.constant 128 : i32
    %dma_wait3A_271 = arith.constant 0 : i32
    %dma_wait3A_272 = tpu.memref_slice %arg6[%dma_wait3A_270, %dma_wait3A_271] : memref<160x768xf32, #tpu.memory_space<vmem>> -> memref<16x768xf32, #tpu.memory_space<vmem>>
    %dma_wait3A_273 = arith.constant 128 : i32
    %dma_wait3A_274 = tpu.memref_slice %arg5[%dma_wait3A_273] : memref<160xi32, #tpu.memory_space<vmem>> -> memref<16xi32, #tpu.memory_space<vmem>>
    %dma_wait3A_275 = arith.constant 0 : i32
    %dma_wait3A_276 = arith.constant 0 : i32
    %dma_wait3A_277 = tpu.memref_slice %arg2[%dma_wait3A_275, %dma_wait3A_276] : memref<2048x768xf32, #tpu.memory_space<hbm>> -> memref<2048x768xf32, #tpu.memory_space<hbm>>
    tpu.wait_indirect_dma semaphore(%arg7 : memref<!tpu.dma_semaphore, #tpu.memory_space<semaphore_mem>>) src(%dma_wait3A_277 : memref<2048x768xf32, #tpu.memory_space<hbm>>) dst(%dma_wait3A_272 : memref<16x768xf32, #tpu.memory_space<vmem>>)
    %dma_wait3A_278 = arith.constant 144 : i32
    %dma_wait3A_279 = arith.constant 0 : i32
    %dma_wait3A_280 = tpu.memref_slice %arg6[%dma_wait3A_278, %dma_wait3A_279] : memref<160x768xf32, #tpu.memory_space<vmem>> -> memref<16x768xf32, #tpu.memory_space<vmem>>
    %dma_wait3A_281 = arith.constant 144 : i32
    %dma_wait3A_282 = tpu.memref_slice %arg5[%dma_wait3A_281] : memref<160xi32, #tpu.memory_space<vmem>> -> memref<16xi32, #tpu.memory_space<vmem>>
    %dma_wait3A_283 = arith.constant 0 : i32
    %dma_wait3A_284 = arith.constant 0 : i32
    %dma_wait3A_285 = tpu.memref_slice %arg2[%dma_wait3A_283, %dma_wait3A_284] : memref<2048x768xf32, #tpu.memory_space<hbm>> -> memref<2048x768xf32, #tpu.memory_space<hbm>>
    tpu.wait_indirect_dma semaphore(%arg7 : memref<!tpu.dma_semaphore, #tpu.memory_space<semaphore_mem>>) src(%dma_wait3A_285 : memref<2048x768xf32, #tpu.memory_space<hbm>>) dst(%dma_wait3A_280 : memref<16x768xf32, #tpu.memory_space<vmem>>)
    "tpu.region"() ({
      %run_scoped3A = tpu.sem_alloc : memref<!tpu.dma_semaphore, #tpu.memory_space<semaphore_mem>>
      %dma_start3A_286 = arith.constant 0 : i32
      %dma_start3A_287 = tpu.memref_slice %arg4[%mul3A_2, %dma_start3A_286] : memref<5120x768xf32, #tpu.memory_space<hbm>> -> memref<160x768xf32, #tpu.memory_space<hbm>>
      %dma_start3A_288 = arith.constant 0 : i32
      %dma_start3A_289 = tpu.memref_slice %arg4[%mul3A_2, %dma_start3A_288] : memref<5120x768xf32, #tpu.memory_space<hbm>> -> memref<160x768xf32, #tpu.memory_space<hbm>>
      tpu.enqueue_dma source(%arg6 : memref<160x768xf32, #tpu.memory_space<vmem>>) target(%dma_start3A_289 : memref<160x768xf32, #tpu.memory_space<hbm>>) target_semaphore(%run_scoped3A : memref<!tpu.dma_semaphore, #tpu.memory_space<semaphore_mem>>)
      %dma_wait3A_290 = arith.constant 0 : i32
      %dma_wait3A_291 = tpu.memref_slice %arg4[%mul3A_2, %dma_wait3A_290] : memref<5120x768xf32, #tpu.memory_space<hbm>> -> memref<160x768xf32, #tpu.memory_space<hbm>>
      %dma_wait3A_292 = arith.constant 0 : i32
      %dma_wait3A_293 = tpu.memref_slice %arg4[%mul3A_2, %dma_wait3A_292] : memref<5120x768xf32, #tpu.memory_space<hbm>> -> memref<160x768xf32, #tpu.memory_space<hbm>>
      tpu.wait_dma2 semaphore(%run_scoped3A : memref<!tpu.dma_semaphore, #tpu.memory_space<semaphore_mem>>) src(%arg6 : memref<160x768xf32, #tpu.memory_space<vmem>>) dst(%dma_wait3A_293 : memref<160x768xf32, #tpu.memory_space<hbm>>)
      tpu.yield
    }) : () -> ()
    return
  }
}

module attributes {stable_mosaic.version = 14 : i64} {
  func.func @_meta_body(%arg0: i32, %arg1: memref<2048x768xf32, #tpu.memory_space<vmem>>, %arg2: memref<768x128xf32, #tpu.memory_space<vmem>>, %arg3: memref<1x128xf32, #tpu.memory_space<vmem>>, %arg4: memref<2048x1xi32, #tpu.memory_space<vmem>>, %arg5: memref<2048x1xi32, #tpu.memory_space<vmem>>, %arg6: memref<2048x1xf32, #tpu.memory_space<vmem>>, %arg7: memref<2048x1xf32, #tpu.memory_space<vmem>>, %arg8: memref<1x128xi32, #tpu.memory_space<vmem>>) attributes {dimension_semantics = [#tpu.dimension_semantics<arbitrary>], iteration_bounds = array<i64: 1>, scalar_prefetch = 0 : i64, scratch_operands = 0 : i64, tpu.core_type = #tpu.core_type<tc>, window_params = [{pipeline_mode = #tpu.pipeline_mode<synchronous>, transform_indices = @transform_0, window_bounds = array<i64: 2048, 768>}, {pipeline_mode = #tpu.pipeline_mode<synchronous>, transform_indices = @transform_1, window_bounds = array<i64: 768, 128>}, {pipeline_mode = #tpu.pipeline_mode<synchronous>, transform_indices = @transform_2, window_bounds = array<i64: 1, 128>}, {pipeline_mode = #tpu.pipeline_mode<synchronous>, transform_indices = @transform_3, window_bounds = array<i64: 2048, 1>}, {pipeline_mode = #tpu.pipeline_mode<synchronous>, transform_indices = @transform_4, window_bounds = array<i64: 2048, 1>}, {pipeline_mode = #tpu.pipeline_mode<synchronous>, transform_indices = @transform_5, window_bounds = array<i64: 2048, 1>}, {pipeline_mode = #tpu.pipeline_mode<synchronous>, transform_indices = @transform_6, window_bounds = array<i64: 2048, 1>}, {pipeline_mode = #tpu.pipeline_mode<synchronous>, transform_indices = @transform_7, window_bounds = array<i64: 1, 128>}]} {
    %iota3A = tpu.iota {dimensions = array<i32: 1>} : vector<2048x128xi32>
    %get3A = arith.constant 0 : index
    %get3A_0 = arith.constant 0 : index
    %get3A_1 = vector.load %arg1[%get3A, %get3A_0] : memref<2048x768xf32, #tpu.memory_space<vmem>>, vector<2048x768xf32>
    %get3A_2 = arith.constant 0 : index
    %get3A_3 = arith.constant 0 : index
    %get3A_4 = vector.load %arg2[%get3A_2, %get3A_3] : memref<768x128xf32, #tpu.memory_space<vmem>>, vector<768x128xf32>
    %dot_general3A = arith.constant dense<0.000000e+00> : vector<2048x128xf32>
    %dot_general3A_5 = tpu.matmul %get3A_1, %get3A_4, %dot_general3A {dimension_numbers = #tpu.dot_dimension_numbers<[1], [0], [0], [1], [0, 0, 1, 1], [], []>, transpose_lhs_hint = false} : vector<2048x768xf32>, vector<768x128xf32>, vector<2048x128xf32> -> vector<2048x128xf32>
    %get3A_6 = arith.constant 0 : index
    %get3A_7 = arith.constant 0 : index
    %get3A_8 = vector.load %arg3[%get3A_6, %get3A_7] : memref<1x128xf32, #tpu.memory_space<vmem>>, vector<1x128xf32>
    %add3A = vector.broadcast %get3A_8 : vector<1x128xf32> to vector<2048x128xf32>
    %add3A_9 = arith.addf %dot_general3A_5, %add3A : vector<2048x128xf32>
    %reduce_max3A = arith.constant dense<0xFF800000> : vector<2048xf32>
    %reduce_max3A_10 = vector.multi_reduction <maximumf>, %add3A_9, %reduce_max3A [1] : vector<2048x128xf32> to vector<2048xf32>
    %broadcast_in_dim3A = vector.shape_cast %reduce_max3A_10 : vector<2048xf32> to vector<2048x1xf32>
    %sub3A = vector.broadcast %broadcast_in_dim3A : vector<2048x1xf32> to vector<2048x128xf32>
    %sub3A_11 = arith.subf %add3A_9, %sub3A : vector<2048x128xf32>
    %exp3A = math.exp %sub3A_11 : vector<2048x128xf32>
    %reduce_sum3A = arith.constant dense<0.000000e+00> : vector<2048xf32>
    %reduce_sum3A_12 = vector.multi_reduction <add>, %exp3A, %reduce_sum3A [1] : vector<2048x128xf32> to vector<2048xf32>
    %broadcast_in_dim3A_13 = vector.shape_cast %reduce_sum3A_12 : vector<2048xf32> to vector<2048x1xf32>
    %div3A = vector.broadcast %broadcast_in_dim3A_13 : vector<2048x1xf32> to vector<2048x128xf32>
    %div3A_14 = arith.divf %exp3A, %div3A : vector<2048x128xf32>
    %reduce_max3A_15 = arith.constant dense<0xFF800000> : vector<2048xf32>
    %reduce_max3A_16 = vector.multi_reduction <maximumf>, %div3A_14, %reduce_max3A_15 [1] : vector<2048x128xf32> to vector<2048xf32>
    %broadcast_in_dim3A_17 = vector.shape_cast %reduce_max3A_16 : vector<2048xf32> to vector<2048x1xf32>
    %eq3A = vector.broadcast %broadcast_in_dim3A_17 : vector<2048x1xf32> to vector<2048x128xf32>
    %eq3A_18 = arith.cmpf oeq, %div3A_14, %eq3A : vector<2048x128xf32>
    %jit3A = arith.constant 128 : i32
    %broadcast_in_dim3A_19 = vector.broadcast %jit3A : i32 to vector<2048x128xi32>
    %select_n3A = arith.select %eq3A_18, %iota3A, %broadcast_in_dim3A_19 : vector<2048x128xi1>, vector<2048x128xi32>
    %reduce_min3A = arith.constant dense<2147483647> : vector<2048xi32>
    %reduce_min3A_20 = vector.multi_reduction <minsi>, %select_n3A, %reduce_min3A [1] : vector<2048x128xi32> to vector<2048xi32>
    %broadcast_in_dim3A_21 = vector.shape_cast %reduce_min3A_20 : vector<2048xi32> to vector<2048x1xi32>
    %eq3A_22 = vector.broadcast %broadcast_in_dim3A_21 : vector<2048x1xi32> to vector<2048x128xi32>
    %eq3A_23 = arith.cmpi eq, %iota3A, %eq3A_22 : vector<2048x128xi32>
    %jit3A_24 = arith.constant -1.000000e+00 : f32
    %broadcast_in_dim3A_25 = vector.broadcast %jit3A_24 : f32 to vector<2048x128xf32>
    %select_n3A_26 = arith.select %eq3A_23, %broadcast_in_dim3A_25, %div3A_14 : vector<2048x128xi1>, vector<2048x128xf32>
    %reduce_max3A_27 = arith.constant dense<0xFF800000> : vector<2048xf32>
    %reduce_max3A_28 = vector.multi_reduction <maximumf>, %select_n3A_26, %reduce_max3A_27 [1] : vector<2048x128xf32> to vector<2048xf32>
    %broadcast_in_dim3A_29 = vector.shape_cast %reduce_max3A_28 : vector<2048xf32> to vector<2048x1xf32>
    %eq3A_30 = vector.broadcast %broadcast_in_dim3A_29 : vector<2048x1xf32> to vector<2048x128xf32>
    %eq3A_31 = arith.cmpf oeq, %select_n3A_26, %eq3A_30 : vector<2048x128xf32>
    %jit3A_32 = arith.constant 128 : i32
    %broadcast_in_dim3A_33 = vector.broadcast %jit3A_32 : i32 to vector<2048x128xi32>
    %select_n3A_34 = arith.select %eq3A_31, %iota3A, %broadcast_in_dim3A_33 : vector<2048x128xi1>, vector<2048x128xi32>
    %reduce_min3A_35 = arith.constant dense<2147483647> : vector<2048xi32>
    %reduce_min3A_36 = vector.multi_reduction <minsi>, %select_n3A_34, %reduce_min3A_35 [1] : vector<2048x128xi32> to vector<2048xi32>
    %broadcast_in_dim3A_37 = vector.shape_cast %reduce_min3A_36 : vector<2048xi32> to vector<2048x1xi32>
    %add3A_38 = arith.addf %broadcast_in_dim3A_17, %broadcast_in_dim3A_29 : vector<2048x1xf32>
    %add3A_39 = arith.constant 1.000000e-10 : f32
    %add3A_40 = vector.broadcast %add3A_39 : f32 to vector<2048x1xf32>
    %add3A_41 = arith.addf %add3A_38, %add3A_40 : vector<2048x1xf32>
    %div3A_42 = arith.divf %broadcast_in_dim3A_17, %add3A_41 : vector<2048x1xf32>
    %swap3A = arith.constant 0 : index
    %swap3A_43 = arith.constant 0 : index
    %swap3A_44 = vector.load %arg6[%swap3A, %swap3A_43] : memref<2048x1xf32, #tpu.memory_space<vmem>>, vector<2048x1xf32>
    tpu.vector_store %arg6[%swap3A, %swap3A_43], %div3A_42 {strides = array<i32>} : memref<2048x1xf32, #tpu.memory_space<vmem>>, vector<2048x1xf32>,
    %div3A_45 = arith.divf %broadcast_in_dim3A_29, %add3A_41 : vector<2048x1xf32>
    %swap3A_46 = arith.constant 0 : index
    %swap3A_47 = arith.constant 0 : index
    %swap3A_48 = vector.load %arg7[%swap3A_46, %swap3A_47] : memref<2048x1xf32, #tpu.memory_space<vmem>>, vector<2048x1xf32>
    tpu.vector_store %arg7[%swap3A_46, %swap3A_47], %div3A_45 {strides = array<i32>} : memref<2048x1xf32, #tpu.memory_space<vmem>>, vector<2048x1xf32>,
    %eq3A_49 = vector.broadcast %broadcast_in_dim3A_21 : vector<2048x1xi32> to vector<2048x128xi32>
    %eq3A_50 = arith.cmpi eq, %iota3A, %eq3A_49 : vector<2048x128xi32>
    %jit3A_51 = arith.constant 1.000000e+00 : f32
    %jit3A_52 = arith.constant 0.000000e+00 : f32
    %broadcast_in_dim3A_53 = vector.broadcast %jit3A_51 : f32 to vector<2048x128xf32>
    %broadcast_in_dim3A_54 = vector.broadcast %jit3A_52 : f32 to vector<2048x128xf32>
    %select_n3A_55 = arith.select %eq3A_50, %broadcast_in_dim3A_53, %broadcast_in_dim3A_54 : vector<2048x128xi1>, vector<2048x128xf32>
    %eq3A_56 = vector.broadcast %broadcast_in_dim3A_37 : vector<2048x1xi32> to vector<2048x128xi32>
    %eq3A_57 = arith.cmpi eq, %iota3A, %eq3A_56 : vector<2048x128xi32>
    %jit3A_58 = arith.constant 1.000000e+00 : f32
    %jit3A_59 = arith.constant 0.000000e+00 : f32
    %broadcast_in_dim3A_60 = vector.broadcast %jit3A_58 : f32 to vector<2048x128xf32>
    %broadcast_in_dim3A_61 = vector.broadcast %jit3A_59 : f32 to vector<2048x128xf32>
    %select_n3A_62 = arith.select %eq3A_57, %broadcast_in_dim3A_60, %broadcast_in_dim3A_61 : vector<2048x128xi1>, vector<2048x128xf32>
    %iota3A_63 = tpu.iota {dimensions = array<i32: 0>} : vector<128x128xi32>
    %iota3A_64 = tpu.iota {dimensions = array<i32: 1>} : vector<128x128xi32>
    %lt3A = arith.cmpi slt, %iota3A_64, %iota3A_63 : vector<128x128xi32>
    %jit3A_65 = arith.constant 1.000000e+00 : f32
    %jit3A_66 = arith.constant 0.000000e+00 : f32
    %broadcast_in_dim3A_67 = vector.broadcast %jit3A_65 : f32 to vector<128x128xf32>
    %broadcast_in_dim3A_68 = vector.broadcast %jit3A_66 : f32 to vector<128x128xf32>
    %select_n3A_69 = arith.select %lt3A, %broadcast_in_dim3A_67, %broadcast_in_dim3A_68 : vector<128x128xi1>, vector<128x128xf32>
    %lt3A_70 = arith.cmpi slt, %iota3A_63, %iota3A_64 : vector<128x128xi32>
    %jit3A_71 = arith.constant 1.000000e+00 : f32
    %jit3A_72 = arith.constant 0.000000e+00 : f32
    %broadcast_in_dim3A_73 = vector.broadcast %jit3A_71 : f32 to vector<128x128xf32>
    %broadcast_in_dim3A_74 = vector.broadcast %jit3A_72 : f32 to vector<128x128xf32>
    %select_n3A_75 = arith.select %lt3A_70, %broadcast_in_dim3A_73, %broadcast_in_dim3A_74 : vector<128x128xi1>, vector<128x128xf32>
    %broadcast_in_dim3A_76 = arith.constant 0.000000e+00 : f32
    %broadcast_in_dim3A_77 = vector.broadcast %broadcast_in_dim3A_76 : f32 to vector<1x128xf32>
    %slice3A = vector.extract_strided_slice %select_n3A_55 {offsets = [0, 0], sizes = [128, 128], strides = [1, 1]} : vector<2048x128xf32> to vector<128x128xf32>
    %dot_general3A_78 = arith.constant dense<0.000000e+00> : vector<128x128xf32>
    %dot_general3A_79 = tpu.matmul %select_n3A_69, %slice3A, %dot_general3A_78 {dimension_numbers = #tpu.dot_dimension_numbers<[1], [0], [0], [1], [0, 0, 1, 1], [], []>, transpose_lhs_hint = false} : vector<128x128xf32>, vector<128x128xf32>, vector<128x128xf32> -> vector<128x128xf32>
    %add3A_80 = vector.broadcast %broadcast_in_dim3A_77 : vector<1x128xf32> to vector<128x128xf32>
    %add3A_81 = arith.addf %dot_general3A_79, %add3A_80 : vector<128x128xf32>
    %reduce_sum3A_82 = arith.constant dense<0.000000e+00> : vector<128xf32>
    %reduce_sum3A_83 = vector.multi_reduction <add>, %slice3A, %reduce_sum3A_82 [0] : vector<128x128xf32> to vector<128xf32>
    %broadcast_in_dim3A_84 = vector.shape_cast %reduce_sum3A_83 : vector<128xf32> to vector<1x128xf32>
    %add3A_85 = arith.addf %broadcast_in_dim3A_77, %broadcast_in_dim3A_84 : vector<1x128xf32>
    %slice3A_86 = vector.extract_strided_slice %select_n3A_55 {offsets = [128, 0], sizes = [128, 128], strides = [1, 1]} : vector<2048x128xf32> to vector<128x128xf32>
    %dot_general3A_87 = arith.constant dense<0.000000e+00> : vector<128x128xf32>
    %dot_general3A_88 = tpu.matmul %select_n3A_69, %slice3A_86, %dot_general3A_87 {dimension_numbers = #tpu.dot_dimension_numbers<[1], [0], [0], [1], [0, 0, 1, 1], [], []>, transpose_lhs_hint = false} : vector<128x128xf32>, vector<128x128xf32>, vector<128x128xf32> -> vector<128x128xf32>
    %add3A_89 = vector.broadcast %add3A_85 : vector<1x128xf32> to vector<128x128xf32>
    %add3A_90 = arith.addf %dot_general3A_88, %add3A_89 : vector<128x128xf32>
    %reduce_sum3A_91 = arith.constant dense<0.000000e+00> : vector<128xf32>
    %reduce_sum3A_92 = vector.multi_reduction <add>, %slice3A_86, %reduce_sum3A_91 [0] : vector<128x128xf32> to vector<128xf32>
    %broadcast_in_dim3A_93 = vector.shape_cast %reduce_sum3A_92 : vector<128xf32> to vector<1x128xf32>
    %add3A_94 = arith.addf %add3A_85, %broadcast_in_dim3A_93 : vector<1x128xf32>
    %slice3A_95 = vector.extract_strided_slice %select_n3A_55 {offsets = [256, 0], sizes = [128, 128], strides = [1, 1]} : vector<2048x128xf32> to vector<128x128xf32>
    %dot_general3A_96 = arith.constant dense<0.000000e+00> : vector<128x128xf32>
    %dot_general3A_97 = tpu.matmul %select_n3A_69, %slice3A_95, %dot_general3A_96 {dimension_numbers = #tpu.dot_dimension_numbers<[1], [0], [0], [1], [0, 0, 1, 1], [], []>, transpose_lhs_hint = false} : vector<128x128xf32>, vector<128x128xf32>, vector<128x128xf32> -> vector<128x128xf32>
    %add3A_98 = vector.broadcast %add3A_94 : vector<1x128xf32> to vector<128x128xf32>
    %add3A_99 = arith.addf %dot_general3A_97, %add3A_98 : vector<128x128xf32>
    %reduce_sum3A_100 = arith.constant dense<0.000000e+00> : vector<128xf32>
    %reduce_sum3A_101 = vector.multi_reduction <add>, %slice3A_95, %reduce_sum3A_100 [0] : vector<128x128xf32> to vector<128xf32>
    %broadcast_in_dim3A_102 = vector.shape_cast %reduce_sum3A_101 : vector<128xf32> to vector<1x128xf32>
    %add3A_103 = arith.addf %add3A_94, %broadcast_in_dim3A_102 : vector<1x128xf32>
    %slice3A_104 = vector.extract_strided_slice %select_n3A_55 {offsets = [384, 0], sizes = [128, 128], strides = [1, 1]} : vector<2048x128xf32> to vector<128x128xf32>
    %dot_general3A_105 = arith.constant dense<0.000000e+00> : vector<128x128xf32>
    %dot_general3A_106 = tpu.matmul %select_n3A_69, %slice3A_104, %dot_general3A_105 {dimension_numbers = #tpu.dot_dimension_numbers<[1], [0], [0], [1], [0, 0, 1, 1], [], []>, transpose_lhs_hint = false} : vector<128x128xf32>, vector<128x128xf32>, vector<128x128xf32> -> vector<128x128xf32>
    %add3A_107 = vector.broadcast %add3A_103 : vector<1x128xf32> to vector<128x128xf32>
    %add3A_108 = arith.addf %dot_general3A_106, %add3A_107 : vector<128x128xf32>
    %reduce_sum3A_109 = arith.constant dense<0.000000e+00> : vector<128xf32>
    %reduce_sum3A_110 = vector.multi_reduction <add>, %slice3A_104, %reduce_sum3A_109 [0] : vector<128x128xf32> to vector<128xf32>
    %broadcast_in_dim3A_111 = vector.shape_cast %reduce_sum3A_110 : vector<128xf32> to vector<1x128xf32>
    %add3A_112 = arith.addf %add3A_103, %broadcast_in_dim3A_111 : vector<1x128xf32>
    %slice3A_113 = vector.extract_strided_slice %select_n3A_55 {offsets = [512, 0], sizes = [128, 128], strides = [1, 1]} : vector<2048x128xf32> to vector<128x128xf32>
    %dot_general3A_114 = arith.constant dense<0.000000e+00> : vector<128x128xf32>
    %dot_general3A_115 = tpu.matmul %select_n3A_69, %slice3A_113, %dot_general3A_114 {dimension_numbers = #tpu.dot_dimension_numbers<[1], [0], [0], [1], [0, 0, 1, 1], [], []>, transpose_lhs_hint = false} : vector<128x128xf32>, vector<128x128xf32>, vector<128x128xf32> -> vector<128x128xf32>
    %add3A_116 = vector.broadcast %add3A_112 : vector<1x128xf32> to vector<128x128xf32>
    %add3A_117 = arith.addf %dot_general3A_115, %add3A_116 : vector<128x128xf32>
    %reduce_sum3A_118 = arith.constant dense<0.000000e+00> : vector<128xf32>
    %reduce_sum3A_119 = vector.multi_reduction <add>, %slice3A_113, %reduce_sum3A_118 [0] : vector<128x128xf32> to vector<128xf32>
    %broadcast_in_dim3A_120 = vector.shape_cast %reduce_sum3A_119 : vector<128xf32> to vector<1x128xf32>
    %add3A_121 = arith.addf %add3A_112, %broadcast_in_dim3A_120 : vector<1x128xf32>
    %slice3A_122 = vector.extract_strided_slice %select_n3A_55 {offsets = [640, 0], sizes = [128, 128], strides = [1, 1]} : vector<2048x128xf32> to vector<128x128xf32>
    %dot_general3A_123 = arith.constant dense<0.000000e+00> : vector<128x128xf32>
    %dot_general3A_124 = tpu.matmul %select_n3A_69, %slice3A_122, %dot_general3A_123 {dimension_numbers = #tpu.dot_dimension_numbers<[1], [0], [0], [1], [0, 0, 1, 1], [], []>, transpose_lhs_hint = false} : vector<128x128xf32>, vector<128x128xf32>, vector<128x128xf32> -> vector<128x128xf32>
    %add3A_125 = vector.broadcast %add3A_121 : vector<1x128xf32> to vector<128x128xf32>
    %add3A_126 = arith.addf %dot_general3A_124, %add3A_125 : vector<128x128xf32>
    %reduce_sum3A_127 = arith.constant dense<0.000000e+00> : vector<128xf32>
    %reduce_sum3A_128 = vector.multi_reduction <add>, %slice3A_122, %reduce_sum3A_127 [0] : vector<128x128xf32> to vector<128xf32>
    %broadcast_in_dim3A_129 = vector.shape_cast %reduce_sum3A_128 : vector<128xf32> to vector<1x128xf32>
    %add3A_130 = arith.addf %add3A_121, %broadcast_in_dim3A_129 : vector<1x128xf32>
    %slice3A_131 = vector.extract_strided_slice %select_n3A_55 {offsets = [768, 0], sizes = [128, 128], strides = [1, 1]} : vector<2048x128xf32> to vector<128x128xf32>
    %dot_general3A_132 = arith.constant dense<0.000000e+00> : vector<128x128xf32>
    %dot_general3A_133 = tpu.matmul %select_n3A_69, %slice3A_131, %dot_general3A_132 {dimension_numbers = #tpu.dot_dimension_numbers<[1], [0], [0], [1], [0, 0, 1, 1], [], []>, transpose_lhs_hint = false} : vector<128x128xf32>, vector<128x128xf32>, vector<128x128xf32> -> vector<128x128xf32>
    %add3A_134 = vector.broadcast %add3A_130 : vector<1x128xf32> to vector<128x128xf32>
    %add3A_135 = arith.addf %dot_general3A_133, %add3A_134 : vector<128x128xf32>
    %reduce_sum3A_136 = arith.constant dense<0.000000e+00> : vector<128xf32>
    %reduce_sum3A_137 = vector.multi_reduction <add>, %slice3A_131, %reduce_sum3A_136 [0] : vector<128x128xf32> to vector<128xf32>
    %broadcast_in_dim3A_138 = vector.shape_cast %reduce_sum3A_137 : vector<128xf32> to vector<1x128xf32>
    %add3A_139 = arith.addf %add3A_130, %broadcast_in_dim3A_138 : vector<1x128xf32>
    %slice3A_140 = vector.extract_strided_slice %select_n3A_55 {offsets = [896, 0], sizes = [128, 128], strides = [1, 1]} : vector<2048x128xf32> to vector<128x128xf32>
    %dot_general3A_141 = arith.constant dense<0.000000e+00> : vector<128x128xf32>
    %dot_general3A_142 = tpu.matmul %select_n3A_69, %slice3A_140, %dot_general3A_141 {dimension_numbers = #tpu.dot_dimension_numbers<[1], [0], [0], [1], [0, 0, 1, 1], [], []>, transpose_lhs_hint = false} : vector<128x128xf32>, vector<128x128xf32>, vector<128x128xf32> -> vector<128x128xf32>
    %add3A_143 = vector.broadcast %add3A_139 : vector<1x128xf32> to vector<128x128xf32>
    %add3A_144 = arith.addf %dot_general3A_142, %add3A_143 : vector<128x128xf32>
    %reduce_sum3A_145 = arith.constant dense<0.000000e+00> : vector<128xf32>
    %reduce_sum3A_146 = vector.multi_reduction <add>, %slice3A_140, %reduce_sum3A_145 [0] : vector<128x128xf32> to vector<128xf32>
    %broadcast_in_dim3A_147 = vector.shape_cast %reduce_sum3A_146 : vector<128xf32> to vector<1x128xf32>
    %add3A_148 = arith.addf %add3A_139, %broadcast_in_dim3A_147 : vector<1x128xf32>
    %slice3A_149 = vector.extract_strided_slice %select_n3A_55 {offsets = [1024, 0], sizes = [128, 128], strides = [1, 1]} : vector<2048x128xf32> to vector<128x128xf32>
    %dot_general3A_150 = arith.constant dense<0.000000e+00> : vector<128x128xf32>
    %dot_general3A_151 = tpu.matmul %select_n3A_69, %slice3A_149, %dot_general3A_150 {dimension_numbers = #tpu.dot_dimension_numbers<[1], [0], [0], [1], [0, 0, 1, 1], [], []>, transpose_lhs_hint = false} : vector<128x128xf32>, vector<128x128xf32>, vector<128x128xf32> -> vector<128x128xf32>
    %add3A_152 = vector.broadcast %add3A_148 : vector<1x128xf32> to vector<128x128xf32>
    %add3A_153 = arith.addf %dot_general3A_151, %add3A_152 : vector<128x128xf32>
    %reduce_sum3A_154 = arith.constant dense<0.000000e+00> : vector<128xf32>
    %reduce_sum3A_155 = vector.multi_reduction <add>, %slice3A_149, %reduce_sum3A_154 [0] : vector<128x128xf32> to vector<128xf32>
    %broadcast_in_dim3A_156 = vector.shape_cast %reduce_sum3A_155 : vector<128xf32> to vector<1x128xf32>
    %add3A_157 = arith.addf %add3A_148, %broadcast_in_dim3A_156 : vector<1x128xf32>
    %slice3A_158 = vector.extract_strided_slice %select_n3A_55 {offsets = [1152, 0], sizes = [128, 128], strides = [1, 1]} : vector<2048x128xf32> to vector<128x128xf32>
    %dot_general3A_159 = arith.constant dense<0.000000e+00> : vector<128x128xf32>
    %dot_general3A_160 = tpu.matmul %select_n3A_69, %slice3A_158, %dot_general3A_159 {dimension_numbers = #tpu.dot_dimension_numbers<[1], [0], [0], [1], [0, 0, 1, 1], [], []>, transpose_lhs_hint = false} : vector<128x128xf32>, vector<128x128xf32>, vector<128x128xf32> -> vector<128x128xf32>
    %add3A_161 = vector.broadcast %add3A_157 : vector<1x128xf32> to vector<128x128xf32>
    %add3A_162 = arith.addf %dot_general3A_160, %add3A_161 : vector<128x128xf32>
    %reduce_sum3A_163 = arith.constant dense<0.000000e+00> : vector<128xf32>
    %reduce_sum3A_164 = vector.multi_reduction <add>, %slice3A_158, %reduce_sum3A_163 [0] : vector<128x128xf32> to vector<128xf32>
    %broadcast_in_dim3A_165 = vector.shape_cast %reduce_sum3A_164 : vector<128xf32> to vector<1x128xf32>
    %add3A_166 = arith.addf %add3A_157, %broadcast_in_dim3A_165 : vector<1x128xf32>
    %slice3A_167 = vector.extract_strided_slice %select_n3A_55 {offsets = [1280, 0], sizes = [128, 128], strides = [1, 1]} : vector<2048x128xf32> to vector<128x128xf32>
    %dot_general3A_168 = arith.constant dense<0.000000e+00> : vector<128x128xf32>
    %dot_general3A_169 = tpu.matmul %select_n3A_69, %slice3A_167, %dot_general3A_168 {dimension_numbers = #tpu.dot_dimension_numbers<[1], [0], [0], [1], [0, 0, 1, 1], [], []>, transpose_lhs_hint = false} : vector<128x128xf32>, vector<128x128xf32>, vector<128x128xf32> -> vector<128x128xf32>
    %add3A_170 = vector.broadcast %add3A_166 : vector<1x128xf32> to vector<128x128xf32>
    %add3A_171 = arith.addf %dot_general3A_169, %add3A_170 : vector<128x128xf32>
    %reduce_sum3A_172 = arith.constant dense<0.000000e+00> : vector<128xf32>
    %reduce_sum3A_173 = vector.multi_reduction <add>, %slice3A_167, %reduce_sum3A_172 [0] : vector<128x128xf32> to vector<128xf32>
    %broadcast_in_dim3A_174 = vector.shape_cast %reduce_sum3A_173 : vector<128xf32> to vector<1x128xf32>
    %add3A_175 = arith.addf %add3A_166, %broadcast_in_dim3A_174 : vector<1x128xf32>
    %slice3A_176 = vector.extract_strided_slice %select_n3A_55 {offsets = [1408, 0], sizes = [128, 128], strides = [1, 1]} : vector<2048x128xf32> to vector<128x128xf32>
    %dot_general3A_177 = arith.constant dense<0.000000e+00> : vector<128x128xf32>
    %dot_general3A_178 = tpu.matmul %select_n3A_69, %slice3A_176, %dot_general3A_177 {dimension_numbers = #tpu.dot_dimension_numbers<[1], [0], [0], [1], [0, 0, 1, 1], [], []>, transpose_lhs_hint = false} : vector<128x128xf32>, vector<128x128xf32>, vector<128x128xf32> -> vector<128x128xf32>
    %add3A_179 = vector.broadcast %add3A_175 : vector<1x128xf32> to vector<128x128xf32>
    %add3A_180 = arith.addf %dot_general3A_178, %add3A_179 : vector<128x128xf32>
    %reduce_sum3A_181 = arith.constant dense<0.000000e+00> : vector<128xf32>
    %reduce_sum3A_182 = vector.multi_reduction <add>, %slice3A_176, %reduce_sum3A_181 [0] : vector<128x128xf32> to vector<128xf32>
    %broadcast_in_dim3A_183 = vector.shape_cast %reduce_sum3A_182 : vector<128xf32> to vector<1x128xf32>
    %add3A_184 = arith.addf %add3A_175, %broadcast_in_dim3A_183 : vector<1x128xf32>
    %slice3A_185 = vector.extract_strided_slice %select_n3A_55 {offsets = [1536, 0], sizes = [128, 128], strides = [1, 1]} : vector<2048x128xf32> to vector<128x128xf32>
    %dot_general3A_186 = arith.constant dense<0.000000e+00> : vector<128x128xf32>
    %dot_general3A_187 = tpu.matmul %select_n3A_69, %slice3A_185, %dot_general3A_186 {dimension_numbers = #tpu.dot_dimension_numbers<[1], [0], [0], [1], [0, 0, 1, 1], [], []>, transpose_lhs_hint = false} : vector<128x128xf32>, vector<128x128xf32>, vector<128x128xf32> -> vector<128x128xf32>
    %add3A_188 = vector.broadcast %add3A_184 : vector<1x128xf32> to vector<128x128xf32>
    %add3A_189 = arith.addf %dot_general3A_187, %add3A_188 : vector<128x128xf32>
    %reduce_sum3A_190 = arith.constant dense<0.000000e+00> : vector<128xf32>
    %reduce_sum3A_191 = vector.multi_reduction <add>, %slice3A_185, %reduce_sum3A_190 [0] : vector<128x128xf32> to vector<128xf32>
    %broadcast_in_dim3A_192 = vector.shape_cast %reduce_sum3A_191 : vector<128xf32> to vector<1x128xf32>
    %add3A_193 = arith.addf %add3A_184, %broadcast_in_dim3A_192 : vector<1x128xf32>
    %slice3A_194 = vector.extract_strided_slice %select_n3A_55 {offsets = [1664, 0], sizes = [128, 128], strides = [1, 1]} : vector<2048x128xf32> to vector<128x128xf32>
    %dot_general3A_195 = arith.constant dense<0.000000e+00> : vector<128x128xf32>
    %dot_general3A_196 = tpu.matmul %select_n3A_69, %slice3A_194, %dot_general3A_195 {dimension_numbers = #tpu.dot_dimension_numbers<[1], [0], [0], [1], [0, 0, 1, 1], [], []>, transpose_lhs_hint = false} : vector<128x128xf32>, vector<128x128xf32>, vector<128x128xf32> -> vector<128x128xf32>
    %add3A_197 = vector.broadcast %add3A_193 : vector<1x128xf32> to vector<128x128xf32>
    %add3A_198 = arith.addf %dot_general3A_196, %add3A_197 : vector<128x128xf32>
    %reduce_sum3A_199 = arith.constant dense<0.000000e+00> : vector<128xf32>
    %reduce_sum3A_200 = vector.multi_reduction <add>, %slice3A_194, %reduce_sum3A_199 [0] : vector<128x128xf32> to vector<128xf32>
    %broadcast_in_dim3A_201 = vector.shape_cast %reduce_sum3A_200 : vector<128xf32> to vector<1x128xf32>
    %add3A_202 = arith.addf %add3A_193, %broadcast_in_dim3A_201 : vector<1x128xf32>
    %slice3A_203 = vector.extract_strided_slice %select_n3A_55 {offsets = [1792, 0], sizes = [128, 128], strides = [1, 1]} : vector<2048x128xf32> to vector<128x128xf32>
    %dot_general3A_204 = arith.constant dense<0.000000e+00> : vector<128x128xf32>
    %dot_general3A_205 = tpu.matmul %select_n3A_69, %slice3A_203, %dot_general3A_204 {dimension_numbers = #tpu.dot_dimension_numbers<[1], [0], [0], [1], [0, 0, 1, 1], [], []>, transpose_lhs_hint = false} : vector<128x128xf32>, vector<128x128xf32>, vector<128x128xf32> -> vector<128x128xf32>
    %add3A_206 = vector.broadcast %add3A_202 : vector<1x128xf32> to vector<128x128xf32>
    %add3A_207 = arith.addf %dot_general3A_205, %add3A_206 : vector<128x128xf32>
    %reduce_sum3A_208 = arith.constant dense<0.000000e+00> : vector<128xf32>
    %reduce_sum3A_209 = vector.multi_reduction <add>, %slice3A_203, %reduce_sum3A_208 [0] : vector<128x128xf32> to vector<128xf32>
    %broadcast_in_dim3A_210 = vector.shape_cast %reduce_sum3A_209 : vector<128xf32> to vector<1x128xf32>
    %add3A_211 = arith.addf %add3A_202, %broadcast_in_dim3A_210 : vector<1x128xf32>
    %slice3A_212 = vector.extract_strided_slice %select_n3A_55 {offsets = [1920, 0], sizes = [128, 128], strides = [1, 1]} : vector<2048x128xf32> to vector<128x128xf32>
    %dot_general3A_213 = arith.constant dense<0.000000e+00> : vector<128x128xf32>
    %dot_general3A_214 = tpu.matmul %select_n3A_69, %slice3A_212, %dot_general3A_213 {dimension_numbers = #tpu.dot_dimension_numbers<[1], [0], [0], [1], [0, 0, 1, 1], [], []>, transpose_lhs_hint = false} : vector<128x128xf32>, vector<128x128xf32>, vector<128x128xf32> -> vector<128x128xf32>
    %add3A_215 = vector.broadcast %add3A_211 : vector<1x128xf32> to vector<128x128xf32>
    %add3A_216 = arith.addf %dot_general3A_214, %add3A_215 : vector<128x128xf32>
    %reduce_sum3A_217 = arith.constant dense<0.000000e+00> : vector<128xf32>
    %reduce_sum3A_218 = vector.multi_reduction <add>, %slice3A_212, %reduce_sum3A_217 [0] : vector<128x128xf32> to vector<128xf32>
    %broadcast_in_dim3A_219 = vector.shape_cast %reduce_sum3A_218 : vector<128xf32> to vector<1x128xf32>
    %add3A_220 = arith.addf %add3A_211, %broadcast_in_dim3A_219 : vector<1x128xf32>
    %concatenate3A = tpu.concatenate %add3A_81, %add3A_90, %add3A_99, %add3A_108, %add3A_117, %add3A_126, %add3A_135, %add3A_144, %add3A_153, %add3A_162, %add3A_171, %add3A_180, %add3A_189, %add3A_198, %add3A_207, %add3A_216 in 0 : vector<128x128xf32>, vector<128x128xf32>, vector<128x128xf32>, vector<128x128xf32>, vector<128x128xf32>, vector<128x128xf32>, vector<128x128xf32>, vector<128x128xf32>, vector<128x128xf32>, vector<128x128xf32>, vector<128x128xf32>, vector<128x128xf32>, vector<128x128xf32>, vector<128x128xf32>, vector<128x128xf32>, vector<128x128xf32> -> vector<2048x128xf32>
    %broadcast_in_dim3A_221 = arith.constant 0.000000e+00 : f32
    %broadcast_in_dim3A_222 = vector.broadcast %broadcast_in_dim3A_221 : f32 to vector<1x128xf32>
    %slice3A_223 = vector.extract_strided_slice %select_n3A_62 {offsets = [0, 0], sizes = [128, 128], strides = [1, 1]} : vector<2048x128xf32> to vector<128x128xf32>
    %dot_general3A_224 = arith.constant dense<0.000000e+00> : vector<128x128xf32>
    %dot_general3A_225 = tpu.matmul %select_n3A_69, %slice3A_223, %dot_general3A_224 {dimension_numbers = #tpu.dot_dimension_numbers<[1], [0], [0], [1], [0, 0, 1, 1], [], []>, transpose_lhs_hint = false} : vector<128x128xf32>, vector<128x128xf32>, vector<128x128xf32> -> vector<128x128xf32>
    %add3A_226 = vector.broadcast %broadcast_in_dim3A_222 : vector<1x128xf32> to vector<128x128xf32>
    %add3A_227 = arith.addf %dot_general3A_225, %add3A_226 : vector<128x128xf32>
    %reduce_sum3A_228 = arith.constant dense<0.000000e+00> : vector<128xf32>
    %reduce_sum3A_229 = vector.multi_reduction <add>, %slice3A_223, %reduce_sum3A_228 [0] : vector<128x128xf32> to vector<128xf32>
    %broadcast_in_dim3A_230 = vector.shape_cast %reduce_sum3A_229 : vector<128xf32> to vector<1x128xf32>
    %add3A_231 = arith.addf %broadcast_in_dim3A_222, %broadcast_in_dim3A_230 : vector<1x128xf32>
    %slice3A_232 = vector.extract_strided_slice %select_n3A_62 {offsets = [128, 0], sizes = [128, 128], strides = [1, 1]} : vector<2048x128xf32> to vector<128x128xf32>
    %dot_general3A_233 = arith.constant dense<0.000000e+00> : vector<128x128xf32>
    %dot_general3A_234 = tpu.matmul %select_n3A_69, %slice3A_232, %dot_general3A_233 {dimension_numbers = #tpu.dot_dimension_numbers<[1], [0], [0], [1], [0, 0, 1, 1], [], []>, transpose_lhs_hint = false} : vector<128x128xf32>, vector<128x128xf32>, vector<128x128xf32> -> vector<128x128xf32>
    %add3A_235 = vector.broadcast %add3A_231 : vector<1x128xf32> to vector<128x128xf32>
    %add3A_236 = arith.addf %dot_general3A_234, %add3A_235 : vector<128x128xf32>
    %reduce_sum3A_237 = arith.constant dense<0.000000e+00> : vector<128xf32>
    %reduce_sum3A_238 = vector.multi_reduction <add>, %slice3A_232, %reduce_sum3A_237 [0] : vector<128x128xf32> to vector<128xf32>
    %broadcast_in_dim3A_239 = vector.shape_cast %reduce_sum3A_238 : vector<128xf32> to vector<1x128xf32>
    %add3A_240 = arith.addf %add3A_231, %broadcast_in_dim3A_239 : vector<1x128xf32>
    %slice3A_241 = vector.extract_strided_slice %select_n3A_62 {offsets = [256, 0], sizes = [128, 128], strides = [1, 1]} : vector<2048x128xf32> to vector<128x128xf32>
    %dot_general3A_242 = arith.constant dense<0.000000e+00> : vector<128x128xf32>
    %dot_general3A_243 = tpu.matmul %select_n3A_69, %slice3A_241, %dot_general3A_242 {dimension_numbers = #tpu.dot_dimension_numbers<[1], [0], [0], [1], [0, 0, 1, 1], [], []>, transpose_lhs_hint = false} : vector<128x128xf32>, vector<128x128xf32>, vector<128x128xf32> -> vector<128x128xf32>
    %add3A_244 = vector.broadcast %add3A_240 : vector<1x128xf32> to vector<128x128xf32>
    %add3A_245 = arith.addf %dot_general3A_243, %add3A_244 : vector<128x128xf32>
    %reduce_sum3A_246 = arith.constant dense<0.000000e+00> : vector<128xf32>
    %reduce_sum3A_247 = vector.multi_reduction <add>, %slice3A_241, %reduce_sum3A_246 [0] : vector<128x128xf32> to vector<128xf32>
    %broadcast_in_dim3A_248 = vector.shape_cast %reduce_sum3A_247 : vector<128xf32> to vector<1x128xf32>
    %add3A_249 = arith.addf %add3A_240, %broadcast_in_dim3A_248 : vector<1x128xf32>
    %slice3A_250 = vector.extract_strided_slice %select_n3A_62 {offsets = [384, 0], sizes = [128, 128], strides = [1, 1]} : vector<2048x128xf32> to vector<128x128xf32>
    %dot_general3A_251 = arith.constant dense<0.000000e+00> : vector<128x128xf32>
    %dot_general3A_252 = tpu.matmul %select_n3A_69, %slice3A_250, %dot_general3A_251 {dimension_numbers = #tpu.dot_dimension_numbers<[1], [0], [0], [1], [0, 0, 1, 1], [], []>, transpose_lhs_hint = false} : vector<128x128xf32>, vector<128x128xf32>, vector<128x128xf32> -> vector<128x128xf32>
    %add3A_253 = vector.broadcast %add3A_249 : vector<1x128xf32> to vector<128x128xf32>
    %add3A_254 = arith.addf %dot_general3A_252, %add3A_253 : vector<128x128xf32>
    %reduce_sum3A_255 = arith.constant dense<0.000000e+00> : vector<128xf32>
    %reduce_sum3A_256 = vector.multi_reduction <add>, %slice3A_250, %reduce_sum3A_255 [0] : vector<128x128xf32> to vector<128xf32>
    %broadcast_in_dim3A_257 = vector.shape_cast %reduce_sum3A_256 : vector<128xf32> to vector<1x128xf32>
    %add3A_258 = arith.addf %add3A_249, %broadcast_in_dim3A_257 : vector<1x128xf32>
    %slice3A_259 = vector.extract_strided_slice %select_n3A_62 {offsets = [512, 0], sizes = [128, 128], strides = [1, 1]} : vector<2048x128xf32> to vector<128x128xf32>
    %dot_general3A_260 = arith.constant dense<0.000000e+00> : vector<128x128xf32>
    %dot_general3A_261 = tpu.matmul %select_n3A_69, %slice3A_259, %dot_general3A_260 {dimension_numbers = #tpu.dot_dimension_numbers<[1], [0], [0], [1], [0, 0, 1, 1], [], []>, transpose_lhs_hint = false} : vector<128x128xf32>, vector<128x128xf32>, vector<128x128xf32> -> vector<128x128xf32>
    %add3A_262 = vector.broadcast %add3A_258 : vector<1x128xf32> to vector<128x128xf32>
    %add3A_263 = arith.addf %dot_general3A_261, %add3A_262 : vector<128x128xf32>
    %reduce_sum3A_264 = arith.constant dense<0.000000e+00> : vector<128xf32>
    %reduce_sum3A_265 = vector.multi_reduction <add>, %slice3A_259, %reduce_sum3A_264 [0] : vector<128x128xf32> to vector<128xf32>
    %broadcast_in_dim3A_266 = vector.shape_cast %reduce_sum3A_265 : vector<128xf32> to vector<1x128xf32>
    %add3A_267 = arith.addf %add3A_258, %broadcast_in_dim3A_266 : vector<1x128xf32>
    %slice3A_268 = vector.extract_strided_slice %select_n3A_62 {offsets = [640, 0], sizes = [128, 128], strides = [1, 1]} : vector<2048x128xf32> to vector<128x128xf32>
    %dot_general3A_269 = arith.constant dense<0.000000e+00> : vector<128x128xf32>
    %dot_general3A_270 = tpu.matmul %select_n3A_69, %slice3A_268, %dot_general3A_269 {dimension_numbers = #tpu.dot_dimension_numbers<[1], [0], [0], [1], [0, 0, 1, 1], [], []>, transpose_lhs_hint = false} : vector<128x128xf32>, vector<128x128xf32>, vector<128x128xf32> -> vector<128x128xf32>
    %add3A_271 = vector.broadcast %add3A_267 : vector<1x128xf32> to vector<128x128xf32>
    %add3A_272 = arith.addf %dot_general3A_270, %add3A_271 : vector<128x128xf32>
    %reduce_sum3A_273 = arith.constant dense<0.000000e+00> : vector<128xf32>
    %reduce_sum3A_274 = vector.multi_reduction <add>, %slice3A_268, %reduce_sum3A_273 [0] : vector<128x128xf32> to vector<128xf32>
    %broadcast_in_dim3A_275 = vector.shape_cast %reduce_sum3A_274 : vector<128xf32> to vector<1x128xf32>
    %add3A_276 = arith.addf %add3A_267, %broadcast_in_dim3A_275 : vector<1x128xf32>
    %slice3A_277 = vector.extract_strided_slice %select_n3A_62 {offsets = [768, 0], sizes = [128, 128], strides = [1, 1]} : vector<2048x128xf32> to vector<128x128xf32>
    %dot_general3A_278 = arith.constant dense<0.000000e+00> : vector<128x128xf32>
    %dot_general3A_279 = tpu.matmul %select_n3A_69, %slice3A_277, %dot_general3A_278 {dimension_numbers = #tpu.dot_dimension_numbers<[1], [0], [0], [1], [0, 0, 1, 1], [], []>, transpose_lhs_hint = false} : vector<128x128xf32>, vector<128x128xf32>, vector<128x128xf32> -> vector<128x128xf32>
    %add3A_280 = vector.broadcast %add3A_276 : vector<1x128xf32> to vector<128x128xf32>
    %add3A_281 = arith.addf %dot_general3A_279, %add3A_280 : vector<128x128xf32>
    %reduce_sum3A_282 = arith.constant dense<0.000000e+00> : vector<128xf32>
    %reduce_sum3A_283 = vector.multi_reduction <add>, %slice3A_277, %reduce_sum3A_282 [0] : vector<128x128xf32> to vector<128xf32>
    %broadcast_in_dim3A_284 = vector.shape_cast %reduce_sum3A_283 : vector<128xf32> to vector<1x128xf32>
    %add3A_285 = arith.addf %add3A_276, %broadcast_in_dim3A_284 : vector<1x128xf32>
    %slice3A_286 = vector.extract_strided_slice %select_n3A_62 {offsets = [896, 0], sizes = [128, 128], strides = [1, 1]} : vector<2048x128xf32> to vector<128x128xf32>
    %dot_general3A_287 = arith.constant dense<0.000000e+00> : vector<128x128xf32>
    %dot_general3A_288 = tpu.matmul %select_n3A_69, %slice3A_286, %dot_general3A_287 {dimension_numbers = #tpu.dot_dimension_numbers<[1], [0], [0], [1], [0, 0, 1, 1], [], []>, transpose_lhs_hint = false} : vector<128x128xf32>, vector<128x128xf32>, vector<128x128xf32> -> vector<128x128xf32>
    %add3A_289 = vector.broadcast %add3A_285 : vector<1x128xf32> to vector<128x128xf32>
    %add3A_290 = arith.addf %dot_general3A_288, %add3A_289 : vector<128x128xf32>
    %reduce_sum3A_291 = arith.constant dense<0.000000e+00> : vector<128xf32>
    %reduce_sum3A_292 = vector.multi_reduction <add>, %slice3A_286, %reduce_sum3A_291 [0] : vector<128x128xf32> to vector<128xf32>
    %broadcast_in_dim3A_293 = vector.shape_cast %reduce_sum3A_292 : vector<128xf32> to vector<1x128xf32>
    %add3A_294 = arith.addf %add3A_285, %broadcast_in_dim3A_293 : vector<1x128xf32>
    %slice3A_295 = vector.extract_strided_slice %select_n3A_62 {offsets = [1024, 0], sizes = [128, 128], strides = [1, 1]} : vector<2048x128xf32> to vector<128x128xf32>
    %dot_general3A_296 = arith.constant dense<0.000000e+00> : vector<128x128xf32>
    %dot_general3A_297 = tpu.matmul %select_n3A_69, %slice3A_295, %dot_general3A_296 {dimension_numbers = #tpu.dot_dimension_numbers<[1], [0], [0], [1], [0, 0, 1, 1], [], []>, transpose_lhs_hint = false} : vector<128x128xf32>, vector<128x128xf32>, vector<128x128xf32> -> vector<128x128xf32>
    %add3A_298 = vector.broadcast %add3A_294 : vector<1x128xf32> to vector<128x128xf32>
    %add3A_299 = arith.addf %dot_general3A_297, %add3A_298 : vector<128x128xf32>
    %reduce_sum3A_300 = arith.constant dense<0.000000e+00> : vector<128xf32>
    %reduce_sum3A_301 = vector.multi_reduction <add>, %slice3A_295, %reduce_sum3A_300 [0] : vector<128x128xf32> to vector<128xf32>
    %broadcast_in_dim3A_302 = vector.shape_cast %reduce_sum3A_301 : vector<128xf32> to vector<1x128xf32>
    %add3A_303 = arith.addf %add3A_294, %broadcast_in_dim3A_302 : vector<1x128xf32>
    %slice3A_304 = vector.extract_strided_slice %select_n3A_62 {offsets = [1152, 0], sizes = [128, 128], strides = [1, 1]} : vector<2048x128xf32> to vector<128x128xf32>
    %dot_general3A_305 = arith.constant dense<0.000000e+00> : vector<128x128xf32>
    %dot_general3A_306 = tpu.matmul %select_n3A_69, %slice3A_304, %dot_general3A_305 {dimension_numbers = #tpu.dot_dimension_numbers<[1], [0], [0], [1], [0, 0, 1, 1], [], []>, transpose_lhs_hint = false} : vector<128x128xf32>, vector<128x128xf32>, vector<128x128xf32> -> vector<128x128xf32>
    %add3A_307 = vector.broadcast %add3A_303 : vector<1x128xf32> to vector<128x128xf32>
    %add3A_308 = arith.addf %dot_general3A_306, %add3A_307 : vector<128x128xf32>
    %reduce_sum3A_309 = arith.constant dense<0.000000e+00> : vector<128xf32>
    %reduce_sum3A_310 = vector.multi_reduction <add>, %slice3A_304, %reduce_sum3A_309 [0] : vector<128x128xf32> to vector<128xf32>
    %broadcast_in_dim3A_311 = vector.shape_cast %reduce_sum3A_310 : vector<128xf32> to vector<1x128xf32>
    %add3A_312 = arith.addf %add3A_303, %broadcast_in_dim3A_311 : vector<1x128xf32>
    %slice3A_313 = vector.extract_strided_slice %select_n3A_62 {offsets = [1280, 0], sizes = [128, 128], strides = [1, 1]} : vector<2048x128xf32> to vector<128x128xf32>
    %dot_general3A_314 = arith.constant dense<0.000000e+00> : vector<128x128xf32>
    %dot_general3A_315 = tpu.matmul %select_n3A_69, %slice3A_313, %dot_general3A_314 {dimension_numbers = #tpu.dot_dimension_numbers<[1], [0], [0], [1], [0, 0, 1, 1], [], []>, transpose_lhs_hint = false} : vector<128x128xf32>, vector<128x128xf32>, vector<128x128xf32> -> vector<128x128xf32>
    %add3A_316 = vector.broadcast %add3A_312 : vector<1x128xf32> to vector<128x128xf32>
    %add3A_317 = arith.addf %dot_general3A_315, %add3A_316 : vector<128x128xf32>
    %reduce_sum3A_318 = arith.constant dense<0.000000e+00> : vector<128xf32>
    %reduce_sum3A_319 = vector.multi_reduction <add>, %slice3A_313, %reduce_sum3A_318 [0] : vector<128x128xf32> to vector<128xf32>
    %broadcast_in_dim3A_320 = vector.shape_cast %reduce_sum3A_319 : vector<128xf32> to vector<1x128xf32>
    %add3A_321 = arith.addf %add3A_312, %broadcast_in_dim3A_320 : vector<1x128xf32>
    %slice3A_322 = vector.extract_strided_slice %select_n3A_62 {offsets = [1408, 0], sizes = [128, 128], strides = [1, 1]} : vector<2048x128xf32> to vector<128x128xf32>
    %dot_general3A_323 = arith.constant dense<0.000000e+00> : vector<128x128xf32>
    %dot_general3A_324 = tpu.matmul %select_n3A_69, %slice3A_322, %dot_general3A_323 {dimension_numbers = #tpu.dot_dimension_numbers<[1], [0], [0], [1], [0, 0, 1, 1], [], []>, transpose_lhs_hint = false} : vector<128x128xf32>, vector<128x128xf32>, vector<128x128xf32> -> vector<128x128xf32>
    %add3A_325 = vector.broadcast %add3A_321 : vector<1x128xf32> to vector<128x128xf32>
    %add3A_326 = arith.addf %dot_general3A_324, %add3A_325 : vector<128x128xf32>
    %reduce_sum3A_327 = arith.constant dense<0.000000e+00> : vector<128xf32>
    %reduce_sum3A_328 = vector.multi_reduction <add>, %slice3A_322, %reduce_sum3A_327 [0] : vector<128x128xf32> to vector<128xf32>
    %broadcast_in_dim3A_329 = vector.shape_cast %reduce_sum3A_328 : vector<128xf32> to vector<1x128xf32>
    %add3A_330 = arith.addf %add3A_321, %broadcast_in_dim3A_329 : vector<1x128xf32>
    %slice3A_331 = vector.extract_strided_slice %select_n3A_62 {offsets = [1536, 0], sizes = [128, 128], strides = [1, 1]} : vector<2048x128xf32> to vector<128x128xf32>
    %dot_general3A_332 = arith.constant dense<0.000000e+00> : vector<128x128xf32>
    %dot_general3A_333 = tpu.matmul %select_n3A_69, %slice3A_331, %dot_general3A_332 {dimension_numbers = #tpu.dot_dimension_numbers<[1], [0], [0], [1], [0, 0, 1, 1], [], []>, transpose_lhs_hint = false} : vector<128x128xf32>, vector<128x128xf32>, vector<128x128xf32> -> vector<128x128xf32>
    %add3A_334 = vector.broadcast %add3A_330 : vector<1x128xf32> to vector<128x128xf32>
    %add3A_335 = arith.addf %dot_general3A_333, %add3A_334 : vector<128x128xf32>
    %reduce_sum3A_336 = arith.constant dense<0.000000e+00> : vector<128xf32>
    %reduce_sum3A_337 = vector.multi_reduction <add>, %slice3A_331, %reduce_sum3A_336 [0] : vector<128x128xf32> to vector<128xf32>
    %broadcast_in_dim3A_338 = vector.shape_cast %reduce_sum3A_337 : vector<128xf32> to vector<1x128xf32>
    %add3A_339 = arith.addf %add3A_330, %broadcast_in_dim3A_338 : vector<1x128xf32>
    %slice3A_340 = vector.extract_strided_slice %select_n3A_62 {offsets = [1664, 0], sizes = [128, 128], strides = [1, 1]} : vector<2048x128xf32> to vector<128x128xf32>
    %dot_general3A_341 = arith.constant dense<0.000000e+00> : vector<128x128xf32>
    %dot_general3A_342 = tpu.matmul %select_n3A_69, %slice3A_340, %dot_general3A_341 {dimension_numbers = #tpu.dot_dimension_numbers<[1], [0], [0], [1], [0, 0, 1, 1], [], []>, transpose_lhs_hint = false} : vector<128x128xf32>, vector<128x128xf32>, vector<128x128xf32> -> vector<128x128xf32>
    %add3A_343 = vector.broadcast %add3A_339 : vector<1x128xf32> to vector<128x128xf32>
    %add3A_344 = arith.addf %dot_general3A_342, %add3A_343 : vector<128x128xf32>
    %reduce_sum3A_345 = arith.constant dense<0.000000e+00> : vector<128xf32>
    %reduce_sum3A_346 = vector.multi_reduction <add>, %slice3A_340, %reduce_sum3A_345 [0] : vector<128x128xf32> to vector<128xf32>
    %broadcast_in_dim3A_347 = vector.shape_cast %reduce_sum3A_346 : vector<128xf32> to vector<1x128xf32>
    %add3A_348 = arith.addf %add3A_339, %broadcast_in_dim3A_347 : vector<1x128xf32>
    %slice3A_349 = vector.extract_strided_slice %select_n3A_62 {offsets = [1792, 0], sizes = [128, 128], strides = [1, 1]} : vector<2048x128xf32> to vector<128x128xf32>
    %dot_general3A_350 = arith.constant dense<0.000000e+00> : vector<128x128xf32>
    %dot_general3A_351 = tpu.matmul %select_n3A_69, %slice3A_349, %dot_general3A_350 {dimension_numbers = #tpu.dot_dimension_numbers<[1], [0], [0], [1], [0, 0, 1, 1], [], []>, transpose_lhs_hint = false} : vector<128x128xf32>, vector<128x128xf32>, vector<128x128xf32> -> vector<128x128xf32>
    %add3A_352 = vector.broadcast %add3A_348 : vector<1x128xf32> to vector<128x128xf32>
    %add3A_353 = arith.addf %dot_general3A_351, %add3A_352 : vector<128x128xf32>
    %reduce_sum3A_354 = arith.constant dense<0.000000e+00> : vector<128xf32>
    %reduce_sum3A_355 = vector.multi_reduction <add>, %slice3A_349, %reduce_sum3A_354 [0] : vector<128x128xf32> to vector<128xf32>
    %broadcast_in_dim3A_356 = vector.shape_cast %reduce_sum3A_355 : vector<128xf32> to vector<1x128xf32>
    %add3A_357 = arith.addf %add3A_348, %broadcast_in_dim3A_356 : vector<1x128xf32>
    %slice3A_358 = vector.extract_strided_slice %select_n3A_62 {offsets = [1920, 0], sizes = [128, 128], strides = [1, 1]} : vector<2048x128xf32> to vector<128x128xf32>
    %dot_general3A_359 = arith.constant dense<0.000000e+00> : vector<128x128xf32>
    %dot_general3A_360 = tpu.matmul %select_n3A_69, %slice3A_358, %dot_general3A_359 {dimension_numbers = #tpu.dot_dimension_numbers<[1], [0], [0], [1], [0, 0, 1, 1], [], []>, transpose_lhs_hint = false} : vector<128x128xf32>, vector<128x128xf32>, vector<128x128xf32> -> vector<128x128xf32>
    %add3A_361 = vector.broadcast %add3A_357 : vector<1x128xf32> to vector<128x128xf32>
    %add3A_362 = arith.addf %dot_general3A_360, %add3A_361 : vector<128x128xf32>
    %reduce_sum3A_363 = arith.constant dense<0.000000e+00> : vector<128xf32>
    %reduce_sum3A_364 = vector.multi_reduction <add>, %slice3A_358, %reduce_sum3A_363 [0] : vector<128x128xf32> to vector<128xf32>
    %broadcast_in_dim3A_365 = vector.shape_cast %reduce_sum3A_364 : vector<128xf32> to vector<1x128xf32>
    %add3A_366 = arith.addf %add3A_357, %broadcast_in_dim3A_365 : vector<1x128xf32>
    %concatenate3A_367 = tpu.concatenate %add3A_227, %add3A_236, %add3A_245, %add3A_254, %add3A_263, %add3A_272, %add3A_281, %add3A_290, %add3A_299, %add3A_308, %add3A_317, %add3A_326, %add3A_335, %add3A_344, %add3A_353, %add3A_362 in 0 : vector<128x128xf32>, vector<128x128xf32>, vector<128x128xf32>, vector<128x128xf32>, vector<128x128xf32>, vector<128x128xf32>, vector<128x128xf32>, vector<128x128xf32>, vector<128x128xf32>, vector<128x128xf32>, vector<128x128xf32>, vector<128x128xf32>, vector<128x128xf32>, vector<128x128xf32>, vector<128x128xf32>, vector<128x128xf32> -> vector<2048x128xf32>
    %add3A_368 = vector.broadcast %add3A_220 : vector<1x128xf32> to vector<2048x128xf32>
    %add3A_369 = arith.addf %concatenate3A_367, %add3A_368 : vector<2048x128xf32>
    %add3A_370 = arith.addf %add3A_220, %add3A_366 : vector<1x128xf32>
    %add3A_371 = arith.constant 1.270000e+02 : f32
    %add3A_372 = vector.broadcast %add3A_371 : f32 to vector<1x128xf32>
    %add3A_373 = arith.addf %add3A_370, %add3A_372 : vector<1x128xf32>
    %mul3A = arith.constant 7.812500e-03 : f32
    %mul3A_374 = vector.broadcast %mul3A : f32 to vector<1x128xf32>
    %mul3A_375 = arith.mulf %add3A_373, %mul3A_374 : vector<1x128xf32>
    %floor3A = math.floor %mul3A_375 : vector<1x128xf32>
    %dot_general3A_376 = arith.constant dense<0.000000e+00> : vector<1x128xf32>
    %dot_general3A_377 = tpu.matmul %floor3A, %select_n3A_75, %dot_general3A_376 {dimension_numbers = #tpu.dot_dimension_numbers<[1], [0], [0], [1], [0, 0, 1, 1], [], []>, transpose_lhs_hint = false} : vector<1x128xf32>, vector<128x128xf32>, vector<1x128xf32> -> vector<1x128xf32>
    %mul3A_378 = arith.constant 1.280000e+02 : f32
    %mul3A_379 = vector.broadcast %mul3A_378 : f32 to vector<1x128xf32>
    %mul3A_380 = arith.mulf %dot_general3A_377, %mul3A_379 : vector<1x128xf32>
    %add3A_381 = vector.broadcast %mul3A_380 : vector<1x128xf32> to vector<2048x128xf32>
    %add3A_382 = arith.addf %add3A_381, %concatenate3A : vector<2048x128xf32>
    %mul3A_383 = arith.mulf %select_n3A_55, %add3A_382 : vector<2048x128xf32>
    %reduce_sum3A_384 = arith.constant dense<0.000000e+00> : vector<2048xf32>
    %reduce_sum3A_385 = vector.multi_reduction <add>, %mul3A_383, %reduce_sum3A_384 [1] : vector<2048x128xf32> to vector<2048xf32>
    %broadcast_in_dim3A_386 = vector.shape_cast %reduce_sum3A_385 : vector<2048xf32> to vector<2048x1xf32>
    %add3A_387 = vector.broadcast %mul3A_380 : vector<1x128xf32> to vector<2048x128xf32>
    %add3A_388 = arith.addf %add3A_387, %add3A_369 : vector<2048x128xf32>
    %mul3A_389 = arith.mulf %select_n3A_62, %add3A_388 : vector<2048x128xf32>
    %reduce_sum3A_390 = arith.constant dense<0.000000e+00> : vector<2048xf32>
    %reduce_sum3A_391 = vector.multi_reduction <add>, %mul3A_389, %reduce_sum3A_390 [1] : vector<2048x128xf32> to vector<2048xf32>
    %broadcast_in_dim3A_392 = vector.shape_cast %reduce_sum3A_391 : vector<2048xf32> to vector<2048x1xf32>
    %convert_element_type3A = arith.fptosi %broadcast_in_dim3A_386 : vector<2048x1xf32> to vector<2048x1xi32>
    %swap3A_393 = arith.constant 0 : index
    %swap3A_394 = arith.constant 0 : index
    %swap3A_395 = vector.load %arg4[%swap3A_393, %swap3A_394] : memref<2048x1xi32, #tpu.memory_space<vmem>>, vector<2048x1xi32>
    tpu.vector_store %arg4[%swap3A_393, %swap3A_394], %convert_element_type3A {strides = array<i32>} : memref<2048x1xi32, #tpu.memory_space<vmem>>, vector<2048x1xi32>,
    %convert_element_type3A_396 = arith.fptosi %broadcast_in_dim3A_392 : vector<2048x1xf32> to vector<2048x1xi32>
    %swap3A_397 = arith.constant 0 : index
    %swap3A_398 = arith.constant 0 : index
    %swap3A_399 = vector.load %arg5[%swap3A_397, %swap3A_398] : memref<2048x1xi32, #tpu.memory_space<vmem>>, vector<2048x1xi32>
    tpu.vector_store %arg5[%swap3A_397, %swap3A_398], %convert_element_type3A_396 {strides = array<i32>} : memref<2048x1xi32, #tpu.memory_space<vmem>>, vector<2048x1xi32>,
    %broadcast_in_dim3A_400 = vector.shape_cast %dot_general3A_377 : vector<1x128xf32> to vector<1x128xf32>
    %broadcast_in_dim3A_401 = vector.broadcast %broadcast_in_dim3A_400 : vector<1x128xf32> to vector<128x128xf32>
    %transpose3A = tpu.transpose %broadcast_in_dim3A_401, [1, 0] : vector<128x128xf32> -> vector<128x128xf32>
    %slice3A_402 = vector.extract_strided_slice %transpose3A {offsets = [0, 0], sizes = [128, 1], strides = [1, 1]} : vector<128x128xf32> to vector<128x1xf32>
    %iota3A_403 = tpu.iota {dimensions = array<i32: 1>} : vector<128x128xi32>
    %convert_element_type3A_404 = arith.sitofp %iota3A_403 : vector<128x128xi32> to vector<128x128xf32>
    %le3A = vector.broadcast %slice3A_402 : vector<128x1xf32> to vector<128x128xf32>
    %le3A_405 = arith.cmpf ole, %le3A, %convert_element_type3A_404 : vector<128x128xf32>
    %jit3A_406 = arith.constant 1.000000e+00 : f32
    %jit3A_407 = arith.constant 0.000000e+00 : f32
    %broadcast_in_dim3A_408 = vector.broadcast %jit3A_406 : f32 to vector<128x128xf32>
    %broadcast_in_dim3A_409 = vector.broadcast %jit3A_407 : f32 to vector<128x128xf32>
    %select_n3A_410 = arith.select %le3A_405, %broadcast_in_dim3A_408, %broadcast_in_dim3A_409 : vector<128x128xi1>, vector<128x128xf32>
    %broadcast_in_dim3A_411 = arith.constant 1.000000e+00 : f32
    %broadcast_in_dim3A_412 = vector.broadcast %broadcast_in_dim3A_411 : f32 to vector<1x128xf32>
    %dot_general3A_413 = arith.constant dense<0.000000e+00> : vector<1x128xf32>
    %dot_general3A_414 = tpu.matmul %broadcast_in_dim3A_412, %select_n3A_410, %dot_general3A_413 {dimension_numbers = #tpu.dot_dimension_numbers<[1], [0], [0], [1], [0, 0, 1, 1], [], []>, transpose_lhs_hint = false} : vector<1x128xf32>, vector<128x128xf32>, vector<1x128xf32> -> vector<1x128xf32>
    %sub3A_415 = arith.constant 1.000000e+00 : f32
    %sub3A_416 = vector.broadcast %sub3A_415 : f32 to vector<1x128xf32>
    %sub3A_417 = arith.subf %dot_general3A_414, %sub3A_416 : vector<1x128xf32>
    %jit3A_418 = arith.constant 0.000000e+00 : f32
    %jit3A_419 = arith.constant 7.000000e+00 : f32
    %max3A = vector.broadcast %jit3A_418 : f32 to vector<1x128xf32>
    %max3A_420 = arith.maximumf %max3A, %sub3A_417 : vector<1x128xf32>
    %min3A = vector.broadcast %jit3A_419 : f32 to vector<1x128xf32>
    %min3A_421 = arith.minimumf %min3A, %max3A_420 : vector<1x128xf32>
    %convert_element_type3A_422 = arith.fptosi %min3A_421 : vector<1x128xf32> to vector<1x128xi32>
    %swap3A_423 = arith.constant 0 : index
    %swap3A_424 = arith.constant 0 : index
    %swap3A_425 = vector.load %arg8[%swap3A_423, %swap3A_424] : memref<1x128xi32, #tpu.memory_space<vmem>>, vector<1x128xi32>
    tpu.vector_store %arg8[%swap3A_423, %swap3A_424], %convert_element_type3A_422 {strides = array<i32>} : memref<1x128xi32, #tpu.memory_space<vmem>>, vector<1x128xi32>,
    return
  }
  func.func @transform_0(%arg0: i32) -> (i32, i32) {
    %c0_i32 = arith.constant 0 : i32
    %c0_i32_0 = arith.constant 0 : i32
    %c0_i32_1 = arith.constant 0 : i32
    return %c0_i32, %c0_i32_0 : i32, i32
  }
  func.func @transform_1(%arg0: i32) -> (i32, i32) {
    %c0_i32 = arith.constant 0 : i32
    %c0_i32_0 = arith.constant 0 : i32
    %c0_i32_1 = arith.constant 0 : i32
    return %c0_i32, %c0_i32_0 : i32, i32
  }
  func.func @transform_2(%arg0: i32) -> (i32, i32) {
    %c0_i32 = arith.constant 0 : i32
    %c0_i32_0 = arith.constant 0 : i32
    %c0_i32_1 = arith.constant 0 : i32
    return %c0_i32, %c0_i32_0 : i32, i32
  }
  func.func @transform_3(%arg0: i32) -> (i32, i32) {
    %c0_i32 = arith.constant 0 : i32
    %c0_i32_0 = arith.constant 0 : i32
    %c0_i32_1 = arith.constant 0 : i32
    return %c0_i32, %c0_i32_0 : i32, i32
  }
  func.func @transform_4(%arg0: i32) -> (i32, i32) {
    %c0_i32 = arith.constant 0 : i32
    %c0_i32_0 = arith.constant 0 : i32
    %c0_i32_1 = arith.constant 0 : i32
    return %c0_i32, %c0_i32_0 : i32, i32
  }
  func.func @transform_5(%arg0: i32) -> (i32, i32) {
    %c0_i32 = arith.constant 0 : i32
    %c0_i32_0 = arith.constant 0 : i32
    %c0_i32_1 = arith.constant 0 : i32
    return %c0_i32, %c0_i32_0 : i32, i32
  }
  func.func @transform_6(%arg0: i32) -> (i32, i32) {
    %c0_i32 = arith.constant 0 : i32
    %c0_i32_0 = arith.constant 0 : i32
    %c0_i32_1 = arith.constant 0 : i32
    return %c0_i32, %c0_i32_0 : i32, i32
  }
  func.func @transform_7(%arg0: i32) -> (i32, i32) {
    %c0_i32 = arith.constant 0 : i32
    %c0_i32_0 = arith.constant 0 : i32
    %c0_i32_1 = arith.constant 0 : i32
    return %c0_i32, %c0_i32_0 : i32, i32
  }
}

module attributes {stable_mosaic.version = 14 : i64} {
  func.func @_gmm_body(%arg0: i32, %arg1: memref<40xi32, #tpu.memory_space<smem>>, %arg2: memref<128x768xf32, #tpu.memory_space<vmem>>, %arg3: memref<1x768x768xbf16, #tpu.memory_space<vmem>>, %arg4: memref<1x1x768xf32, #tpu.memory_space<vmem>>, %arg5: memref<1x1x128xf32, #tpu.memory_space<vmem>>, %arg6: memref<128x768xf32, #tpu.memory_space<vmem>>) attributes {dimension_semantics = [#tpu.dimension_semantics<arbitrary>], iteration_bounds = array<i64: 40>, scalar_prefetch = 1 : i64, scratch_operands = 0 : i64, tpu.core_type = #tpu.core_type<tc>, window_params = [{transform_indices = @transform_0, window_bounds = array<i64: 128, 768>}, {transform_indices = @transform_1, window_bounds = array<i64: 1, 768, 768>}, {transform_indices = @transform_2, window_bounds = array<i64: 1, 1, 768>}, {transform_indices = @transform_3, window_bounds = array<i64: 1, 1, 128>}, {transform_indices = @transform_4, window_bounds = array<i64: 128, 768>}]} {
    %get3A = arith.constant 0 : index
    %get3A_0 = arith.constant 0 : index
    %get3A_1 = vector.load %arg2[%get3A, %get3A_0] : memref<128x768xf32, #tpu.memory_space<vmem>>, vector<128x768xf32>
    %convert_element_type3A = arith.truncf %get3A_1 : vector<128x768xf32> to vector<128x768xbf16>
    %get3A_2 = arith.constant 0 : index
    %get3A_3 = arith.constant 0 : index
    %get3A_4 = arith.constant 0 : index
    %get3A_5 = vector.load %arg3[%get3A_2, %get3A_3, %get3A_4] : memref<1x768x768xbf16, #tpu.memory_space<vmem>>, vector<1x768x768xbf16>
    %get3A_6 = vector.shape_cast %get3A_5 : vector<1x768x768xbf16> to vector<768x768xbf16>
    %dot_general3A = arith.constant dense<0.000000e+00> : vector<128x768xf32>
    %dot_general3A_7 = tpu.matmul %convert_element_type3A, %get3A_6, %dot_general3A {dimension_numbers = #tpu.dot_dimension_numbers<[1], [0], [0], [1], [0, 0, 1, 1], [], []>, transpose_lhs_hint = false} : vector<128x768xbf16>, vector<768x768xbf16>, vector<128x768xf32> -> vector<128x768xf32>
    %get3A_8 = arith.constant 0 : index
    %get3A_9 = arith.constant 0 : index
    %get3A_10 = arith.constant 0 : index
    %get3A_11 = vector.load %arg4[%get3A_8, %get3A_9, %get3A_10] : memref<1x1x768xf32, #tpu.memory_space<vmem>>, vector<1x1x768xf32>
    %get3A_12 = vector.shape_cast %get3A_11 : vector<1x1x768xf32> to vector<1x768xf32>
    %add3A = vector.broadcast %get3A_12 : vector<1x768xf32> to vector<128x768xf32>
    %add3A_13 = arith.addf %dot_general3A_7, %add3A : vector<128x768xf32>
    %get3A_14 = arith.constant 0 : index
    %get3A_15 = arith.constant 0 : index
    %get3A_16 = arith.constant 0 : index
    %get3A_17 = vector.load %arg5[%get3A_14, %get3A_15, %get3A_16] : memref<1x1x128xf32, #tpu.memory_space<vmem>>, vector<1x1x128xf32>
    %get3A_18 = vector.shape_cast %get3A_17 : vector<1x1x128xf32> to vector<1x128xf32>
    %transpose3A = tpu.transpose %get3A_18, [1, 0] : vector<1x128xf32> -> vector<128x1xf32>
    %mul3A = vector.broadcast %transpose3A : vector<128x1xf32> to vector<128x768xf32>
    %mul3A_19 = arith.mulf %add3A_13, %mul3A : vector<128x768xf32>
    %swap3A = arith.constant 0 : index
    %swap3A_20 = arith.constant 0 : index
    %swap3A_21 = vector.load %arg6[%swap3A, %swap3A_20] : memref<128x768xf32, #tpu.memory_space<vmem>>, vector<128x768xf32>
    tpu.vector_store %arg6[%swap3A, %swap3A_20], %mul3A_19 {strides = array<i32>} : memref<128x768xf32, #tpu.memory_space<vmem>>, vector<128x768xf32>,
    return
  }
  func.func @transform_0(%arg0: i32, %arg1: memref<40xi32, #tpu.memory_space<smem>>) -> (i32, i32) {
    %c0_i32 = arith.constant 0 : i32
    %c0_i32_0 = arith.constant 0 : i32
    return %arg0, %c0_i32 : i32, i32
  }
  func.func @transform_1(%arg0: i32, %arg1: memref<40xi32, #tpu.memory_space<smem>>) -> (i32, i32, i32) {
    %get3A = arith.index_cast %arg0 : i32 to index
    %get3A_0 = memref.load %arg1[%get3A] : memref<40xi32, #tpu.memory_space<smem>>
    %c0_i32 = arith.constant 0 : i32
    %c0_i32_1 = arith.constant 0 : i32
    %c0_i32_2 = arith.constant 0 : i32
    return %get3A_0, %c0_i32, %c0_i32_1 : i32, i32, i32
  }
  func.func @transform_2(%arg0: i32, %arg1: memref<40xi32, #tpu.memory_space<smem>>) -> (i32, i32, i32) {
    %get3A = arith.index_cast %arg0 : i32 to index
    %get3A_0 = memref.load %arg1[%get3A] : memref<40xi32, #tpu.memory_space<smem>>
    %c0_i32 = arith.constant 0 : i32
    %c0_i32_1 = arith.constant 0 : i32
    %c0_i32_2 = arith.constant 0 : i32
    return %get3A_0, %c0_i32, %c0_i32_1 : i32, i32, i32
  }
  func.func @transform_3(%arg0: i32, %arg1: memref<40xi32, #tpu.memory_space<smem>>) -> (i32, i32, i32) {
    %c0_i32 = arith.constant 0 : i32
    %c0_i32_0 = arith.constant 0 : i32
    %c0_i32_1 = arith.constant 0 : i32
    return %arg0, %c0_i32, %c0_i32_0 : i32, i32, i32
  }
  func.func @transform_4(%arg0: i32, %arg1: memref<40xi32, #tpu.memory_space<smem>>) -> (i32, i32) {
    %c0_i32 = arith.constant 0 : i32
    %c0_i32_0 = arith.constant 0 : i32
    return %arg0, %c0_i32 : i32, i32
  }
}

</mosaic_0001>

<sc_bundles>
// kernel: kernel.10.cloned.1.call-start
scs
__scs_entry_jumppad:
0x0: {  	(pc) =	sbr.rel $0x88, $3  }
0x1: {  	(tag) =	ssettag $0x0;
	lr =	simm.s32 $0x1  }
0x2: {  	[smem:$0x3F9C] =	sst lr;
	_ =	strace $0xD0000000  }
0x3: {  	_ = 	snop  }
0x4: {  	_ = 	snop  }
0x5: {  	_ = 	snop  }
0x6: {  	_ = 	snop  }
0x7: {  	_ = 	snop  }
__scs_overlays_trampoline_lowered:
0x8: {  	[smem:$0x3FAB] =	sst s0  }
0x9: {  	[smem:$0x3FAC] =	sst s1  }
0xa: {  	[smem:$0x3FAD] =	sst s2  }
0xb: {  	[smem:$0x3FAE] =	sst s3  }
0xc: {  	[smem:$0x3FAF] =	sst s4  }
0xd: {  	[smem:$0x3FB0] =	sst s5  }
0xe: {  	[smem:$0x3FB1] =	sst s6  }
0xf: {  	[smem:$0x3FB2] =	sst s7  }
0x10: {  	[smem:$0x3FB3] =	sst s8  }
0x11: {  	[smem:$0x3FB4] =	sst s9;
	s0 =	simm.s32 @!p0 $0x0  }
0x12: {  	s1 =	sld [smem:$0x3F9A];
	s0 =	simm.s32 @p0 $0x1  }
0x13: {  	[smem:$0x3FB5] =	sst s0;
	s0 =	simm.s32 @!p1 $0x0  }
0x14: {  	s2 =	sld [smem:$0x3F99];
	s0 =	simm.s32 @p1 $0x1  }
0x15: {  	[smem:$0x3FB6] =	sst s0;
	s0 =	simm.s32 @!p2 $0x0  }
0x16: {  	s3 =	sld [smem:$0x3FDB];
	s0 =	simm.s32 @p2 $0x1  }
0x17: {  	s4 =	simm.s32 $0x1BF5;
	[smem:$0x3FB8] =	sst s0  }
0x18: {  	s0 =	sld [smem:$0x3F9B];
	_ =	swait.ge [sflag:s4], $0x0  }
0x19: {  	s7 =	sld [smem:$0x3F9C]  }
0x1a: {  	s8 =	sadd.s32 $0xFFFFE003, lr  }
0x1b: {  	s9 =	sadd.s32 $0xFFFFFEF7, lr;
	s5 =	simm.s32 $0xFFFFFFFF;
	p2 =	slt.u32 s8, $0xFFFFF086  }
0x1c: {  	p1 =	slt.u32 s9, $0xF7A;
	s5 =	simm.s32 @!p2 $0x0  }
0x1d: {  	s5 =	simm.s32 @p1 $0x1;
	p0 =	seq.s32 s7, s2  }
0x1e: {  	s7 =	smul.u32 @!p0 $0xF7A, s2;
	p2 =	seq.s32 @!p0 s5, $0x0  }
0x1f: {  	s9 =	smul.u32 $0xF7A, s1;
	s8 =	simm.s32 @!p0 $0x1BF5;
	p2 =	por !p2, p0  }
0x20: {  	[sflag:s8] =	ssyncset.s32 @!p0 $0xFFFFF086;
	s6 =	sadd.s32 @!p0 s3, s7;
	s7 =	simm.s32 @!p0 $0x108  }
0x21: {  	s3 =	sadd.s32 s3, s9;
	s6 =	sadd.s32 @!p0 $0x88, s6;
	s7 =	simm.s32 @p2 $0x1082  }
0x22: {  	[simem:s7], [sflag:s8] =	dma.local @!p0 [hbm:s6], $0xF7A  }
0x23: {  	s9 =	sor.u32 $0xD0000000, s2;
	s6 =	simm.s32 $0x108;
	_ =	swait.ge @!p0 [sflag:s8], $0x0  }
0x24: {  	s3 =	sadd.s32 $0x88, s3;
	s6 =	simm.s32 @!p1 $0x1082;
	[sflag:s4] =	ssyncset.s32 $0xFFFFF086  }
0x25: {  	[simem:s6], [sflag:s4] =	dma.local [hbm:s3], $0xF7A  }
0x26: {  	[smem:$0x3F9C] =	sst s1;
	(tag) =	ssettag s2;
	_ =	strace s9  }
0x27: {  	s1 =	sld [smem:$0x3FAC]  }
0x28: {  	s2 =	sld [smem:$0x3FAD]  }
0x29: {  	s4 =	sld [smem:$0x3FAF]  }
0x2a: {  	p0 =	seq.s32 s5, $0x0;
	s5 =	sld [smem:$0x3FB0]  }
0x2b: {  	s6 =	sld [smem:$0x3FB1]  }
0x2c: {  	s7 =	sld [smem:$0x3FB2]  }
0x2d: {  	s3 =	simm.s32 $0x108;
	s8 =	sld [smem:$0x3FB3]  }
0x2e: {  	s3 =	simm.s32 @!p0 $0x1082;
	s9 =	sld [smem:$0x3FB4]  }
0x2f: {  	lr =	sadd.s32 s0, s3;
	s0 =	sld [smem:$0x3FAB]  }
0x30: {  	s3 =	sld [smem:$0x3FAE]  }
0x31: {  	[smem:$0x3FB7] =	sst s10  }
0x32: {  	s10 =	sld [smem:$0x3FB5];
	_ =	sdelay $0x3  }
0x33: {  	p0 =	seq.s32 s10, $0x1;
	s10 =	sld [smem:$0x3FB7];
	_ =	sdelay $0x3  }
0x34: {  	[smem:$0x3FB7] =	sst s10  }
0x35: {  	s10 =	sld [smem:$0x3FB6];
	_ =	sdelay $0x3  }
0x36: {  	p1 =	seq.s32 s10, $0x1;
	s10 =	sld [smem:$0x3FB7];
	_ =	sdelay $0x3  }
0x37: {  	[smem:$0x3FB7] =	sst s10  }
0x38: {  	s10 =	sld [smem:$0x3FB8]  }
0x39: {  	_ = 	snop;
	(pc) =	sbr.ind lr, $3  }
0x3a: {  	_ = 	snop  }
0x3b: {  	_ = 	snop  }
0x3c: {  	p2 =	seq.s32 s10, $0x1;
	s10 =	sld [smem:$0x3FB7]  }
0x3d: {  	_ =	shalt  }
0x3e: {  	_ =	shalt  }
0x3f: {  	_ =	shalt  }
0x40: {  	_ =	shalt  }
0x41: {  	_ =	shalt  }
0x42: {  	_ =	shalt  }
0x43: {  	_ =	shalt  }
0x44: {  	_ =	shalt  }
0x45: {  	_ =	shalt  }
0x46: {  	_ =	shalt  }
0x47: {  	_ =	shalt  }
0x48: {  	_ =	shalt  }
0x49: {  	_ =	shalt  }
0x4a: {  	_ =	shalt  }
0x4b: {  	_ =	shalt  }
0x4c: {  	_ =	shalt  }
0x4d: {  	_ =	shalt  }
0x4e: {  	_ =	shalt  }
0x4f: {  	_ =	shalt  }
0x50: {  	_ =	shalt  }
0x51: {  	_ =	shalt  }
0x52: {  	_ =	shalt  }
0x53: {  	_ =	shalt  }
0x54: {  	_ =	shalt  }
0x55: {  	_ =	shalt  }
0x56: {  	_ =	shalt  }
0x57: {  	_ =	shalt  }
0x58: {  	_ =	shalt  }
0x59: {  	_ =	shalt  }
0x5a: {  	_ =	shalt  }
0x5b: {  	_ =	shalt  }
0x5c: {  	_ =	shalt  }
0x5d: {  	_ =	shalt  }
0x5e: {  	_ =	shalt  }
0x5f: {  	_ =	shalt  }
0x60: {  	_ =	shalt  }
0x61: {  	_ =	shalt  }
0x62: {  	_ =	shalt  }
0x63: {  	_ =	shalt  }
0x64: {  	_ =	shalt  }
0x65: {  	_ =	shalt  }
0x66: {  	_ =	shalt  }
0x67: {  	_ =	shalt  }
0x68: {  	_ =	shalt  }
0x69: {  	_ =	shalt  }
0x6a: {  	_ =	shalt  }
0x6b: {  	_ =	shalt  }
0x6c: {  	_ =	shalt  }
0x6d: {  	_ =	shalt  }
0x6e: {  	_ =	shalt  }
0x6f: {  	_ =	shalt  }
0x70: {  	_ =	shalt  }
0x71: {  	_ =	shalt  }
0x72: {  	_ =	shalt  }
0x73: {  	_ =	shalt  }
0x74: {  	_ =	shalt  }
0x75: {  	_ =	shalt  }
0x76: {  	_ =	shalt  }
0x77: {  	_ =	shalt  }
0x78: {  	_ =	shalt  }
0x79: {  	_ =	shalt  }
0x7a: {  	_ =	shalt  }
0x7b: {  	_ =	shalt  }
0x7c: {  	_ =	shalt  }
0x7d: {  	_ =	shalt  }
0x7e: {  	_ =	shalt  }
0x7f: {  	_ =	shalt  }
0x80: {  	_ =	shalt  }
0x81: {  	_ =	shalt  }
0x82: {  	_ =	shalt  }
0x83: {  	_ =	shalt  }
0x84: {  	_ =	shalt  }
0x85: {  	_ =	shalt  }
0x86: {  	_ =	shalt  }
0x87: {  	_ =	shalt  }
.Lfunc_end0:
.L_simem_size_0:
called_computation.1_lowered:
.L_overlay_start_0:
0x88: {  	s2 =	sld [smem:$0x3FD9]  }
0x89: {  	s3 =	sld [smem:$0x3FFE];
	_ =	sdelay $0x1  }
0x8a: {  	s1 =	srdreg.scid  }
0x8b: {  	s0 =	sand.u32 $0x1, s1  }
0x8c: {  	s17 =	sshll.u32 s0, $0xA;
	s2 =	sadd.s32 s3, s2  }
0x8d: {  	s2 =	sadd.s32 s2, s17  }
0x8e: {  	[smem:$0x3FC3] =	sst s2  }
0x8f: {  	_ = 	snop  }
0x90: {  	s2 =	sld [smem:$0x3FC9]  }
0x91: {  	s18 =	sld [smem:$0x3FD0];
	(tm) =	ssettm $0x1  }
0x92: {  	s4 =	sld [smem:$0x3FFB];
	_ =	sdelay $0x3  }
0x93: {  	_ =	strace s4  }
0x94: {  	s4 =	sld [smem:$0x3FFC];
	_ =	sdelay $0x3  }
0x95: {  	_ =	strace s4  }
0x96: {  	s4 =	sld [smem:$0x3FFD];
	_ =	sdelay $0x3  }
0x97: {  	_ =	strace s4  }
0x98: {  	_ =	strace $0x8FFFFFFF  }
0x99: {  	s19 =	sld [smem:$0x3FDB];
	_ =	sdelay $0x1  }
0x9a: {  	s5 =	simm.s32 $_scs_section_size  }
0x9b: {  	s6 =	simm.s32 $_size__tile_overlayer_lowered;
	s7 =	simm.s32 $_tile_overlayer_lowered  }
0x9c: {  	s22 =	simm.s32 $0x1BFF;
	s21 =	sshll.u32 s7, $0x1;
	s4 =	sadd.s32 s5, s19  }
0x9d: {  	s8 =	simm.s32 $0x0;
	s20 =	sshll.u32 s6, $0x1;
	s6 =	sadd.s32 s21, s4  }
0x9e: {  	[timem:s8], [sflag:s22] =	dma.local [hbm:s6], s20  }
0x9f: {  	_ =	swait.ge [sflag:s22], s20  }
0xa0: {  	s5 =	ssub.s32 $0x0, s20;
	[sflag:s22] =	ssyncset.done $0x0  }
0xa1: {  	[sflag:s22] =	ssyncadd.s32 s5;
	_ =	sdelay $0x1  }
0xa2: {  	s23 =	simm.s32 $0x1B8B  }
0xa3: {  	_ =	swait.ge [sflag:s23], $0x1  }
0xa4: {  	[sflag:s23] =	ssyncset.done $0x0  }
0xa5: {  	s25 =	simm.s32 $0x1B8E;
	s24 =	sld [smem:$0x3FFE];
	[sflag:s23] =	ssyncadd.s32 $0xFFFFFFFF  }
0xa6: {  	s26 =	simm.s32 $execute0_lowered;
	[smem:$0x3FD2] =	sst s25  }
0xa7: {  	s6 =	sshll.u32 s26, $0x1;
	_ =	strace $0x80000049;
	[dreg:$0x1] =	wrdreg $0xFFFFFFFF  }
0xa8: {  	s28 =	simm.s32 $_size_execute0_lowered;
	s4 =	sadd.s32 s4, s6;
	[dreg:$0x0] =	wrdreg $0x0  }
0xa9: {  	s6 =	sshll.u32 s28, $0x1;
	[dreg:$0x2] =	wrdreg s4  }
0xaa: {  	[dreg:$0x3] =	wrdreg s6  }
0xab: {  	[dreg:$0x4] =	wrdreg $0xC0  }
0xac: {  	_ =	task [dreg:s8], $0x5FFFF  }
0xad: {  	[dreg:$0x1] =	wrdreg $0xFFFFFFFF  }
0xae: {  	[dreg:$0x0] =	wrdreg $0x60  }
0xaf: {  	[dreg:$0x2] =	wrdreg s2  }
0xb0: {  	[dreg:$0x3] =	wrdreg s18  }
0xb1: {  	[dreg:$0x4] =	wrdreg s24  }
0xb2: {  	[dreg:$0x5] =	wrdreg $0x9  }
0xb3: {  	_ =	task.clear_ibuf [dreg:s8], $0x6FFFF;
	_ =	strace $0x90000049  }
0xb4: {  	s29 =	simm.s32 $0x9;
	_ =	strace $0x8000004B  }
0xb5: {  	_ =	swait.ge [sflag:s29], $0x1  }
0xb6: {  	[sflag:s29] =	ssyncadd.s32 $0xFFFFFFFF  }
0xb7: {  	_ =	strace $0x9000004B  }
0xb8: {  	_ =	sfence  }
0xb9: {  	s30 =	sld [smem:$0x0];
	_ =	sdelay $0x2  }
0xba: {  	s31 =	sshll.u32 s1, $0xD;
	s1 =	sshrl.u32 s1, $0x2  }
0xbb: {  	s3 =	sand.u32 $0x4000, s31;
	s1 =	sadd.s32 s1, s30  }
0xbc: {  	s0 =	sor.u32 s3, s0;
	s1 =	sshll.u32 s1, $0x11  }
0xbd: {  	s0 =	sor.u32 s1, s0  }
0xbe: {  	s0 =	sadd.s32 $0x8F2B, s0  }
0xbf: {  	[sflag:s0] =	ssyncadd.remote.s32 $0x1  }
0xc0: {  	_ =	sfence.sel $0xFFFF  }
0xc1: {  	[dreg:$0x0] =	wrdreg $0xFFFFFFFF;
	(pc) =	sbr.abs _section_cstart, $3  }
0xc2: {  	[dreg:$0x1] =	wrdreg $0xFFFFFFFF  }
0xc3: {  	_ =	task.clear_ibuf [dreg:s8], $0x2FFFF;
	_ =	strace $0x9FFFFFFF  }
0xc4: {  	(tm) =	ssettm $0x7FFFFFFF  }
0xc5: {  	_ =	shalt  }
tec
execute0_lowered:
.L_overlay_start_1:
0x0: {  	(tag) =	ssettag $0x1  }
0x1: {  	s2 =	srdreg.scid  }
0x2: {  	s0 =	stileid.u32;
	s1 =	rddreg [dreg:$0x0]  }
0x3: {  	s4 =	rddreg [dreg:$0x1];
	s2 =	sand.u32 $0x1, s2;
	s3 =	sshll.u32 s0, $0x1  }
0x4: {  	s6 =	rddreg [dreg:$0x2];
	s5 =	sor.u32 s2, s3;
	s3 =	simm.s32 $0x0  }
0x5: {  	s12 =	simm.s32 $0x900;
	[smem:$0x7FF] =	sst s3  }
0x6: {  	s13 =	simm.s32 $0x1100;
	_ =	strace $0x8000004A;
	[dreg:$0x6] =	wrdreg s12  }
0x7: {  	s14 =	simm.s32 $0x1900;
	[dreg:$0x7] =	wrdreg s13  }
0x8: {  	s15 =	simm.s32 $0x2100;
	[dreg:$0x8] =	wrdreg s14  }
0x9: {  	s16 =	simm.s32 $0x2900;
	[dreg:$0x9] =	wrdreg s15  }
0xa: {  	s17 =	simm.s32 $0x3100;
	[dreg:$0xa] =	wrdreg s16  }
0xb: {  	s18 =	simm.s32 $0x3900;
	[dreg:$0xb] =	wrdreg s17  }
0xc: {  	s19 =	simm.s32 $0x4100;
	[dreg:$0xc] =	wrdreg s18  }
0xd: {  	s20 =	simm.s32 $0x4900;
	[dreg:$0xd] =	wrdreg s19  }
0xe: {  	s21 =	simm.s32 $0x5100;
	[dreg:$0xe] =	wrdreg s20  }
0xf: {  	s22 =	simm.s32 $0x5900;
	[dreg:$0xf] =	wrdreg s21  }
0x10: {  	s23 =	simm.s32 $0x6100;
	[dreg:$0x10] =	wrdreg s22  }
0x11: {  	s24 =	simm.s32 $0x6900;
	[dreg:$0x11] =	wrdreg s23  }
0x12: {  	s25 =	simm.s32 $0x7100;
	[dreg:$0x12] =	wrdreg s24  }
0x13: {  	s26 =	simm.s32 $0x7900;
	[dreg:$0x13] =	wrdreg s25  }
0x14: {  	s0 =	simm.s32 $0x8100;
	[dreg:$0x14] =	wrdreg s26  }
0x15: {  	s8 =	simm.s32 $0xA100;
	[dreg:$0x15] =	wrdreg s0  }
0x16: {  	s9 =	simm.s32 $0xA900;
	[dreg:$0x19] =	wrdreg s8  }
0x17: {  	s10 =	simm.s32 $0xB100;
	[dreg:$0x1a] =	wrdreg s9  }
0x18: {  	[dreg:$0x1b] =	wrdreg s10;
	s12 =	simm.s32 $0xC100  }
0x19: {  	s28 =	simm.s32 $0x1C100;
	s13 =	simm.s32 $0xC900;
	[dreg:$0x1d] =	wrdreg s12  }
0x1a: {  	s29 =	simm.s32 $0x1C900;
	s14 =	simm.s32 $0xD100;
	[dreg:$0x1e] =	wrdreg s13  }
0x1b: {  	s30 =	simm.s32 $0x1D100;
	s15 =	simm.s32 $0xD900;
	[dreg:$0x1f] =	wrdreg s14  }
0x1c: {  	s31 =	simm.s32 $0x1D900;
	s16 =	simm.s32 $0xE100;
	[smem:$0x7F3] =	sst s15  }
0x1d: {  	s2 =	ssub.s32 $0x2, s2;
	s17 =	simm.s32 $0xE900;
	[smem:$0x7F4] =	sst s16  }
0x1e: {  	s7 =	smul.u32 $0x3C00, s5;
	s18 =	simm.s32 $0xF100;
	[smem:$0x7F5] =	sst s17  }
0x1f: {  	s5 =	smul.u32 $0x14, s5;
	s20 =	simm.s32 $0xF900;
	[smem:$0x7F6] =	sst s18  }
0x20: {  	s19 =	sshrl.u32 s2, $0x1;
	s21 =	simm.s32 $0x10100;
	[smem:$0x7F7] =	sst s20  }
0x21: {  	s22 =	simm.s32 $0x10900;
	s23 =	simm.s32 $0x11100;
	[smem:$0x7F8] =	sst s21  }
0x22: {  	s24 =	simm.s32 $0x11900;
	s25 =	simm.s32 $0x12100;
	[smem:$0x7F9] =	sst s22  }
0x23: {  	s8 =	simm.s32 $0x100;
	s26 =	simm.s32 $0x12900;
	[smem:$0x7FA] =	sst s23  }
0x24: {  	s10 =	simm.s32 $0x13900;
	s6 =	sadd.s32 s7, s6;
	[smem:$0x7FB] =	sst s24  }
0x25: {  	s4 =	sadd.s32 s4, s5;
	s5 =	simm.s32 $0x8900;
	[smem:$0x7FC] =	sst s25  }
0x26: {  	s7 =	simm.s32 $0x9900;
	s2 =	ssub.s32 s2, s19;
	[smem:$0x7FD] =	sst s26  }
0x27: {  	s12 =	simm.s32 $0x14900;
	s13 =	simm.s32 $0x15100;
	s14 =	simm.s32 $0x15900  }
0x28: {  	s15 =	simm.s32 $0x16100;
	s16 =	simm.s32 $0x16900;
	s17 =	simm.s32 $0x17100  }
0x29: {  	s18 =	simm.s32 $0x17900;
	s19 =	simm.s32 $0x18100;
	s20 =	simm.s32 $0x18900  }
0x2a: {  	s21 =	simm.s32 $0x19100;
	s22 =	simm.s32 $0x19900;
	s23 =	simm.s32 $0x1A100  }
0x2b: {  	s24 =	simm.s32 $0x1A900;
	s25 =	simm.s32 $0x1B100;
	[dreg:$0x4] =	wrdreg s4  }
0x2c: {  	s26 =	simm.s32 $0x1B900;
	s11 =	sadd.s32 $0x1C00, s6;
	[dreg:$0x16] =	wrdreg s5  }
0x2d: {  	s6 =	simm.s32 $0x9100;
	[dreg:$0x18] =	wrdreg s7;
	s4 =	sadd.s32 $0x100, s1  }
0x2e: {  	v2 =	vlaneseq.u32;
	s5 =	sadd.s32 $0x200, s1;
	s7 =	simm.s32 $0x2;
	[dreg:$0x5] =	wrdreg s11  }
0x2f: {  	vm0 =	vmmov $0xffff;
	v1 =	vshrl.u32 v2, $0x3;
	[dreg:$0x17] =	wrdreg s6;
	s11 =	simm.s32 $0xB900;
	s6 =	smax.u32 s2, $0x1  }
0x30: {  	v0 =	vand.u32 $0x7, v2;
	v2 =	vor.u32 $0x8, v2;
	v1 =	vmul.u32 $0x8, v1;
	s2 =	simm.s32 $0x1;
	[dreg:$0x1c] =	wrdreg s11;
	s11 =	simm.s32 $0x14100  }
.LBB2_1:
0x31: {  	s0 =	rddreg [dreg:$0x4]  }
0x32: {  	[tilespmem:s3], [sflag:$0x2] =	stream.linear.gather [hbm4b:s0+s3], $0xA0, $0x38;
	[tilespmem:$0x1E100] =	vst v63  }
0x33: {  	_ =	swait.ge [sflag:s7], $0xA0  }
0x34: {  	[sflag:s7] =	ssyncset.done $0x0  }
0x35: {  	[sflag:s7] =	ssyncadd.s32 $0xFFFFFF60  }
0x36: {  	v3 =	vld [tilespmem:$0x0]  }
0x37: {  	v4 =	vld [tilespmem:$0x10]  }
0x38: {  	v5 =	vld [tilespmem:$0x20];
	_ =	sdelay $0x1  }
0x39: {  	v6 =	vld [tilespmem:$0x30]  }
0x3a: {  	v7 =	vld [tilespmem:$0x40];
	vm1 =	vgt.s32 v3, $0x0  }
0x3b: {  	v8 =	vld [tilespmem:$0x50];
	v3 =	vnsel vm1, $0x0, v3;
	vm1 =	vgt.s32 v4, $0x0  }
0x3c: {  	v9 =	vld [tilespmem:$0x60];
	v3 =	vmin.u32 v3, $0x7FF;
	v4 =	vnsel vm1, $0x0, v4;
	vm1 =	vgt.s32 v5, $0x0  }
0x3d: {  	v4 =	vmin.u32 v4, $0x7FF;
	v5 =	vnsel vm1, $0x0, v5;
	v10 =	vshrl.u32 v3, $0x3  }
0x3e: {  	v11 =	vld [tilespmem:$0x70];
	vm1 =	vgt.s32 v6, $0x0;
	[tilespmem:$0x0] =	vst v3;
	v3 =	vand.u32 $0x7, v3;
	v5 =	vmin.u32 v5, $0x7FF  }
0x3f: {  	v12 =	vld [tilespmem:$0x80];
	v10 =	vmul.u32 $0x30, v10;
	v6 =	vnsel vm1, $0x0, v6;
	vm1 =	vgt.s32 v7, $0x0  }
0x40: {  	v45 =	vld [tilespmem:$0x90];
	[tilespmem:$0x10] =	vst v4;
	v44 =	vnsel vm1, $0x0, v7;
	vm1 =	vgt.s32 v8, $0x0;
	v46 =	vmin.u32 v6, $0x7FF  }
0x41: {  	[tilespmem:$0x20] =	vst v5;
	v3 =	vor.u32 v3, v10;
	v47 =	vnsel vm1, $0x0, v8;
	vm1 =	vgt.s32 v9, $0x0  }
0x42: {  	[tilespmem:$0x30] =	vst v46;
	v4 =	vmin.u32 v44, $0x7FF;
	v48 =	vnsel vm1, $0x0, v9;
	v49 =	vperm.xlane v3, v0  }
0x43: {  	[tilespmem:$0x40] =	vst v4;
	v50 =	vmin.u32 v47, $0x7FF;
	vm1 =	vgt.s32 v11, $0x0;
	v5 =	vmin.u32 v48, $0x7FF  }
0x44: {  	[tilespmem:$0x50] =	vst v50;
	v51 =	vnsel vm1, $0x0, v11;
	vm1 =	vgt.s32 v12, $0x0;
	v52 =	vadd.s32 v1, v49  }
0x45: {  	[tilespmem:$0x60] =	vst v5;
	v4 =	vmin.u32 v51, $0x7FF;
	v53 =	vnsel vm1, $0x0, v12;
	vm1 =	vgt.s32 v45, $0x0  }
0x46: {  	[tilespmem:$0x70] =	vst v4;
	v54 =	vnsel vm1, $0x0, v45;
	v5 =	vmin.u32 v53, $0x7FF  }
0x47: {  	[tilespmem:$0x80] =	vst v5;
	v4 =	vmin.u32 v54, $0x7FF  }
0x48: {  	v3 =	vperm.xlane v3, v2;
	[tilespmem:$0x90] =	vst v4  }
0x49: {  	[tilespmem:s8], [sflag:$0x1] =	stream.indirect_vreg.gather [hbm4b:s1+s3], $0x80, v52, vm0, $0xb8;
	[tilespmem:$0x1E100] =	vst v63  }
0x4a: {  	s0 =	rddreg [dreg:$0x6];
	v3 =	vadd.s32 v1, v3  }
0x4b: {  	[tilespmem:s0], [sflag:$0x1] =	stream.indirect_vreg.gather [hbm4b:s4+s3], $0x80, v52, vm0, $0xb8;
	[tilespmem:$0x1E100] =	vst v63  }
0x4c: {  	s9 =	rddreg [dreg:$0x7]  }
0x4d: {  	[tilespmem:s9], [sflag:$0x1] =	stream.indirect_vreg.gather [hbm4b:s5+s3], $0x80, v52, vm0, $0xb8;
	[tilespmem:$0x1E100] =	vst v63  }
0x4e: {  	s0 =	rddreg [dreg:$0x8]  }
0x4f: {  	[tilespmem:s0], [sflag:$0x1] =	stream.indirect_vreg.gather [hbm4b:s1+s3], $0x80, v3, vm0, $0xb8;
	[tilespmem:$0x1E100] =	vst v63  }
0x50: {  	s9 =	rddreg [dreg:$0x9]  }
0x51: {  	[tilespmem:s9], [sflag:$0x1] =	stream.indirect_vreg.gather [hbm4b:s4+s3], $0x80, v3, vm0, $0xb8;
	[tilespmem:$0x1E100] =	vst v63  }
0x52: {  	s0 =	rddreg [dreg:$0xa]  }
0x53: {  	[tilespmem:s0], [sflag:$0x1] =	stream.indirect_vreg.gather [hbm4b:s5+s3], $0x80, v3, vm0, $0xb8;
	[tilespmem:$0x1E100] =	vst v63  }
0x54: {  	v3 =	vld [tilespmem:$0x10];
	_ =	sdelay $0x4  }
0x55: {  	v55 =	vshrl.u32 v3, $0x3  }
0x56: {  	v4 =	vmul.u32 $0x30, v55  }
0x57: {  	v3 =	vand.u32 $0x7, v3  }
0x58: {  	v3 =	vor.u32 v3, v4  }
0x59: {  	v4 =	vperm.xlane v3, v0;
	_ =	sdelay $0x1  }
0x5a: {  	v4 =	vadd.s32 v1, v4;
	_ =	sdelay $0x3  }
0x5b: {  	s0 =	rddreg [dreg:$0xb];
	v3 =	vperm.xlane v3, v2  }
0x5c: {  	[tilespmem:s0], [sflag:$0x1] =	stream.indirect_vreg.gather [hbm4b:s1+s3], $0x80, v4, vm0, $0xb8;
	[tilespmem:$0x1E100] =	vst v63  }
0x5d: {  	s9 =	rddreg [dreg:$0xc];
	v3 =	vadd.s32 v1, v3  }
0x5e: {  	[tilespmem:s9], [sflag:$0x1] =	stream.indirect_vreg.gather [hbm4b:s4+s3], $0x80, v4, vm0, $0xb8;
	[tilespmem:$0x1E100] =	vst v63  }
0x5f: {  	s0 =	rddreg [dreg:$0xd]  }
0x60: {  	[tilespmem:s0], [sflag:$0x1] =	stream.indirect_vreg.gather [hbm4b:s5+s3], $0x80, v4, vm0, $0xb8;
	[tilespmem:$0x1E100] =	vst v63  }
0x61: {  	s9 =	rddreg [dreg:$0xe]  }
0x62: {  	[tilespmem:s9], [sflag:$0x1] =	stream.indirect_vreg.gather [hbm4b:s1+s3], $0x80, v3, vm0, $0xb8;
	[tilespmem:$0x1E100] =	vst v63  }
0x63: {  	s0 =	rddreg [dreg:$0xf]  }
0x64: {  	[tilespmem:s0], [sflag:$0x1] =	stream.indirect_vreg.gather [hbm4b:s4+s3], $0x80, v3, vm0, $0xb8;
	[tilespmem:$0x1E100] =	vst v63  }
0x65: {  	s9 =	rddreg [dreg:$0x10]  }
0x66: {  	[tilespmem:s9], [sflag:$0x1] =	stream.indirect_vreg.gather [hbm4b:s5+s3], $0x80, v3, vm0, $0xb8;
	[tilespmem:$0x1E100] =	vst v63  }
0x67: {  	v3 =	vld [tilespmem:$0x20];
	_ =	sdelay $0x4  }
0x68: {  	v56 =	vshrl.u32 v3, $0x3  }
0x69: {  	v4 =	vmul.u32 $0x30, v56  }
0x6a: {  	v3 =	vand.u32 $0x7, v3  }
0x6b: {  	v3 =	vor.u32 v3, v4  }
0x6c: {  	v4 =	vperm.xlane v3, v0;
	_ =	sdelay $0x1  }
0x6d: {  	v4 =	vadd.s32 v1, v4;
	_ =	sdelay $0x3  }
0x6e: {  	s0 =	rddreg [dreg:$0x11];
	v3 =	vperm.xlane v3, v2  }
0x6f: {  	[tilespmem:s0], [sflag:$0x1] =	stream.indirect_vreg.gather [hbm4b:s1+s3], $0x80, v4, vm0, $0xb8;
	[tilespmem:$0x1E100] =	vst v63  }
0x70: {  	s9 =	rddreg [dreg:$0x12];
	v3 =	vadd.s32 v1, v3  }
0x71: {  	[tilespmem:s9], [sflag:$0x1] =	stream.indirect_vreg.gather [hbm4b:s4+s3], $0x80, v4, vm0, $0xb8;
	[tilespmem:$0x1E100] =	vst v63  }
0x72: {  	s0 =	rddreg [dreg:$0x13]  }
0x73: {  	[tilespmem:s0], [sflag:$0x1] =	stream.indirect_vreg.gather [hbm4b:s5+s3], $0x80, v4, vm0, $0xb8;
	[tilespmem:$0x1E100] =	vst v63  }
0x74: {  	s9 =	rddreg [dreg:$0x14]  }
0x75: {  	[tilespmem:s9], [sflag:$0x1] =	stream.indirect_vreg.gather [hbm4b:s1+s3], $0x80, v3, vm0, $0xb8;
	[tilespmem:$0x1E100] =	vst v63  }
0x76: {  	s0 =	rddreg [dreg:$0x15]  }
0x77: {  	[tilespmem:s0], [sflag:$0x1] =	stream.indirect_vreg.gather [hbm4b:s4+s3], $0x80, v3, vm0, $0xb8;
	[tilespmem:$0x1E100] =	vst v63  }
0x78: {  	s9 =	rddreg [dreg:$0x16]  }
0x79: {  	[tilespmem:s9], [sflag:$0x1] =	stream.indirect_vreg.gather [hbm4b:s5+s3], $0x80, v3, vm0, $0xb8;
	[tilespmem:$0x1E100] =	vst v63  }
0x7a: {  	v3 =	vld [tilespmem:$0x30];
	_ =	sdelay $0x4  }
0x7b: {  	v57 =	vshrl.u32 v3, $0x3  }
0x7c: {  	v4 =	vmul.u32 $0x30, v57  }
0x7d: {  	v3 =	vand.u32 $0x7, v3  }
0x7e: {  	v3 =	vor.u32 v3, v4  }
0x7f: {  	v4 =	vperm.xlane v3, v0;
	_ =	sdelay $0x1  }
0x80: {  	v4 =	vadd.s32 v1, v4;
	_ =	sdelay $0x3  }
0x81: {  	s0 =	rddreg [dreg:$0x17];
	v3 =	vperm.xlane v3, v2  }
0x82: {  	[tilespmem:s0], [sflag:$0x1] =	stream.indirect_vreg.gather [hbm4b:s1+s3], $0x80, v4, vm0, $0xb8;
	[tilespmem:$0x1E100] =	vst v63  }
0x83: {  	s9 =	rddreg [dreg:$0x18];
	v3 =	vadd.s32 v1, v3  }
0x84: {  	[tilespmem:s9], [sflag:$0x1] =	stream.indirect_vreg.gather [hbm4b:s4+s3], $0x80, v4, vm0, $0xb8;
	[tilespmem:$0x1E100] =	vst v63  }
0x85: {  	s0 =	rddreg [dreg:$0x19]  }
0x86: {  	[tilespmem:s0], [sflag:$0x1] =	stream.indirect_vreg.gather [hbm4b:s5+s3], $0x80, v4, vm0, $0xb8;
	[tilespmem:$0x1E100] =	vst v63  }
0x87: {  	s9 =	rddreg [dreg:$0x1a]  }
0x88: {  	[tilespmem:s9], [sflag:$0x1] =	stream.indirect_vreg.gather [hbm4b:s1+s3], $0x80, v3, vm0, $0xb8;
	[tilespmem:$0x1E100] =	vst v63  }
0x89: {  	s0 =	rddreg [dreg:$0x1b]  }
0x8a: {  	[tilespmem:s0], [sflag:$0x1] =	stream.indirect_vreg.gather [hbm4b:s4+s3], $0x80, v3, vm0, $0xb8;
	[tilespmem:$0x1E100] =	vst v63  }
0x8b: {  	s9 =	rddreg [dreg:$0x1c]  }
0x8c: {  	[tilespmem:s9], [sflag:$0x1] =	stream.indirect_vreg.gather [hbm4b:s5+s3], $0x80, v3, vm0, $0xb8;
	[tilespmem:$0x1E100] =	vst v63  }
0x8d: {  	v3 =	vld [tilespmem:$0x40];
	_ =	sdelay $0x4  }
0x8e: {  	v58 =	vshrl.u32 v3, $0x3  }
0x8f: {  	v4 =	vmul.u32 $0x30, v58  }
0x90: {  	v3 =	vand.u32 $0x7, v3  }
0x91: {  	v3 =	vor.u32 v3, v4  }
0x92: {  	v4 =	vperm.xlane v3, v0;
	_ =	sdelay $0x1  }
0x93: {  	v4 =	vadd.s32 v1, v4;
	_ =	sdelay $0x2  }
0x94: {  	s0 =	rddreg [dreg:$0x1d]  }
0x95: {  	s9 =	rddreg [dreg:$0x1e];
	v3 =	vperm.xlane v3, v2  }
0x96: {  	[tilespmem:s0], [sflag:$0x1] =	stream.indirect_vreg.gather [hbm4b:s1+s3], $0x80, v4, vm0, $0xb8;
	[tilespmem:$0x1E100] =	vst v63  }
0x97: {  	v3 =	vadd.s32 v1, v3;
	s0 =	rddreg [dreg:$0x1f]  }
0x98: {  	[tilespmem:s9], [sflag:$0x1] =	stream.indirect_vreg.gather [hbm4b:s4+s3], $0x80, v4, vm0, $0xb8;
	[tilespmem:$0x1E100] =	vst v63  }
0x99: {  	s9 =	sld [smem:$0x7F3]  }
0x9a: {  	[tilespmem:s0], [sflag:$0x1] =	stream.indirect_vreg.gather [hbm4b:s5+s3], $0x80, v4, vm0, $0xb8;
	[tilespmem:$0x1E100] =	vst v63  }
0x9b: {  	s0 =	sld [smem:$0x7F4]  }
0x9c: {  	[tilespmem:s9], [sflag:$0x1] =	stream.indirect_vreg.gather [hbm4b:s1+s3], $0x80, v3, vm0, $0xb8;
	[tilespmem:$0x1E100] =	vst v63  }
0x9d: {  	s9 =	sld [smem:$0x7F5]  }
0x9e: {  	[tilespmem:s0], [sflag:$0x1] =	stream.indirect_vreg.gather [hbm4b:s4+s3], $0x80, v3, vm0, $0xb8;
	[tilespmem:$0x1E100] =	vst v63  }
0x9f: {  	_ = 	snop  }
0xa0: {  	[tilespmem:s9], [sflag:$0x1] =	stream.indirect_vreg.gather [hbm4b:s5+s3], $0x80, v3, vm0, $0xb8;
	[tilespmem:$0x1E100] =	vst v63  }
0xa1: {  	v3 =	vld [tilespmem:$0x50];
	_ =	sdelay $0x4  }
0xa2: {  	v59 =	vshrl.u32 v3, $0x3  }
0xa3: {  	v4 =	vmul.u32 $0x30, v59  }
0xa4: {  	v3 =	vand.u32 $0x7, v3  }
0xa5: {  	v3 =	vor.u32 v3, v4  }
0xa6: {  	v4 =	vperm.xlane v3, v0;
	_ =	sdelay $0x1  }
0xa7: {  	v4 =	vadd.s32 v1, v4;
	_ =	sdelay $0x1  }
0xa8: {  	s0 =	sld [smem:$0x7F6];
	_ =	sdelay $0x1  }
0xa9: {  	s9 =	sld [smem:$0x7F7];
	v3 =	vperm.xlane v3, v2  }
0xaa: {  	[tilespmem:s0], [sflag:$0x1] =	stream.indirect_vreg.gather [hbm4b:s1+s3], $0x80, v4, vm0, $0xb8;
	[tilespmem:$0x1E100] =	vst v63  }
0xab: {  	v3 =	vadd.s32 v1, v3;
	s0 =	sld [smem:$0x7F8]  }
0xac: {  	[tilespmem:s9], [sflag:$0x1] =	stream.indirect_vreg.gather [hbm4b:s4+s3], $0x80, v4, vm0, $0xb8;
	[tilespmem:$0x1E100] =	vst v63  }
0xad: {  	s9 =	sld [smem:$0x7F9]  }
0xae: {  	[tilespmem:s0], [sflag:$0x1] =	stream.indirect_vreg.gather [hbm4b:s5+s3], $0x80, v4, vm0, $0xb8;
	[tilespmem:$0x1E100] =	vst v63  }
0xaf: {  	s0 =	sld [smem:$0x7FA]  }
0xb0: {  	[tilespmem:s9], [sflag:$0x1] =	stream.indirect_vreg.gather [hbm4b:s1+s3], $0x80, v3, vm0, $0xb8;
	[tilespmem:$0x1E100] =	vst v63  }
0xb1: {  	s9 =	sld [smem:$0x7FB]  }
0xb2: {  	[tilespmem:s0], [sflag:$0x1] =	stream.indirect_vreg.gather [hbm4b:s4+s3], $0x80, v3, vm0, $0xb8;
	[tilespmem:$0x1E100] =	vst v63  }
0xb3: {  	_ = 	snop  }
0xb4: {  	[tilespmem:s9], [sflag:$0x1] =	stream.indirect_vreg.gather [hbm4b:s5+s3], $0x80, v3, vm0, $0xb8;
	[tilespmem:$0x1E100] =	vst v63  }
0xb5: {  	v3 =	vld [tilespmem:$0x60];
	_ =	sdelay $0x4  }
0xb6: {  	v60 =	vshrl.u32 v3, $0x3  }
0xb7: {  	v4 =	vmul.u32 $0x30, v60  }
0xb8: {  	v3 =	vand.u32 $0x7, v3  }
0xb9: {  	v3 =	vor.u32 v3, v4  }
0xba: {  	v4 =	vperm.xlane v3, v0;
	_ =	sdelay $0x1  }
0xbb: {  	v4 =	vadd.s32 v1, v4;
	_ =	sdelay $0x1  }
0xbc: {  	s0 =	sld [smem:$0x7FC];
	_ =	sdelay $0x1  }
0xbd: {  	s9 =	sld [smem:$0x7FD];
	v3 =	vperm.xlane v3, v2  }
0xbe: {  	[tilespmem:s0], [sflag:$0x1] =	stream.indirect_vreg.gather [hbm4b:s1+s3], $0x80, v4, vm0, $0xb8;
	[tilespmem:$0x1E100] =	vst v63  }
0xbf: {  	v3 =	vadd.s32 v1, v3  }
0xc0: {  	[tilespmem:s9], [sflag:$0x1] =	stream.indirect_vreg.gather [hbm4b:s4+s3], $0x80, v4, vm0, $0xb8;
	[tilespmem:$0x1E100] =	vst v63  }
0xc1: {  	s9 =	simm.s32 $0x13100  }
0xc2: {  	[tilespmem:s9], [sflag:$0x1] =	stream.indirect_vreg.gather [hbm4b:s5+s3], $0x80, v4, vm0, $0xb8;
	[tilespmem:$0x1E100] =	vst v63  }
0xc3: {  	_ = 	snop  }
0xc4: {  	[tilespmem:s10], [sflag:$0x1] =	stream.indirect_vreg.gather [hbm4b:s1+s3], $0x80, v3, vm0, $0xb8;
	[tilespmem:$0x1E100] =	vst v63  }
0xc5: {  	_ = 	snop  }
0xc6: {  	[tilespmem:s11], [sflag:$0x1] =	stream.indirect_vreg.gather [hbm4b:s4+s3], $0x80, v3, vm0, $0xb8;
	[tilespmem:$0x1E100] =	vst v63  }
0xc7: {  	_ = 	snop  }
0xc8: {  	[tilespmem:s12], [sflag:$0x1] =	stream.indirect_vreg.gather [hbm4b:s5+s3], $0x80, v3, vm0, $0xb8;
	[tilespmem:$0x1E100] =	vst v63  }
0xc9: {  	v3 =	vld [tilespmem:$0x70];
	_ =	sdelay $0x4  }
0xca: {  	v61 =	vshrl.u32 v3, $0x3  }
0xcb: {  	v4 =	vmul.u32 $0x30, v61  }
0xcc: {  	v3 =	vand.u32 $0x7, v3  }
0xcd: {  	v3 =	vor.u32 v3, v4  }
0xce: {  	v4 =	vperm.xlane v3, v0;
	_ =	sdelay $0x1  }
0xcf: {  	v4 =	vadd.s32 v1, v4;
	_ =	sdelay $0x3  }
0xd0: {  	v3 =	vperm.xlane v3, v2  }
0xd1: {  	[tilespmem:s13], [sflag:$0x1] =	stream.indirect_vreg.gather [hbm4b:s1+s3], $0x80, v4, vm0, $0xb8;
	[tilespmem:$0x1E100] =	vst v63  }
0xd2: {  	v3 =	vadd.s32 v1, v3  }
0xd3: {  	[tilespmem:s14], [sflag:$0x1] =	stream.indirect_vreg.gather [hbm4b:s4+s3], $0x80, v4, vm0, $0xb8;
	[tilespmem:$0x1E100] =	vst v63  }
0xd4: {  	_ = 	snop  }
0xd5: {  	[tilespmem:s15], [sflag:$0x1] =	stream.indirect_vreg.gather [hbm4b:s5+s3], $0x80, v4, vm0, $0xb8;
	[tilespmem:$0x1E100] =	vst v63  }
0xd6: {  	_ = 	snop  }
0xd7: {  	[tilespmem:s16], [sflag:$0x1] =	stream.indirect_vreg.gather [hbm4b:s1+s3], $0x80, v3, vm0, $0xb8;
	[tilespmem:$0x1E100] =	vst v63  }
0xd8: {  	_ = 	snop  }
0xd9: {  	[tilespmem:s17], [sflag:$0x1] =	stream.indirect_vreg.gather [hbm4b:s4+s3], $0x80, v3, vm0, $0xb8;
	[tilespmem:$0x1E100] =	vst v63  }
0xda: {  	_ = 	snop  }
0xdb: {  	[tilespmem:s18], [sflag:$0x1] =	stream.indirect_vreg.gather [hbm4b:s5+s3], $0x80, v3, vm0, $0xb8;
	[tilespmem:$0x1E100] =	vst v63  }
0xdc: {  	v3 =	vld [tilespmem:$0x80];
	_ =	sdelay $0x4  }
0xdd: {  	v62 =	vshrl.u32 v3, $0x3  }
0xde: {  	v4 =	vmul.u32 $0x30, v62  }
0xdf: {  	v3 =	vand.u32 $0x7, v3  }
0xe0: {  	v3 =	vor.u32 v3, v4  }
0xe1: {  	v4 =	vperm.xlane v3, v0;
	_ =	sdelay $0x1  }
0xe2: {  	v4 =	vadd.s32 v1, v4;
	_ =	sdelay $0x3  }
0xe3: {  	v3 =	vperm.xlane v3, v2  }
0xe4: {  	[tilespmem:s19], [sflag:$0x1] =	stream.indirect_vreg.gather [hbm4b:s1+s3], $0x80, v4, vm0, $0xb8;
	[tilespmem:$0x1E100] =	vst v63  }
0xe5: {  	v3 =	vadd.s32 v1, v3  }
0xe6: {  	[tilespmem:s20], [sflag:$0x1] =	stream.indirect_vreg.gather [hbm4b:s4+s3], $0x80, v4, vm0, $0xb8;
	[tilespmem:$0x1E100] =	vst v63  }
0xe7: {  	_ = 	snop  }
0xe8: {  	[tilespmem:s21], [sflag:$0x1] =	stream.indirect_vreg.gather [hbm4b:s5+s3], $0x80, v4, vm0, $0xb8;
	[tilespmem:$0x1E100] =	vst v63  }
0xe9: {  	_ = 	snop  }
0xea: {  	[tilespmem:s22], [sflag:$0x1] =	stream.indirect_vreg.gather [hbm4b:s1+s3], $0x80, v3, vm0, $0xb8;
	[tilespmem:$0x1E100] =	vst v63  }
0xeb: {  	_ = 	snop  }
0xec: {  	[tilespmem:s23], [sflag:$0x1] =	stream.indirect_vreg.gather [hbm4b:s4+s3], $0x80, v3, vm0, $0xb8;
	[tilespmem:$0x1E100] =	vst v63  }
0xed: {  	_ = 	snop  }
0xee: {  	[tilespmem:s24], [sflag:$0x1] =	stream.indirect_vreg.gather [hbm4b:s5+s3], $0x80, v3, vm0, $0xb8;
	[tilespmem:$0x1E100] =	vst v63  }
0xef: {  	v3 =	vld [tilespmem:$0x90];
	_ =	sdelay $0x4  }
0xf0: {  	v63 =	vshrl.u32 v3, $0x3  }
0xf1: {  	v4 =	vmul.u32 $0x30, v63  }
0xf2: {  	v3 =	vand.u32 $0x7, v3  }
0xf3: {  	v3 =	vor.u32 v3, v4  }
0xf4: {  	v4 =	vperm.xlane v3, v0;
	_ =	sdelay $0x1  }
0xf5: {  	v4 =	vadd.s32 v1, v4;
	_ =	sdelay $0x3  }
0xf6: {  	v3 =	vperm.xlane v3, v2  }
0xf7: {  	[tilespmem:s25], [sflag:$0x1] =	stream.indirect_vreg.gather [hbm4b:s1+s3], $0x80, v4, vm0, $0xb8;
	[tilespmem:$0x1E100] =	vst v63  }
0xf8: {  	v3 =	vadd.s32 v1, v3  }
0xf9: {  	[tilespmem:s26], [sflag:$0x1] =	stream.indirect_vreg.gather [hbm4b:s4+s3], $0x80, v4, vm0, $0xb8;
	[tilespmem:$0x1E100] =	vst v63  }
0xfa: {  	_ = 	snop  }
0xfb: {  	[tilespmem:s28], [sflag:$0x1] =	stream.indirect_vreg.gather [hbm4b:s5+s3], $0x80, v4, vm0, $0xb8;
	[tilespmem:$0x1E100] =	vst v63  }
0xfc: {  	_ = 	snop  }
0xfd: {  	[tilespmem:s29], [sflag:$0x1] =	stream.indirect_vreg.gather [hbm4b:s1+s3], $0x80, v3, vm0, $0xb8;
	[tilespmem:$0x1E100] =	vst v63  }
0xfe: {  	_ = 	snop  }
0xff: {  	[tilespmem:s30], [sflag:$0x1] =	stream.indirect_vreg.gather [hbm4b:s4+s3], $0x80, v3, vm0, $0xb8;
	[tilespmem:$0x1E100] =	vst v63  }
0x100: {  	_ = 	snop  }
0x101: {  	[tilespmem:s31], [sflag:$0x1] =	stream.indirect_vreg.gather [hbm4b:s5+s3], $0x80, v3, vm0, $0xb8;
	[tilespmem:$0x1E100] =	vst v63  }
0x102: {  	_ =	swait.ge [sflag:s2], $0x3000  }
0x103: {  	[sflag:s2] =	ssyncset.done $0x0  }
0x104: {  	[sflag:s2] =	ssyncadd.s32 $0xFFFFD000  }
0x105: {  	_ =	swait.ge [sflag:s2], $0x3000  }
0x106: {  	[sflag:s2] =	ssyncset.done $0x0  }
0x107: {  	[sflag:s2] =	ssyncadd.s32 $0xFFFFD000  }
0x108: {  	_ =	swait.ge [sflag:s2], $0x3000  }
0x109: {  	[sflag:s2] =	ssyncset.done $0x0  }
0x10a: {  	[sflag:s2] =	ssyncadd.s32 $0xFFFFD000  }
0x10b: {  	_ =	swait.ge [sflag:s2], $0x3000  }
0x10c: {  	[sflag:s2] =	ssyncset.done $0x0  }
0x10d: {  	[sflag:s2] =	ssyncadd.s32 $0xFFFFD000  }
0x10e: {  	_ =	swait.ge [sflag:s2], $0x3000  }
0x10f: {  	[sflag:s2] =	ssyncset.done $0x0  }
0x110: {  	[sflag:s2] =	ssyncadd.s32 $0xFFFFD000  }
0x111: {  	_ =	swait.ge [sflag:s2], $0x3000  }
0x112: {  	[sflag:s2] =	ssyncset.done $0x0  }
0x113: {  	[sflag:s2] =	ssyncadd.s32 $0xFFFFD000  }
0x114: {  	_ =	swait.ge [sflag:s2], $0x3000  }
0x115: {  	[sflag:s2] =	ssyncset.done $0x0  }
0x116: {  	[sflag:s2] =	ssyncadd.s32 $0xFFFFD000  }
0x117: {  	_ =	swait.ge [sflag:s2], $0x3000  }
0x118: {  	[sflag:s2] =	ssyncset.done $0x0  }
0x119: {  	[sflag:s2] =	ssyncadd.s32 $0xFFFFD000  }
0x11a: {  	_ =	swait.ge [sflag:s2], $0x3000  }
0x11b: {  	[sflag:s2] =	ssyncset.done $0x0  }
0x11c: {  	[sflag:s2] =	ssyncadd.s32 $0xFFFFD000  }
0x11d: {  	_ =	swait.ge [sflag:s2], $0x3000  }
0x11e: {  	p0 =	sne.s32 s6, $0x1;
	[sflag:s2] =	ssyncset.done $0x0  }
.Ltmp0:
0x11f: {  	s9 =	rddreg [dreg:$0x5];
	[sflag:s2] =	ssyncadd.s32 $0xFFFFD000;
	(pc) =	sbr.rel @p0 .LBB2_1-.Ltmp0, $4  }
0x120: {  	[hbm4b:s9+s3] =	stream.linear.scatter [tilespmem:s8], [sflag:$0x2], $0x1E000, $0x38;
	[tilespmem:$0x1E100] =	vst v63  }
0x121: {  	_ =	swait.ge [sflag:s7], $0x1E000  }
0x122: {  	[sflag:s7] =	ssyncset.done $0x0  }
0x123: {  	s6 =	sadd.s32 $0xFFFFFFFF, s6;
	[sflag:s7] =	ssyncadd.s32 $0xFFFE2000  }
0x124: {  	_ =	sfence.sel $0x180000  }
0x125: {  	[bflag:$0x0] =	sbarrier.arrive $0xFFFF  }
0x126: {  	_ =	strace $0x9000004A  }
0x127: {  	s0 =	stileid.u32;
	[bflag:$0x2] =	sbarrier.arrive $0xFFFF  }
0x128: {  	p0 =	sne.s32 s0, $0x0;
	s0 =	rddreg [dreg:$0x3]  }
0x129: {  	s0 =	sadd.s32 @!p0 $0x100000, s0  }
0x12a: {  	[sflag:s0] =	ssyncadd.tile.s32 @!p0 $0x1;
	_ =	shalt  }
.Lfunc_end2:
_tile_overlayer_lowered:
.L_overlay_start_2:
0x12b: {  	(tag) =	ssettag $0x2  }
0x12c: {  	s0 =	rddreg [dreg:$0x0];
	s2 =	stileid.u32  }
0x12d: {  	s1 =	rddreg [dreg:$0x1];
	p0 =	sne.s32 s2, $0x0  }
0x12e: {  	s3 =	rddreg [dreg:$0x2];
	[bflag:$0x3] =	sbarrier.arrive $0xFFFF;
	s2 =	simm.s32 @!p0 $0x1C02  }
0x12f: {  	[timem:s3], [sflag:s2] =	dma.local @!p0 [hbm:s0], s1  }
0x130: {  	s0 =	simm.s32 @!p0 $0x2  }
0x131: {  	_ =	swait.ge @!p0 [sflag:s0], s1  }
0x132: {  	s1 =	ssub.s32 @!p0 $0x0, s1;
	[sflag:s0] =	ssyncset.done @!p0 $0x0  }
0x133: {  	[sflag:s0] =	ssyncadd.s32 @!p0 s1  }
0x134: {  	[bflag:$0x3] =	sbarrier.arrive $0xFFFF  }
0x135: {  	_ =	shalt  }

// kernel: kernel.13.cloned.1.call-start
scs
__scs_entry_jumppad:
0x0: {  	(pc) =	sbr.rel $0x88, $3  }
0x1: {  	(tag) =	ssettag $0x0;
	lr =	simm.s32 $0x1  }
0x2: {  	[smem:$0x3F9C] =	sst lr;
	_ =	strace $0xD0000000  }
0x3: {  	_ = 	snop  }
0x4: {  	_ = 	snop  }
0x5: {  	_ = 	snop  }
0x6: {  	_ = 	snop  }
0x7: {  	_ = 	snop  }
__scs_overlays_trampoline_lowered:
0x8: {  	[smem:$0x3FAB] =	sst s0  }
0x9: {  	[smem:$0x3FAC] =	sst s1  }
0xa: {  	[smem:$0x3FAD] =	sst s2  }
0xb: {  	[smem:$0x3FAE] =	sst s3  }
0xc: {  	[smem:$0x3FAF] =	sst s4  }
0xd: {  	[smem:$0x3FB0] =	sst s5  }
0xe: {  	[smem:$0x3FB1] =	sst s6  }
0xf: {  	[smem:$0x3FB2] =	sst s7  }
0x10: {  	[smem:$0x3FB3] =	sst s8  }
0x11: {  	[smem:$0x3FB4] =	sst s9;
	s0 =	simm.s32 @!p0 $0x0  }
0x12: {  	s1 =	sld [smem:$0x3F9A];
	s0 =	simm.s32 @p0 $0x1  }
0x13: {  	[smem:$0x3FB5] =	sst s0;
	s0 =	simm.s32 @!p1 $0x0  }
0x14: {  	s2 =	sld [smem:$0x3F99];
	s0 =	simm.s32 @p1 $0x1  }
0x15: {  	[smem:$0x3FB6] =	sst s0;
	s0 =	simm.s32 @!p2 $0x0  }
0x16: {  	s3 =	sld [smem:$0x3FDB];
	s0 =	simm.s32 @p2 $0x1  }
0x17: {  	s4 =	simm.s32 $0x1BF5;
	[smem:$0x3FB8] =	sst s0  }
0x18: {  	s0 =	sld [smem:$0x3F9B];
	_ =	swait.ge [sflag:s4], $0x0  }
0x19: {  	s7 =	sld [smem:$0x3F9C]  }
0x1a: {  	s8 =	sadd.s32 $0xFFFFE003, lr  }
0x1b: {  	s9 =	sadd.s32 $0xFFFFFEF7, lr;
	s5 =	simm.s32 $0xFFFFFFFF;
	p2 =	slt.u32 s8, $0xFFFFF086  }
0x1c: {  	p1 =	slt.u32 s9, $0xF7A;
	s5 =	simm.s32 @!p2 $0x0  }
0x1d: {  	s5 =	simm.s32 @p1 $0x1;
	p0 =	seq.s32 s7, s2  }
0x1e: {  	s7 =	smul.u32 @!p0 $0xF7A, s2;
	p2 =	seq.s32 @!p0 s5, $0x0  }
0x1f: {  	s9 =	smul.u32 $0xF7A, s1;
	s8 =	simm.s32 @!p0 $0x1BF5;
	p2 =	por !p2, p0  }
0x20: {  	[sflag:s8] =	ssyncset.s32 @!p0 $0xFFFFF086;
	s6 =	sadd.s32 @!p0 s3, s7;
	s7 =	simm.s32 @!p0 $0x108  }
0x21: {  	s3 =	sadd.s32 s3, s9;
	s6 =	sadd.s32 @!p0 $0x88, s6;
	s7 =	simm.s32 @p2 $0x1082  }
0x22: {  	[simem:s7], [sflag:s8] =	dma.local @!p0 [hbm:s6], $0xF7A  }
0x23: {  	s9 =	sor.u32 $0xD0000000, s2;
	s6 =	simm.s32 $0x108;
	_ =	swait.ge @!p0 [sflag:s8], $0x0  }
0x24: {  	s3 =	sadd.s32 $0x88, s3;
	s6 =	simm.s32 @!p1 $0x1082;
	[sflag:s4] =	ssyncset.s32 $0xFFFFF086  }
0x25: {  	[simem:s6], [sflag:s4] =	dma.local [hbm:s3], $0xF7A  }
0x26: {  	[smem:$0x3F9C] =	sst s1;
	(tag) =	ssettag s2;
	_ =	strace s9  }
0x27: {  	s1 =	sld [smem:$0x3FAC]  }
0x28: {  	s2 =	sld [smem:$0x3FAD]  }
0x29: {  	s4 =	sld [smem:$0x3FAF]  }
0x2a: {  	p0 =	seq.s32 s5, $0x0;
	s5 =	sld [smem:$0x3FB0]  }
0x2b: {  	s6 =	sld [smem:$0x3FB1]  }
0x2c: {  	s7 =	sld [smem:$0x3FB2]  }
0x2d: {  	s3 =	simm.s32 $0x108;
	s8 =	sld [smem:$0x3FB3]  }
0x2e: {  	s3 =	simm.s32 @!p0 $0x1082;
	s9 =	sld [smem:$0x3FB4]  }
0x2f: {  	lr =	sadd.s32 s0, s3;
	s0 =	sld [smem:$0x3FAB]  }
0x30: {  	s3 =	sld [smem:$0x3FAE]  }
0x31: {  	[smem:$0x3FB7] =	sst s10  }
0x32: {  	s10 =	sld [smem:$0x3FB5];
	_ =	sdelay $0x3  }
0x33: {  	p0 =	seq.s32 s10, $0x1;
	s10 =	sld [smem:$0x3FB7];
	_ =	sdelay $0x3  }
0x34: {  	[smem:$0x3FB7] =	sst s10  }
0x35: {  	s10 =	sld [smem:$0x3FB6];
	_ =	sdelay $0x3  }
0x36: {  	p1 =	seq.s32 s10, $0x1;
	s10 =	sld [smem:$0x3FB7];
	_ =	sdelay $0x3  }
0x37: {  	[smem:$0x3FB7] =	sst s10  }
0x38: {  	s10 =	sld [smem:$0x3FB8]  }
0x39: {  	_ = 	snop;
	(pc) =	sbr.ind lr, $3  }
0x3a: {  	_ = 	snop  }
0x3b: {  	_ = 	snop  }
0x3c: {  	p2 =	seq.s32 s10, $0x1;
	s10 =	sld [smem:$0x3FB7]  }
0x3d: {  	_ =	shalt  }
0x3e: {  	_ =	shalt  }
0x3f: {  	_ =	shalt  }
0x40: {  	_ =	shalt  }
0x41: {  	_ =	shalt  }
0x42: {  	_ =	shalt  }
0x43: {  	_ =	shalt  }
0x44: {  	_ =	shalt  }
0x45: {  	_ =	shalt  }
0x46: {  	_ =	shalt  }
0x47: {  	_ =	shalt  }
0x48: {  	_ =	shalt  }
0x49: {  	_ =	shalt  }
0x4a: {  	_ =	shalt  }
0x4b: {  	_ =	shalt  }
0x4c: {  	_ =	shalt  }
0x4d: {  	_ =	shalt  }
0x4e: {  	_ =	shalt  }
0x4f: {  	_ =	shalt  }
0x50: {  	_ =	shalt  }
0x51: {  	_ =	shalt  }
0x52: {  	_ =	shalt  }
0x53: {  	_ =	shalt  }
0x54: {  	_ =	shalt  }
0x55: {  	_ =	shalt  }
0x56: {  	_ =	shalt  }
0x57: {  	_ =	shalt  }
0x58: {  	_ =	shalt  }
0x59: {  	_ =	shalt  }
0x5a: {  	_ =	shalt  }
0x5b: {  	_ =	shalt  }
0x5c: {  	_ =	shalt  }
0x5d: {  	_ =	shalt  }
0x5e: {  	_ =	shalt  }
0x5f: {  	_ =	shalt  }
0x60: {  	_ =	shalt  }
0x61: {  	_ =	shalt  }
0x62: {  	_ =	shalt  }
0x63: {  	_ =	shalt  }
0x64: {  	_ =	shalt  }
0x65: {  	_ =	shalt  }
0x66: {  	_ =	shalt  }
0x67: {  	_ =	shalt  }
0x68: {  	_ =	shalt  }
0x69: {  	_ =	shalt  }
0x6a: {  	_ =	shalt  }
0x6b: {  	_ =	shalt  }
0x6c: {  	_ =	shalt  }
0x6d: {  	_ =	shalt  }
0x6e: {  	_ =	shalt  }
0x6f: {  	_ =	shalt  }
0x70: {  	_ =	shalt  }
0x71: {  	_ =	shalt  }
0x72: {  	_ =	shalt  }
0x73: {  	_ =	shalt  }
0x74: {  	_ =	shalt  }
0x75: {  	_ =	shalt  }
0x76: {  	_ =	shalt  }
0x77: {  	_ =	shalt  }
0x78: {  	_ =	shalt  }
0x79: {  	_ =	shalt  }
0x7a: {  	_ =	shalt  }
0x7b: {  	_ =	shalt  }
0x7c: {  	_ =	shalt  }
0x7d: {  	_ =	shalt  }
0x7e: {  	_ =	shalt  }
0x7f: {  	_ =	shalt  }
0x80: {  	_ =	shalt  }
0x81: {  	_ =	shalt  }
0x82: {  	_ =	shalt  }
0x83: {  	_ =	shalt  }
0x84: {  	_ =	shalt  }
0x85: {  	_ =	shalt  }
0x86: {  	_ =	shalt  }
0x87: {  	_ =	shalt  }
.Lfunc_end0:
.L_simem_size_0:
called_computation.2_lowered:
.L_overlay_start_0:
0x88: {  	s2 =	sld [smem:$0x3FD9]  }
0x89: {  	s3 =	sld [smem:$0x3FFE];
	_ =	sdelay $0x1  }
0x8a: {  	s1 =	srdreg.scid  }
0x8b: {  	s0 =	sand.u32 $0x1, s1  }
0x8c: {  	s17 =	sshll.u32 s0, $0xA;
	s2 =	sadd.s32 s3, s2  }
0x8d: {  	s2 =	sadd.s32 s2, s17  }
0x8e: {  	[smem:$0x3FC3] =	sst s2  }
0x8f: {  	_ = 	snop  }
0x90: {  	s2 =	sld [smem:$0x3FD0];
	(tm) =	ssettm $0x1  }
0x91: {  	s18 =	sld [smem:$0x3FFB];
	_ =	sdelay $0x3  }
0x92: {  	_ =	strace s18  }
0x93: {  	s3 =	sld [smem:$0x3FFC];
	_ =	sdelay $0x3  }
0x94: {  	_ =	strace s3  }
0x95: {  	s3 =	sld [smem:$0x3FFD];
	_ =	sdelay $0x3  }
0x96: {  	_ =	strace s3  }
0x97: {  	_ =	strace $0x8FFFFFFF  }
0x98: {  	s19 =	sld [smem:$0x3FDB];
	_ =	sdelay $0x1  }
0x99: {  	s4 =	simm.s32 $_scs_section_size  }
0x9a: {  	s5 =	simm.s32 $_size__tile_overlayer_lowered;
	s6 =	simm.s32 $_tile_overlayer_lowered  }
0x9b: {  	s22 =	simm.s32 $0x1BFF;
	s21 =	sshll.u32 s6, $0x1;
	s3 =	sadd.s32 s4, s19  }
0x9c: {  	s7 =	simm.s32 $0x0;
	s20 =	sshll.u32 s5, $0x1;
	s5 =	sadd.s32 s21, s3  }
0x9d: {  	[timem:s7], [sflag:s22] =	dma.local [hbm:s5], s20  }
0x9e: {  	_ =	swait.ge [sflag:s22], s20  }
0x9f: {  	s4 =	ssub.s32 $0x0, s20;
	[sflag:s22] =	ssyncset.done $0x0  }
0xa0: {  	[sflag:s22] =	ssyncadd.s32 s4;
	_ =	sdelay $0x1  }
0xa1: {  	s23 =	simm.s32 $0x1B8B  }
0xa2: {  	_ =	swait.ge [sflag:s23], $0x1  }
0xa3: {  	[sflag:s23] =	ssyncset.done $0x0  }
0xa4: {  	s25 =	simm.s32 $0x1B8E;
	s24 =	sld [smem:$0x3FFE];
	[sflag:s23] =	ssyncadd.s32 $0xFFFFFFFF  }
0xa5: {  	s26 =	simm.s32 $execute0_lowered;
	[smem:$0x3FD2] =	sst s25  }
0xa6: {  	s5 =	sshll.u32 s26, $0x1;
	_ =	strace $0x8000004C;
	[dreg:$0x1] =	wrdreg $0xFFFFFFFF  }
0xa7: {  	s28 =	simm.s32 $_size_execute0_lowered;
	s3 =	sadd.s32 s3, s5;
	[dreg:$0x0] =	wrdreg $0x0  }
0xa8: {  	s5 =	sshll.u32 s28, $0x1;
	[dreg:$0x2] =	wrdreg s3  }
0xa9: {  	[dreg:$0x3] =	wrdreg s5  }
0xaa: {  	[dreg:$0x4] =	wrdreg $0xC0  }
0xab: {  	_ =	task [dreg:s7], $0x5FFFF  }
0xac: {  	[dreg:$0x1] =	wrdreg $0xFFFFFFFF  }
0xad: {  	[dreg:$0x0] =	wrdreg $0x60  }
0xae: {  	[dreg:$0x2] =	wrdreg s24  }
0xaf: {  	[dreg:$0x3] =	wrdreg s2  }
0xb0: {  	[dreg:$0x4] =	wrdreg $0x9  }
0xb1: {  	_ =	task.clear_ibuf [dreg:s7], $0x5FFFF;
	_ =	strace $0x9000004C  }
0xb2: {  	s29 =	simm.s32 $0x9;
	_ =	strace $0x8000004E  }
0xb3: {  	_ =	swait.ge [sflag:s29], $0x1  }
0xb4: {  	[sflag:s29] =	ssyncadd.s32 $0xFFFFFFFF  }
0xb5: {  	_ =	strace $0x9000004E  }
0xb6: {  	_ =	sfence  }
0xb7: {  	s30 =	sld [smem:$0x0];
	_ =	sdelay $0x2  }
0xb8: {  	s31 =	sshll.u32 s1, $0xD;
	s1 =	sshrl.u32 s1, $0x2  }
0xb9: {  	s3 =	sand.u32 $0x4000, s31;
	s1 =	sadd.s32 s1, s30  }
0xba: {  	s0 =	sor.u32 s3, s0;
	s1 =	sshll.u32 s1, $0x11  }
0xbb: {  	s0 =	sor.u32 s1, s0  }
0xbc: {  	s0 =	sadd.s32 $0x8F2B, s0  }
0xbd: {  	[sflag:s0] =	ssyncadd.remote.s32 $0x1  }
0xbe: {  	_ =	sfence.sel $0xFFFF  }
0xbf: {  	[dreg:$0x0] =	wrdreg $0xFFFFFFFF;
	(pc) =	sbr.abs _section_cstart, $3  }
0xc0: {  	[dreg:$0x1] =	wrdreg $0xFFFFFFFF  }
0xc1: {  	_ =	task.clear_ibuf [dreg:s7], $0x2FFFF;
	_ =	strace $0x9FFFFFFF  }
0xc2: {  	(tm) =	ssettm $0x7FFFFFFF  }
0xc3: {  	_ =	shalt  }
tec
execute0_lowered:
.L_overlay_start_1:
0x0: {  	(tag) =	ssettag $0x1  }
0x1: {  	s0 =	rddreg [dreg:$0x0]  }
0x2: {  	s1 =	rddreg [dreg:$0x1];
	s2 =	simm.s32 $0x0  }
0x3: {  	s3 =	srdreg.scid;
	s5 =	stileid.u32;
	s11 =	simm.s32 $0x2  }
0x4: {  	s13 =	simm.s32 $0x100;
	s22 =	simm.s32 $0x4900;
	s23 =	simm.s32 $0x5100  }
0x5: {  	s28 =	simm.s32 $0x7100;
	s29 =	simm.s32 $0x7900;
	s30 =	simm.s32 $0x8100  }
0x6: {  	s31 =	simm.s32 $0x8900;
	s12 =	simm.s32 $0xA100;
	s14 =	simm.s32 $0xA900  }
0x7: {  	s15 =	simm.s32 $0xB100;
	s16 =	simm.s32 $0xB900;
	s17 =	simm.s32 $0x1  }
0x8: {  	s18 =	simm.s32 $0x0;
	[smem:$0x7FF] =	sst s2;
	s4 =	sand.u32 $0x1, s3  }
0x9: {  	s5 =	sshll.u32 s5, $0x4;
	s3 =	sadd.s32 $0x79C00, s0;
	s6 =	sshll.u32 s4, $0x3  }
0xa: {  	_ =	strace $0x8000004D;
	s4 =	ssub.s32 $0x2, s4;
	s5 =	sor.u32 s6, s5  }
0xb: {  	s7 =	sshrl.u32 s4, $0x1;
	s6 =	sadd.s32 s5, s0;
	s8 =	smul.u32 $0x1800, s5  }
0xc: {  	s4 =	ssub.s32 s4, s7;
	s9 =	smul.u32 $0x300, s5;
	s24 =	sadd.s32 $0x1000, s6  }
0xd: {  	s7 =	sadd.s32 $0x79E00, s0;
	s25 =	sadd.s32 $0x1200, s6;
	[dreg:$0x3] =	wrdreg s24  }
0xe: {  	s6 =	sadd.s32 $0x79D00, s0;
	s0 =	simm.s32 $0x9100;
	[dreg:$0x4] =	wrdreg s25  }
0xf: {  	v2 =	vlaneseq.u32;
	s10 =	sshrl.u32 s8, $0x3;
	s8 =	sadd.s32 s1, s9;
	s24 =	simm.s32 $0x5900  }
0x10: {  	vm0 =	vmmov $0xffff;
	v1 =	vshrl.u32 v2, $0x3;
	s25 =	simm.s32 $0x6100;
	s26 =	sadd.s32 s1, s10;
	s10 =	smax.u32 s4, $0x1  }
0x11: {  	v0 =	vand.u32 $0x7, v2;
	v2 =	vor.u32 $0x8, v2;
	v1 =	vmul.u32 $0x8, v1;
	s1 =	simm.s32 $0x9900;
	s9 =	sadd.s32 $0xC00, s26;
	s26 =	simm.s32 $0x6900  }
.LBB2_1:
0x12: {  	s4 =	rddreg [dreg:$0x3]  }
0x13: {  	[tilespmem:s2], [sflag:$0x2] =	stream.linear.gather [hbm4b:s4+s2], $0x40, $0x38;
	[tilespmem:$0xC100] =	vst v63  }
0x14: {  	_ =	swait.ge [sflag:s11], $0x40  }
0x15: {  	[sflag:s11] =	ssyncset.done $0x0  }
0x16: {  	s5 =	simm.s32 $0x80;
	s20 =	rddreg [dreg:$0x4];
	[sflag:s11] =	ssyncadd.s32 $0xFFFFFFC0  }
0x17: {  	[tilespmem:s5], [sflag:$0x2] =	stream.linear.gather [hbm4b:s20+s2], $0x40, $0x38;
	[tilespmem:$0xC100] =	vst v63  }
0x18: {  	_ =	swait.ge [sflag:s11], $0x40  }
0x19: {  	[sflag:s11] =	ssyncset.done $0x0  }
0x1a: {  	[sflag:s11] =	ssyncadd.s32 $0xFFFFFFC0  }
0x1b: {  	v3 =	vld [tilespmem:$0x0];
	_ =	sdelay $0x4  }
0x1c: {  	v4 =	vshrl.u32 v3, $0x3  }
0x1d: {  	v4 =	vmul.u32 $0x30, v4  }
0x1e: {  	v3 =	vand.u32 $0x7, v3  }
0x1f: {  	v3 =	vor.u32 v3, v4  }
0x20: {  	v4 =	vperm.xlane v3, v0;
	_ =	sdelay $0x1  }
0x21: {  	v4 =	vadd.s32 v1, v4;
	_ =	sdelay $0x3  }
0x22: {  	v3 =	vperm.xlane v3, v2  }
0x23: {  	[tilespmem:s13], [sflag:$0x1] =	stream.indirect_vreg.gather [hbm4b:s3+s2], $0x80, v4, vm0, $0xb8;
	[tilespmem:$0xC100] =	vst v63  }
0x24: {  	s21 =	simm.s32 $0x900;
	v3 =	vadd.s32 v1, v3  }
0x25: {  	[tilespmem:s21], [sflag:$0x1] =	stream.indirect_vreg.gather [hbm4b:s6+s2], $0x80, v4, vm0, $0xb8;
	[tilespmem:$0xC100] =	vst v63  }
0x26: {  	s5 =	simm.s32 $0x1100  }
0x27: {  	[tilespmem:s5], [sflag:$0x1] =	stream.indirect_vreg.gather [hbm4b:s7+s2], $0x80, v4, vm0, $0xb8;
	[tilespmem:$0xC100] =	vst v63  }
0x28: {  	s19 =	simm.s32 $0x1900  }
0x29: {  	[tilespmem:s19], [sflag:$0x1] =	stream.indirect_vreg.gather [hbm4b:s3+s2], $0x80, v3, vm0, $0xb8;
	[tilespmem:$0xC100] =	vst v63  }
0x2a: {  	s20 =	simm.s32 $0x2100  }
0x2b: {  	[tilespmem:s20], [sflag:$0x1] =	stream.indirect_vreg.gather [hbm4b:s6+s2], $0x80, v3, vm0, $0xb8;
	[tilespmem:$0xC100] =	vst v63  }
0x2c: {  	s21 =	simm.s32 $0x2900  }
0x2d: {  	[tilespmem:s21], [sflag:$0x1] =	stream.indirect_vreg.gather [hbm4b:s7+s2], $0x80, v3, vm0, $0xb8;
	[tilespmem:$0xC100] =	vst v63  }
0x2e: {  	v3 =	vld [tilespmem:$0x10];
	_ =	sdelay $0x4  }
0x2f: {  	v4 =	vshrl.u32 v3, $0x3  }
0x30: {  	v4 =	vmul.u32 $0x30, v4  }
0x31: {  	v3 =	vand.u32 $0x7, v3  }
0x32: {  	v3 =	vor.u32 v3, v4  }
0x33: {  	v4 =	vperm.xlane v3, v0;
	_ =	sdelay $0x1  }
0x34: {  	v4 =	vadd.s32 v1, v4;
	_ =	sdelay $0x3  }
0x35: {  	s5 =	simm.s32 $0x3100;
	v3 =	vperm.xlane v3, v2  }
0x36: {  	[tilespmem:s5], [sflag:$0x1] =	stream.indirect_vreg.gather [hbm4b:s3+s2], $0x80, v4, vm0, $0xb8;
	[tilespmem:$0xC100] =	vst v63  }
0x37: {  	s19 =	simm.s32 $0x3900;
	v3 =	vadd.s32 v1, v3  }
0x38: {  	[tilespmem:s19], [sflag:$0x1] =	stream.indirect_vreg.gather [hbm4b:s6+s2], $0x80, v4, vm0, $0xb8;
	[tilespmem:$0xC100] =	vst v63  }
0x39: {  	s20 =	simm.s32 $0x4100  }
0x3a: {  	[tilespmem:s20], [sflag:$0x1] =	stream.indirect_vreg.gather [hbm4b:s7+s2], $0x80, v4, vm0, $0xb8;
	[tilespmem:$0xC100] =	vst v63  }
0x3b: {  	_ = 	snop  }
0x3c: {  	[tilespmem:s22], [sflag:$0x1] =	stream.indirect_vreg.gather [hbm4b:s3+s2], $0x80, v3, vm0, $0xb8;
	[tilespmem:$0xC100] =	vst v63  }
0x3d: {  	_ = 	snop  }
0x3e: {  	[tilespmem:s23], [sflag:$0x1] =	stream.indirect_vreg.gather [hbm4b:s6+s2], $0x80, v3, vm0, $0xb8;
	[tilespmem:$0xC100] =	vst v63  }
0x3f: {  	_ = 	snop  }
0x40: {  	[tilespmem:s24], [sflag:$0x1] =	stream.indirect_vreg.gather [hbm4b:s7+s2], $0x80, v3, vm0, $0xb8;
	[tilespmem:$0xC100] =	vst v63  }
0x41: {  	v3 =	vld [tilespmem:$0x80];
	_ =	sdelay $0x4  }
0x42: {  	v4 =	vshrl.u32 v3, $0x3  }
0x43: {  	v4 =	vmul.u32 $0x30, v4  }
0x44: {  	v3 =	vand.u32 $0x7, v3  }
0x45: {  	v3 =	vor.u32 v3, v4  }
0x46: {  	v4 =	vperm.xlane v3, v0;
	_ =	sdelay $0x1  }
0x47: {  	v4 =	vadd.s32 v1, v4;
	_ =	sdelay $0x3  }
0x48: {  	v3 =	vperm.xlane v3, v2  }
0x49: {  	[tilespmem:s25], [sflag:$0x1] =	stream.indirect_vreg.gather [hbm4b:s3+s2], $0x80, v4, vm0, $0xb8;
	[tilespmem:$0xC100] =	vst v63  }
0x4a: {  	v3 =	vadd.s32 v1, v3  }
0x4b: {  	[tilespmem:s26], [sflag:$0x1] =	stream.indirect_vreg.gather [hbm4b:s6+s2], $0x80, v4, vm0, $0xb8;
	[tilespmem:$0xC100] =	vst v63  }
0x4c: {  	_ = 	snop  }
0x4d: {  	[tilespmem:s28], [sflag:$0x1] =	stream.indirect_vreg.gather [hbm4b:s7+s2], $0x80, v4, vm0, $0xb8;
	[tilespmem:$0xC100] =	vst v63  }
0x4e: {  	_ = 	snop  }
0x4f: {  	[tilespmem:s29], [sflag:$0x1] =	stream.indirect_vreg.gather [hbm4b:s3+s2], $0x80, v3, vm0, $0xb8;
	[tilespmem:$0xC100] =	vst v63  }
0x50: {  	_ = 	snop  }
0x51: {  	[tilespmem:s30], [sflag:$0x1] =	stream.indirect_vreg.gather [hbm4b:s6+s2], $0x80, v3, vm0, $0xb8;
	[tilespmem:$0xC100] =	vst v63  }
0x52: {  	_ = 	snop  }
0x53: {  	[tilespmem:s31], [sflag:$0x1] =	stream.indirect_vreg.gather [hbm4b:s7+s2], $0x80, v3, vm0, $0xb8;
	[tilespmem:$0xC100] =	vst v63  }
0x54: {  	v3 =	vld [tilespmem:$0x90];
	_ =	sdelay $0x4  }
0x55: {  	v4 =	vshrl.u32 v3, $0x3  }
0x56: {  	v4 =	vmul.u32 $0x30, v4  }
0x57: {  	v3 =	vand.u32 $0x7, v3  }
0x58: {  	v3 =	vor.u32 v3, v4  }
0x59: {  	v4 =	vperm.xlane v3, v0;
	_ =	sdelay $0x1  }
0x5a: {  	v4 =	vadd.s32 v1, v4;
	_ =	sdelay $0x3  }
0x5b: {  	v3 =	vperm.xlane v3, v2  }
0x5c: {  	[tilespmem:s0], [sflag:$0x1] =	stream.indirect_vreg.gather [hbm4b:s3+s2], $0x80, v4, vm0, $0xb8;
	[tilespmem:$0xC100] =	vst v63  }
0x5d: {  	v3 =	vadd.s32 v1, v3  }
0x5e: {  	[tilespmem:s1], [sflag:$0x1] =	stream.indirect_vreg.gather [hbm4b:s6+s2], $0x80, v4, vm0, $0xb8;
	[tilespmem:$0xC100] =	vst v63  }
0x5f: {  	_ = 	snop  }
0x60: {  	[tilespmem:s12], [sflag:$0x1] =	stream.indirect_vreg.gather [hbm4b:s7+s2], $0x80, v4, vm0, $0xb8;
	[tilespmem:$0xC100] =	vst v63  }
0x61: {  	_ = 	snop  }
0x62: {  	[tilespmem:s14], [sflag:$0x1] =	stream.indirect_vreg.gather [hbm4b:s3+s2], $0x80, v3, vm0, $0xb8;
	[tilespmem:$0xC100] =	vst v63  }
0x63: {  	_ = 	snop  }
0x64: {  	[tilespmem:s15], [sflag:$0x1] =	stream.indirect_vreg.gather [hbm4b:s6+s2], $0x80, v3, vm0, $0xb8;
	[tilespmem:$0xC100] =	vst v63  }
0x65: {  	_ = 	snop  }
0x66: {  	[tilespmem:s16], [sflag:$0x1] =	stream.indirect_vreg.gather [hbm4b:s7+s2], $0x80, v3, vm0, $0xb8;
	[tilespmem:$0xC100] =	vst v63  }
0x67: {  	_ =	swait.ge [sflag:s17], $0x3000  }
0x68: {  	[sflag:s17] =	ssyncset.done $0x0  }
0x69: {  	[sflag:s17] =	ssyncadd.s32 $0xFFFFD000  }
0x6a: {  	_ =	swait.ge [sflag:s17], $0x3000  }
0x6b: {  	[sflag:s17] =	ssyncset.done $0x0  }
0x6c: {  	[sflag:s17] =	ssyncadd.s32 $0xFFFFD000  }
0x6d: {  	_ =	swait.ge [sflag:s17], $0x3000  }
0x6e: {  	[sflag:s17] =	ssyncset.done $0x0  }
0x6f: {  	s21 =	simm.s32 $0x0;
	[sflag:s17] =	ssyncadd.s32 $0xFFFFD000  }
0x70: {  	s4 =	smul.u32 $0x1800, s21;
	_ =	swait.ge [sflag:s17], $0x3000  }
0x71: {  	s19 =	sand.u32 $0x380, s2;
	[sflag:s17] =	ssyncset.done $0x0  }
0x72: {  	s19 =	sor.u32 s19, s4;
	[sflag:s17] =	ssyncadd.s32 $0xFFFFD000  }
0x73: {  	v12 =	vld [tilespmem:s19+$0x6100]  }
0x74: {  	v13 =	vld [tilespmem:s19+$0x6110]  }
0x75: {  	v14 =	vld [tilespmem:s19+$0x6120]  }
0x76: {  	v15 =	vld [tilespmem:s19+$0x6130]  }
0x77: {  	v16 =	vld [tilespmem:s19+$0x6140]  }
0x78: {  	v17 =	vld [tilespmem:s19+$0x6150]  }
0x79: {  	v18 =	vld [tilespmem:s19+$0x6160]  }
0x7a: {  	v19 =	vld [tilespmem:s19+$0x6170]  }
0x7b: {  	v20 =	vld [tilespmem:s19+$0x6500]  }
0x7c: {  	v21 =	vld [tilespmem:s19+$0x6510]  }
0x7d: {  	v22 =	vld [tilespmem:s19+$0x6520]  }
0x7e: {  	v23 =	vld [tilespmem:s19+$0x6530]  }
0x7f: {  	v24 =	vld [tilespmem:s19+$0x6540]  }
0x80: {  	v25 =	vld [tilespmem:s19+$0x6550]  }
0x81: {  	v26 =	vld [tilespmem:s19+$0x6560]  }
0x82: {  	v27 =	vld [tilespmem:s19+$0x6570]  }
0x83: {  	v28 =	vld [tilespmem:s19+$0x6900]  }
0x84: {  	v29 =	vld [tilespmem:s19+$0x6910]  }
0x85: {  	v30 =	vld [tilespmem:s19+$0x6920]  }
0x86: {  	v31 =	vld [tilespmem:s19+$0x6930]  }
0x87: {  	v32 =	vld [tilespmem:s19+$0x6940]  }
0x88: {  	v33 =	vld [tilespmem:s19+$0x6950]  }
0x89: {  	v34 =	vld [tilespmem:s19+$0x6960]  }
0x8a: {  	v35 =	vld [tilespmem:s19+$0x6970]  }
0x8b: {  	v36 =	vld [tilespmem:s19+$0x6D00]  }
0x8c: {  	v37 =	vld [tilespmem:s19+$0x6D10]  }
0x8d: {  	v38 =	vld [tilespmem:s19+$0x6D20]  }
0x8e: {  	v39 =	vld [tilespmem:s19+$0x6D30]  }
0x8f: {  	v40 =	vld [tilespmem:s19+$0x6D40]  }
0x90: {  	v41 =	vld [tilespmem:s19+$0x6D50]  }
0x91: {  	v42 =	vld [tilespmem:s19+$0x6D60]  }
0x92: {  	v43 =	vld [tilespmem:s19+$0x6D70]  }
0x93: {  	v44 =	vld [tilespmem:s19+$0x7100]  }
0x94: {  	v45 =	vld [tilespmem:s19+$0x7110]  }
0x95: {  	v46 =	vld [tilespmem:s19+$0x7120]  }
0x96: {  	v47 =	vld [tilespmem:s19+$0x7130]  }
0x97: {  	v48 =	vld [tilespmem:s19+$0x7140]  }
0x98: {  	v49 =	vld [tilespmem:s19+$0x7150]  }
0x99: {  	v50 =	vld [tilespmem:s19+$0x7160]  }
0x9a: {  	v11 =	vld [tilespmem:s19+$0x7170]  }
0x9b: {  	v10 =	vld [tilespmem:s19+$0x7500]  }
0x9c: {  	v9 =	vld [tilespmem:s19+$0x7510]  }
0x9d: {  	v8 =	vld [tilespmem:s19+$0x7520]  }
0x9e: {  	v7 =	vld [tilespmem:s19+$0x7530]  }
0x9f: {  	v6 =	vld [tilespmem:s19+$0x7540]  }
0xa0: {  	v51 =	vld [tilespmem:s19+$0x100]  }
0xa1: {  	v52 =	vld [tilespmem:s19+$0x110]  }
0xa2: {  	v53 =	vld [tilespmem:s19+$0x120]  }
0xa3: {  	v54 =	vld [tilespmem:s19+$0x130]  }
0xa4: {  	v55 =	vld [tilespmem:s19+$0x140]  }
0xa5: {  	v62 =	vld [tilespmem:s19+$0x150];
	v12 =	vadd.f32 v12, v51  }
0xa6: {  	v63 =	vld [tilespmem:s19+$0x160];
	v13 =	vadd.f32 v13, v52  }
0xa7: {  	[tilespmem:s19+$0x100] =	vst v12;
	v12 =	vadd.f32 v14, v53;
	v14 =	vld [tilespmem:s19+$0x170]  }
0xa8: {  	[tilespmem:s19+$0x110] =	vst v13;
	v13 =	vadd.f32 v15, v54;
	v15 =	vld [tilespmem:s19+$0x500]  }
0xa9: {  	[tilespmem:s19+$0x120] =	vst v12;
	v12 =	vadd.f32 v16, v55;
	v16 =	vld [tilespmem:s19+$0x510]  }
0xaa: {  	[tilespmem:s19+$0x130] =	vst v13;
	v13 =	vadd.f32 v17, v62;
	v17 =	vld [tilespmem:s19+$0x520]  }
0xab: {  	v5 =	vld [tilespmem:s19+$0x7550]  }
0xac: {  	[tilespmem:s19+$0x140] =	vst v12;
	v12 =	vadd.f32 v18, v63;
	v18 =	vld [tilespmem:s19+$0x570]  }
0xad: {  	[tilespmem:s19+$0x150] =	vst v13;
	v13 =	vadd.f32 v19, v14;
	v14 =	vld [tilespmem:s19+$0x530]  }
0xae: {  	[tilespmem:s19+$0x160] =	vst v12;
	v12 =	vadd.f32 v20, v15;
	v15 =	vld [tilespmem:s19+$0x540]  }
0xaf: {  	[tilespmem:s19+$0x170] =	vst v13;
	v13 =	vadd.f32 v21, v16;
	v16 =	vadd.f32 v22, v17;
	v17 =	vld [tilespmem:s19+$0x560]  }
0xb0: {  	[tilespmem:s19+$0x500] =	vst v12;
	v12 =	vld [tilespmem:s19+$0x550]  }
0xb1: {  	[tilespmem:s19+$0x510] =	vst v13;
	v13 =	vld [tilespmem:s19+$0x900];
	v18 =	vadd.f32 v27, v18  }
0xb2: {  	[tilespmem:s19+$0x520] =	vst v16;
	v16 =	vld [tilespmem:s19+$0x910];
	v14 =	vadd.f32 v23, v14  }
0xb3: {  	v4 =	vld [tilespmem:s19+$0x7560];
	v15 =	vadd.f32 v24, v15;
	[tilespmem:s19+$0x570] =	vst v18  }
0xb4: {  	[tilespmem:s19+$0x530] =	vst v14;
	v14 =	vld [tilespmem:s19+$0x920];
	v17 =	vadd.f32 v26, v17  }
0xb5: {  	v12 =	vadd.f32 v25, v12;
	[tilespmem:s19+$0x540] =	vst v15;
	v15 =	vld [tilespmem:s19+$0x930]  }
0xb6: {  	v18 =	vld [tilespmem:s19+$0x970];
	[tilespmem:s19+$0x560] =	vst v17;
	v13 =	vadd.f32 v28, v13  }
0xb7: {  	v16 =	vadd.f32 v29, v16;
	[tilespmem:s19+$0x550] =	vst v12;
	v12 =	vld [tilespmem:s19+$0x940]  }
0xb8: {  	v17 =	vld [tilespmem:s19+$0x950];
	[tilespmem:s19+$0x900] =	vst v13  }
0xb9: {  	[tilespmem:s19+$0x910] =	vst v16;
	v16 =	vld [tilespmem:s19+$0x960];
	v13 =	vadd.f32 v30, v14  }
0xba: {  	v14 =	vld [tilespmem:s19+$0xD00];
	v15 =	vadd.f32 v31, v15  }
0xbb: {  	[tilespmem:s19+$0x920] =	vst v13;
	v13 =	vld [tilespmem:s19+$0xD10]  }
0xbc: {  	v12 =	vadd.f32 v32, v12;
	[tilespmem:s19+$0x930] =	vst v15;
	v15 =	vld [tilespmem:s19+$0xD20]  }
0xbd: {  	v3 =	vld [tilespmem:s19+$0x7570];
	v17 =	vadd.f32 v33, v17  }
0xbe: {  	v16 =	vadd.f32 v34, v16;
	[tilespmem:s19+$0x940] =	vst v12;
	v12 =	vld [tilespmem:s19+$0xD30]  }
0xbf: {  	[tilespmem:s19+$0x950] =	vst v17;
	v17 =	vld [tilespmem:s19+$0xD40];
	v14 =	vadd.f32 v36, v14  }
0xc0: {  	v18 =	vadd.f32 v35, v18;
	[tilespmem:s19+$0x960] =	vst v16;
	v16 =	vld [tilespmem:s19+$0xD50]  }
0xc1: {  	v13 =	vadd.f32 v37, v13;
	[tilespmem:s19+$0xD00] =	vst v14;
	v14 =	vadd.f32 v38, v15;
	v15 =	vld [tilespmem:s19+$0xD60]  }
0xc2: {  	[tilespmem:s19+$0x970] =	vst v18;
	v18 =	vld [tilespmem:s19+$0xD70]  }
0xc3: {  	[tilespmem:s19+$0xD10] =	vst v13;
	v13 =	vld [tilespmem:s19+$0x1100];
	v12 =	vadd.f32 v39, v12  }
0xc4: {  	v17 =	vadd.f32 v40, v17;
	[tilespmem:s19+$0xD20] =	vst v14;
	v14 =	vld [tilespmem:s19+$0x1110]  }
0xc5: {  	v16 =	vadd.f32 v41, v16;
	[tilespmem:s19+$0xD30] =	vst v12;
	v12 =	vld [tilespmem:s19+$0x1120]  }
0xc6: {  	[tilespmem:s19+$0xD40] =	vst v17;
	v17 =	vld [tilespmem:s19+$0x1130];
	v15 =	vadd.f32 v42, v15  }
0xc7: {  	v19 =	vld [tilespmem:s19+$0x1140];
	[tilespmem:s19+$0xD50] =	vst v16;
	v16 =	vadd.f32 v43, v18  }
0xc8: {  	v18 =	vld [tilespmem:s19+$0x1150];
	v13 =	vadd.f32 v44, v13;
	[tilespmem:s19+$0xD60] =	vst v15  }
0xc9: {  	v20 =	vld [tilespmem:s19+$0x1160];
	[tilespmem:s19+$0xD70] =	vst v16;
	v14 =	vadd.f32 v45, v14  }
0xca: {  	v16 =	vld [tilespmem:s19+$0x1170];
	[tilespmem:s19+$0x1100] =	vst v13;
	v12 =	vadd.f32 v46, v12  }
0xcb: {  	v15 =	vld [tilespmem:s19+$0x1500];
	v13 =	vadd.f32 v47, v17;
	[tilespmem:s19+$0x1110] =	vst v14  }
0xcc: {  	v14 =	vld [tilespmem:s19+$0x1510];
	[tilespmem:s19+$0x1120] =	vst v12;
	v12 =	vadd.f32 v48, v19  }
0xcd: {  	[tilespmem:s19+$0x1130] =	vst v13;
	v13 =	vld [tilespmem:s19+$0x1520];
	v18 =	vadd.f32 v49, v18  }
0xce: {  	s4 =	simm.s32 $0x1;
	s20 =	simm.s32 $0x0;
	v17 =	vadd.f32 v50, v20;
	[tilespmem:s19+$0x1140] =	vst v12;
	v12 =	vld [tilespmem:s19+$0x1530]  }
.LBB2_2:
0xcf: {  	s21 =	sshrl.u32 s4, $0x3;
	p0 =	sne.s32 s4, $0x1F;
	[tilespmem:s19+$0x1150] =	vst v18;
	v11 =	vadd.f32 v11, v16;
	v16 =	vld [tilespmem:s19+$0x1540]  }
0xd0: {  	s20 =	sadd.s32 $0x80, s20;
	s21 =	smul.u32 $0x1800, s21;
	[tilespmem:s19+$0x1160] =	vst v17;
	v10 =	vadd.f32 v10, v15;
	v15 =	vld [tilespmem:s19+$0x1550]  }
0xd1: {  	s5 =	sand.u32 $0x380, s20;
	[tilespmem:s19+$0x1170] =	vst v11;
	v9 =	vadd.f32 v9, v14;
	v11 =	vld [tilespmem:s19+$0x1560]  }
0xd2: {  	s5 =	sor.u32 s5, s21;
	[tilespmem:s19+$0x1500] =	vst v10;
	v8 =	vadd.f32 v8, v13;
	v10 =	vld [tilespmem:s19+$0x1570]  }
0xd3: {  	v39 =	vld [tilespmem:s5+$0x6100];
	[tilespmem:s19+$0x1510] =	vst v9;
	v7 =	vadd.f32 v7, v12  }
0xd4: {  	v40 =	vld [tilespmem:s5+$0x6110];
	[tilespmem:s19+$0x1520] =	vst v8;
	v6 =	vadd.f32 v6, v16  }
0xd5: {  	v41 =	vld [tilespmem:s5+$0x6120];
	[tilespmem:s19+$0x1530] =	vst v7;
	v5 =	vadd.f32 v5, v15  }
0xd6: {  	v42 =	vld [tilespmem:s5+$0x6130];
	[tilespmem:s19+$0x1540] =	vst v6;
	v4 =	vadd.f32 v4, v11  }
0xd7: {  	v43 =	vld [tilespmem:s5+$0x6140];
	[tilespmem:s19+$0x1550] =	vst v5;
	v3 =	vadd.f32 v3, v10  }
0xd8: {  	v44 =	vld [tilespmem:s5+$0x6150];
	[tilespmem:s19+$0x1560] =	vst v4  }
0xd9: {  	v45 =	vld [tilespmem:s5+$0x6160];
	[tilespmem:s19+$0x1570] =	vst v3;
	s19 =	smov.u32 s5  }
0xda: {  	v46 =	vld [tilespmem:s19+$0x6170]  }
0xdb: {  	v47 =	vld [tilespmem:s19+$0x6500]  }
0xdc: {  	v48 =	vld [tilespmem:s19+$0x6510]  }
0xdd: {  	v49 =	vld [tilespmem:s19+$0x6520]  }
0xde: {  	v50 =	vld [tilespmem:s19+$0x6530]  }
0xdf: {  	v38 =	vld [tilespmem:s19+$0x6540]  }
0xe0: {  	v37 =	vld [tilespmem:s19+$0x6550]  }
0xe1: {  	v36 =	vld [tilespmem:s19+$0x6560]  }
0xe2: {  	v35 =	vld [tilespmem:s19+$0x6570]  }
0xe3: {  	v34 =	vld [tilespmem:s19+$0x6900]  }
0xe4: {  	v33 =	vld [tilespmem:s19+$0x6910]  }
0xe5: {  	v32 =	vld [tilespmem:s19+$0x6920]  }
0xe6: {  	v31 =	vld [tilespmem:s19+$0x6930]  }
0xe7: {  	v30 =	vld [tilespmem:s19+$0x6940]  }
0xe8: {  	v29 =	vld [tilespmem:s19+$0x6950]  }
0xe9: {  	v28 =	vld [tilespmem:s19+$0x6960]  }
0xea: {  	v27 =	vld [tilespmem:s19+$0x6970]  }
0xeb: {  	v26 =	vld [tilespmem:s19+$0x6D00]  }
0xec: {  	v25 =	vld [tilespmem:s19+$0x6D10]  }
0xed: {  	v24 =	vld [tilespmem:s19+$0x6D20]  }
0xee: {  	v23 =	vld [tilespmem:s19+$0x6D30]  }
0xef: {  	v22 =	vld [tilespmem:s19+$0x6D40]  }
0xf0: {  	v21 =	vld [tilespmem:s19+$0x6D50]  }
0xf1: {  	v20 =	vld [tilespmem:s19+$0x6D60]  }
0xf2: {  	v19 =	vld [tilespmem:s19+$0x6D70]  }
0xf3: {  	v18 =	vld [tilespmem:s19+$0x7100]  }
0xf4: {  	v17 =	vld [tilespmem:s19+$0x7110]  }
0xf5: {  	v16 =	vld [tilespmem:s19+$0x7120]  }
0xf6: {  	v15 =	vld [tilespmem:s19+$0x7130]  }
0xf7: {  	v14 =	vld [tilespmem:s19+$0x7140]  }
0xf8: {  	v13 =	vld [tilespmem:s19+$0x7150]  }
0xf9: {  	v12 =	vld [tilespmem:s19+$0x7160]  }
0xfa: {  	v11 =	vld [tilespmem:s19+$0x7170]  }
0xfb: {  	v10 =	vld [tilespmem:s19+$0x7500]  }
0xfc: {  	v9 =	vld [tilespmem:s19+$0x7510]  }
0xfd: {  	v8 =	vld [tilespmem:s19+$0x7520]  }
0xfe: {  	v7 =	vld [tilespmem:s19+$0x7530]  }
0xff: {  	v6 =	vld [tilespmem:s19+$0x7540]  }
0x100: {  	v5 =	vld [tilespmem:s19+$0x7550]  }
0x101: {  	v4 =	vld [tilespmem:s19+$0x7560]  }
0x102: {  	v3 =	vld [tilespmem:s19+$0x7570]  }
0x103: {  	v51 =	vld [tilespmem:s19+$0x100]  }
0x104: {  	v52 =	vld [tilespmem:s19+$0x110]  }
0x105: {  	v53 =	vld [tilespmem:s19+$0x120]  }
0x106: {  	v54 =	vld [tilespmem:s19+$0x130]  }
0x107: {  	v55 =	vld [tilespmem:s19+$0x140]  }
0x108: {  	v39 =	vadd.f32 v39, v51;
	v51 =	vld [tilespmem:s19+$0x150]  }
0x109: {  	v40 =	vadd.f32 v40, v52;
	v52 =	vld [tilespmem:s19+$0x160]  }
0x10a: {  	[tilespmem:s19+$0x100] =	vst v39;
	v39 =	vadd.f32 v41, v53;
	v41 =	vld [tilespmem:s19+$0x170]  }
0x10b: {  	[tilespmem:s19+$0x110] =	vst v40;
	v40 =	vadd.f32 v42, v54;
	v42 =	vld [tilespmem:s19+$0x500]  }
0x10c: {  	[tilespmem:s19+$0x120] =	vst v39;
	v39 =	vadd.f32 v43, v55;
	v43 =	vld [tilespmem:s19+$0x510]  }
0x10d: {  	[tilespmem:s19+$0x130] =	vst v40;
	v40 =	vadd.f32 v44, v51;
	v44 =	vld [tilespmem:s19+$0x520]  }
0x10e: {  	[tilespmem:s19+$0x140] =	vst v39;
	v39 =	vadd.f32 v45, v52;
	v45 =	vld [tilespmem:s19+$0x530]  }
0x10f: {  	[tilespmem:s19+$0x150] =	vst v40;
	v40 =	vadd.f32 v46, v41;
	v41 =	vld [tilespmem:s19+$0x540]  }
0x110: {  	[tilespmem:s19+$0x160] =	vst v39;
	v39 =	vadd.f32 v47, v42;
	v42 =	vld [tilespmem:s19+$0x550]  }
0x111: {  	[tilespmem:s19+$0x170] =	vst v40;
	v40 =	vadd.f32 v48, v43;
	v43 =	vld [tilespmem:s19+$0x560]  }
0x112: {  	[tilespmem:s19+$0x500] =	vst v39;
	v39 =	vadd.f32 v49, v44;
	v44 =	vld [tilespmem:s19+$0x570]  }
0x113: {  	[tilespmem:s19+$0x510] =	vst v40;
	v40 =	vadd.f32 v50, v45;
	v45 =	vld [tilespmem:s19+$0x900]  }
0x114: {  	[tilespmem:s19+$0x520] =	vst v39;
	v38 =	vadd.f32 v38, v41;
	v39 =	vld [tilespmem:s19+$0x910]  }
0x115: {  	[tilespmem:s19+$0x530] =	vst v40;
	v37 =	vadd.f32 v37, v42;
	v40 =	vld [tilespmem:s19+$0x920]  }
0x116: {  	[tilespmem:s19+$0x540] =	vst v38;
	v36 =	vadd.f32 v36, v43;
	v38 =	vld [tilespmem:s19+$0x930]  }
0x117: {  	[tilespmem:s19+$0x550] =	vst v37;
	v35 =	vadd.f32 v35, v44;
	v37 =	vld [tilespmem:s19+$0x940]  }
0x118: {  	[tilespmem:s19+$0x560] =	vst v36;
	v34 =	vadd.f32 v34, v45;
	v36 =	vld [tilespmem:s19+$0x950]  }
0x119: {  	[tilespmem:s19+$0x570] =	vst v35;
	v33 =	vadd.f32 v33, v39;
	v35 =	vld [tilespmem:s19+$0x960]  }
0x11a: {  	[tilespmem:s19+$0x900] =	vst v34;
	v32 =	vadd.f32 v32, v40;
	v34 =	vld [tilespmem:s19+$0x970]  }
0x11b: {  	[tilespmem:s19+$0x910] =	vst v33;
	v31 =	vadd.f32 v31, v38;
	v33 =	vld [tilespmem:s19+$0xD00]  }
0x11c: {  	[tilespmem:s19+$0x920] =	vst v32;
	v30 =	vadd.f32 v30, v37;
	v32 =	vld [tilespmem:s19+$0xD10]  }
0x11d: {  	[tilespmem:s19+$0x930] =	vst v31;
	v29 =	vadd.f32 v29, v36;
	v31 =	vld [tilespmem:s19+$0xD20]  }
0x11e: {  	[tilespmem:s19+$0x940] =	vst v30;
	v28 =	vadd.f32 v28, v35;
	v30 =	vld [tilespmem:s19+$0xD30]  }
0x11f: {  	[tilespmem:s19+$0x950] =	vst v29;
	v27 =	vadd.f32 v27, v34;
	v29 =	vld [tilespmem:s19+$0xD40]  }
0x120: {  	[tilespmem:s19+$0x960] =	vst v28;
	v26 =	vadd.f32 v26, v33;
	v28 =	vld [tilespmem:s19+$0xD50]  }
0x121: {  	[tilespmem:s19+$0x970] =	vst v27;
	v25 =	vadd.f32 v25, v32;
	v27 =	vld [tilespmem:s19+$0xD60]  }
0x122: {  	[tilespmem:s19+$0xD00] =	vst v26;
	v24 =	vadd.f32 v24, v31;
	v26 =	vld [tilespmem:s19+$0xD70]  }
0x123: {  	[tilespmem:s19+$0xD10] =	vst v25;
	v23 =	vadd.f32 v23, v30;
	v25 =	vld [tilespmem:s19+$0x1100]  }
0x124: {  	[tilespmem:s19+$0xD20] =	vst v24;
	v22 =	vadd.f32 v22, v29;
	v24 =	vld [tilespmem:s19+$0x1110]  }
0x125: {  	[tilespmem:s19+$0xD30] =	vst v23;
	v21 =	vadd.f32 v21, v28;
	v23 =	vld [tilespmem:s19+$0x1120]  }
0x126: {  	[tilespmem:s19+$0xD40] =	vst v22;
	v20 =	vadd.f32 v20, v27;
	v22 =	vld [tilespmem:s19+$0x1130]  }
0x127: {  	[tilespmem:s19+$0xD50] =	vst v21;
	v19 =	vadd.f32 v19, v26;
	v21 =	vld [tilespmem:s19+$0x1140]  }
0x128: {  	[tilespmem:s19+$0xD60] =	vst v20;
	v18 =	vadd.f32 v18, v25;
	v20 =	vld [tilespmem:s19+$0x1150]  }
0x129: {  	[tilespmem:s19+$0xD70] =	vst v19;
	v17 =	vadd.f32 v17, v24;
	v19 =	vld [tilespmem:s19+$0x1160]  }
.Ltmp0:
0x12a: {  	[tilespmem:s19+$0x1100] =	vst v18;
	v18 =	vadd.f32 v16, v23;
	v16 =	vld [tilespmem:s19+$0x1170];
	(pc) =	sbr.rel @p0 .LBB2_2-.Ltmp0, $4  }
0x12b: {  	[tilespmem:s19+$0x1110] =	vst v17;
	v17 =	vadd.f32 v15, v22;
	v15 =	vld [tilespmem:s19+$0x1500]  }
0x12c: {  	[tilespmem:s19+$0x1120] =	vst v18;
	v21 =	vadd.f32 v14, v21;
	v14 =	vld [tilespmem:s19+$0x1510]  }
0x12d: {  	[tilespmem:s19+$0x1130] =	vst v17;
	v18 =	vadd.f32 v13, v20;
	v13 =	vld [tilespmem:s19+$0x1520]  }
0x12e: {  	s4 =	sadd.s32 $0x1, s4;
	[tilespmem:s19+$0x1140] =	vst v21;
	v17 =	vadd.f32 v12, v19;
	v12 =	vld [tilespmem:s19+$0x1530]  }
0x12f: {  	[tilespmem:s19+$0x1150] =	vst v18;
	v18 =	vld [tilespmem:s19+$0x1540];
	v11 =	vadd.f32 v11, v16  }
0x130: {  	v16 =	vld [tilespmem:s19+$0x1550];
	[tilespmem:s19+$0x1160] =	vst v17;
	v10 =	vadd.f32 v10, v15  }
0x131: {  	[tilespmem:s19+$0x1170] =	vst v11;
	v9 =	vadd.f32 v9, v14;
	v11 =	vld [tilespmem:s19+$0x1560]  }
0x132: {  	[tilespmem:s19+$0x1500] =	vst v10;
	v8 =	vadd.f32 v8, v13;
	v10 =	vld [tilespmem:s19+$0x1570]  }
0x133: {  	[tilespmem:s19+$0x1510] =	vst v9;
	v7 =	vadd.f32 v7, v12  }
0x134: {  	[tilespmem:s19+$0x1520] =	vst v8;
	v6 =	vadd.f32 v6, v18  }
0x135: {  	v5 =	vadd.f32 v5, v16;
	[tilespmem:s19+$0x1530] =	vst v7  }
0x136: {  	[tilespmem:s19+$0x1540] =	vst v6;
	v4 =	vadd.f32 v4, v11  }
0x137: {  	[tilespmem:s19+$0x1550] =	vst v5;
	v3 =	vadd.f32 v3, v10  }
0x138: {  	[tilespmem:s19+$0x1560] =	vst v4  }
0x139: {  	[tilespmem:s19+$0x1570] =	vst v3;
	s19 =	simm.s32 $0x0  }
0x13a: {  	[hbm4b:s8+s19] =	stream.linear.scatter [tilespmem:s13], [sflag:$0x2], $0x6000, $0x38;
	[tilespmem:$0xC100] =	vst v63  }
0x13b: {  	_ =	swait.ge [sflag:s11], $0x6000  }
0x13c: {  	[sflag:s11] =	ssyncset.done $0x0  }
0x13d: {  	[sflag:s11] =	ssyncadd.s32 $0xFFFFA000  }
0x13e: {  	v3 =	vld [tilespmem:$0x20];
	_ =	sdelay $0x4  }
0x13f: {  	v4 =	vshrl.u32 v3, $0x3  }
0x140: {  	v4 =	vmul.u32 $0x30, v4  }
0x141: {  	v3 =	vand.u32 $0x7, v3  }
0x142: {  	v3 =	vor.u32 v3, v4  }
0x143: {  	v4 =	vperm.xlane v3, v0;
	_ =	sdelay $0x1  }
0x144: {  	v4 =	vadd.s32 v1, v4;
	_ =	sdelay $0x3  }
0x145: {  	v3 =	vperm.xlane v3, v2  }
0x146: {  	[tilespmem:s13], [sflag:$0x1] =	stream.indirect_vreg.gather [hbm4b:s3+s19], $0x80, v4, vm0, $0xb8;
	[tilespmem:$0xC100] =	vst v63  }
0x147: {  	s4 =	simm.s32 $0x900;
	v3 =	vadd.s32 v1, v3  }
0x148: {  	[tilespmem:s4], [sflag:$0x1] =	stream.indirect_vreg.gather [hbm4b:s6+s19], $0x80, v4, vm0, $0xb8;
	[tilespmem:$0xC100] =	vst v63  }
0x149: {  	s20 =	simm.s32 $0x1100  }
0x14a: {  	[tilespmem:s20], [sflag:$0x1] =	stream.indirect_vreg.gather [hbm4b:s7+s19], $0x80, v4, vm0, $0xb8;
	[tilespmem:$0xC100] =	vst v63  }
0x14b: {  	s21 =	simm.s32 $0x1900  }
0x14c: {  	[tilespmem:s21], [sflag:$0x1] =	stream.indirect_vreg.gather [hbm4b:s3+s19], $0x80, v3, vm0, $0xb8;
	[tilespmem:$0xC100] =	vst v63  }
0x14d: {  	s5 =	simm.s32 $0x2100  }
0x14e: {  	[tilespmem:s5], [sflag:$0x1] =	stream.indirect_vreg.gather [hbm4b:s6+s19], $0x80, v3, vm0, $0xb8;
	[tilespmem:$0xC100] =	vst v63  }
0x14f: {  	s20 =	simm.s32 $0x2900  }
0x150: {  	[tilespmem:s20], [sflag:$0x1] =	stream.indirect_vreg.gather [hbm4b:s7+s19], $0x80, v3, vm0, $0xb8;
	[tilespmem:$0xC100] =	vst v63  }
0x151: {  	v3 =	vld [tilespmem:$0x30];
	_ =	sdelay $0x4  }
0x152: {  	v4 =	vshrl.u32 v3, $0x3  }
0x153: {  	v4 =	vmul.u32 $0x30, v4  }
0x154: {  	v3 =	vand.u32 $0x7, v3  }
0x155: {  	v3 =	vor.u32 v3, v4  }
0x156: {  	v4 =	vperm.xlane v3, v0;
	_ =	sdelay $0x1  }
0x157: {  	v4 =	vadd.s32 v1, v4;
	_ =	sdelay $0x3  }
0x158: {  	s21 =	simm.s32 $0x3100;
	v3 =	vperm.xlane v3, v2  }
0x159: {  	[tilespmem:s21], [sflag:$0x1] =	stream.indirect_vreg.gather [hbm4b:s3+s19], $0x80, v4, vm0, $0xb8;
	[tilespmem:$0xC100] =	vst v63  }
0x15a: {  	s5 =	simm.s32 $0x3900;
	v3 =	vadd.s32 v1, v3  }
0x15b: {  	[tilespmem:s5], [sflag:$0x1] =	stream.indirect_vreg.gather [hbm4b:s6+s19], $0x80, v4, vm0, $0xb8;
	[tilespmem:$0xC100] =	vst v63  }
0x15c: {  	s20 =	simm.s32 $0x4100  }
0x15d: {  	[tilespmem:s20], [sflag:$0x1] =	stream.indirect_vreg.gather [hbm4b:s7+s19], $0x80, v4, vm0, $0xb8;
	[tilespmem:$0xC100] =	vst v63  }
0x15e: {  	_ = 	snop  }
0x15f: {  	[tilespmem:s22], [sflag:$0x1] =	stream.indirect_vreg.gather [hbm4b:s3+s19], $0x80, v3, vm0, $0xb8;
	[tilespmem:$0xC100] =	vst v63  }
0x160: {  	_ = 	snop  }
0x161: {  	[tilespmem:s23], [sflag:$0x1] =	stream.indirect_vreg.gather [hbm4b:s6+s19], $0x80, v3, vm0, $0xb8;
	[tilespmem:$0xC100] =	vst v63  }
0x162: {  	_ = 	snop  }
0x163: {  	[tilespmem:s24], [sflag:$0x1] =	stream.indirect_vreg.gather [hbm4b:s7+s19], $0x80, v3, vm0, $0xb8;
	[tilespmem:$0xC100] =	vst v63  }
0x164: {  	v3 =	vld [tilespmem:$0xA0];
	_ =	sdelay $0x4  }
0x165: {  	v4 =	vshrl.u32 v3, $0x3  }
0x166: {  	v4 =	vmul.u32 $0x30, v4  }
0x167: {  	v3 =	vand.u32 $0x7, v3  }
0x168: {  	v3 =	vor.u32 v3, v4  }
0x169: {  	v4 =	vperm.xlane v3, v0;
	_ =	sdelay $0x1  }
0x16a: {  	v4 =	vadd.s32 v1, v4;
	_ =	sdelay $0x3  }
0x16b: {  	v3 =	vperm.xlane v3, v2  }
0x16c: {  	[tilespmem:s25], [sflag:$0x1] =	stream.indirect_vreg.gather [hbm4b:s3+s19], $0x80, v4, vm0, $0xb8;
	[tilespmem:$0xC100] =	vst v63  }
0x16d: {  	v3 =	vadd.s32 v1, v3  }
0x16e: {  	[tilespmem:s26], [sflag:$0x1] =	stream.indirect_vreg.gather [hbm4b:s6+s19], $0x80, v4, vm0, $0xb8;
	[tilespmem:$0xC100] =	vst v63  }
0x16f: {  	_ = 	snop  }
0x170: {  	[tilespmem:s28], [sflag:$0x1] =	stream.indirect_vreg.gather [hbm4b:s7+s19], $0x80, v4, vm0, $0xb8;
	[tilespmem:$0xC100] =	vst v63  }
0x171: {  	_ = 	snop  }
0x172: {  	[tilespmem:s29], [sflag:$0x1] =	stream.indirect_vreg.gather [hbm4b:s3+s19], $0x80, v3, vm0, $0xb8;
	[tilespmem:$0xC100] =	vst v63  }
0x173: {  	_ = 	snop  }
0x174: {  	[tilespmem:s30], [sflag:$0x1] =	stream.indirect_vreg.gather [hbm4b:s6+s19], $0x80, v3, vm0, $0xb8;
	[tilespmem:$0xC100] =	vst v63  }
0x175: {  	_ = 	snop  }
0x176: {  	[tilespmem:s31], [sflag:$0x1] =	stream.indirect_vreg.gather [hbm4b:s7+s19], $0x80, v3, vm0, $0xb8;
	[tilespmem:$0xC100] =	vst v63  }
0x177: {  	v3 =	vld [tilespmem:$0xB0];
	_ =	sdelay $0x4  }
0x178: {  	v4 =	vshrl.u32 v3, $0x3  }
0x179: {  	v4 =	vmul.u32 $0x30, v4  }
0x17a: {  	v3 =	vand.u32 $0x7, v3  }
0x17b: {  	v3 =	vor.u32 v3, v4  }
0x17c: {  	v4 =	vperm.xlane v3, v0;
	_ =	sdelay $0x1  }
0x17d: {  	v4 =	vadd.s32 v1, v4;
	_ =	sdelay $0x3  }
0x17e: {  	v3 =	vperm.xlane v3, v2  }
0x17f: {  	[tilespmem:s0], [sflag:$0x1] =	stream.indirect_vreg.gather [hbm4b:s3+s19], $0x80, v4, vm0, $0xb8;
	[tilespmem:$0xC100] =	vst v63  }
0x180: {  	v3 =	vadd.s32 v1, v3  }
0x181: {  	[tilespmem:s1], [sflag:$0x1] =	stream.indirect_vreg.gather [hbm4b:s6+s19], $0x80, v4, vm0, $0xb8;
	[tilespmem:$0xC100] =	vst v63  }
0x182: {  	_ = 	snop  }
0x183: {  	[tilespmem:s12], [sflag:$0x1] =	stream.indirect_vreg.gather [hbm4b:s7+s19], $0x80, v4, vm0, $0xb8;
	[tilespmem:$0xC100] =	vst v63  }
0x184: {  	_ = 	snop  }
0x185: {  	[tilespmem:s14], [sflag:$0x1] =	stream.indirect_vreg.gather [hbm4b:s3+s19], $0x80, v3, vm0, $0xb8;
	[tilespmem:$0xC100] =	vst v63  }
0x186: {  	_ = 	snop  }
0x187: {  	[tilespmem:s15], [sflag:$0x1] =	stream.indirect_vreg.gather [hbm4b:s6+s19], $0x80, v3, vm0, $0xb8;
	[tilespmem:$0xC100] =	vst v63  }
0x188: {  	_ = 	snop  }
0x189: {  	[tilespmem:s16], [sflag:$0x1] =	stream.indirect_vreg.gather [hbm4b:s7+s19], $0x80, v3, vm0, $0xb8;
	[tilespmem:$0xC100] =	vst v63  }
0x18a: {  	_ =	swait.ge [sflag:s17], $0x3000  }
0x18b: {  	[sflag:s17] =	ssyncset.done $0x0  }
0x18c: {  	[sflag:s17] =	ssyncadd.s32 $0xFFFFD000  }
0x18d: {  	_ =	swait.ge [sflag:s17], $0x3000  }
0x18e: {  	[sflag:s17] =	ssyncset.done $0x0  }
0x18f: {  	[sflag:s17] =	ssyncadd.s32 $0xFFFFD000  }
0x190: {  	_ =	swait.ge [sflag:s17], $0x3000  }
0x191: {  	[sflag:s17] =	ssyncset.done $0x0  }
0x192: {  	s21 =	simm.s32 $0x0;
	[sflag:s17] =	ssyncadd.s32 $0xFFFFD000  }
0x193: {  	s4 =	smul.u32 $0x1800, s21;
	_ =	swait.ge [sflag:s17], $0x3000  }
0x194: {  	s5 =	sand.u32 $0x380, s19;
	[sflag:s17] =	ssyncset.done $0x0  }
0x195: {  	s4 =	sor.u32 s5, s4;
	[sflag:s17] =	ssyncadd.s32 $0xFFFFD000  }
0x196: {  	v12 =	vld [tilespmem:s4+$0x6100]  }
0x197: {  	v13 =	vld [tilespmem:s4+$0x6110]  }
0x198: {  	v14 =	vld [tilespmem:s4+$0x6120]  }
0x199: {  	v15 =	vld [tilespmem:s4+$0x6130]  }
0x19a: {  	v16 =	vld [tilespmem:s4+$0x6140]  }
0x19b: {  	v17 =	vld [tilespmem:s4+$0x6150]  }
0x19c: {  	v18 =	vld [tilespmem:s4+$0x6160]  }
0x19d: {  	v19 =	vld [tilespmem:s4+$0x6170]  }
0x19e: {  	v20 =	vld [tilespmem:s4+$0x6500]  }
0x19f: {  	v21 =	vld [tilespmem:s4+$0x6510]  }
0x1a0: {  	v22 =	vld [tilespmem:s4+$0x6520]  }
0x1a1: {  	v23 =	vld [tilespmem:s4+$0x6530]  }
0x1a2: {  	v24 =	vld [tilespmem:s4+$0x6540]  }
0x1a3: {  	v25 =	vld [tilespmem:s4+$0x6550]  }
0x1a4: {  	v26 =	vld [tilespmem:s4+$0x6560]  }
0x1a5: {  	v27 =	vld [tilespmem:s4+$0x6570]  }
0x1a6: {  	v28 =	vld [tilespmem:s4+$0x6900]  }
0x1a7: {  	v29 =	vld [tilespmem:s4+$0x6910]  }
0x1a8: {  	v30 =	vld [tilespmem:s4+$0x6920]  }
0x1a9: {  	v31 =	vld [tilespmem:s4+$0x6930]  }
0x1aa: {  	v32 =	vld [tilespmem:s4+$0x6940]  }
0x1ab: {  	v33 =	vld [tilespmem:s4+$0x6950]  }
0x1ac: {  	v34 =	vld [tilespmem:s4+$0x6960]  }
0x1ad: {  	v35 =	vld [tilespmem:s4+$0x6970]  }
0x1ae: {  	v36 =	vld [tilespmem:s4+$0x6D00]  }
0x1af: {  	v37 =	vld [tilespmem:s4+$0x6D10]  }
0x1b0: {  	v38 =	vld [tilespmem:s4+$0x6D20]  }
0x1b1: {  	v39 =	vld [tilespmem:s4+$0x6D30]  }
0x1b2: {  	v40 =	vld [tilespmem:s4+$0x6D40]  }
0x1b3: {  	v41 =	vld [tilespmem:s4+$0x6D50]  }
0x1b4: {  	v42 =	vld [tilespmem:s4+$0x6D60]  }
0x1b5: {  	v43 =	vld [tilespmem:s4+$0x6D70]  }
0x1b6: {  	v44 =	vld [tilespmem:s4+$0x7100]  }
0x1b7: {  	v45 =	vld [tilespmem:s4+$0x7110]  }
0x1b8: {  	v46 =	vld [tilespmem:s4+$0x7120]  }
0x1b9: {  	v47 =	vld [tilespmem:s4+$0x7130]  }
0x1ba: {  	v48 =	vld [tilespmem:s4+$0x7140]  }
0x1bb: {  	v49 =	vld [tilespmem:s4+$0x7150]  }
0x1bc: {  	v50 =	vld [tilespmem:s4+$0x7160]  }
0x1bd: {  	v11 =	vld [tilespmem:s4+$0x7170]  }
0x1be: {  	v10 =	vld [tilespmem:s4+$0x7500]  }
0x1bf: {  	v9 =	vld [tilespmem:s4+$0x7510]  }
0x1c0: {  	v8 =	vld [tilespmem:s4+$0x7520]  }
0x1c1: {  	v7 =	vld [tilespmem:s4+$0x7530]  }
0x1c2: {  	v6 =	vld [tilespmem:s4+$0x7540]  }
0x1c3: {  	v51 =	vld [tilespmem:s4+$0x100]  }
0x1c4: {  	v52 =	vld [tilespmem:s4+$0x110]  }
0x1c5: {  	v53 =	vld [tilespmem:s4+$0x120]  }
0x1c6: {  	v54 =	vld [tilespmem:s4+$0x130]  }
0x1c7: {  	v55 =	vld [tilespmem:s4+$0x140]  }
0x1c8: {  	v62 =	vld [tilespmem:s4+$0x150];
	v12 =	vadd.f32 v12, v51  }
0x1c9: {  	v63 =	vld [tilespmem:s4+$0x160];
	v13 =	vadd.f32 v13, v52  }
0x1ca: {  	[tilespmem:s4+$0x100] =	vst v12;
	v12 =	vadd.f32 v14, v53;
	v14 =	vld [tilespmem:s4+$0x170]  }
0x1cb: {  	[tilespmem:s4+$0x110] =	vst v13;
	v13 =	vadd.f32 v15, v54;
	v15 =	vld [tilespmem:s4+$0x500]  }
0x1cc: {  	[tilespmem:s4+$0x120] =	vst v12;
	v12 =	vadd.f32 v16, v55;
	v16 =	vld [tilespmem:s4+$0x510]  }
0x1cd: {  	[tilespmem:s4+$0x130] =	vst v13;
	v13 =	vadd.f32 v17, v62;
	v17 =	vld [tilespmem:s4+$0x520]  }
0x1ce: {  	v5 =	vld [tilespmem:s4+$0x7550]  }
0x1cf: {  	[tilespmem:s4+$0x140] =	vst v12;
	v12 =	vadd.f32 v18, v63;
	v18 =	vld [tilespmem:s4+$0x570]  }
0x1d0: {  	[tilespmem:s4+$0x150] =	vst v13;
	v13 =	vadd.f32 v19, v14;
	v14 =	vld [tilespmem:s4+$0x530]  }
0x1d1: {  	[tilespmem:s4+$0x160] =	vst v12;
	v12 =	vadd.f32 v20, v15;
	v15 =	vld [tilespmem:s4+$0x540]  }
0x1d2: {  	[tilespmem:s4+$0x170] =	vst v13;
	v13 =	vadd.f32 v21, v16;
	v16 =	vadd.f32 v22, v17;
	v17 =	vld [tilespmem:s4+$0x560]  }
0x1d3: {  	[tilespmem:s4+$0x500] =	vst v12;
	v12 =	vld [tilespmem:s4+$0x550]  }
0x1d4: {  	[tilespmem:s4+$0x510] =	vst v13;
	v13 =	vld [tilespmem:s4+$0x900];
	v18 =	vadd.f32 v27, v18  }
0x1d5: {  	[tilespmem:s4+$0x520] =	vst v16;
	v16 =	vld [tilespmem:s4+$0x910];
	v14 =	vadd.f32 v23, v14  }
0x1d6: {  	v4 =	vld [tilespmem:s4+$0x7560];
	v15 =	vadd.f32 v24, v15;
	[tilespmem:s4+$0x570] =	vst v18  }
0x1d7: {  	[tilespmem:s4+$0x530] =	vst v14;
	v14 =	vld [tilespmem:s4+$0x920];
	v17 =	vadd.f32 v26, v17  }
0x1d8: {  	v12 =	vadd.f32 v25, v12;
	[tilespmem:s4+$0x540] =	vst v15;
	v15 =	vld [tilespmem:s4+$0x930]  }
0x1d9: {  	v18 =	vld [tilespmem:s4+$0x970];
	[tilespmem:s4+$0x560] =	vst v17;
	v13 =	vadd.f32 v28, v13  }
0x1da: {  	v16 =	vadd.f32 v29, v16;
	[tilespmem:s4+$0x550] =	vst v12;
	v12 =	vld [tilespmem:s4+$0x940]  }
0x1db: {  	v17 =	vld [tilespmem:s4+$0x950];
	[tilespmem:s4+$0x900] =	vst v13  }
0x1dc: {  	[tilespmem:s4+$0x910] =	vst v16;
	v16 =	vld [tilespmem:s4+$0x960];
	v13 =	vadd.f32 v30, v14  }
0x1dd: {  	v14 =	vld [tilespmem:s4+$0xD00];
	v15 =	vadd.f32 v31, v15  }
0x1de: {  	[tilespmem:s4+$0x920] =	vst v13;
	v13 =	vld [tilespmem:s4+$0xD10]  }
0x1df: {  	v12 =	vadd.f32 v32, v12;
	[tilespmem:s4+$0x930] =	vst v15;
	v15 =	vld [tilespmem:s4+$0xD20]  }
0x1e0: {  	v3 =	vld [tilespmem:s4+$0x7570];
	v17 =	vadd.f32 v33, v17  }
0x1e1: {  	v16 =	vadd.f32 v34, v16;
	[tilespmem:s4+$0x940] =	vst v12;
	v12 =	vld [tilespmem:s4+$0xD30]  }
0x1e2: {  	[tilespmem:s4+$0x950] =	vst v17;
	v17 =	vld [tilespmem:s4+$0xD40];
	v14 =	vadd.f32 v36, v14  }
0x1e3: {  	v18 =	vadd.f32 v35, v18;
	[tilespmem:s4+$0x960] =	vst v16;
	v16 =	vld [tilespmem:s4+$0xD50]  }
0x1e4: {  	v13 =	vadd.f32 v37, v13;
	[tilespmem:s4+$0xD00] =	vst v14;
	v14 =	vadd.f32 v38, v15;
	v15 =	vld [tilespmem:s4+$0xD60]  }
0x1e5: {  	[tilespmem:s4+$0x970] =	vst v18;
	v18 =	vld [tilespmem:s4+$0xD70]  }
0x1e6: {  	[tilespmem:s4+$0xD10] =	vst v13;
	v13 =	vld [tilespmem:s4+$0x1100];
	v12 =	vadd.f32 v39, v12  }
0x1e7: {  	v17 =	vadd.f32 v40, v17;
	[tilespmem:s4+$0xD20] =	vst v14;
	v14 =	vld [tilespmem:s4+$0x1110]  }
0x1e8: {  	v16 =	vadd.f32 v41, v16;
	[tilespmem:s4+$0xD30] =	vst v12;
	v12 =	vld [tilespmem:s4+$0x1120]  }
0x1e9: {  	[tilespmem:s4+$0xD40] =	vst v17;
	v17 =	vld [tilespmem:s4+$0x1130];
	v15 =	vadd.f32 v42, v15  }
0x1ea: {  	v19 =	vld [tilespmem:s4+$0x1140];
	[tilespmem:s4+$0xD50] =	vst v16;
	v16 =	vadd.f32 v43, v18  }
0x1eb: {  	v18 =	vld [tilespmem:s4+$0x1150];
	v13 =	vadd.f32 v44, v13;
	[tilespmem:s4+$0xD60] =	vst v15  }
0x1ec: {  	v20 =	vld [tilespmem:s4+$0x1160];
	[tilespmem:s4+$0xD70] =	vst v16;
	v14 =	vadd.f32 v45, v14  }
0x1ed: {  	v16 =	vld [tilespmem:s4+$0x1170];
	[tilespmem:s4+$0x1100] =	vst v13;
	v12 =	vadd.f32 v46, v12  }
0x1ee: {  	v15 =	vld [tilespmem:s4+$0x1500];
	v13 =	vadd.f32 v47, v17;
	[tilespmem:s4+$0x1110] =	vst v14  }
0x1ef: {  	v14 =	vld [tilespmem:s4+$0x1510];
	[tilespmem:s4+$0x1120] =	vst v12;
	v12 =	vadd.f32 v48, v19  }
0x1f0: {  	[tilespmem:s4+$0x1130] =	vst v13;
	v13 =	vld [tilespmem:s4+$0x1520];
	v18 =	vadd.f32 v49, v18  }
0x1f1: {  	s20 =	simm.s32 $0x1;
	v17 =	vadd.f32 v50, v20;
	[tilespmem:s4+$0x1140] =	vst v12;
	v12 =	vld [tilespmem:s4+$0x1530]  }
.LBB2_4:
0x1f2: {  	s5 =	sshrl.u32 s20, $0x3;
	p0 =	sne.s32 s20, $0x1F;
	[tilespmem:s4+$0x1150] =	vst v18;
	v11 =	vadd.f32 v11, v16;
	v16 =	vld [tilespmem:s4+$0x1540]  }
0x1f3: {  	s19 =	sadd.s32 $0x80, s19;
	s5 =	smul.u32 $0x1800, s5;
	[tilespmem:s4+$0x1160] =	vst v17;
	v10 =	vadd.f32 v10, v15;
	v15 =	vld [tilespmem:s4+$0x1550]  }
0x1f4: {  	s21 =	sand.u32 $0x380, s19;
	[tilespmem:s4+$0x1170] =	vst v11;
	v9 =	vadd.f32 v9, v14;
	v11 =	vld [tilespmem:s4+$0x1560]  }
0x1f5: {  	s5 =	sor.u32 s21, s5;
	[tilespmem:s4+$0x1500] =	vst v10;
	v8 =	vadd.f32 v8, v13;
	v10 =	vld [tilespmem:s4+$0x1570]  }
0x1f6: {  	v39 =	vld [tilespmem:s5+$0x6100];
	[tilespmem:s4+$0x1510] =	vst v9;
	v7 =	vadd.f32 v7, v12  }
0x1f7: {  	v40 =	vld [tilespmem:s5+$0x6110];
	[tilespmem:s4+$0x1520] =	vst v8;
	v6 =	vadd.f32 v6, v16  }
0x1f8: {  	v41 =	vld [tilespmem:s5+$0x6120];
	[tilespmem:s4+$0x1530] =	vst v7;
	v5 =	vadd.f32 v5, v15  }
0x1f9: {  	v42 =	vld [tilespmem:s5+$0x6130];
	[tilespmem:s4+$0x1540] =	vst v6;
	v4 =	vadd.f32 v4, v11  }
0x1fa: {  	v43 =	vld [tilespmem:s5+$0x6140];
	[tilespmem:s4+$0x1550] =	vst v5;
	v3 =	vadd.f32 v3, v10  }
0x1fb: {  	v44 =	vld [tilespmem:s5+$0x6150];
	[tilespmem:s4+$0x1560] =	vst v4  }
0x1fc: {  	v45 =	vld [tilespmem:s5+$0x6160];
	[tilespmem:s4+$0x1570] =	vst v3;
	s4 =	smov.u32 s5  }
0x1fd: {  	v46 =	vld [tilespmem:s4+$0x6170]  }
0x1fe: {  	v47 =	vld [tilespmem:s4+$0x6500]  }
0x1ff: {  	v48 =	vld [tilespmem:s4+$0x6510]  }
0x200: {  	v49 =	vld [tilespmem:s4+$0x6520]  }
0x201: {  	v50 =	vld [tilespmem:s4+$0x6530]  }
0x202: {  	v38 =	vld [tilespmem:s4+$0x6540]  }
0x203: {  	v37 =	vld [tilespmem:s4+$0x6550]  }
0x204: {  	v36 =	vld [tilespmem:s4+$0x6560]  }
0x205: {  	v35 =	vld [tilespmem:s4+$0x6570]  }
0x206: {  	v34 =	vld [tilespmem:s4+$0x6900]  }
0x207: {  	v33 =	vld [tilespmem:s4+$0x6910]  }
0x208: {  	v32 =	vld [tilespmem:s4+$0x6920]  }
0x209: {  	v31 =	vld [tilespmem:s4+$0x6930]  }
0x20a: {  	v30 =	vld [tilespmem:s4+$0x6940]  }
0x20b: {  	v29 =	vld [tilespmem:s4+$0x6950]  }
0x20c: {  	v28 =	vld [tilespmem:s4+$0x6960]  }
0x20d: {  	v27 =	vld [tilespmem:s4+$0x6970]  }
0x20e: {  	v26 =	vld [tilespmem:s4+$0x6D00]  }
0x20f: {  	v25 =	vld [tilespmem:s4+$0x6D10]  }
0x210: {  	v24 =	vld [tilespmem:s4+$0x6D20]  }
0x211: {  	v23 =	vld [tilespmem:s4+$0x6D30]  }
0x212: {  	v22 =	vld [tilespmem:s4+$0x6D40]  }
0x213: {  	v21 =	vld [tilespmem:s4+$0x6D50]  }
0x214: {  	v20 =	vld [tilespmem:s4+$0x6D60]  }
0x215: {  	v19 =	vld [tilespmem:s4+$0x6D70]  }
0x216: {  	v18 =	vld [tilespmem:s4+$0x7100]  }
0x217: {  	v17 =	vld [tilespmem:s4+$0x7110]  }
0x218: {  	v16 =	vld [tilespmem:s4+$0x7120]  }
0x219: {  	v15 =	vld [tilespmem:s4+$0x7130]  }
0x21a: {  	v14 =	vld [tilespmem:s4+$0x7140]  }
0x21b: {  	v13 =	vld [tilespmem:s4+$0x7150]  }
0x21c: {  	v12 =	vld [tilespmem:s4+$0x7160]  }
0x21d: {  	v11 =	vld [tilespmem:s4+$0x7170]  }
0x21e: {  	v10 =	vld [tilespmem:s4+$0x7500]  }
0x21f: {  	v9 =	vld [tilespmem:s4+$0x7510]  }
0x220: {  	v8 =	vld [tilespmem:s4+$0x7520]  }
0x221: {  	v7 =	vld [tilespmem:s4+$0x7530]  }
0x222: {  	v6 =	vld [tilespmem:s4+$0x7540]  }
0x223: {  	v5 =	vld [tilespmem:s4+$0x7550]  }
0x224: {  	v4 =	vld [tilespmem:s4+$0x7560]  }
0x225: {  	v3 =	vld [tilespmem:s4+$0x7570]  }
0x226: {  	v51 =	vld [tilespmem:s4+$0x100]  }
0x227: {  	v52 =	vld [tilespmem:s4+$0x110]  }
0x228: {  	v53 =	vld [tilespmem:s4+$0x120]  }
0x229: {  	v54 =	vld [tilespmem:s4+$0x130]  }
0x22a: {  	v55 =	vld [tilespmem:s4+$0x140]  }
0x22b: {  	v39 =	vadd.f32 v39, v51;
	v51 =	vld [tilespmem:s4+$0x150]  }
0x22c: {  	v40 =	vadd.f32 v40, v52;
	v52 =	vld [tilespmem:s4+$0x160]  }
0x22d: {  	[tilespmem:s4+$0x100] =	vst v39;
	v39 =	vadd.f32 v41, v53;
	v41 =	vld [tilespmem:s4+$0x170]  }
0x22e: {  	[tilespmem:s4+$0x110] =	vst v40;
	v40 =	vadd.f32 v42, v54;
	v42 =	vld [tilespmem:s4+$0x500]  }
0x22f: {  	[tilespmem:s4+$0x120] =	vst v39;
	v39 =	vadd.f32 v43, v55;
	v43 =	vld [tilespmem:s4+$0x510]  }
0x230: {  	[tilespmem:s4+$0x130] =	vst v40;
	v40 =	vadd.f32 v44, v51;
	v44 =	vld [tilespmem:s4+$0x520]  }
0x231: {  	[tilespmem:s4+$0x140] =	vst v39;
	v39 =	vadd.f32 v45, v52;
	v45 =	vld [tilespmem:s4+$0x530]  }
0x232: {  	[tilespmem:s4+$0x150] =	vst v40;
	v40 =	vadd.f32 v46, v41;
	v41 =	vld [tilespmem:s4+$0x540]  }
0x233: {  	[tilespmem:s4+$0x160] =	vst v39;
	v39 =	vadd.f32 v47, v42;
	v42 =	vld [tilespmem:s4+$0x550]  }
0x234: {  	[tilespmem:s4+$0x170] =	vst v40;
	v40 =	vadd.f32 v48, v43;
	v43 =	vld [tilespmem:s4+$0x560]  }
0x235: {  	[tilespmem:s4+$0x500] =	vst v39;
	v39 =	vadd.f32 v49, v44;
	v44 =	vld [tilespmem:s4+$0x570]  }
0x236: {  	[tilespmem:s4+$0x510] =	vst v40;
	v40 =	vadd.f32 v50, v45;
	v45 =	vld [tilespmem:s4+$0x900]  }
0x237: {  	[tilespmem:s4+$0x520] =	vst v39;
	v38 =	vadd.f32 v38, v41;
	v39 =	vld [tilespmem:s4+$0x910]  }
0x238: {  	[tilespmem:s4+$0x530] =	vst v40;
	v37 =	vadd.f32 v37, v42;
	v40 =	vld [tilespmem:s4+$0x920]  }
0x239: {  	[tilespmem:s4+$0x540] =	vst v38;
	v36 =	vadd.f32 v36, v43;
	v38 =	vld [tilespmem:s4+$0x930]  }
0x23a: {  	[tilespmem:s4+$0x550] =	vst v37;
	v35 =	vadd.f32 v35, v44;
	v37 =	vld [tilespmem:s4+$0x940]  }
0x23b: {  	[tilespmem:s4+$0x560] =	vst v36;
	v34 =	vadd.f32 v34, v45;
	v36 =	vld [tilespmem:s4+$0x950]  }
0x23c: {  	[tilespmem:s4+$0x570] =	vst v35;
	v33 =	vadd.f32 v33, v39;
	v35 =	vld [tilespmem:s4+$0x960]  }
0x23d: {  	[tilespmem:s4+$0x900] =	vst v34;
	v32 =	vadd.f32 v32, v40;
	v34 =	vld [tilespmem:s4+$0x970]  }
0x23e: {  	[tilespmem:s4+$0x910] =	vst v33;
	v31 =	vadd.f32 v31, v38;
	v33 =	vld [tilespmem:s4+$0xD00]  }
0x23f: {  	[tilespmem:s4+$0x920] =	vst v32;
	v30 =	vadd.f32 v30, v37;
	v32 =	vld [tilespmem:s4+$0xD10]  }
0x240: {  	[tilespmem:s4+$0x930] =	vst v31;
	v29 =	vadd.f32 v29, v36;
	v31 =	vld [tilespmem:s4+$0xD20]  }
0x241: {  	[tilespmem:s4+$0x940] =	vst v30;
	v28 =	vadd.f32 v28, v35;
	v30 =	vld [tilespmem:s4+$0xD30]  }
0x242: {  	[tilespmem:s4+$0x950] =	vst v29;
	v27 =	vadd.f32 v27, v34;
	v29 =	vld [tilespmem:s4+$0xD40]  }
0x243: {  	[tilespmem:s4+$0x960] =	vst v28;
	v26 =	vadd.f32 v26, v33;
	v28 =	vld [tilespmem:s4+$0xD50]  }
0x244: {  	[tilespmem:s4+$0x970] =	vst v27;
	v25 =	vadd.f32 v25, v32;
	v27 =	vld [tilespmem:s4+$0xD60]  }
0x245: {  	[tilespmem:s4+$0xD00] =	vst v26;
	v24 =	vadd.f32 v24, v31;
	v26 =	vld [tilespmem:s4+$0xD70]  }
0x246: {  	[tilespmem:s4+$0xD10] =	vst v25;
	v23 =	vadd.f32 v23, v30;
	v25 =	vld [tilespmem:s4+$0x1100]  }
0x247: {  	[tilespmem:s4+$0xD20] =	vst v24;
	v22 =	vadd.f32 v22, v29;
	v24 =	vld [tilespmem:s4+$0x1110]  }
0x248: {  	[tilespmem:s4+$0xD30] =	vst v23;
	v21 =	vadd.f32 v21, v28;
	v23 =	vld [tilespmem:s4+$0x1120]  }
0x249: {  	[tilespmem:s4+$0xD40] =	vst v22;
	v20 =	vadd.f32 v20, v27;
	v22 =	vld [tilespmem:s4+$0x1130]  }
0x24a: {  	[tilespmem:s4+$0xD50] =	vst v21;
	v19 =	vadd.f32 v19, v26;
	v21 =	vld [tilespmem:s4+$0x1140]  }
0x24b: {  	[tilespmem:s4+$0xD60] =	vst v20;
	v18 =	vadd.f32 v18, v25;
	v20 =	vld [tilespmem:s4+$0x1150]  }
0x24c: {  	[tilespmem:s4+$0xD70] =	vst v19;
	v17 =	vadd.f32 v17, v24;
	v19 =	vld [tilespmem:s4+$0x1160]  }
.Ltmp1:
0x24d: {  	[tilespmem:s4+$0x1100] =	vst v18;
	v18 =	vadd.f32 v16, v23;
	v16 =	vld [tilespmem:s4+$0x1170];
	(pc) =	sbr.rel @p0 .LBB2_4-.Ltmp1, $4  }
0x24e: {  	[tilespmem:s4+$0x1110] =	vst v17;
	v17 =	vadd.f32 v15, v22;
	v15 =	vld [tilespmem:s4+$0x1500]  }
0x24f: {  	[tilespmem:s4+$0x1120] =	vst v18;
	v21 =	vadd.f32 v14, v21;
	v14 =	vld [tilespmem:s4+$0x1510]  }
0x250: {  	[tilespmem:s4+$0x1130] =	vst v17;
	v18 =	vadd.f32 v13, v20;
	v13 =	vld [tilespmem:s4+$0x1520]  }
0x251: {  	s20 =	sadd.s32 $0x1, s20;
	[tilespmem:s4+$0x1140] =	vst v21;
	v17 =	vadd.f32 v12, v19;
	v12 =	vld [tilespmem:s4+$0x1530]  }
0x252: {  	[tilespmem:s4+$0x1150] =	vst v18;
	v60 =	vld [tilespmem:s4+$0x1540];
	v11 =	vadd.f32 v11, v16  }
0x253: {  	v61 =	vld [tilespmem:s4+$0x1550];
	[tilespmem:s4+$0x1160] =	vst v17;
	v10 =	vadd.f32 v10, v15  }
0x254: {  	v62 =	vld [tilespmem:s4+$0x1560];
	[tilespmem:s4+$0x1170] =	vst v11;
	v9 =	vadd.f32 v9, v14  }
0x255: {  	v63 =	vld [tilespmem:s4+$0x1570];
	[tilespmem:s4+$0x1500] =	vst v10;
	v8 =	vadd.f32 v8, v13  }
0x256: {  	[tilespmem:s4+$0x1510] =	vst v9;
	v7 =	vadd.f32 v7, v12  }
0x257: {  	[tilespmem:s4+$0x1520] =	vst v8;
	v6 =	vadd.f32 v6, v60  }
0x258: {  	v5 =	vadd.f32 v5, v61;
	[tilespmem:s4+$0x1530] =	vst v7  }
0x259: {  	v4 =	vadd.f32 v4, v62;
	[tilespmem:s4+$0x1540] =	vst v6  }
0x25a: {  	s18 =	sadd.s32 $0x1, s18;
	v3 =	vadd.f32 v3, v63;
	[tilespmem:s4+$0x1550] =	vst v5  }
0x25b: {  	p0 =	sne.s32 s18, s10;
	[tilespmem:s4+$0x1560] =	vst v4  }
.Ltmp2:
0x25c: {  	[tilespmem:s4+$0x1570] =	vst v3;
	(pc) =	sbr.rel @p0 .LBB2_1-.Ltmp2, $4  }
0x25d: {  	[hbm4b:s9+s2] =	stream.linear.scatter [tilespmem:s13], [sflag:$0x2], $0x6000, $0x38;
	[tilespmem:$0xC100] =	vst v63  }
0x25e: {  	_ =	swait.ge [sflag:s11], $0x6000  }
0x25f: {  	[sflag:s11] =	ssyncset.done $0x0  }
0x260: {  	[sflag:s11] =	ssyncadd.s32 $0xFFFFA000  }
0x261: {  	_ =	sfence.sel $0x180000  }
0x262: {  	[bflag:$0x0] =	sbarrier.arrive $0xFFFF  }
0x263: {  	_ =	strace $0x9000004D  }
0x264: {  	s0 =	stileid.u32;
	[bflag:$0x2] =	sbarrier.arrive $0xFFFF  }
0x265: {  	p0 =	sne.s32 s0, $0x0;
	s0 =	rddreg [dreg:$0x2]  }
0x266: {  	s0 =	sadd.s32 @!p0 $0x100000, s0  }
0x267: {  	[sflag:s0] =	ssyncadd.tile.s32 @!p0 $0x1;
	_ =	shalt  }
.Lfunc_end2:
_tile_overlayer_lowered:
.L_overlay_start_2:
0x268: {  	(tag) =	ssettag $0x2  }
0x269: {  	s0 =	rddreg [dreg:$0x0];
	s2 =	stileid.u32  }
0x26a: {  	s1 =	rddreg [dreg:$0x1];
	p0 =	sne.s32 s2, $0x0  }
0x26b: {  	s3 =	rddreg [dreg:$0x2];
	[bflag:$0x3] =	sbarrier.arrive $0xFFFF;
	s2 =	simm.s32 @!p0 $0x1C02  }
0x26c: {  	[timem:s3], [sflag:s2] =	dma.local @!p0 [hbm:s0], s1  }
0x26d: {  	s0 =	simm.s32 @!p0 $0x2  }
0x26e: {  	_ =	swait.ge @!p0 [sflag:s0], s1  }
0x26f: {  	s1 =	ssub.s32 @!p0 $0x0, s1;
	[sflag:s0] =	ssyncset.done @!p0 $0x0  }
0x270: {  	[sflag:s0] =	ssyncadd.s32 @!p0 s1  }
0x271: {  	[bflag:$0x3] =	sbarrier.arrive $0xFFFF  }
0x272: {  	_ =	shalt  }

// kernel: kernel.7.cloned.1.call-start
scs
__scs_entry_jumppad:
0x0: {  	(pc) =	sbr.rel $0x88, $3  }
0x1: {  	(tag) =	ssettag $0x0;
	lr =	simm.s32 $0x1  }
0x2: {  	[smem:$0x3F9C] =	sst lr;
	_ =	strace $0xD0000000  }
0x3: {  	_ = 	snop  }
0x4: {  	_ = 	snop  }
0x5: {  	_ = 	snop  }
0x6: {  	_ = 	snop  }
0x7: {  	_ = 	snop  }
__scs_overlays_trampoline_lowered:
0x8: {  	[smem:$0x3FAB] =	sst s0  }
0x9: {  	[smem:$0x3FAC] =	sst s1  }
0xa: {  	[smem:$0x3FAD] =	sst s2  }
0xb: {  	[smem:$0x3FAE] =	sst s3  }
0xc: {  	[smem:$0x3FAF] =	sst s4  }
0xd: {  	[smem:$0x3FB0] =	sst s5  }
0xe: {  	[smem:$0x3FB1] =	sst s6  }
0xf: {  	[smem:$0x3FB2] =	sst s7  }
0x10: {  	[smem:$0x3FB3] =	sst s8  }
0x11: {  	[smem:$0x3FB4] =	sst s9;
	s0 =	simm.s32 @!p0 $0x0  }
0x12: {  	s1 =	sld [smem:$0x3F9A];
	s0 =	simm.s32 @p0 $0x1  }
0x13: {  	[smem:$0x3FB5] =	sst s0;
	s0 =	simm.s32 @!p1 $0x0  }
0x14: {  	s2 =	sld [smem:$0x3F99];
	s0 =	simm.s32 @p1 $0x1  }
0x15: {  	[smem:$0x3FB6] =	sst s0;
	s0 =	simm.s32 @!p2 $0x0  }
0x16: {  	s3 =	sld [smem:$0x3FDB];
	s0 =	simm.s32 @p2 $0x1  }
0x17: {  	s4 =	simm.s32 $0x1BF5;
	[smem:$0x3FB8] =	sst s0  }
0x18: {  	s0 =	sld [smem:$0x3F9B];
	_ =	swait.ge [sflag:s4], $0x0  }
0x19: {  	s7 =	sld [smem:$0x3F9C]  }
0x1a: {  	s8 =	sadd.s32 $0xFFFFE003, lr  }
0x1b: {  	s9 =	sadd.s32 $0xFFFFFEF7, lr;
	s5 =	simm.s32 $0xFFFFFFFF;
	p2 =	slt.u32 s8, $0xFFFFF086  }
0x1c: {  	p1 =	slt.u32 s9, $0xF7A;
	s5 =	simm.s32 @!p2 $0x0  }
0x1d: {  	s5 =	simm.s32 @p1 $0x1;
	p0 =	seq.s32 s7, s2  }
0x1e: {  	s7 =	smul.u32 @!p0 $0xF7A, s2;
	p2 =	seq.s32 @!p0 s5, $0x0  }
0x1f: {  	s9 =	smul.u32 $0xF7A, s1;
	s8 =	simm.s32 @!p0 $0x1BF5;
	p2 =	por !p2, p0  }
0x20: {  	[sflag:s8] =	ssyncset.s32 @!p0 $0xFFFFF086;
	s6 =	sadd.s32 @!p0 s3, s7;
	s7 =	simm.s32 @!p0 $0x108  }
0x21: {  	s3 =	sadd.s32 s3, s9;
	s6 =	sadd.s32 @!p0 $0x88, s6;
	s7 =	simm.s32 @p2 $0x1082  }
0x22: {  	[simem:s7], [sflag:s8] =	dma.local @!p0 [hbm:s6], $0xF7A  }
0x23: {  	s9 =	sor.u32 $0xD0000000, s2;
	s6 =	simm.s32 $0x108;
	_ =	swait.ge @!p0 [sflag:s8], $0x0  }
0x24: {  	s3 =	sadd.s32 $0x88, s3;
	s6 =	simm.s32 @!p1 $0x1082;
	[sflag:s4] =	ssyncset.s32 $0xFFFFF086  }
0x25: {  	[simem:s6], [sflag:s4] =	dma.local [hbm:s3], $0xF7A  }
0x26: {  	[smem:$0x3F9C] =	sst s1;
	(tag) =	ssettag s2;
	_ =	strace s9  }
0x27: {  	s1 =	sld [smem:$0x3FAC]  }
0x28: {  	s2 =	sld [smem:$0x3FAD]  }
0x29: {  	s4 =	sld [smem:$0x3FAF]  }
0x2a: {  	p0 =	seq.s32 s5, $0x0;
	s5 =	sld [smem:$0x3FB0]  }
0x2b: {  	s6 =	sld [smem:$0x3FB1]  }
0x2c: {  	s7 =	sld [smem:$0x3FB2]  }
0x2d: {  	s3 =	simm.s32 $0x108;
	s8 =	sld [smem:$0x3FB3]  }
0x2e: {  	s3 =	simm.s32 @!p0 $0x1082;
	s9 =	sld [smem:$0x3FB4]  }
0x2f: {  	lr =	sadd.s32 s0, s3;
	s0 =	sld [smem:$0x3FAB]  }
0x30: {  	s3 =	sld [smem:$0x3FAE]  }
0x31: {  	[smem:$0x3FB7] =	sst s10  }
0x32: {  	s10 =	sld [smem:$0x3FB5];
	_ =	sdelay $0x3  }
0x33: {  	p0 =	seq.s32 s10, $0x1;
	s10 =	sld [smem:$0x3FB7];
	_ =	sdelay $0x3  }
0x34: {  	[smem:$0x3FB7] =	sst s10  }
0x35: {  	s10 =	sld [smem:$0x3FB6];
	_ =	sdelay $0x3  }
0x36: {  	p1 =	seq.s32 s10, $0x1;
	s10 =	sld [smem:$0x3FB7];
	_ =	sdelay $0x3  }
0x37: {  	[smem:$0x3FB7] =	sst s10  }
0x38: {  	s10 =	sld [smem:$0x3FB8]  }
0x39: {  	_ = 	snop;
	(pc) =	sbr.ind lr, $3  }
0x3a: {  	_ = 	snop  }
0x3b: {  	_ = 	snop  }
0x3c: {  	p2 =	seq.s32 s10, $0x1;
	s10 =	sld [smem:$0x3FB7]  }
0x3d: {  	_ =	shalt  }
0x3e: {  	_ =	shalt  }
0x3f: {  	_ =	shalt  }
0x40: {  	_ =	shalt  }
0x41: {  	_ =	shalt  }
0x42: {  	_ =	shalt  }
0x43: {  	_ =	shalt  }
0x44: {  	_ =	shalt  }
0x45: {  	_ =	shalt  }
0x46: {  	_ =	shalt  }
0x47: {  	_ =	shalt  }
0x48: {  	_ =	shalt  }
0x49: {  	_ =	shalt  }
0x4a: {  	_ =	shalt  }
0x4b: {  	_ =	shalt  }
0x4c: {  	_ =	shalt  }
0x4d: {  	_ =	shalt  }
0x4e: {  	_ =	shalt  }
0x4f: {  	_ =	shalt  }
0x50: {  	_ =	shalt  }
0x51: {  	_ =	shalt  }
0x52: {  	_ =	shalt  }
0x53: {  	_ =	shalt  }
0x54: {  	_ =	shalt  }
0x55: {  	_ =	shalt  }
0x56: {  	_ =	shalt  }
0x57: {  	_ =	shalt  }
0x58: {  	_ =	shalt  }
0x59: {  	_ =	shalt  }
0x5a: {  	_ =	shalt  }
0x5b: {  	_ =	shalt  }
0x5c: {  	_ =	shalt  }
0x5d: {  	_ =	shalt  }
0x5e: {  	_ =	shalt  }
0x5f: {  	_ =	shalt  }
0x60: {  	_ =	shalt  }
0x61: {  	_ =	shalt  }
0x62: {  	_ =	shalt  }
0x63: {  	_ =	shalt  }
0x64: {  	_ =	shalt  }
0x65: {  	_ =	shalt  }
0x66: {  	_ =	shalt  }
0x67: {  	_ =	shalt  }
0x68: {  	_ =	shalt  }
0x69: {  	_ =	shalt  }
0x6a: {  	_ =	shalt  }
0x6b: {  	_ =	shalt  }
0x6c: {  	_ =	shalt  }
0x6d: {  	_ =	shalt  }
0x6e: {  	_ =	shalt  }
0x6f: {  	_ =	shalt  }
0x70: {  	_ =	shalt  }
0x71: {  	_ =	shalt  }
0x72: {  	_ =	shalt  }
0x73: {  	_ =	shalt  }
0x74: {  	_ =	shalt  }
0x75: {  	_ =	shalt  }
0x76: {  	_ =	shalt  }
0x77: {  	_ =	shalt  }
0x78: {  	_ =	shalt  }
0x79: {  	_ =	shalt  }
0x7a: {  	_ =	shalt  }
0x7b: {  	_ =	shalt  }
0x7c: {  	_ =	shalt  }
0x7d: {  	_ =	shalt  }
0x7e: {  	_ =	shalt  }
0x7f: {  	_ =	shalt  }
0x80: {  	_ =	shalt  }
0x81: {  	_ =	shalt  }
0x82: {  	_ =	shalt  }
0x83: {  	_ =	shalt  }
0x84: {  	_ =	shalt  }
0x85: {  	_ =	shalt  }
0x86: {  	_ =	shalt  }
0x87: {  	_ =	shalt  }
.Lfunc_end0:
.L_simem_size_0:
called_computation_lowered:
.L_overlay_start_0:
0x88: {  	s2 =	sld [smem:$0x3FD9]  }
0x89: {  	s3 =	sld [smem:$0x3FFE];
	_ =	sdelay $0x1  }
0x8a: {  	s1 =	srdreg.scid  }
0x8b: {  	s0 =	sand.u32 $0x1, s1  }
0x8c: {  	s17 =	sshll.u32 s0, $0xA;
	s2 =	sadd.s32 s3, s2  }
0x8d: {  	s2 =	sadd.s32 s2, s17  }
0x8e: {  	[smem:$0x3FC3] =	sst s2  }
0x8f: {  	_ = 	snop  }
0x90: {  	s2 =	sld [smem:$0x3FD0];
	(tm) =	ssettm $0x1  }
0x91: {  	s18 =	sld [smem:$0x3FFB];
	_ =	sdelay $0x3  }
0x92: {  	_ =	strace s18  }
0x93: {  	s3 =	sld [smem:$0x3FFC];
	_ =	sdelay $0x3  }
0x94: {  	_ =	strace s3  }
0x95: {  	s3 =	sld [smem:$0x3FFD];
	_ =	sdelay $0x3  }
0x96: {  	_ =	strace s3  }
0x97: {  	_ =	strace $0x8FFFFFFF  }
0x98: {  	s19 =	sld [smem:$0x3FDB];
	_ =	sdelay $0x1  }
0x99: {  	s4 =	simm.s32 $_scs_section_size  }
0x9a: {  	s5 =	simm.s32 $_size__tile_overlayer_lowered;
	s6 =	simm.s32 $_tile_overlayer_lowered  }
0x9b: {  	s22 =	simm.s32 $0x1BFF;
	s21 =	sshll.u32 s6, $0x1;
	s3 =	sadd.s32 s4, s19  }
0x9c: {  	s7 =	simm.s32 $0x0;
	s20 =	sshll.u32 s5, $0x1;
	s5 =	sadd.s32 s21, s3  }
0x9d: {  	[timem:s7], [sflag:s22] =	dma.local [hbm:s5], s20  }
0x9e: {  	_ =	swait.ge [sflag:s22], s20  }
0x9f: {  	s4 =	ssub.s32 $0x0, s20;
	[sflag:s22] =	ssyncset.done $0x0  }
0xa0: {  	[sflag:s22] =	ssyncadd.s32 s4;
	_ =	sdelay $0x1  }
0xa1: {  	s23 =	simm.s32 $0x1B8B  }
0xa2: {  	_ =	swait.ge [sflag:s23], $0x1  }
0xa3: {  	[sflag:s23] =	ssyncset.done $0x0  }
0xa4: {  	s25 =	simm.s32 $0x1B8E;
	s24 =	sld [smem:$0x3FFE];
	[sflag:s23] =	ssyncadd.s32 $0xFFFFFFFF  }
0xa5: {  	s26 =	simm.s32 $execute0_lowered;
	[smem:$0x3FD2] =	sst s25  }
0xa6: {  	s5 =	sshll.u32 s26, $0x1;
	_ =	strace $0x80000046;
	[dreg:$0x1] =	wrdreg $0xFFFFFFFF  }
0xa7: {  	s28 =	simm.s32 $_size_execute0_lowered;
	s3 =	sadd.s32 s3, s5;
	[dreg:$0x0] =	wrdreg $0x0  }
0xa8: {  	s5 =	sshll.u32 s28, $0x1;
	[dreg:$0x2] =	wrdreg s3  }
0xa9: {  	[dreg:$0x3] =	wrdreg s5  }
0xaa: {  	[dreg:$0x4] =	wrdreg $0xC0  }
0xab: {  	_ =	task [dreg:s7], $0x5FFFF  }
0xac: {  	[dreg:$0x1] =	wrdreg $0xFFFFFFFF  }
0xad: {  	[dreg:$0x0] =	wrdreg $0x60  }
0xae: {  	[dreg:$0x2] =	wrdreg s24  }
0xaf: {  	[dreg:$0x3] =	wrdreg s2  }
0xb0: {  	[dreg:$0x4] =	wrdreg $0x9  }
0xb1: {  	_ =	task.clear_ibuf [dreg:s7], $0x5FFFF;
	_ =	strace $0x90000046  }
0xb2: {  	s29 =	simm.s32 $0x9;
	_ =	strace $0x80000048  }
0xb3: {  	_ =	swait.ge [sflag:s29], $0x1  }
0xb4: {  	[sflag:s29] =	ssyncadd.s32 $0xFFFFFFFF  }
0xb5: {  	_ =	strace $0x90000048  }
0xb6: {  	_ =	sfence  }
0xb7: {  	s30 =	sld [smem:$0x0];
	_ =	sdelay $0x2  }
0xb8: {  	s31 =	sshll.u32 s1, $0xD;
	s1 =	sshrl.u32 s1, $0x2  }
0xb9: {  	s3 =	sand.u32 $0x4000, s31;
	s1 =	sadd.s32 s1, s30  }
0xba: {  	s0 =	sor.u32 s3, s0;
	s1 =	sshll.u32 s1, $0x11  }
0xbb: {  	s0 =	sor.u32 s1, s0  }
0xbc: {  	s0 =	sadd.s32 $0x8F2B, s0  }
0xbd: {  	[sflag:s0] =	ssyncadd.remote.s32 $0x1  }
0xbe: {  	_ =	sfence.sel $0xFFFF  }
0xbf: {  	[dreg:$0x0] =	wrdreg $0xFFFFFFFF;
	(pc) =	sbr.abs _section_cstart, $3  }
0xc0: {  	[dreg:$0x1] =	wrdreg $0xFFFFFFFF  }
0xc1: {  	_ =	task.clear_ibuf [dreg:s7], $0x2FFFF;
	_ =	strace $0x9FFFFFFF  }
0xc2: {  	(tm) =	ssettm $0x7FFFFFFF  }
0xc3: {  	_ =	shalt  }
tec
execute0_lowered:
.L_overlay_start_1:
0x0: {  	(tag) =	ssettag $0x1  }
0x1: {  	s1 =	srdreg.scid  }
0x2: {  	s0 =	stileid.u32;
	s16 =	sand.u32 $0x1, s1  }
0x3: {  	s14 =	rddreg [dreg:$0x0];
	s4 =	sshll.u32 s0, $0x7;
	s5 =	sshll.u32 s16, $0x6  }
0x4: {  	s2 =	rddreg [dreg:$0x1];
	s3 =	simm.s32 $0x0;
	v3 =	vlaneseq.u32;
	s4 =	sor.u32 s5, s4  }
0x5: {  	[smem:$0x7FF] =	sst s3;
	s5 =	sor.u32 $0x20, s4;
	v1 =	vor.u32 s4, v3  }
0x6: {  	s1 =	rddreg [dreg:$0x2];
	_ =	strace $0x80000047;
	s31 =	sor.u32 $0x30, s4;
	v0 =	vor.u32 s5, v3;
	[tilespmem:$0x0] =	vst v1  }
0x7: {  	s6 =	sshrl.u32 s4, $0x3;
	s4 =	sor.u32 $0x10, s4;
	v2 =	vor.u32 s31, v3;
	[tilespmem:$0x20] =	vst v0  }
0x8: {  	s11 =	sadd.s32 s6, s14;
	v3 =	vor.u32 s4, v3;
	[tilespmem:$0x30] =	vst v2  }
0x9: {  	s5 =	simm.s32 $0x80;
	s6 =	simm.s32 $0x2;
	s4 =	sadd.s32 $0x1000, s11;
	[tilespmem:$0x10] =	vst v3  }
0xa: {  	[tilespmem:s5], [sflag:$0x2] =	stream.linear.gather [hbm4b:s4+s3], $0x40, $0x38;
	[tilespmem:$0x280] =	vst v63  }
0xb: {  	_ =	swait.ge [sflag:s6], $0x40  }
0xc: {  	[sflag:s6] =	ssyncset.done $0x0  }
0xd: {  	s8 =	simm.s32 $0x100;
	s7 =	sadd.s32 $0x1200, s11;
	[sflag:s6] =	ssyncadd.s32 $0xFFFFFFC0  }
0xe: {  	[tilespmem:s8], [sflag:$0x2] =	stream.linear.gather [hbm4b:s7+s3], $0x40, $0x38;
	[tilespmem:$0x280] =	vst v63  }
0xf: {  	_ =	swait.ge [sflag:s6], $0x40  }
0x10: {  	[sflag:s6] =	ssyncset.done $0x0  }
0x11: {  	s10 =	simm.s32 $0x180;
	s9 =	sadd.s32 $0x1400, s11;
	[sflag:s6] =	ssyncadd.s32 $0xFFFFFFC0  }
0x12: {  	[tilespmem:s10], [sflag:$0x2] =	stream.linear.gather [hbm4b:s9+s3], $0x40, $0x38;
	[tilespmem:$0x280] =	vst v63  }
0x13: {  	_ =	swait.ge [sflag:s6], $0x40  }
0x14: {  	[sflag:s6] =	ssyncset.done $0x0  }
0x15: {  	s12 =	simm.s32 $0x200;
	s11 =	sadd.s32 $0x1600, s11;
	[sflag:s6] =	ssyncadd.s32 $0xFFFFFFC0  }
0x16: {  	[tilespmem:s12], [sflag:$0x2] =	stream.linear.gather [hbm4b:s11+s3], $0x40, $0x38;
	[tilespmem:$0x280] =	vst v63  }
0x17: {  	_ =	swait.ge [sflag:s6], $0x40  }
0x18: {  	[sflag:s6] =	ssyncset.done $0x0  }
0x19: {  	s13 =	simm.s32 $0x40;
	[sflag:s6] =	ssyncadd.s32 $0xFFFFFFC0  }
0x1a: {  	[hbm4b:s2+s13] =	stream.indirect.scatter [tilespmem:s3], [sflag:$0x1], $0x1, s5, s13, $0xb8;
	[tilespmem:$0x280] =	vst v63  }
0x1b: {  	_ = 	snop  }
0x1c: {  	[hbm4b:s2+s13] =	stream.indirect.scatter [tilespmem:s3], [sflag:$0x1], $0x1, s8, s13, $0xb8;
	[tilespmem:$0x280] =	vst v63  }
0x1d: {  	s14 =	sadd.s32 $0x1800, s14  }
0x1e: {  	[hbm4b:s14+s13] =	stream.indirect.scatter [tilespmem:s10], [sflag:$0x1], $0x1, s5, s13, $0xb8;
	[tilespmem:$0x280] =	vst v63  }
0x1f: {  	s15 =	simm.s32 $0x1  }
0x20: {  	[hbm4b:s14+s13] =	stream.indirect.scatter [tilespmem:s12], [sflag:$0x1], $0x1, s8, s13, $0xb8;
	[tilespmem:$0x280] =	vst v63  }
0x21: {  	_ =	swait.ge [sflag:s15], $0x40  }
0x22: {  	s16 =	ssub.s32 $0x2, s16;
	[sflag:s15] =	ssyncset.done $0x0  }
0x23: {  	s17 =	sshrl.u32 s16, $0x1;
	[sflag:s15] =	ssyncadd.s32 $0xFFFFFFC0  }
0x24: {  	s16 =	ssub.s32 s16, s17;
	_ =	swait.ge [sflag:s15], $0x40  }
0x25: {  	s16 =	smax.u32 s16, $0x1;
	[sflag:s15] =	ssyncset.done $0x0  }
0x26: {  	p0 =	sne.s32 s16, $0x1;
	[sflag:s15] =	ssyncadd.s32 $0xFFFFFFC0  }
.Ltmp0:
0x27: {  	_ =	swait.ge [sflag:s15], $0x40;
	(pc) =	sbr.rel @!p0 .LBB2_2-.Ltmp0, $4  }
0x28: {  	[sflag:s15] =	ssyncset.done $0x0  }
0x29: {  	[sflag:s15] =	ssyncadd.s32 $0xFFFFFFC0  }
0x2a: {  	_ =	swait.ge [sflag:s15], $0x40  }
0x2b: {  	s16 =	sadd.s32 $0xFFFFFFFF, s16;
	[sflag:s15] =	ssyncset.done $0x0  }
.LBB2_1:
0x2c: {  	p0 =	sne.s32 s16, $0x1;
	s16 =	sadd.s32 $0xFFFFFFFF, s16;
	[sflag:s15] =	ssyncadd.s32 $0xFFFFFFC0  }
0x2d: {  	[tilespmem:$0x20] =	vst v0  }
0x2e: {  	[tilespmem:$0x0] =	vst v1  }
0x2f: {  	[tilespmem:$0x30] =	vst v2  }
0x30: {  	[tilespmem:$0x10] =	vst v3  }
0x31: {  	[tilespmem:s5], [sflag:$0x2] =	stream.linear.gather [hbm4b:s4+s3], $0x40, $0x38;
	[tilespmem:$0x280] =	vst v63  }
0x32: {  	_ =	swait.ge [sflag:s6], $0x40  }
0x33: {  	[sflag:s6] =	ssyncset.done $0x0  }
0x34: {  	[sflag:s6] =	ssyncadd.s32 $0xFFFFFFC0  }
0x35: {  	[tilespmem:s8], [sflag:$0x2] =	stream.linear.gather [hbm4b:s7+s3], $0x40, $0x38;
	[tilespmem:$0x280] =	vst v63  }
0x36: {  	_ =	swait.ge [sflag:s6], $0x40  }
0x37: {  	[sflag:s6] =	ssyncset.done $0x0  }
0x38: {  	[sflag:s6] =	ssyncadd.s32 $0xFFFFFFC0  }
0x39: {  	[tilespmem:s10], [sflag:$0x2] =	stream.linear.gather [hbm4b:s9+s3], $0x40, $0x38;
	[tilespmem:$0x280] =	vst v63  }
0x3a: {  	_ =	swait.ge [sflag:s6], $0x40  }
0x3b: {  	[sflag:s6] =	ssyncset.done $0x0  }
0x3c: {  	[sflag:s6] =	ssyncadd.s32 $0xFFFFFFC0  }
0x3d: {  	[tilespmem:s12], [sflag:$0x2] =	stream.linear.gather [hbm4b:s11+s3], $0x40, $0x38;
	[tilespmem:$0x280] =	vst v63  }
0x3e: {  	_ =	swait.ge [sflag:s6], $0x40  }
0x3f: {  	[sflag:s6] =	ssyncset.done $0x0  }
0x40: {  	[sflag:s6] =	ssyncadd.s32 $0xFFFFFFC0  }
0x41: {  	[hbm4b:s2+s13] =	stream.indirect.scatter [tilespmem:s3], [sflag:$0x1], $0x1, s5, s13, $0xb8;
	[tilespmem:$0x280] =	vst v63  }
0x42: {  	_ = 	snop  }
0x43: {  	[hbm4b:s2+s13] =	stream.indirect.scatter [tilespmem:s3], [sflag:$0x1], $0x1, s8, s13, $0xb8;
	[tilespmem:$0x280] =	vst v63  }
0x44: {  	_ = 	snop  }
0x45: {  	[hbm4b:s14+s13] =	stream.indirect.scatter [tilespmem:s10], [sflag:$0x1], $0x1, s5, s13, $0xb8;
	[tilespmem:$0x280] =	vst v63  }
0x46: {  	_ = 	snop  }
0x47: {  	[hbm4b:s14+s13] =	stream.indirect.scatter [tilespmem:s12], [sflag:$0x1], $0x1, s8, s13, $0xb8;
	[tilespmem:$0x280] =	vst v63  }
0x48: {  	_ =	swait.ge [sflag:s15], $0x40  }
0x49: {  	[sflag:s15] =	ssyncset.done $0x0  }
0x4a: {  	[sflag:s15] =	ssyncadd.s32 $0xFFFFFFC0  }
0x4b: {  	_ =	swait.ge [sflag:s15], $0x40  }
0x4c: {  	[sflag:s15] =	ssyncset.done $0x0  }
0x4d: {  	[sflag:s15] =	ssyncadd.s32 $0xFFFFFFC0  }
.Ltmp1:
0x4e: {  	_ =	swait.ge [sflag:s15], $0x40;
	(pc) =	sbr.rel @p0 .LBB2_1-.Ltmp1, $4  }
0x4f: {  	[sflag:s15] =	ssyncset.done $0x0  }
0x50: {  	[sflag:s15] =	ssyncadd.s32 $0xFFFFFFC0  }
0x51: {  	_ =	swait.ge [sflag:s15], $0x40  }
0x52: {  	[sflag:s15] =	ssyncset.done $0x0  }
.LBB2_2:
0x53: {  	[sflag:s15] =	ssyncadd.s32 $0xFFFFFFC0  }
0x54: {  	_ =	sfence.sel $0x180000  }
0x55: {  	[bflag:$0x0] =	sbarrier.arrive $0xFFFF  }
0x56: {  	p0 =	sne.s32 s0, $0x0;
	_ =	strace $0x90000047  }
0x57: {  	s0 =	sadd.s32 @!p0 $0x100000, s1;
	[bflag:$0x2] =	sbarrier.arrive $0xFFFF  }
0x58: {  	[sflag:s0] =	ssyncadd.tile.s32 @!p0 $0x1;
	_ =	shalt  }
.Lfunc_end2:
_tile_overlayer_lowered:
.L_overlay_start_2:
0x59: {  	(tag) =	ssettag $0x2  }
0x5a: {  	s0 =	rddreg [dreg:$0x0];
	s2 =	stileid.u32  }
0x5b: {  	s1 =	rddreg [dreg:$0x1];
	p0 =	sne.s32 s2, $0x0  }
0x5c: {  	s3 =	rddreg [dreg:$0x2];
	[bflag:$0x3] =	sbarrier.arrive $0xFFFF;
	s2 =	simm.s32 @!p0 $0x1C02  }
0x5d: {  	[timem:s3], [sflag:s2] =	dma.local @!p0 [hbm:s0], s1  }
0x5e: {  	s0 =	simm.s32 @!p0 $0x2  }
0x5f: {  	_ =	swait.ge @!p0 [sflag:s0], s1  }
0x60: {  	s1 =	ssub.s32 @!p0 $0x0, s1;
	[sflag:s0] =	ssyncset.done @!p0 $0x0  }
0x61: {  	[sflag:s0] =	ssyncadd.s32 @!p0 s1  }
0x62: {  	[bflag:$0x3] =	sbarrier.arrive $0xFFFF  }
0x63: {  	_ =	shalt  }

</sc_bundles>
